<compile_context>
chip_gen: v7x
topology: tpu7x:2x2x1
jax: 0.10.2.dev20260603
libtpu: 0.0.44.dev20260713+nightly
codegen_flags: <defaults>
</compile_context>

<pallas_src>
import functools

import jax
import jax.numpy as jnp
from jax import lax
from jax.experimental import pallas as pl
from jax.experimental.pallas import tpu as pltpu
from jax.experimental.pallas import tpu_sc as plsc

NN = 10000
NP = 10112
NR = 16
D = 256
DH = 128
E2 = 320000
B = 64
NTILES = 16
CHUNK = 128
CPT = 157
EPT = CHUNK * CPT
EP = EPT * NTILES
DUMP = NN
RPT = NP // NTILES

_mesh = plsc.VectorSubcoreMesh(core_axis_name="c", subcore_axis_name="s")


@functools.partial(
    pl.kernel, mesh=_mesh,
    out_type=[jax.ShapeDtypeStruct((2 * NP, DH), jnp.float32),
              jax.ShapeDtypeStruct((72, DH), jnp.float32)],
    scratch_types=[
        pltpu.VMEM((RPT, DH), jnp.float32),
        pltpu.VMEM((B, DH), jnp.float32),
        pltpu.VMEM((B,), jnp.int32),
        pltpu.VMEM((DH,), jnp.float32),
        pltpu.VMEM((2 * NR, DH), jnp.float32),
    ])
def _boundary(qh, hh, relh, out, t0, zbuf, qbuf, hbuf, q1, qrel):
    c = lax.axis_index("c")
    s = lax.axis_index("s")
    zero = jnp.zeros((16,), jnp.float32)

    def zrow(i, carry):
        for j in range(8):
            zbuf[i, pl.ds(j * 16, 16)] = zero
        return carry

    lax.fori_loop(0, RPT, zrow, 0)
    pltpu.sync_copy(zbuf, out.at[pl.ds(c * NP + s * RPT, RPT)])
    plsc.subcore_barrier()

    @pl.when(s == 0)
    def _():
        pltpu.sync_copy(qh.at[pl.ds(c * DH, DH)], q1)
        pltpu.sync_copy(hh, hbuf)

        def qrow(i, carry):
            for j in range(8):
                qbuf[i, pl.ds(j * 16, 16)] = q1[pl.ds(j * 16, 16)]
            return carry

        lax.fori_loop(0, B, qrow, 0)
        off = c * NP
        for j in range(4):
            hbuf[pl.ds(j * 16, 16)] = hbuf[pl.ds(j * 16, 16)] + off
        pltpu.sync_copy(qbuf, out.at[hbuf])
        pltpu.sync_copy(relh.at[pl.ds(c * 2 * NR, 2 * NR)], qrel)

        def mrel(i, carry):
            for j in range(8):
                sl = pl.ds(j * 16, 16)
                qrel[i, sl] = qrel[i, sl] * q1[sl]
            return carry

        lax.fori_loop(0, 2 * NR, mrel, 0)
        pltpu.sync_copy(qrel, t0.at[pl.ds(c * 2 * NR, 2 * NR)])

        @pl.when(c == 0)
        def _():
            pltpu.sync_copy(zbuf.at[pl.ds(0, 8)], t0.at[pl.ds(64, 8)])


@functools.partial(
    pl.kernel, mesh=_mesh,
    out_type=jax.ShapeDtypeStruct((2 * NP, DH), jnp.float32),
    scratch_types=[
        pltpu.VMEM_SHARED((NP, DH), jnp.float32),
        pltpu.VMEM((3, 3, CHUNK), jnp.int32),
        pltpu.VMEM((2, CHUNK, DH), jnp.float32),
        pltpu.SemaphoreType.DMA,
        pltpu.SemaphoreType.DMA,
        pltpu.SemaphoreType.DMA,
    ])
def _edge_agg(eidx3, xt, bnd, out,
              agg_sh, ibuf, xr, semi, semx, semsc):
    c = lax.axis_index("c")
    s = lax.axis_index("s")
    pltpu.sync_copy(bnd.at[pl.ds(c * NP + s * RPT, RPT)],
                    agg_sh.at[pl.ds(s * RPT, RPT)])
    plsc.subcore_barrier()

    kbase = s * CPT
    roff = c * 2 * NR

    def adjust(slot):
        for j in range(CHUNK // 16):
            sl = pl.ds(j * 16, 16)
            t = (ibuf[slot, 2, sl] + roff) * NP
            ibuf[slot, 0, sl] = ibuf[slot, 0, sl] + t

    def issue_gathers(slot, ph):
        pltpu.async_copy(xt.at[ibuf.at[slot, 0]], xr.at[ph], semx)

    pltpu.sync_copy(eidx3.at[kbase], ibuf.at[0])
    adjust(0)
    issue_gathers(0, 0)
    pltpu.async_copy(eidx3.at[kbase + 1], ibuf.at[1], semi)

    def body(g, carry):
        ph = lax.rem(g, 2)
        nx = lax.rem(g + 1, 2)
        p0 = lax.rem(g, 3)
        p1 = lax.rem(g + 1, 3)
        p2 = lax.rem(g + 2, 3)

        @pl.when(g >= 1)
        def _():
            pltpu.make_async_copy(xr.at[nx], agg_sh.at[ibuf.at[p2, 1]],
                                  semsc).wait()

        pltpu.make_async_copy(xt.at[ibuf.at[p0, 0]], xr.at[ph], semx).wait()

        @pl.when(g + 1 < CPT)
        def _():
            pltpu.make_async_copy(eidx3.at[kbase + g + 1], ibuf.at[p1],
                                  semi).wait()
            adjust(p1)
            issue_gathers(p1, nx)

        @pl.when(g + 2 < CPT)
        def _():
            pltpu.async_copy(eidx3.at[kbase + g + 2], ibuf.at[p2], semi)

        pltpu.async_copy(xr.at[ph], agg_sh.at[ibuf.at[p0, 1]], semsc,
                         add=True)
        return carry

    lax.fori_loop(0, CPT, body, 0)
    pltpu.make_async_copy(xr.at[(CPT - 1) % 2],
                          agg_sh.at[ibuf.at[(CPT - 1) % 3, 1]], semsc).wait()
    plsc.subcore_barrier()
    pltpu.sync_copy(agg_sh.at[pl.ds(s * RPT, RPT)],
                    out.at[pl.ds(c * NP + s * RPT, RPT)])


def _combine_body(xa, xb, aa, ab, w, b, o):
    acc = jnp.dot(xa[0], w[0:128], preferred_element_type=jnp.float32)
    acc = acc + jnp.dot(xb[0], w[128:256], preferred_element_type=jnp.float32)
    acc = acc + jnp.dot(aa[0], w[256:384], preferred_element_type=jnp.float32)
    acc = acc + jnp.dot(ab[0], w[384:512], preferred_element_type=jnp.float32)
    brow = jnp.where(pl.program_id(1) == 0, b[0:1, :], b[1:2, :])
    o[0] = jnp.maximum(acc + brow, 0.0)


_combine = pl.pallas_call(
    _combine_body,
    grid=(10, 2),
    in_specs=[
        pl.BlockSpec((1, 1000, DH), lambda i, j: (0, i, 0)),
        pl.BlockSpec((1, 1000, DH), lambda i, j: (1, i, 0)),
        pl.BlockSpec((1, 1000, DH), lambda i, j: (0, i, 0)),
        pl.BlockSpec((1, 1000, DH), lambda i, j: (1, i, 0)),
        pl.BlockSpec((2 * D, DH), lambda i, j: (0, j)),
        pl.BlockSpec((2, DH), lambda i, j: (0, 0)),
    ],
    out_specs=pl.BlockSpec((1, 1000, DH), lambda i, j: (j, i, 0)),
    out_shape=jax.ShapeDtypeStruct((2, NP, DH), jnp.float32),
)


def _combine2_body(xa, xb, aa, ab, w, b, rl, o, o2, accs):
    @pl.when(pl.program_id(2) == 0)
    def _():
        acc = jnp.dot(xa[0], w[0:128], preferred_element_type=jnp.float32)
        acc = acc + jnp.dot(xb[0], w[128:256],
                            preferred_element_type=jnp.float32)
        acc = acc + jnp.dot(aa[0], w[256:384],
                            preferred_element_type=jnp.float32)
        acc = acc + jnp.dot(ab[0], w[384:512],
                            preferred_element_type=jnp.float32)
        brow = jnp.where(pl.program_id(1) == 0, b[0:1, :], b[1:2, :])
        accs[...] = jnp.maximum(acc + brow, 0.0)

    xnew = accs[...]
    o[0] = xnew
    for k in range(8):
        o2[0, k] = xnew * rl[0, k]


_combine2 = pl.pallas_call(
    _combine2_body,
    grid=(10, 2, 4),
    in_specs=[
        pl.BlockSpec((1, 1000, DH), lambda i, j, r: (0, i, 0)),
        pl.BlockSpec((1, 1000, DH), lambda i, j, r: (1, i, 0)),
        pl.BlockSpec((1, 1000, DH), lambda i, j, r: (0, i, 0)),
        pl.BlockSpec((1, 1000, DH), lambda i, j, r: (1, i, 0)),
        pl.BlockSpec((2 * D, DH), lambda i, j, r: (0, j)),
        pl.BlockSpec((2, DH), lambda i, j, r: (0, 0)),
        pl.BlockSpec((1, 8, DH), lambda i, j, r: (j, r, 0)),
    ],
    out_specs=[
        pl.BlockSpec((1, 1000, DH), lambda i, j, r: (j, i, 0)),
        pl.BlockSpec((1, 8, 1000, DH), lambda i, j, r: (j, r, i, 0)),
    ],
    out_shape=[
        jax.ShapeDtypeStruct((2, NP, DH), jnp.float32),
        jax.ShapeDtypeStruct((2, 2 * NR, NP, DH), jnp.float32),
    ],
    scratch_shapes=[pltpu.VMEM((1000, DH), jnp.float32)],
)


def _mult0_body(x, rl, o2):
    for k in range(8):
        o2[0, k] = x[0] * rl[0, k]


_mult0 = pl.pallas_call(
    _mult0_body,
    grid=(10, 2, 4),
    in_specs=[
        pl.BlockSpec((1, 1000, DH), lambda i, j, r: (j, i, 0)),
        pl.BlockSpec((1, 8, DH), lambda i, j, r: (j, r, 0)),
    ],
    out_specs=pl.BlockSpec((1, 8, 1000, DH), lambda i, j, r: (j, r, i, 0)),
    out_shape=jax.ShapeDtypeStruct((2, 2 * NR, NP, DH), jnp.float32),
)


@functools.partial(
    pl.kernel, mesh=_mesh,
    out_type=jax.ShapeDtypeStruct((2, B, DH), jnp.float32),
    scratch_types=[
        pltpu.VMEM((B,), jnp.int32),
        pltpu.VMEM((B, DH), jnp.float32),
        pltpu.SemaphoreType.DMA,
    ])
def _tgather(x, tt, out, tbuf, buf, sem):
    c = lax.axis_index("c")
    s = lax.axis_index("s")

    @pl.when(s == 0)
    def _():
        pltpu.sync_copy(tt, tbuf)
        off = c * NP
        for j in range(4):
            tbuf[pl.ds(j * 16, 16)] = tbuf[pl.ds(j * 16, 16)] + off
        pltpu.async_copy(x.at[tbuf], buf, sem).wait()
        pltpu.sync_copy(buf, out.at[c])


def kernel(edge_index, edge_type, query, query_emb, rel0, rel1, rel2,
           W0, W1, W2, b0, b1, b2):
    src = jnp.concatenate([edge_index[0], edge_index[1]])
    dst = jnp.concatenate([edge_index[1], edge_index[0]])
    et = jnp.concatenate([edge_type, edge_type + NR])
    pad = EP - E2
    src_p = jnp.concatenate([src, jnp.zeros((pad,), jnp.int32)])
    dst_p = jnp.concatenate([dst, jnp.full((pad,), DUMP, jnp.int32)])
    et_p = jnp.concatenate([et, jnp.zeros((pad,), jnp.int32)])
    eidx3 = (jnp.stack([src_p, dst_p, et_p])
             .reshape(3, NTILES, CPT, CHUNK)
             .transpose(1, 2, 0, 3)
             .reshape(NTILES * CPT, 3, CHUNK))

    h = query[:, 0].astype(jnp.int32)
    t = query[:, 1].astype(jnp.int32)
    qh = query_emb.reshape(D)

    r3d = [jnp.stack([rel[:, :DH], rel[:, DH:]], axis=0)
           for rel in (rel0, rel1, rel2)]
    rel0h = jnp.concatenate([rel0[:, :DH], rel0[:, DH:]], axis=0)

    x, _ = _boundary(qh, h, rel0h)
    bnd = x
    xt = _mult0(x.reshape(2, NP, DH), r3d[0])
    params = ((W0, b0), (W1, b1), (W2, b2))
    for l in range(3):
        W, b = params[l]
        agg = _edge_agg(eidx3, xt.reshape(2 * 2 * NR * NP, DH), bnd)
        x3 = x.reshape(2, NP, DH)
        agg3 = agg.reshape(2, NP, DH)
        if l < 2:
            x3d, xt = _combine2(x3, x3, agg3, agg3, W, b.reshape(2, DH),
                                r3d[l + 1])
        else:
            x3d = _combine(x3, x3, agg3, agg3, W, b.reshape(2, DH))
        x = x3d.reshape(2 * NP, DH)
    tout = _tgather(x, t)
    return tout.transpose(1, 0, 2).reshape(B, D)

# --- scband reference (transcript-rebuilt; emitter-appended) ---
"""Pipeline reference for scband-neural-bellman-ford-network-relation-prediction-11003706213176 (READ-ONLY COPY).

The authoritative reference and input builder live on the scoring server;
editing this copy changes nothing except your own understanding.
"""

import jax, jax.numpy as jnp
import numpy as np

N_NODES = 10000
NUM_REL = 16
D = 256
E = 160000
B = 64
N_LAYERS = 3

def setup_inputs(seed: int = 0) -> dict:
    key = jax.random.key(seed)
    ks = jax.random.split(key, 16)
    inp = {}
    inp['edge_index'] = jax.random.randint(ks[0], (2, E), 0, N_NODES)
    inp['edge_type'] = jax.random.randint(ks[1], (E,), 0, NUM_REL)
    inp['query'] = jax.random.randint(ks[2], (B, 2), 0, N_NODES)
    # learned parameters
    inp['query_emb'] = jax.random.normal(ks[3], (1, D), dtype=jnp.float32)
    inp['rel0'] = jax.random.normal(ks[4], (2 * NUM_REL, D), dtype=jnp.float32) * 0.1
    inp['rel1'] = jax.random.normal(ks[5], (2 * NUM_REL, D), dtype=jnp.float32) * 0.1
    inp['rel2'] = jax.random.normal(ks[6], (2 * NUM_REL, D), dtype=jnp.float32) * 0.1
    inp['W0'] = jax.random.normal(ks[7], (2 * D, D), dtype=jnp.float32) * 0.05
    inp['W1'] = jax.random.normal(ks[8], (2 * D, D), dtype=jnp.float32) * 0.05
    inp['W2'] = jax.random.normal(ks[9], (2 * D, D), dtype=jnp.float32) * 0.05
    inp['b0'] = jnp.zeros((D,), dtype=jnp.float32)
    inp['b1'] = jnp.zeros((D,), dtype=jnp.float32)
    inp['b2'] = jnp.zeros((D,), dtype=jnp.float32)
    return inp

def reference(edge_index, edge_type, query, query_emb, rel0, rel1, rel2, W0, W1, W2, b0, b1, b2):
    # flip_graph=True: graph.undirected(add_inverse=True) -> add reversed edges with shifted relation type
    src = jnp.concatenate([edge_index[0], edge_index[1]])
    dst = jnp.concatenate([edge_index[1], edge_index[0]])
    et = jnp.concatenate([edge_type, edge_type + NUM_REL])
    h_index = query[:, 0]
    t_index = query[:, 1]
    # r_index = zeros_like(h_index); query_vec = self.query(r_index)
    q = query_emb[jnp.zeros((query.shape[0],), dtype=jnp.int32)]
    boundary = jnp.zeros((N_NODES, D), dtype=query_emb.dtype).at[h_index].set(q)
    x = boundary
    for rel, W, b in ((rel0, W0, b0), (rel1, W1, b1), (rel2, W2, b2)):
        # distmult message: hidden[src] * relation[edge_type]
        msg = x[src] * rel[et]
        # sum aggregation over dst nodes, boundary as augmented message
        agg = jax.ops.segment_sum(msg, dst, num_segments=N_NODES) + boundary
        # combine: linear(cat([input, update])) + relu
        x = jax.nn.relu(jnp.concatenate([x, agg], axis=-1) @ W + b)
    # concat_hidden=False -> last hidden; gather tail nodes
    return x[t_index]

if __name__ == "__main__":
    import jax
    _d = setup_inputs()
    print(jax.jit(kernel)(*tuple(_d.values())))

</pallas_src>

<mosaic_0001>
#map = affine_map<(d0, d1) -> (0)>
#map1 = affine_map<(d0, d1) -> (0, 0)>
module attributes {stable_mosaic.version = 14 : i64} {
  func.func @_boundary(%arg0: i32, %arg1: i32, %arg2: memref<256xf32, #tpu.memory_space<hbm>>, %arg3: memref<64xi32, #tpu.memory_space<hbm>>, %arg4: memref<64x128xf32, #tpu.memory_space<hbm>>, %arg5: memref<20224x128xf32, #tpu.memory_space<hbm>>, %arg6: memref<72x128xf32, #tpu.memory_space<hbm>>, %arg7: memref<632x128xf32, #tpu.memory_space<vmem>>, %arg8: memref<64x128xf32, #tpu.memory_space<vmem>>, %arg9: memref<64xi32, #tpu.memory_space<vmem>>, %arg10: memref<128xf32, #tpu.memory_space<vmem>>, %arg11: memref<32x128xf32, #tpu.memory_space<vmem>>) attributes {dimension_semantics = [#tpu.dimension_semantics<core_parallel>, #tpu.dimension_semantics<subcore_parallel>], iteration_bounds = array<i64: 2, 16>, scalar_prefetch = 0 : i64, scratch_operands = 5 : i64, tpu.core_type = #tpu.core_type<sc_vector_subcore>, window_params = [{transform_indices = #map}, {transform_indices = #map}, {transform_indices = #map1}, {transform_indices = #map1}, {transform_indices = #map1}]} {
    %broadcast_in_dim3A = arith.constant 0.000000e+00 : f32
    %broadcast_in_dim3A_0 = vector.broadcast %broadcast_in_dim3A : f32 to vector<16xf32>
    %scan3A = arith.constant 0 : i32
    %scan3A_1 = arith.constant 0 : i32
    %scan3A_2 = arith.constant 632 : i32
    %scan3A_3 = arith.addi %scan3A_1, %scan3A_2 : i32
    %scan3A_4 = arith.constant 1 : i32
    scf.for %scan3A_11 = %scan3A_1 to %scan3A_3 step %scan3A_4  : i32 {
      %swap3A = arith.index_cast %scan3A_11 : i32 to index
      %swap3A_12 = arith.constant 0 : index
      %swap3A_13 = tpu.vector_load %arg7[%swap3A, %swap3A_12] {strides = array<i32>} : memref<632x128xf32, #tpu.memory_space<vmem>>, vector<1x16xf32>,
      %swap3A_14 = vector.shape_cast %swap3A_13 : vector<1x16xf32> to vector<16xf32>
      %swap3A_15 = vector.shape_cast %broadcast_in_dim3A_0 : vector<16xf32> to vector<1x16xf32>
      tpu.vector_store %arg7[%swap3A, %swap3A_12], %swap3A_15 {strides = array<i32>} : memref<632x128xf32, #tpu.memory_space<vmem>>, vector<1x16xf32>,
      %swap3A_16 = arith.index_cast %scan3A_11 : i32 to index
      %swap3A_17 = arith.constant 16 : index
      %swap3A_18 = tpu.vector_load %arg7[%swap3A_16, %swap3A_17] {strides = array<i32>} : memref<632x128xf32, #tpu.memory_space<vmem>>, vector<1x16xf32>,
      %swap3A_19 = vector.shape_cast %swap3A_18 : vector<1x16xf32> to vector<16xf32>
      %swap3A_20 = vector.shape_cast %broadcast_in_dim3A_0 : vector<16xf32> to vector<1x16xf32>
      tpu.vector_store %arg7[%swap3A_16, %swap3A_17], %swap3A_20 {strides = array<i32>} : memref<632x128xf32, #tpu.memory_space<vmem>>, vector<1x16xf32>,
      %swap3A_21 = arith.index_cast %scan3A_11 : i32 to index
      %swap3A_22 = arith.constant 32 : index
      %swap3A_23 = tpu.vector_load %arg7[%swap3A_21, %swap3A_22] {strides = array<i32>} : memref<632x128xf32, #tpu.memory_space<vmem>>, vector<1x16xf32>,
      %swap3A_24 = vector.shape_cast %swap3A_23 : vector<1x16xf32> to vector<16xf32>
      %swap3A_25 = vector.shape_cast %broadcast_in_dim3A_0 : vector<16xf32> to vector<1x16xf32>
      tpu.vector_store %arg7[%swap3A_21, %swap3A_22], %swap3A_25 {strides = array<i32>} : memref<632x128xf32, #tpu.memory_space<vmem>>, vector<1x16xf32>,
      %swap3A_26 = arith.index_cast %scan3A_11 : i32 to index
      %swap3A_27 = arith.constant 48 : index
      %swap3A_28 = tpu.vector_load %arg7[%swap3A_26, %swap3A_27] {strides = array<i32>} : memref<632x128xf32, #tpu.memory_space<vmem>>, vector<1x16xf32>,
      %swap3A_29 = vector.shape_cast %swap3A_28 : vector<1x16xf32> to vector<16xf32>
      %swap3A_30 = vector.shape_cast %broadcast_in_dim3A_0 : vector<16xf32> to vector<1x16xf32>
      tpu.vector_store %arg7[%swap3A_26, %swap3A_27], %swap3A_30 {strides = array<i32>} : memref<632x128xf32, #tpu.memory_space<vmem>>, vector<1x16xf32>,
      %swap3A_31 = arith.index_cast %scan3A_11 : i32 to index
      %swap3A_32 = arith.constant 64 : index
      %swap3A_33 = tpu.vector_load %arg7[%swap3A_31, %swap3A_32] {strides = array<i32>} : memref<632x128xf32, #tpu.memory_space<vmem>>, vector<1x16xf32>,
      %swap3A_34 = vector.shape_cast %swap3A_33 : vector<1x16xf32> to vector<16xf32>
      %swap3A_35 = vector.shape_cast %broadcast_in_dim3A_0 : vector<16xf32> to vector<1x16xf32>
      tpu.vector_store %arg7[%swap3A_31, %swap3A_32], %swap3A_35 {strides = array<i32>} : memref<632x128xf32, #tpu.memory_space<vmem>>, vector<1x16xf32>,
      %swap3A_36 = arith.index_cast %scan3A_11 : i32 to index
      %swap3A_37 = arith.constant 80 : index
      %swap3A_38 = tpu.vector_load %arg7[%swap3A_36, %swap3A_37] {strides = array<i32>} : memref<632x128xf32, #tpu.memory_space<vmem>>, vector<1x16xf32>,
      %swap3A_39 = vector.shape_cast %swap3A_38 : vector<1x16xf32> to vector<16xf32>
      %swap3A_40 = vector.shape_cast %broadcast_in_dim3A_0 : vector<16xf32> to vector<1x16xf32>
      tpu.vector_store %arg7[%swap3A_36, %swap3A_37], %swap3A_40 {strides = array<i32>} : memref<632x128xf32, #tpu.memory_space<vmem>>, vector<1x16xf32>,
      %swap3A_41 = arith.index_cast %scan3A_11 : i32 to index
      %swap3A_42 = arith.constant 96 : index
      %swap3A_43 = tpu.vector_load %arg7[%swap3A_41, %swap3A_42] {strides = array<i32>} : memref<632x128xf32, #tpu.memory_space<vmem>>, vector<1x16xf32>,
      %swap3A_44 = vector.shape_cast %swap3A_43 : vector<1x16xf32> to vector<16xf32>
      %swap3A_45 = vector.shape_cast %broadcast_in_dim3A_0 : vector<16xf32> to vector<1x16xf32>
      tpu.vector_store %arg7[%swap3A_41, %swap3A_42], %swap3A_45 {strides = array<i32>} : memref<632x128xf32, #tpu.memory_space<vmem>>, vector<1x16xf32>,
      %swap3A_46 = arith.index_cast %scan3A_11 : i32 to index
      %swap3A_47 = arith.constant 112 : index
      %swap3A_48 = tpu.vector_load %arg7[%swap3A_46, %swap3A_47] {strides = array<i32>} : memref<632x128xf32, #tpu.memory_space<vmem>>, vector<1x16xf32>,
      %swap3A_49 = vector.shape_cast %swap3A_48 : vector<1x16xf32> to vector<16xf32>
      %swap3A_50 = vector.shape_cast %broadcast_in_dim3A_0 : vector<16xf32> to vector<1x16xf32>
      tpu.vector_store %arg7[%swap3A_46, %swap3A_47], %swap3A_50 {strides = array<i32>} : memref<632x128xf32, #tpu.memory_space<vmem>>, vector<1x16xf32>,
    }
    %scan3A_5 = arith.constant 632 : i32
    %mul3A = arith.constant 10112 : i32
    %mul3A_6 = arith.muli %arg0, %mul3A : i32
    %mul3A_7 = arith.constant 632 : i32
    %mul3A_8 = arith.muli %arg1, %mul3A_7 : i32
    %add3A = arith.addi %mul3A_6, %mul3A_8 : i32
    "tpu.region"() ({
      %run_scoped3A = tpu.sem_alloc : memref<!tpu.dma_semaphore, #tpu.memory_space<semaphore_mem>>
      %dma_start3A = arith.constant 0 : i32
      %dma_start3A_11 = tpu.memref_slice %arg5[%add3A, %dma_start3A] : memref<20224x128xf32, #tpu.memory_space<hbm>> -> memref<632x128xf32, #tpu.memory_space<hbm>>
      %dma_start3A_12 = arith.constant 0 : i32
      %dma_start3A_13 = tpu.memref_slice %arg5[%add3A, %dma_start3A_12] : memref<20224x128xf32, #tpu.memory_space<hbm>> -> memref<632x128xf32, #tpu.memory_space<hbm>>
      tpu.enqueue_dma source(%arg7 : memref<632x128xf32, #tpu.memory_space<vmem>>) target(%dma_start3A_13 : memref<632x128xf32, #tpu.memory_space<hbm>>) target_semaphore(%run_scoped3A : memref<!tpu.dma_semaphore, #tpu.memory_space<semaphore_mem>>)
      %dma_wait3A = arith.constant 0 : i32
      %dma_wait3A_14 = tpu.memref_slice %arg5[%add3A, %dma_wait3A] : memref<20224x128xf32, #tpu.memory_space<hbm>> -> memref<632x128xf32, #tpu.memory_space<hbm>>
      %dma_wait3A_15 = arith.constant 0 : i32
      %dma_wait3A_16 = tpu.memref_slice %arg5[%add3A, %dma_wait3A_15] : memref<20224x128xf32, #tpu.memory_space<hbm>> -> memref<632x128xf32, #tpu.memory_space<hbm>>
      tpu.wait_dma2 semaphore(%run_scoped3A : memref<!tpu.dma_semaphore, #tpu.memory_space<semaphore_mem>>) src(%arg7 : memref<632x128xf32, #tpu.memory_space<vmem>>) dst(%dma_wait3A_16 : memref<632x128xf32, #tpu.memory_space<hbm>>)
      tpu.yield
    }) : () -> ()
    %barrier3A = arith.constant 0 : index
    tpu.barrier barrier_id(%barrier3A)
    %eq3A = arith.constant 0 : i32
    %eq3A_9 = arith.cmpi eq, %arg1, %eq3A : i32
    %convert_element_type3A = arith.extui %eq3A_9 : i1 to i32
    %cond3A = arith.constant 0 : i32
    %cond3A_10 = arith.cmpi ne, %convert_element_type3A, %cond3A : i32
    scf.if %cond3A_10 {
      %mul3A_11 = arith.constant 128 : i32
      %mul3A_12 = arith.muli %arg0, %mul3A_11 : i32
      "tpu.region"() ({
        %run_scoped3A = tpu.sem_alloc : memref<!tpu.dma_semaphore, #tpu.memory_space<semaphore_mem>>
        %dma_start3A = tpu.memref_slice %arg2[%mul3A_12] : memref<256xf32, #tpu.memory_space<hbm>> -> memref<128xf32, #tpu.memory_space<hbm>>
        %dma_start3A_74 = tpu.memref_slice %arg2[%mul3A_12] : memref<256xf32, #tpu.memory_space<hbm>> -> memref<128xf32, #tpu.memory_space<hbm>>
        tpu.enqueue_dma source(%dma_start3A_74 : memref<128xf32, #tpu.memory_space<hbm>>) target(%arg10 : memref<128xf32, #tpu.memory_space<vmem>>) target_semaphore(%run_scoped3A : memref<!tpu.dma_semaphore, #tpu.memory_space<semaphore_mem>>)
        %dma_wait3A = tpu.memref_slice %arg2[%mul3A_12] : memref<256xf32, #tpu.memory_space<hbm>> -> memref<128xf32, #tpu.memory_space<hbm>>
        %dma_wait3A_75 = tpu.memref_slice %arg2[%mul3A_12] : memref<256xf32, #tpu.memory_space<hbm>> -> memref<128xf32, #tpu.memory_space<hbm>>
        tpu.wait_dma2 semaphore(%run_scoped3A : memref<!tpu.dma_semaphore, #tpu.memory_space<semaphore_mem>>) src(%dma_wait3A_75 : memref<128xf32, #tpu.memory_space<hbm>>) dst(%arg10 : memref<128xf32, #tpu.memory_space<vmem>>)
        tpu.yield
      }) : () -> ()
      "tpu.region"() ({
        %run_scoped3A = tpu.sem_alloc : memref<!tpu.dma_semaphore, #tpu.memory_space<semaphore_mem>>
        tpu.enqueue_dma source(%arg3 : memref<64xi32, #tpu.memory_space<hbm>>) target(%arg9 : memref<64xi32, #tpu.memory_space<vmem>>) target_semaphore(%run_scoped3A : memref<!tpu.dma_semaphore, #tpu.memory_space<semaphore_mem>>)
        tpu.wait_dma2 semaphore(%run_scoped3A : memref<!tpu.dma_semaphore, #tpu.memory_space<semaphore_mem>>) src(%arg3 : memref<64xi32, #tpu.memory_space<hbm>>) dst(%arg9 : memref<64xi32, #tpu.memory_space<vmem>>)
        tpu.yield
      }) : () -> ()
      %scan3A_13 = arith.constant 0 : i32
      %scan3A_14 = arith.constant 0 : i32
      %scan3A_15 = arith.constant 64 : i32
      %scan3A_16 = arith.addi %scan3A_14, %scan3A_15 : i32
      %scan3A_17 = arith.constant 1 : i32
      scf.for %scan3A_74 = %scan3A_14 to %scan3A_16 step %scan3A_17  : i32 {
        %get3A_75 = arith.constant 0 : index
        %get3A_76 = tpu.vector_load %arg10[%get3A_75] {strides = array<i32>} : memref<128xf32, #tpu.memory_space<vmem>>, vector<16xf32>,
        %get3A_77 = vector.shape_cast %get3A_76 : vector<16xf32> to vector<16xf32>
        %swap3A_78 = arith.index_cast %scan3A_74 : i32 to index
        %swap3A_79 = arith.constant 0 : index
        %swap3A_80 = tpu.vector_load %arg8[%swap3A_78, %swap3A_79] {strides = array<i32>} : memref<64x128xf32, #tpu.memory_space<vmem>>, vector<1x16xf32>,
        %swap3A_81 = vector.shape_cast %swap3A_80 : vector<1x16xf32> to vector<16xf32>
        %swap3A_82 = vector.shape_cast %get3A_77 : vector<16xf32> to vector<1x16xf32>
        tpu.vector_store %arg8[%swap3A_78, %swap3A_79], %swap3A_82 {strides = array<i32>} : memref<64x128xf32, #tpu.memory_space<vmem>>, vector<1x16xf32>,
        %get3A_83 = arith.constant 16 : index
        %get3A_84 = tpu.vector_load %arg10[%get3A_83] {strides = array<i32>} : memref<128xf32, #tpu.memory_space<vmem>>, vector<16xf32>,
        %get3A_85 = vector.shape_cast %get3A_84 : vector<16xf32> to vector<16xf32>
        %swap3A_86 = arith.index_cast %scan3A_74 : i32 to index
        %swap3A_87 = arith.constant 16 : index
        %swap3A_88 = tpu.vector_load %arg8[%swap3A_86, %swap3A_87] {strides = array<i32>} : memref<64x128xf32, #tpu.memory_space<vmem>>, vector<1x16xf32>,
        %swap3A_89 = vector.shape_cast %swap3A_88 : vector<1x16xf32> to vector<16xf32>
        %swap3A_90 = vector.shape_cast %get3A_85 : vector<16xf32> to vector<1x16xf32>
        tpu.vector_store %arg8[%swap3A_86, %swap3A_87], %swap3A_90 {strides = array<i32>} : memref<64x128xf32, #tpu.memory_space<vmem>>, vector<1x16xf32>,
        %get3A_91 = arith.constant 32 : index
        %get3A_92 = tpu.vector_load %arg10[%get3A_91] {strides = array<i32>} : memref<128xf32, #tpu.memory_space<vmem>>, vector<16xf32>,
        %get3A_93 = vector.shape_cast %get3A_92 : vector<16xf32> to vector<16xf32>
        %swap3A_94 = arith.index_cast %scan3A_74 : i32 to index
        %swap3A_95 = arith.constant 32 : index
        %swap3A_96 = tpu.vector_load %arg8[%swap3A_94, %swap3A_95] {strides = array<i32>} : memref<64x128xf32, #tpu.memory_space<vmem>>, vector<1x16xf32>,
        %swap3A_97 = vector.shape_cast %swap3A_96 : vector<1x16xf32> to vector<16xf32>
        %swap3A_98 = vector.shape_cast %get3A_93 : vector<16xf32> to vector<1x16xf32>
        tpu.vector_store %arg8[%swap3A_94, %swap3A_95], %swap3A_98 {strides = array<i32>} : memref<64x128xf32, #tpu.memory_space<vmem>>, vector<1x16xf32>,
        %get3A_99 = arith.constant 48 : index
        %get3A_100 = tpu.vector_load %arg10[%get3A_99] {strides = array<i32>} : memref<128xf32, #tpu.memory_space<vmem>>, vector<16xf32>,
        %get3A_101 = vector.shape_cast %get3A_100 : vector<16xf32> to vector<16xf32>
        %swap3A_102 = arith.index_cast %scan3A_74 : i32 to index
        %swap3A_103 = arith.constant 48 : index
        %swap3A_104 = tpu.vector_load %arg8[%swap3A_102, %swap3A_103] {strides = array<i32>} : memref<64x128xf32, #tpu.memory_space<vmem>>, vector<1x16xf32>,
        %swap3A_105 = vector.shape_cast %swap3A_104 : vector<1x16xf32> to vector<16xf32>
        %swap3A_106 = vector.shape_cast %get3A_101 : vector<16xf32> to vector<1x16xf32>
        tpu.vector_store %arg8[%swap3A_102, %swap3A_103], %swap3A_106 {strides = array<i32>} : memref<64x128xf32, #tpu.memory_space<vmem>>, vector<1x16xf32>,
        %get3A_107 = arith.constant 64 : index
        %get3A_108 = tpu.vector_load %arg10[%get3A_107] {strides = array<i32>} : memref<128xf32, #tpu.memory_space<vmem>>, vector<16xf32>,
        %get3A_109 = vector.shape_cast %get3A_108 : vector<16xf32> to vector<16xf32>
        %swap3A_110 = arith.index_cast %scan3A_74 : i32 to index
        %swap3A_111 = arith.constant 64 : index
        %swap3A_112 = tpu.vector_load %arg8[%swap3A_110, %swap3A_111] {strides = array<i32>} : memref<64x128xf32, #tpu.memory_space<vmem>>, vector<1x16xf32>,
        %swap3A_113 = vector.shape_cast %swap3A_112 : vector<1x16xf32> to vector<16xf32>
        %swap3A_114 = vector.shape_cast %get3A_109 : vector<16xf32> to vector<1x16xf32>
        tpu.vector_store %arg8[%swap3A_110, %swap3A_111], %swap3A_114 {strides = array<i32>} : memref<64x128xf32, #tpu.memory_space<vmem>>, vector<1x16xf32>,
        %get3A_115 = arith.constant 80 : index
        %get3A_116 = tpu.vector_load %arg10[%get3A_115] {strides = array<i32>} : memref<128xf32, #tpu.memory_space<vmem>>, vector<16xf32>,
        %get3A_117 = vector.shape_cast %get3A_116 : vector<16xf32> to vector<16xf32>
        %swap3A_118 = arith.index_cast %scan3A_74 : i32 to index
        %swap3A_119 = arith.constant 80 : index
        %swap3A_120 = tpu.vector_load %arg8[%swap3A_118, %swap3A_119] {strides = array<i32>} : memref<64x128xf32, #tpu.memory_space<vmem>>, vector<1x16xf32>,
        %swap3A_121 = vector.shape_cast %swap3A_120 : vector<1x16xf32> to vector<16xf32>
        %swap3A_122 = vector.shape_cast %get3A_117 : vector<16xf32> to vector<1x16xf32>
        tpu.vector_store %arg8[%swap3A_118, %swap3A_119], %swap3A_122 {strides = array<i32>} : memref<64x128xf32, #tpu.memory_space<vmem>>, vector<1x16xf32>,
        %get3A_123 = arith.constant 96 : index
        %get3A_124 = tpu.vector_load %arg10[%get3A_123] {strides = array<i32>} : memref<128xf32, #tpu.memory_space<vmem>>, vector<16xf32>,
        %get3A_125 = vector.shape_cast %get3A_124 : vector<16xf32> to vector<16xf32>
        %swap3A_126 = arith.index_cast %scan3A_74 : i32 to index
        %swap3A_127 = arith.constant 96 : index
        %swap3A_128 = tpu.vector_load %arg8[%swap3A_126, %swap3A_127] {strides = array<i32>} : memref<64x128xf32, #tpu.memory_space<vmem>>, vector<1x16xf32>,
        %swap3A_129 = vector.shape_cast %swap3A_128 : vector<1x16xf32> to vector<16xf32>
        %swap3A_130 = vector.shape_cast %get3A_125 : vector<16xf32> to vector<1x16xf32>
        tpu.vector_store %arg8[%swap3A_126, %swap3A_127], %swap3A_130 {strides = array<i32>} : memref<64x128xf32, #tpu.memory_space<vmem>>, vector<1x16xf32>,
        %get3A_131 = arith.constant 112 : index
        %get3A_132 = tpu.vector_load %arg10[%get3A_131] {strides = array<i32>} : memref<128xf32, #tpu.memory_space<vmem>>, vector<16xf32>,
        %get3A_133 = vector.shape_cast %get3A_132 : vector<16xf32> to vector<16xf32>
        %swap3A_134 = arith.index_cast %scan3A_74 : i32 to index
        %swap3A_135 = arith.constant 112 : index
        %swap3A_136 = tpu.vector_load %arg8[%swap3A_134, %swap3A_135] {strides = array<i32>} : memref<64x128xf32, #tpu.memory_space<vmem>>, vector<1x16xf32>,
        %swap3A_137 = vector.shape_cast %swap3A_136 : vector<1x16xf32> to vector<16xf32>
        %swap3A_138 = vector.shape_cast %get3A_133 : vector<16xf32> to vector<1x16xf32>
        tpu.vector_store %arg8[%swap3A_134, %swap3A_135], %swap3A_138 {strides = array<i32>} : memref<64x128xf32, #tpu.memory_space<vmem>>, vector<1x16xf32>,
      }
      %scan3A_18 = arith.constant 64 : i32
      %mul3A_19 = arith.constant 10112 : i32
      %mul3A_20 = arith.muli %arg0, %mul3A_19 : i32
      %get3A = arith.constant 0 : index
      %get3A_21 = tpu.vector_load %arg9[%get3A] {strides = array<i32>} : memref<64xi32, #tpu.memory_space<vmem>>, vector<16xi32>,
      %get3A_22 = vector.shape_cast %get3A_21 : vector<16xi32> to vector<16xi32>
      %add3A_23 = vector.broadcast %mul3A_20 : i32 to vector<16xi32>
      %add3A_24 = arith.addi %get3A_22, %add3A_23 : vector<16xi32>
      %swap3A = arith.constant 0 : index
      %swap3A_25 = tpu.vector_load %arg9[%swap3A] {strides = array<i32>} : memref<64xi32, #tpu.memory_space<vmem>>, vector<16xi32>,
      %swap3A_26 = vector.shape_cast %swap3A_25 : vector<16xi32> to vector<16xi32>
      %swap3A_27 = vector.shape_cast %add3A_24 : vector<16xi32> to vector<16xi32>
      tpu.vector_store %arg9[%swap3A], %swap3A_27 {strides = array<i32>} : memref<64xi32, #tpu.memory_space<vmem>>, vector<16xi32>,
      %get3A_28 = arith.constant 16 : index
      %get3A_29 = tpu.vector_load %arg9[%get3A_28] {strides = array<i32>} : memref<64xi32, #tpu.memory_space<vmem>>, vector<16xi32>,
      %get3A_30 = vector.shape_cast %get3A_29 : vector<16xi32> to vector<16xi32>
      %add3A_31 = vector.broadcast %mul3A_20 : i32 to vector<16xi32>
      %add3A_32 = arith.addi %get3A_30, %add3A_31 : vector<16xi32>
      %swap3A_33 = arith.constant 16 : index
      %swap3A_34 = tpu.vector_load %arg9[%swap3A_33] {strides = array<i32>} : memref<64xi32, #tpu.memory_space<vmem>>, vector<16xi32>,
      %swap3A_35 = vector.shape_cast %swap3A_34 : vector<16xi32> to vector<16xi32>
      %swap3A_36 = vector.shape_cast %add3A_32 : vector<16xi32> to vector<16xi32>
      tpu.vector_store %arg9[%swap3A_33], %swap3A_36 {strides = array<i32>} : memref<64xi32, #tpu.memory_space<vmem>>, vector<16xi32>,
      %get3A_37 = arith.constant 32 : index
      %get3A_38 = tpu.vector_load %arg9[%get3A_37] {strides = array<i32>} : memref<64xi32, #tpu.memory_space<vmem>>, vector<16xi32>,
      %get3A_39 = vector.shape_cast %get3A_38 : vector<16xi32> to vector<16xi32>
      %add3A_40 = vector.broadcast %mul3A_20 : i32 to vector<16xi32>
      %add3A_41 = arith.addi %get3A_39, %add3A_40 : vector<16xi32>
      %swap3A_42 = arith.constant 32 : index
      %swap3A_43 = tpu.vector_load %arg9[%swap3A_42] {strides = array<i32>} : memref<64xi32, #tpu.memory_space<vmem>>, vector<16xi32>,
      %swap3A_44 = vector.shape_cast %swap3A_43 : vector<16xi32> to vector<16xi32>
      %swap3A_45 = vector.shape_cast %add3A_41 : vector<16xi32> to vector<16xi32>
      tpu.vector_store %arg9[%swap3A_42], %swap3A_45 {strides = array<i32>} : memref<64xi32, #tpu.memory_space<vmem>>, vector<16xi32>,
      %get3A_46 = arith.constant 48 : index
      %get3A_47 = tpu.vector_load %arg9[%get3A_46] {strides = array<i32>} : memref<64xi32, #tpu.memory_space<vmem>>, vector<16xi32>,
      %get3A_48 = vector.shape_cast %get3A_47 : vector<16xi32> to vector<16xi32>
      %add3A_49 = vector.broadcast %mul3A_20 : i32 to vector<16xi32>
      %add3A_50 = arith.addi %get3A_48, %add3A_49 : vector<16xi32>
      %swap3A_51 = arith.constant 48 : index
      %swap3A_52 = tpu.vector_load %arg9[%swap3A_51] {strides = array<i32>} : memref<64xi32, #tpu.memory_space<vmem>>, vector<16xi32>,
      %swap3A_53 = vector.shape_cast %swap3A_52 : vector<16xi32> to vector<16xi32>
      %swap3A_54 = vector.shape_cast %add3A_50 : vector<16xi32> to vector<16xi32>
      tpu.vector_store %arg9[%swap3A_51], %swap3A_54 {strides = array<i32>} : memref<64xi32, #tpu.memory_space<vmem>>, vector<16xi32>,
      "tpu.region"() ({
        %run_scoped3A = tpu.sem_alloc : memref<!tpu.dma_semaphore, #tpu.memory_space<semaphore_mem>>
        %dma_start3A = arith.constant 0 : i32
        %dma_start3A_74 = arith.constant 0 : i32
        %dma_start3A_75 = tpu.memref_slice %arg5[%dma_start3A, %dma_start3A_74] : memref<20224x128xf32, #tpu.memory_space<hbm>> -> memref<20224x128xf32, #tpu.memory_space<hbm>>
        tpu.enqueue_indirect_dma source(%arg8 : memref<64x128xf32, #tpu.memory_space<vmem>>) target(%dma_start3A_75 : memref<20224x128xf32, #tpu.memory_space<hbm>>) offsets(%arg9 : memref<64xi32, #tpu.memory_space<vmem>>) semaphore(%run_scoped3A : memref<!tpu.dma_semaphore, #tpu.memory_space<semaphore_mem>>)
        %dma_wait3A = arith.constant 0 : i32
        %dma_wait3A_76 = arith.constant 0 : i32
        %dma_wait3A_77 = tpu.memref_slice %arg5[%dma_wait3A, %dma_wait3A_76] : memref<20224x128xf32, #tpu.memory_space<hbm>> -> memref<20224x128xf32, #tpu.memory_space<hbm>>
        tpu.wait_indirect_dma semaphore(%run_scoped3A : memref<!tpu.dma_semaphore, #tpu.memory_space<semaphore_mem>>) src(%arg8 : memref<64x128xf32, #tpu.memory_space<vmem>>) dst(%dma_wait3A_77 : memref<20224x128xf32, #tpu.memory_space<hbm>>)
        tpu.yield
      }) : () -> ()
      %mul3A_55 = arith.constant 2 : i32
      %mul3A_56 = arith.muli %arg0, %mul3A_55 : i32
      %mul3A_57 = arith.constant 16 : i32
      %mul3A_58 = arith.muli %mul3A_56, %mul3A_57 : i32
      "tpu.region"() ({
        %run_scoped3A = tpu.sem_alloc : memref<!tpu.dma_semaphore, #tpu.memory_space<semaphore_mem>>
        %dma_start3A = arith.constant 0 : i32
        %dma_start3A_74 = tpu.memref_slice %arg4[%mul3A_58, %dma_start3A] : memref<64x128xf32, #tpu.memory_space<hbm>> -> memref<32x128xf32, #tpu.memory_space<hbm>>
        %dma_start3A_75 = arith.constant 0 : i32
        %dma_start3A_76 = tpu.memref_slice %arg4[%mul3A_58, %dma_start3A_75] : memref<64x128xf32, #tpu.memory_space<hbm>> -> memref<32x128xf32, #tpu.memory_space<hbm>>
        tpu.enqueue_dma source(%dma_start3A_76 : memref<32x128xf32, #tpu.memory_space<hbm>>) target(%arg11 : memref<32x128xf32, #tpu.memory_space<vmem>>) target_semaphore(%run_scoped3A : memref<!tpu.dma_semaphore, #tpu.memory_space<semaphore_mem>>)
        %dma_wait3A = arith.constant 0 : i32
        %dma_wait3A_77 = tpu.memref_slice %arg4[%mul3A_58, %dma_wait3A] : memref<64x128xf32, #tpu.memory_space<hbm>> -> memref<32x128xf32, #tpu.memory_space<hbm>>
        %dma_wait3A_78 = arith.constant 0 : i32
        %dma_wait3A_79 = tpu.memref_slice %arg4[%mul3A_58, %dma_wait3A_78] : memref<64x128xf32, #tpu.memory_space<hbm>> -> memref<32x128xf32, #tpu.memory_space<hbm>>
        tpu.wait_dma2 semaphore(%run_scoped3A : memref<!tpu.dma_semaphore, #tpu.memory_space<semaphore_mem>>) src(%dma_wait3A_79 : memref<32x128xf32, #tpu.memory_space<hbm>>) dst(%arg11 : memref<32x128xf32, #tpu.memory_space<vmem>>)
        tpu.yield
      }) : () -> ()
      %scan3A_59 = arith.constant 0 : i32
      %scan3A_60 = arith.constant 0 : i32
      %scan3A_61 = arith.constant 32 : i32
      %scan3A_62 = arith.addi %scan3A_60, %scan3A_61 : i32
      %scan3A_63 = arith.constant 1 : i32
      scf.for %scan3A_74 = %scan3A_60 to %scan3A_62 step %scan3A_63  : i32 {
        %get3A_75 = arith.index_cast %scan3A_74 : i32 to index
        %get3A_76 = arith.constant 0 : index
        %get3A_77 = tpu.vector_load %arg11[%get3A_75, %get3A_76] {strides = array<i32>} : memref<32x128xf32, #tpu.memory_space<vmem>>, vector<1x16xf32>,
        %get3A_78 = vector.shape_cast %get3A_77 : vector<1x16xf32> to vector<16xf32>
        %get3A_79 = arith.constant 0 : index
        %get3A_80 = tpu.vector_load %arg10[%get3A_79] {strides = array<i32>} : memref<128xf32, #tpu.memory_space<vmem>>, vector<16xf32>,
        %get3A_81 = vector.shape_cast %get3A_80 : vector<16xf32> to vector<16xf32>
        %mul3A_82 = arith.mulf %get3A_78, %get3A_81 : vector<16xf32>
        %swap3A_83 = arith.index_cast %scan3A_74 : i32 to index
        %swap3A_84 = arith.constant 0 : index
        %swap3A_85 = tpu.vector_load %arg11[%swap3A_83, %swap3A_84] {strides = array<i32>} : memref<32x128xf32, #tpu.memory_space<vmem>>, vector<1x16xf32>,
        %swap3A_86 = vector.shape_cast %swap3A_85 : vector<1x16xf32> to vector<16xf32>
        %swap3A_87 = vector.shape_cast %mul3A_82 : vector<16xf32> to vector<1x16xf32>
        tpu.vector_store %arg11[%swap3A_83, %swap3A_84], %swap3A_87 {strides = array<i32>} : memref<32x128xf32, #tpu.memory_space<vmem>>, vector<1x16xf32>,
        %get3A_88 = arith.index_cast %scan3A_74 : i32 to index
        %get3A_89 = arith.constant 16 : index
        %get3A_90 = tpu.vector_load %arg11[%get3A_88, %get3A_89] {strides = array<i32>} : memref<32x128xf32, #tpu.memory_space<vmem>>, vector<1x16xf32>,
        %get3A_91 = vector.shape_cast %get3A_90 : vector<1x16xf32> to vector<16xf32>
        %get3A_92 = arith.constant 16 : index
        %get3A_93 = tpu.vector_load %arg10[%get3A_92] {strides = array<i32>} : memref<128xf32, #tpu.memory_space<vmem>>, vector<16xf32>,
        %get3A_94 = vector.shape_cast %get3A_93 : vector<16xf32> to vector<16xf32>
        %mul3A_95 = arith.mulf %get3A_91, %get3A_94 : vector<16xf32>
        %swap3A_96 = arith.index_cast %scan3A_74 : i32 to index
        %swap3A_97 = arith.constant 16 : index
        %swap3A_98 = tpu.vector_load %arg11[%swap3A_96, %swap3A_97] {strides = array<i32>} : memref<32x128xf32, #tpu.memory_space<vmem>>, vector<1x16xf32>,
        %swap3A_99 = vector.shape_cast %swap3A_98 : vector<1x16xf32> to vector<16xf32>
        %swap3A_100 = vector.shape_cast %mul3A_95 : vector<16xf32> to vector<1x16xf32>
        tpu.vector_store %arg11[%swap3A_96, %swap3A_97], %swap3A_100 {strides = array<i32>} : memref<32x128xf32, #tpu.memory_space<vmem>>, vector<1x16xf32>,
        %get3A_101 = arith.index_cast %scan3A_74 : i32 to index
        %get3A_102 = arith.constant 32 : index
        %get3A_103 = tpu.vector_load %arg11[%get3A_101, %get3A_102] {strides = array<i32>} : memref<32x128xf32, #tpu.memory_space<vmem>>, vector<1x16xf32>,
        %get3A_104 = vector.shape_cast %get3A_103 : vector<1x16xf32> to vector<16xf32>
        %get3A_105 = arith.constant 32 : index
        %get3A_106 = tpu.vector_load %arg10[%get3A_105] {strides = array<i32>} : memref<128xf32, #tpu.memory_space<vmem>>, vector<16xf32>,
        %get3A_107 = vector.shape_cast %get3A_106 : vector<16xf32> to vector<16xf32>
        %mul3A_108 = arith.mulf %get3A_104, %get3A_107 : vector<16xf32>
        %swap3A_109 = arith.index_cast %scan3A_74 : i32 to index
        %swap3A_110 = arith.constant 32 : index
        %swap3A_111 = tpu.vector_load %arg11[%swap3A_109, %swap3A_110] {strides = array<i32>} : memref<32x128xf32, #tpu.memory_space<vmem>>, vector<1x16xf32>,
        %swap3A_112 = vector.shape_cast %swap3A_111 : vector<1x16xf32> to vector<16xf32>
        %swap3A_113 = vector.shape_cast %mul3A_108 : vector<16xf32> to vector<1x16xf32>
        tpu.vector_store %arg11[%swap3A_109, %swap3A_110], %swap3A_113 {strides = array<i32>} : memref<32x128xf32, #tpu.memory_space<vmem>>, vector<1x16xf32>,
        %get3A_114 = arith.index_cast %scan3A_74 : i32 to index
        %get3A_115 = arith.constant 48 : index
        %get3A_116 = tpu.vector_load %arg11[%get3A_114, %get3A_115] {strides = array<i32>} : memref<32x128xf32, #tpu.memory_space<vmem>>, vector<1x16xf32>,
        %get3A_117 = vector.shape_cast %get3A_116 : vector<1x16xf32> to vector<16xf32>
        %get3A_118 = arith.constant 48 : index
        %get3A_119 = tpu.vector_load %arg10[%get3A_118] {strides = array<i32>} : memref<128xf32, #tpu.memory_space<vmem>>, vector<16xf32>,
        %get3A_120 = vector.shape_cast %get3A_119 : vector<16xf32> to vector<16xf32>
        %mul3A_121 = arith.mulf %get3A_117, %get3A_120 : vector<16xf32>
        %swap3A_122 = arith.index_cast %scan3A_74 : i32 to index
        %swap3A_123 = arith.constant 48 : index
        %swap3A_124 = tpu.vector_load %arg11[%swap3A_122, %swap3A_123] {strides = array<i32>} : memref<32x128xf32, #tpu.memory_space<vmem>>, vector<1x16xf32>,
        %swap3A_125 = vector.shape_cast %swap3A_124 : vector<1x16xf32> to vector<16xf32>
        %swap3A_126 = vector.shape_cast %mul3A_121 : vector<16xf32> to vector<1x16xf32>
        tpu.vector_store %arg11[%swap3A_122, %swap3A_123], %swap3A_126 {strides = array<i32>} : memref<32x128xf32, #tpu.memory_space<vmem>>, vector<1x16xf32>,
        %get3A_127 = arith.index_cast %scan3A_74 : i32 to index
        %get3A_128 = arith.constant 64 : index
        %get3A_129 = tpu.vector_load %arg11[%get3A_127, %get3A_128] {strides = array<i32>} : memref<32x128xf32, #tpu.memory_space<vmem>>, vector<1x16xf32>,
        %get3A_130 = vector.shape_cast %get3A_129 : vector<1x16xf32> to vector<16xf32>
        %get3A_131 = arith.constant 64 : index
        %get3A_132 = tpu.vector_load %arg10[%get3A_131] {strides = array<i32>} : memref<128xf32, #tpu.memory_space<vmem>>, vector<16xf32>,
        %get3A_133 = vector.shape_cast %get3A_132 : vector<16xf32> to vector<16xf32>
        %mul3A_134 = arith.mulf %get3A_130, %get3A_133 : vector<16xf32>
        %swap3A_135 = arith.index_cast %scan3A_74 : i32 to index
        %swap3A_136 = arith.constant 64 : index
        %swap3A_137 = tpu.vector_load %arg11[%swap3A_135, %swap3A_136] {strides = array<i32>} : memref<32x128xf32, #tpu.memory_space<vmem>>, vector<1x16xf32>,
        %swap3A_138 = vector.shape_cast %swap3A_137 : vector<1x16xf32> to vector<16xf32>
        %swap3A_139 = vector.shape_cast %mul3A_134 : vector<16xf32> to vector<1x16xf32>
        tpu.vector_store %arg11[%swap3A_135, %swap3A_136], %swap3A_139 {strides = array<i32>} : memref<32x128xf32, #tpu.memory_space<vmem>>, vector<1x16xf32>,
        %get3A_140 = arith.index_cast %scan3A_74 : i32 to index
        %get3A_141 = arith.constant 80 : index
        %get3A_142 = tpu.vector_load %arg11[%get3A_140, %get3A_141] {strides = array<i32>} : memref<32x128xf32, #tpu.memory_space<vmem>>, vector<1x16xf32>,
        %get3A_143 = vector.shape_cast %get3A_142 : vector<1x16xf32> to vector<16xf32>
        %get3A_144 = arith.constant 80 : index
        %get3A_145 = tpu.vector_load %arg10[%get3A_144] {strides = array<i32>} : memref<128xf32, #tpu.memory_space<vmem>>, vector<16xf32>,
        %get3A_146 = vector.shape_cast %get3A_145 : vector<16xf32> to vector<16xf32>
        %mul3A_147 = arith.mulf %get3A_143, %get3A_146 : vector<16xf32>
        %swap3A_148 = arith.index_cast %scan3A_74 : i32 to index
        %swap3A_149 = arith.constant 80 : index
        %swap3A_150 = tpu.vector_load %arg11[%swap3A_148, %swap3A_149] {strides = array<i32>} : memref<32x128xf32, #tpu.memory_space<vmem>>, vector<1x16xf32>,
        %swap3A_151 = vector.shape_cast %swap3A_150 : vector<1x16xf32> to vector<16xf32>
        %swap3A_152 = vector.shape_cast %mul3A_147 : vector<16xf32> to vector<1x16xf32>
        tpu.vector_store %arg11[%swap3A_148, %swap3A_149], %swap3A_152 {strides = array<i32>} : memref<32x128xf32, #tpu.memory_space<vmem>>, vector<1x16xf32>,
        %get3A_153 = arith.index_cast %scan3A_74 : i32 to index
        %get3A_154 = arith.constant 96 : index
        %get3A_155 = tpu.vector_load %arg11[%get3A_153, %get3A_154] {strides = array<i32>} : memref<32x128xf32, #tpu.memory_space<vmem>>, vector<1x16xf32>,
        %get3A_156 = vector.shape_cast %get3A_155 : vector<1x16xf32> to vector<16xf32>
        %get3A_157 = arith.constant 96 : index
        %get3A_158 = tpu.vector_load %arg10[%get3A_157] {strides = array<i32>} : memref<128xf32, #tpu.memory_space<vmem>>, vector<16xf32>,
        %get3A_159 = vector.shape_cast %get3A_158 : vector<16xf32> to vector<16xf32>
        %mul3A_160 = arith.mulf %get3A_156, %get3A_159 : vector<16xf32>
        %swap3A_161 = arith.index_cast %scan3A_74 : i32 to index
        %swap3A_162 = arith.constant 96 : index
        %swap3A_163 = tpu.vector_load %arg11[%swap3A_161, %swap3A_162] {strides = array<i32>} : memref<32x128xf32, #tpu.memory_space<vmem>>, vector<1x16xf32>,
        %swap3A_164 = vector.shape_cast %swap3A_163 : vector<1x16xf32> to vector<16xf32>
        %swap3A_165 = vector.shape_cast %mul3A_160 : vector<16xf32> to vector<1x16xf32>
        tpu.vector_store %arg11[%swap3A_161, %swap3A_162], %swap3A_165 {strides = array<i32>} : memref<32x128xf32, #tpu.memory_space<vmem>>, vector<1x16xf32>,
        %get3A_166 = arith.index_cast %scan3A_74 : i32 to index
        %get3A_167 = arith.constant 112 : index
        %get3A_168 = tpu.vector_load %arg11[%get3A_166, %get3A_167] {strides = array<i32>} : memref<32x128xf32, #tpu.memory_space<vmem>>, vector<1x16xf32>,
        %get3A_169 = vector.shape_cast %get3A_168 : vector<1x16xf32> to vector<16xf32>
        %get3A_170 = arith.constant 112 : index
        %get3A_171 = tpu.vector_load %arg10[%get3A_170] {strides = array<i32>} : memref<128xf32, #tpu.memory_space<vmem>>, vector<16xf32>,
        %get3A_172 = vector.shape_cast %get3A_171 : vector<16xf32> to vector<16xf32>
        %mul3A_173 = arith.mulf %get3A_169, %get3A_172 : vector<16xf32>
        %swap3A_174 = arith.index_cast %scan3A_74 : i32 to index
        %swap3A_175 = arith.constant 112 : index
        %swap3A_176 = tpu.vector_load %arg11[%swap3A_174, %swap3A_175] {strides = array<i32>} : memref<32x128xf32, #tpu.memory_space<vmem>>, vector<1x16xf32>,
        %swap3A_177 = vector.shape_cast %swap3A_176 : vector<1x16xf32> to vector<16xf32>
        %swap3A_178 = vector.shape_cast %mul3A_173 : vector<16xf32> to vector<1x16xf32>
        tpu.vector_store %arg11[%swap3A_174, %swap3A_175], %swap3A_178 {strides = array<i32>} : memref<32x128xf32, #tpu.memory_space<vmem>>, vector<1x16xf32>,
      }
      %scan3A_64 = arith.constant 32 : i32
      %mul3A_65 = arith.constant 2 : i32
      %mul3A_66 = arith.muli %arg0, %mul3A_65 : i32
      %mul3A_67 = arith.constant 16 : i32
      %mul3A_68 = arith.muli %mul3A_66, %mul3A_67 : i32
      "tpu.region"() ({
        %run_scoped3A = tpu.sem_alloc : memref<!tpu.dma_semaphore, #tpu.memory_space<semaphore_mem>>
        %dma_start3A = arith.constant 0 : i32
        %dma_start3A_74 = tpu.memref_slice %arg6[%mul3A_68, %dma_start3A] : memref<72x128xf32, #tpu.memory_space<hbm>> -> memref<32x128xf32, #tpu.memory_space<hbm>>
        %dma_start3A_75 = arith.constant 0 : i32
        %dma_start3A_76 = tpu.memref_slice %arg6[%mul3A_68, %dma_start3A_75] : memref<72x128xf32, #tpu.memory_space<hbm>> -> memref<32x128xf32, #tpu.memory_space<hbm>>
        tpu.enqueue_dma source(%arg11 : memref<32x128xf32, #tpu.memory_space<vmem>>) target(%dma_start3A_76 : memref<32x128xf32, #tpu.memory_space<hbm>>) target_semaphore(%run_scoped3A : memref<!tpu.dma_semaphore, #tpu.memory_space<semaphore_mem>>)
        %dma_wait3A = arith.constant 0 : i32
        %dma_wait3A_77 = tpu.memref_slice %arg6[%mul3A_68, %dma_wait3A] : memref<72x128xf32, #tpu.memory_space<hbm>> -> memref<32x128xf32, #tpu.memory_space<hbm>>
        %dma_wait3A_78 = arith.constant 0 : i32
        %dma_wait3A_79 = tpu.memref_slice %arg6[%mul3A_68, %dma_wait3A_78] : memref<72x128xf32, #tpu.memory_space<hbm>> -> memref<32x128xf32, #tpu.memory_space<hbm>>
        tpu.wait_dma2 semaphore(%run_scoped3A : memref<!tpu.dma_semaphore, #tpu.memory_space<semaphore_mem>>) src(%arg11 : memref<32x128xf32, #tpu.memory_space<vmem>>) dst(%dma_wait3A_79 : memref<32x128xf32, #tpu.memory_space<hbm>>)
        tpu.yield
      }) : () -> ()
      %eq3A_69 = arith.constant 0 : i32
      %eq3A_70 = arith.cmpi eq, %arg0, %eq3A_69 : i32
      %convert_element_type3A_71 = arith.extui %eq3A_70 : i1 to i32
      %cond3A_72 = arith.constant 0 : i32
      %cond3A_73 = arith.cmpi ne, %convert_element_type3A_71, %cond3A_72 : i32
      scf.if %cond3A_73 {
        "tpu.region"() ({
          %run_scoped3A = tpu.sem_alloc : memref<!tpu.dma_semaphore, #tpu.memory_space<semaphore_mem>>
          %dma_start3A = arith.constant 0 : i32
          %dma_start3A_74 = arith.constant 0 : i32
          %dma_start3A_75 = tpu.memref_slice %arg7[%dma_start3A, %dma_start3A_74] : memref<632x128xf32, #tpu.memory_space<vmem>> -> memref<8x128xf32, #tpu.memory_space<vmem>>
          %dma_start3A_76 = arith.constant 64 : i32
          %dma_start3A_77 = arith.constant 0 : i32
          %dma_start3A_78 = tpu.memref_slice %arg6[%dma_start3A_76, %dma_start3A_77] : memref<72x128xf32, #tpu.memory_space<hbm>> -> memref<8x128xf32, #tpu.memory_space<hbm>>
          %dma_start3A_79 = arith.constant 64 : i32
          %dma_start3A_80 = arith.constant 0 : i32
          %dma_start3A_81 = tpu.memref_slice %arg6[%dma_start3A_79, %dma_start3A_80] : memref<72x128xf32, #tpu.memory_space<hbm>> -> memref<8x128xf32, #tpu.memory_space<hbm>>
          %dma_start3A_82 = arith.constant 0 : i32
          %dma_start3A_83 = arith.constant 0 : i32
          %dma_start3A_84 = tpu.memref_slice %arg7[%dma_start3A_82, %dma_start3A_83] : memref<632x128xf32, #tpu.memory_space<vmem>> -> memref<8x128xf32, #tpu.memory_space<vmem>>
          tpu.enqueue_dma source(%dma_start3A_84 : memref<8x128xf32, #tpu.memory_space<vmem>>) target(%dma_start3A_81 : memref<8x128xf32, #tpu.memory_space<hbm>>) target_semaphore(%run_scoped3A : memref<!tpu.dma_semaphore, #tpu.memory_space<semaphore_mem>>)
          %dma_wait3A = arith.constant 0 : i32
          %dma_wait3A_85 = arith.constant 0 : i32
          %dma_wait3A_86 = tpu.memref_slice %arg7[%dma_wait3A, %dma_wait3A_85] : memref<632x128xf32, #tpu.memory_space<vmem>> -> memref<8x128xf32, #tpu.memory_space<vmem>>
          %dma_wait3A_87 = arith.constant 64 : i32
          %dma_wait3A_88 = arith.constant 0 : i32
          %dma_wait3A_89 = tpu.memref_slice %arg6[%dma_wait3A_87, %dma_wait3A_88] : memref<72x128xf32, #tpu.memory_space<hbm>> -> memref<8x128xf32, #tpu.memory_space<hbm>>
          %dma_wait3A_90 = arith.constant 64 : i32
          %dma_wait3A_91 = arith.constant 0 : i32
          %dma_wait3A_92 = tpu.memref_slice %arg6[%dma_wait3A_90, %dma_wait3A_91] : memref<72x128xf32, #tpu.memory_space<hbm>> -> memref<8x128xf32, #tpu.memory_space<hbm>>
          %dma_wait3A_93 = arith.constant 0 : i32
          %dma_wait3A_94 = arith.constant 0 : i32
          %dma_wait3A_95 = tpu.memref_slice %arg7[%dma_wait3A_93, %dma_wait3A_94] : memref<632x128xf32, #tpu.memory_space<vmem>> -> memref<8x128xf32, #tpu.memory_space<vmem>>
          tpu.wait_dma2 semaphore(%run_scoped3A : memref<!tpu.dma_semaphore, #tpu.memory_space<semaphore_mem>>) src(%dma_wait3A_95 : memref<8x128xf32, #tpu.memory_space<vmem>>) dst(%dma_wait3A_92 : memref<8x128xf32, #tpu.memory_space<hbm>>)
          tpu.yield
        }) : () -> ()
      } else {
      }
    } else {
    }
    return
  }
}

#map = affine_map<(d0, d1) -> (0, 0, 0)>
#map1 = affine_map<(d0, d1) -> (0, 0)>
module attributes {stable_mosaic.version = 14 : i64} {
  func.func @_edge_agg(%arg0: i32, %arg1: i32, %arg2: memref<2512x3x128xi32, #tpu.memory_space<hbm>>, %arg3: memref<647168x128xf32, #tpu.memory_space<hbm>>, %arg4: memref<20224x128xf32, #tpu.memory_space<hbm>>, %arg5: memref<20224x128xf32, #tpu.memory_space<hbm>>, %arg6: memref<10112x128xf32, #tpu.memory_space<vmem_shared>>, %arg7: memref<3x3x128xi32, #tpu.memory_space<vmem>>, %arg8: memref<2x128x128xf32, #tpu.memory_space<vmem>>, %arg9: memref<!tpu.dma_semaphore, #tpu.memory_space<semaphore_mem>>, %arg10: memref<!tpu.dma_semaphore, #tpu.memory_space<semaphore_mem>>, %arg11: memref<!tpu.dma_semaphore, #tpu.memory_space<semaphore_mem>>) attributes {dimension_semantics = [#tpu.dimension_semantics<core_parallel>, #tpu.dimension_semantics<subcore_parallel>], iteration_bounds = array<i64: 2, 16>, scalar_prefetch = 0 : i64, scratch_operands = 6 : i64, tpu.core_type = #tpu.core_type<sc_vector_subcore>, window_params = [{transform_indices = #map}, {transform_indices = #map1}, {transform_indices = #map1}, {transform_indices = #map1}]} {
    %mul3A = arith.constant 10112 : i32
    %mul3A_0 = arith.muli %arg0, %mul3A : i32
    %mul3A_1 = arith.constant 632 : i32
    %mul3A_2 = arith.muli %arg1, %mul3A_1 : i32
    %add3A = arith.addi %mul3A_0, %mul3A_2 : i32
    %mul3A_3 = arith.constant 632 : i32
    %mul3A_4 = arith.muli %arg1, %mul3A_3 : i32
    "tpu.region"() ({
      %run_scoped3A_289 = tpu.sem_alloc : memref<!tpu.dma_semaphore, #tpu.memory_space<semaphore_mem>>
      %dma_start3A_290 = arith.constant 0 : i32
      %dma_start3A_291 = tpu.memref_slice %arg6[%mul3A_4, %dma_start3A_290] : memref<10112x128xf32, #tpu.memory_space<vmem_shared>> -> memref<632x128xf32, #tpu.memory_space<vmem_shared>>
      %dma_start3A_292 = arith.constant 0 : i32
      %dma_start3A_293 = tpu.memref_slice %arg4[%add3A, %dma_start3A_292] : memref<20224x128xf32, #tpu.memory_space<hbm>> -> memref<632x128xf32, #tpu.memory_space<hbm>>
      tpu.enqueue_dma source(%dma_start3A_293 : memref<632x128xf32, #tpu.memory_space<hbm>>) target(%dma_start3A_291 : memref<632x128xf32, #tpu.memory_space<vmem_shared>>) target_semaphore(%run_scoped3A_289 : memref<!tpu.dma_semaphore, #tpu.memory_space<semaphore_mem>>)
      %dma_wait3A_294 = arith.constant 0 : i32
      %dma_wait3A_295 = tpu.memref_slice %arg6[%mul3A_4, %dma_wait3A_294] : memref<10112x128xf32, #tpu.memory_space<vmem_shared>> -> memref<632x128xf32, #tpu.memory_space<vmem_shared>>
      %dma_wait3A_296 = arith.constant 0 : i32
      %dma_wait3A_297 = tpu.memref_slice %arg4[%add3A, %dma_wait3A_296] : memref<20224x128xf32, #tpu.memory_space<hbm>> -> memref<632x128xf32, #tpu.memory_space<hbm>>
      tpu.wait_dma2 semaphore(%run_scoped3A_289 : memref<!tpu.dma_semaphore, #tpu.memory_space<semaphore_mem>>) src(%dma_wait3A_297 : memref<632x128xf32, #tpu.memory_space<hbm>>) dst(%dma_wait3A_295 : memref<632x128xf32, #tpu.memory_space<vmem_shared>>)
      tpu.yield
    }) : () -> ()
    %barrier3A = arith.constant 0 : index
    tpu.barrier barrier_id(%barrier3A)
    %mul3A_5 = arith.constant 157 : i32
    %mul3A_6 = arith.muli %arg1, %mul3A_5 : i32
    %mul3A_7 = arith.constant 2 : i32
    %mul3A_8 = arith.muli %arg0, %mul3A_7 : i32
    %mul3A_9 = arith.constant 16 : i32
    %mul3A_10 = arith.muli %mul3A_8, %mul3A_9 : i32
    %run_scoped3A = arith.constant 0 : i32
    "tpu.region"() ({
      %run_scoped3A_289 = tpu.sem_alloc : memref<!tpu.dma_semaphore, #tpu.memory_space<semaphore_mem>>
      %dma_start3A_290 = arith.constant 0 : i32
      %dma_start3A_291 = arith.constant 0 : i32
      %dma_start3A_292 = tpu.memref_slice %arg7[%run_scoped3A, %dma_start3A_290, %dma_start3A_291] : memref<3x3x128xi32, #tpu.memory_space<vmem>> -> memref<1x3x128xi32, #tpu.memory_space<vmem>>
      %dma_start3A_293 = tpu.memref_squeeze %dma_start3A_292 : memref<1x3x128xi32, #tpu.memory_space<vmem>> -> memref<3x128xi32, #tpu.memory_space<vmem>>
      %dma_start3A_294 = arith.constant 0 : i32
      %dma_start3A_295 = arith.constant 0 : i32
      %dma_start3A_296 = tpu.memref_slice %arg2[%mul3A_6, %dma_start3A_294, %dma_start3A_295] : memref<2512x3x128xi32, #tpu.memory_space<hbm>> -> memref<1x3x128xi32, #tpu.memory_space<hbm>>
      %dma_start3A_297 = tpu.memref_squeeze %dma_start3A_296 : memref<1x3x128xi32, #tpu.memory_space<hbm>> -> memref<3x128xi32, #tpu.memory_space<hbm>>
      %dma_start3A_298 = arith.constant 0 : i32
      %dma_start3A_299 = arith.constant 0 : i32
      %dma_start3A_300 = tpu.memref_slice %arg7[%run_scoped3A, %dma_start3A_298, %dma_start3A_299] : memref<3x3x128xi32, #tpu.memory_space<vmem>> -> memref<1x3x128xi32, #tpu.memory_space<vmem>>
      %dma_start3A_301 = tpu.memref_squeeze %dma_start3A_300 : memref<1x3x128xi32, #tpu.memory_space<vmem>> -> memref<3x128xi32, #tpu.memory_space<vmem>>
      %dma_start3A_302 = arith.constant 0 : i32
      %dma_start3A_303 = arith.constant 0 : i32
      %dma_start3A_304 = tpu.memref_slice %arg2[%mul3A_6, %dma_start3A_302, %dma_start3A_303] : memref<2512x3x128xi32, #tpu.memory_space<hbm>> -> memref<1x3x128xi32, #tpu.memory_space<hbm>>
      %dma_start3A_305 = tpu.memref_squeeze %dma_start3A_304 : memref<1x3x128xi32, #tpu.memory_space<hbm>> -> memref<3x128xi32, #tpu.memory_space<hbm>>
      tpu.enqueue_dma source(%dma_start3A_305 : memref<3x128xi32, #tpu.memory_space<hbm>>) target(%dma_start3A_301 : memref<3x128xi32, #tpu.memory_space<vmem>>) target_semaphore(%run_scoped3A_289 : memref<!tpu.dma_semaphore, #tpu.memory_space<semaphore_mem>>)
      %dma_wait3A_306 = arith.constant 0 : i32
      %dma_wait3A_307 = arith.constant 0 : i32
      %dma_wait3A_308 = tpu.memref_slice %arg7[%run_scoped3A, %dma_wait3A_306, %dma_wait3A_307] : memref<3x3x128xi32, #tpu.memory_space<vmem>> -> memref<1x3x128xi32, #tpu.memory_space<vmem>>
      %dma_wait3A_309 = tpu.memref_squeeze %dma_wait3A_308 : memref<1x3x128xi32, #tpu.memory_space<vmem>> -> memref<3x128xi32, #tpu.memory_space<vmem>>
      %dma_wait3A_310 = arith.constant 0 : i32
      %dma_wait3A_311 = arith.constant 0 : i32
      %dma_wait3A_312 = tpu.memref_slice %arg2[%mul3A_6, %dma_wait3A_310, %dma_wait3A_311] : memref<2512x3x128xi32, #tpu.memory_space<hbm>> -> memref<1x3x128xi32, #tpu.memory_space<hbm>>
      %dma_wait3A_313 = tpu.memref_squeeze %dma_wait3A_312 : memref<1x3x128xi32, #tpu.memory_space<hbm>> -> memref<3x128xi32, #tpu.memory_space<hbm>>
      %dma_wait3A_314 = arith.constant 0 : i32
      %dma_wait3A_315 = arith.constant 0 : i32
      %dma_wait3A_316 = tpu.memref_slice %arg7[%run_scoped3A, %dma_wait3A_314, %dma_wait3A_315] : memref<3x3x128xi32, #tpu.memory_space<vmem>> -> memref<1x3x128xi32, #tpu.memory_space<vmem>>
      %dma_wait3A_317 = tpu.memref_squeeze %dma_wait3A_316 : memref<1x3x128xi32, #tpu.memory_space<vmem>> -> memref<3x128xi32, #tpu.memory_space<vmem>>
      %dma_wait3A_318 = arith.constant 0 : i32
      %dma_wait3A_319 = arith.constant 0 : i32
      %dma_wait3A_320 = tpu.memref_slice %arg2[%mul3A_6, %dma_wait3A_318, %dma_wait3A_319] : memref<2512x3x128xi32, #tpu.memory_space<hbm>> -> memref<1x3x128xi32, #tpu.memory_space<hbm>>
      %dma_wait3A_321 = tpu.memref_squeeze %dma_wait3A_320 : memref<1x3x128xi32, #tpu.memory_space<hbm>> -> memref<3x128xi32, #tpu.memory_space<hbm>>
      tpu.wait_dma2 semaphore(%run_scoped3A_289 : memref<!tpu.dma_semaphore, #tpu.memory_space<semaphore_mem>>) src(%dma_wait3A_321 : memref<3x128xi32, #tpu.memory_space<hbm>>) dst(%dma_wait3A_317 : memref<3x128xi32, #tpu.memory_space<vmem>>)
      tpu.yield
    }) : () -> ()
    %get3A = arith.constant 0 : i32
    %get3A_11 = arith.constant 2 : i32
    %get3A_12 = arith.index_cast %get3A : i32 to index
    %get3A_13 = arith.index_cast %get3A_11 : i32 to index
    %get3A_14 = arith.constant 0 : index
    %get3A_15 = tpu.vector_load %arg7[%get3A_12, %get3A_13, %get3A_14] {strides = array<i32>} : memref<3x3x128xi32, #tpu.memory_space<vmem>>, vector<1x1x16xi32>,
    %get3A_16 = vector.shape_cast %get3A_15 : vector<1x1x16xi32> to vector<16xi32>
    %add3A_17 = vector.broadcast %mul3A_10 : i32 to vector<16xi32>
    %add3A_18 = arith.addi %get3A_16, %add3A_17 : vector<16xi32>
    %mul3A_19 = arith.constant 10112 : i32
    %mul3A_20 = vector.broadcast %mul3A_19 : i32 to vector<16xi32>
    %mul3A_21 = arith.muli %add3A_18, %mul3A_20 : vector<16xi32>
    %get3A_22 = arith.constant 0 : i32
    %get3A_23 = arith.constant 0 : i32
    %get3A_24 = arith.index_cast %get3A_22 : i32 to index
    %get3A_25 = arith.index_cast %get3A_23 : i32 to index
    %get3A_26 = arith.constant 0 : index
    %get3A_27 = tpu.vector_load %arg7[%get3A_24, %get3A_25, %get3A_26] {strides = array<i32>} : memref<3x3x128xi32, #tpu.memory_space<vmem>>, vector<1x1x16xi32>,
    %get3A_28 = vector.shape_cast %get3A_27 : vector<1x1x16xi32> to vector<16xi32>
    %add3A_29 = arith.addi %get3A_28, %mul3A_21 : vector<16xi32>
    %swap3A = arith.constant 0 : i32
    %swap3A_30 = arith.constant 0 : i32
    %swap3A_31 = arith.index_cast %swap3A : i32 to index
    %swap3A_32 = arith.index_cast %swap3A_30 : i32 to index
    %swap3A_33 = arith.constant 0 : index
    %swap3A_34 = tpu.vector_load %arg7[%swap3A_31, %swap3A_32, %swap3A_33] {strides = array<i32>} : memref<3x3x128xi32, #tpu.memory_space<vmem>>, vector<1x1x16xi32>,
    %swap3A_35 = vector.shape_cast %swap3A_34 : vector<1x1x16xi32> to vector<16xi32>
    %swap3A_36 = vector.shape_cast %add3A_29 : vector<16xi32> to vector<1x1x16xi32>
    tpu.vector_store %arg7[%swap3A_31, %swap3A_32, %swap3A_33], %swap3A_36 {strides = array<i32>} : memref<3x3x128xi32, #tpu.memory_space<vmem>>, vector<1x1x16xi32>,
    %get3A_37 = arith.constant 0 : i32
    %get3A_38 = arith.constant 2 : i32
    %get3A_39 = arith.index_cast %get3A_37 : i32 to index
    %get3A_40 = arith.index_cast %get3A_38 : i32 to index
    %get3A_41 = arith.constant 16 : index
    %get3A_42 = tpu.vector_load %arg7[%get3A_39, %get3A_40, %get3A_41] {strides = array<i32>} : memref<3x3x128xi32, #tpu.memory_space<vmem>>, vector<1x1x16xi32>,
    %get3A_43 = vector.shape_cast %get3A_42 : vector<1x1x16xi32> to vector<16xi32>
    %add3A_44 = vector.broadcast %mul3A_10 : i32 to vector<16xi32>
    %add3A_45 = arith.addi %get3A_43, %add3A_44 : vector<16xi32>
    %mul3A_46 = arith.constant 10112 : i32
    %mul3A_47 = vector.broadcast %mul3A_46 : i32 to vector<16xi32>
    %mul3A_48 = arith.muli %add3A_45, %mul3A_47 : vector<16xi32>
    %get3A_49 = arith.constant 0 : i32
    %get3A_50 = arith.constant 0 : i32
    %get3A_51 = arith.index_cast %get3A_49 : i32 to index
    %get3A_52 = arith.index_cast %get3A_50 : i32 to index
    %get3A_53 = arith.constant 16 : index
    %get3A_54 = tpu.vector_load %arg7[%get3A_51, %get3A_52, %get3A_53] {strides = array<i32>} : memref<3x3x128xi32, #tpu.memory_space<vmem>>, vector<1x1x16xi32>,
    %get3A_55 = vector.shape_cast %get3A_54 : vector<1x1x16xi32> to vector<16xi32>
    %add3A_56 = arith.addi %get3A_55, %mul3A_48 : vector<16xi32>
    %swap3A_57 = arith.constant 0 : i32
    %swap3A_58 = arith.constant 0 : i32
    %swap3A_59 = arith.index_cast %swap3A_57 : i32 to index
    %swap3A_60 = arith.index_cast %swap3A_58 : i32 to index
    %swap3A_61 = arith.constant 16 : index
    %swap3A_62 = tpu.vector_load %arg7[%swap3A_59, %swap3A_60, %swap3A_61] {strides = array<i32>} : memref<3x3x128xi32, #tpu.memory_space<vmem>>, vector<1x1x16xi32>,
    %swap3A_63 = vector.shape_cast %swap3A_62 : vector<1x1x16xi32> to vector<16xi32>
    %swap3A_64 = vector.shape_cast %add3A_56 : vector<16xi32> to vector<1x1x16xi32>
    tpu.vector_store %arg7[%swap3A_59, %swap3A_60, %swap3A_61], %swap3A_64 {strides = array<i32>} : memref<3x3x128xi32, #tpu.memory_space<vmem>>, vector<1x1x16xi32>,
    %get3A_65 = arith.constant 0 : i32
    %get3A_66 = arith.constant 2 : i32
    %get3A_67 = arith.index_cast %get3A_65 : i32 to index
    %get3A_68 = arith.index_cast %get3A_66 : i32 to index
    %get3A_69 = arith.constant 32 : index
    %get3A_70 = tpu.vector_load %arg7[%get3A_67, %get3A_68, %get3A_69] {strides = array<i32>} : memref<3x3x128xi32, #tpu.memory_space<vmem>>, vector<1x1x16xi32>,
    %get3A_71 = vector.shape_cast %get3A_70 : vector<1x1x16xi32> to vector<16xi32>
    %add3A_72 = vector.broadcast %mul3A_10 : i32 to vector<16xi32>
    %add3A_73 = arith.addi %get3A_71, %add3A_72 : vector<16xi32>
    %mul3A_74 = arith.constant 10112 : i32
    %mul3A_75 = vector.broadcast %mul3A_74 : i32 to vector<16xi32>
    %mul3A_76 = arith.muli %add3A_73, %mul3A_75 : vector<16xi32>
    %get3A_77 = arith.constant 0 : i32
    %get3A_78 = arith.constant 0 : i32
    %get3A_79 = arith.index_cast %get3A_77 : i32 to index
    %get3A_80 = arith.index_cast %get3A_78 : i32 to index
    %get3A_81 = arith.constant 32 : index
    %get3A_82 = tpu.vector_load %arg7[%get3A_79, %get3A_80, %get3A_81] {strides = array<i32>} : memref<3x3x128xi32, #tpu.memory_space<vmem>>, vector<1x1x16xi32>,
    %get3A_83 = vector.shape_cast %get3A_82 : vector<1x1x16xi32> to vector<16xi32>
    %add3A_84 = arith.addi %get3A_83, %mul3A_76 : vector<16xi32>
    %swap3A_85 = arith.constant 0 : i32
    %swap3A_86 = arith.constant 0 : i32
    %swap3A_87 = arith.index_cast %swap3A_85 : i32 to index
    %swap3A_88 = arith.index_cast %swap3A_86 : i32 to index
    %swap3A_89 = arith.constant 32 : index
    %swap3A_90 = tpu.vector_load %arg7[%swap3A_87, %swap3A_88, %swap3A_89] {strides = array<i32>} : memref<3x3x128xi32, #tpu.memory_space<vmem>>, vector<1x1x16xi32>,
    %swap3A_91 = vector.shape_cast %swap3A_90 : vector<1x1x16xi32> to vector<16xi32>
    %swap3A_92 = vector.shape_cast %add3A_84 : vector<16xi32> to vector<1x1x16xi32>
    tpu.vector_store %arg7[%swap3A_87, %swap3A_88, %swap3A_89], %swap3A_92 {strides = array<i32>} : memref<3x3x128xi32, #tpu.memory_space<vmem>>, vector<1x1x16xi32>,
    %get3A_93 = arith.constant 0 : i32
    %get3A_94 = arith.constant 2 : i32
    %get3A_95 = arith.index_cast %get3A_93 : i32 to index
    %get3A_96 = arith.index_cast %get3A_94 : i32 to index
    %get3A_97 = arith.constant 48 : index
    %get3A_98 = tpu.vector_load %arg7[%get3A_95, %get3A_96, %get3A_97] {strides = array<i32>} : memref<3x3x128xi32, #tpu.memory_space<vmem>>, vector<1x1x16xi32>,
    %get3A_99 = vector.shape_cast %get3A_98 : vector<1x1x16xi32> to vector<16xi32>
    %add3A_100 = vector.broadcast %mul3A_10 : i32 to vector<16xi32>
    %add3A_101 = arith.addi %get3A_99, %add3A_100 : vector<16xi32>
    %mul3A_102 = arith.constant 10112 : i32
    %mul3A_103 = vector.broadcast %mul3A_102 : i32 to vector<16xi32>
    %mul3A_104 = arith.muli %add3A_101, %mul3A_103 : vector<16xi32>
    %get3A_105 = arith.constant 0 : i32
    %get3A_106 = arith.constant 0 : i32
    %get3A_107 = arith.index_cast %get3A_105 : i32 to index
    %get3A_108 = arith.index_cast %get3A_106 : i32 to index
    %get3A_109 = arith.constant 48 : index
    %get3A_110 = tpu.vector_load %arg7[%get3A_107, %get3A_108, %get3A_109] {strides = array<i32>} : memref<3x3x128xi32, #tpu.memory_space<vmem>>, vector<1x1x16xi32>,
    %get3A_111 = vector.shape_cast %get3A_110 : vector<1x1x16xi32> to vector<16xi32>
    %add3A_112 = arith.addi %get3A_111, %mul3A_104 : vector<16xi32>
    %swap3A_113 = arith.constant 0 : i32
    %swap3A_114 = arith.constant 0 : i32
    %swap3A_115 = arith.index_cast %swap3A_113 : i32 to index
    %swap3A_116 = arith.index_cast %swap3A_114 : i32 to index
    %swap3A_117 = arith.constant 48 : index
    %swap3A_118 = tpu.vector_load %arg7[%swap3A_115, %swap3A_116, %swap3A_117] {strides = array<i32>} : memref<3x3x128xi32, #tpu.memory_space<vmem>>, vector<1x1x16xi32>,
    %swap3A_119 = vector.shape_cast %swap3A_118 : vector<1x1x16xi32> to vector<16xi32>
    %swap3A_120 = vector.shape_cast %add3A_112 : vector<16xi32> to vector<1x1x16xi32>
    tpu.vector_store %arg7[%swap3A_115, %swap3A_116, %swap3A_117], %swap3A_120 {strides = array<i32>} : memref<3x3x128xi32, #tpu.memory_space<vmem>>, vector<1x1x16xi32>,
    %get3A_121 = arith.constant 0 : i32
    %get3A_122 = arith.constant 2 : i32
    %get3A_123 = arith.index_cast %get3A_121 : i32 to index
    %get3A_124 = arith.index_cast %get3A_122 : i32 to index
    %get3A_125 = arith.constant 64 : index
    %get3A_126 = tpu.vector_load %arg7[%get3A_123, %get3A_124, %get3A_125] {strides = array<i32>} : memref<3x3x128xi32, #tpu.memory_space<vmem>>, vector<1x1x16xi32>,
    %get3A_127 = vector.shape_cast %get3A_126 : vector<1x1x16xi32> to vector<16xi32>
    %add3A_128 = vector.broadcast %mul3A_10 : i32 to vector<16xi32>
    %add3A_129 = arith.addi %get3A_127, %add3A_128 : vector<16xi32>
    %mul3A_130 = arith.constant 10112 : i32
    %mul3A_131 = vector.broadcast %mul3A_130 : i32 to vector<16xi32>
    %mul3A_132 = arith.muli %add3A_129, %mul3A_131 : vector<16xi32>
    %get3A_133 = arith.constant 0 : i32
    %get3A_134 = arith.constant 0 : i32
    %get3A_135 = arith.index_cast %get3A_133 : i32 to index
    %get3A_136 = arith.index_cast %get3A_134 : i32 to index
    %get3A_137 = arith.constant 64 : index
    %get3A_138 = tpu.vector_load %arg7[%get3A_135, %get3A_136, %get3A_137] {strides = array<i32>} : memref<3x3x128xi32, #tpu.memory_space<vmem>>, vector<1x1x16xi32>,
    %get3A_139 = vector.shape_cast %get3A_138 : vector<1x1x16xi32> to vector<16xi32>
    %add3A_140 = arith.addi %get3A_139, %mul3A_132 : vector<16xi32>
    %swap3A_141 = arith.constant 0 : i32
    %swap3A_142 = arith.constant 0 : i32
    %swap3A_143 = arith.index_cast %swap3A_141 : i32 to index
    %swap3A_144 = arith.index_cast %swap3A_142 : i32 to index
    %swap3A_145 = arith.constant 64 : index
    %swap3A_146 = tpu.vector_load %arg7[%swap3A_143, %swap3A_144, %swap3A_145] {strides = array<i32>} : memref<3x3x128xi32, #tpu.memory_space<vmem>>, vector<1x1x16xi32>,
    %swap3A_147 = vector.shape_cast %swap3A_146 : vector<1x1x16xi32> to vector<16xi32>
    %swap3A_148 = vector.shape_cast %add3A_140 : vector<16xi32> to vector<1x1x16xi32>
    tpu.vector_store %arg7[%swap3A_143, %swap3A_144, %swap3A_145], %swap3A_148 {strides = array<i32>} : memref<3x3x128xi32, #tpu.memory_space<vmem>>, vector<1x1x16xi32>,
    %get3A_149 = arith.constant 0 : i32
    %get3A_150 = arith.constant 2 : i32
    %get3A_151 = arith.index_cast %get3A_149 : i32 to index
    %get3A_152 = arith.index_cast %get3A_150 : i32 to index
    %get3A_153 = arith.constant 80 : index
    %get3A_154 = tpu.vector_load %arg7[%get3A_151, %get3A_152, %get3A_153] {strides = array<i32>} : memref<3x3x128xi32, #tpu.memory_space<vmem>>, vector<1x1x16xi32>,
    %get3A_155 = vector.shape_cast %get3A_154 : vector<1x1x16xi32> to vector<16xi32>
    %add3A_156 = vector.broadcast %mul3A_10 : i32 to vector<16xi32>
    %add3A_157 = arith.addi %get3A_155, %add3A_156 : vector<16xi32>
    %mul3A_158 = arith.constant 10112 : i32
    %mul3A_159 = vector.broadcast %mul3A_158 : i32 to vector<16xi32>
    %mul3A_160 = arith.muli %add3A_157, %mul3A_159 : vector<16xi32>
    %get3A_161 = arith.constant 0 : i32
    %get3A_162 = arith.constant 0 : i32
    %get3A_163 = arith.index_cast %get3A_161 : i32 to index
    %get3A_164 = arith.index_cast %get3A_162 : i32 to index
    %get3A_165 = arith.constant 80 : index
    %get3A_166 = tpu.vector_load %arg7[%get3A_163, %get3A_164, %get3A_165] {strides = array<i32>} : memref<3x3x128xi32, #tpu.memory_space<vmem>>, vector<1x1x16xi32>,
    %get3A_167 = vector.shape_cast %get3A_166 : vector<1x1x16xi32> to vector<16xi32>
    %add3A_168 = arith.addi %get3A_167, %mul3A_160 : vector<16xi32>
    %swap3A_169 = arith.constant 0 : i32
    %swap3A_170 = arith.constant 0 : i32
    %swap3A_171 = arith.index_cast %swap3A_169 : i32 to index
    %swap3A_172 = arith.index_cast %swap3A_170 : i32 to index
    %swap3A_173 = arith.constant 80 : index
    %swap3A_174 = tpu.vector_load %arg7[%swap3A_171, %swap3A_172, %swap3A_173] {strides = array<i32>} : memref<3x3x128xi32, #tpu.memory_space<vmem>>, vector<1x1x16xi32>,
    %swap3A_175 = vector.shape_cast %swap3A_174 : vector<1x1x16xi32> to vector<16xi32>
    %swap3A_176 = vector.shape_cast %add3A_168 : vector<16xi32> to vector<1x1x16xi32>
    tpu.vector_store %arg7[%swap3A_171, %swap3A_172, %swap3A_173], %swap3A_176 {strides = array<i32>} : memref<3x3x128xi32, #tpu.memory_space<vmem>>, vector<1x1x16xi32>,
    %get3A_177 = arith.constant 0 : i32
    %get3A_178 = arith.constant 2 : i32
    %get3A_179 = arith.index_cast %get3A_177 : i32 to index
    %get3A_180 = arith.index_cast %get3A_178 : i32 to index
    %get3A_181 = arith.constant 96 : index
    %get3A_182 = tpu.vector_load %arg7[%get3A_179, %get3A_180, %get3A_181] {strides = array<i32>} : memref<3x3x128xi32, #tpu.memory_space<vmem>>, vector<1x1x16xi32>,
    %get3A_183 = vector.shape_cast %get3A_182 : vector<1x1x16xi32> to vector<16xi32>
    %add3A_184 = vector.broadcast %mul3A_10 : i32 to vector<16xi32>
    %add3A_185 = arith.addi %get3A_183, %add3A_184 : vector<16xi32>
    %mul3A_186 = arith.constant 10112 : i32
    %mul3A_187 = vector.broadcast %mul3A_186 : i32 to vector<16xi32>
    %mul3A_188 = arith.muli %add3A_185, %mul3A_187 : vector<16xi32>
    %get3A_189 = arith.constant 0 : i32
    %get3A_190 = arith.constant 0 : i32
    %get3A_191 = arith.index_cast %get3A_189 : i32 to index
    %get3A_192 = arith.index_cast %get3A_190 : i32 to index
    %get3A_193 = arith.constant 96 : index
    %get3A_194 = tpu.vector_load %arg7[%get3A_191, %get3A_192, %get3A_193] {strides = array<i32>} : memref<3x3x128xi32, #tpu.memory_space<vmem>>, vector<1x1x16xi32>,
    %get3A_195 = vector.shape_cast %get3A_194 : vector<1x1x16xi32> to vector<16xi32>
    %add3A_196 = arith.addi %get3A_195, %mul3A_188 : vector<16xi32>
    %swap3A_197 = arith.constant 0 : i32
    %swap3A_198 = arith.constant 0 : i32
    %swap3A_199 = arith.index_cast %swap3A_197 : i32 to index
    %swap3A_200 = arith.index_cast %swap3A_198 : i32 to index
    %swap3A_201 = arith.constant 96 : index
    %swap3A_202 = tpu.vector_load %arg7[%swap3A_199, %swap3A_200, %swap3A_201] {strides = array<i32>} : memref<3x3x128xi32, #tpu.memory_space<vmem>>, vector<1x1x16xi32>,
    %swap3A_203 = vector.shape_cast %swap3A_202 : vector<1x1x16xi32> to vector<16xi32>
    %swap3A_204 = vector.shape_cast %add3A_196 : vector<16xi32> to vector<1x1x16xi32>
    tpu.vector_store %arg7[%swap3A_199, %swap3A_200, %swap3A_201], %swap3A_204 {strides = array<i32>} : memref<3x3x128xi32, #tpu.memory_space<vmem>>, vector<1x1x16xi32>,
    %get3A_205 = arith.constant 0 : i32
    %get3A_206 = arith.constant 2 : i32
    %get3A_207 = arith.index_cast %get3A_205 : i32 to index
    %get3A_208 = arith.index_cast %get3A_206 : i32 to index
    %get3A_209 = arith.constant 112 : index
    %get3A_210 = tpu.vector_load %arg7[%get3A_207, %get3A_208, %get3A_209] {strides = array<i32>} : memref<3x3x128xi32, #tpu.memory_space<vmem>>, vector<1x1x16xi32>,
    %get3A_211 = vector.shape_cast %get3A_210 : vector<1x1x16xi32> to vector<16xi32>
    %add3A_212 = vector.broadcast %mul3A_10 : i32 to vector<16xi32>
    %add3A_213 = arith.addi %get3A_211, %add3A_212 : vector<16xi32>
    %mul3A_214 = arith.constant 10112 : i32
    %mul3A_215 = vector.broadcast %mul3A_214 : i32 to vector<16xi32>
    %mul3A_216 = arith.muli %add3A_213, %mul3A_215 : vector<16xi32>
    %get3A_217 = arith.constant 0 : i32
    %get3A_218 = arith.constant 0 : i32
    %get3A_219 = arith.index_cast %get3A_217 : i32 to index
    %get3A_220 = arith.index_cast %get3A_218 : i32 to index
    %get3A_221 = arith.constant 112 : index
    %get3A_222 = tpu.vector_load %arg7[%get3A_219, %get3A_220, %get3A_221] {strides = array<i32>} : memref<3x3x128xi32, #tpu.memory_space<vmem>>, vector<1x1x16xi32>,
    %get3A_223 = vector.shape_cast %get3A_222 : vector<1x1x16xi32> to vector<16xi32>
    %add3A_224 = arith.addi %get3A_223, %mul3A_216 : vector<16xi32>
    %swap3A_225 = arith.constant 0 : i32
    %swap3A_226 = arith.constant 0 : i32
    %swap3A_227 = arith.index_cast %swap3A_225 : i32 to index
    %swap3A_228 = arith.index_cast %swap3A_226 : i32 to index
    %swap3A_229 = arith.constant 112 : index
    %swap3A_230 = tpu.vector_load %arg7[%swap3A_227, %swap3A_228, %swap3A_229] {strides = array<i32>} : memref<3x3x128xi32, #tpu.memory_space<vmem>>, vector<1x1x16xi32>,
    %swap3A_231 = vector.shape_cast %swap3A_230 : vector<1x1x16xi32> to vector<16xi32>
    %swap3A_232 = vector.shape_cast %add3A_224 : vector<16xi32> to vector<1x1x16xi32>
    tpu.vector_store %arg7[%swap3A_227, %swap3A_228, %swap3A_229], %swap3A_232 {strides = array<i32>} : memref<3x3x128xi32, #tpu.memory_space<vmem>>, vector<1x1x16xi32>,
    %dma_start3A = arith.constant 0 : i32
    %dma_start3A_233 = arith.constant 0 : i32
    %dma_start3A_234 = arith.constant 0 : i32
    %dma_start3A_235 = arith.constant 0 : i32
    %dma_start3A_236 = arith.constant 0 : i32
    %dma_start3A_237 = tpu.memref_slice %arg8[%dma_start3A_234, %dma_start3A_235, %dma_start3A_236] : memref<2x128x128xf32, #tpu.memory_space<vmem>> -> memref<1x128x128xf32, #tpu.memory_space<vmem>>
    %dma_start3A_238 = tpu.memref_squeeze %dma_start3A_237 : memref<1x128x128xf32, #tpu.memory_space<vmem>> -> memref<128x128xf32, #tpu.memory_space<vmem>>
    %dma_start3A_239 = arith.constant 0 : i32
    %dma_start3A_240 = tpu.memref_slice %arg7[%dma_start3A, %dma_start3A_233, %dma_start3A_239] : memref<3x3x128xi32, #tpu.memory_space<vmem>> -> memref<1x1x128xi32, #tpu.memory_space<vmem>>
    %dma_start3A_241 = tpu.memref_squeeze %dma_start3A_240 : memref<1x1x128xi32, #tpu.memory_space<vmem>> -> memref<128xi32, #tpu.memory_space<vmem>>
    %dma_start3A_242 = arith.constant 0 : i32
    %dma_start3A_243 = arith.constant 0 : i32
    %dma_start3A_244 = tpu.memref_slice %arg3[%dma_start3A_242, %dma_start3A_243] : memref<647168x128xf32, #tpu.memory_space<hbm>> -> memref<647168x128xf32, #tpu.memory_space<hbm>>
    tpu.enqueue_indirect_dma source(%dma_start3A_244 : memref<647168x128xf32, #tpu.memory_space<hbm>>) target(%dma_start3A_238 : memref<128x128xf32, #tpu.memory_space<vmem>>) offsets(%dma_start3A_241 : memref<128xi32, #tpu.memory_space<vmem>>) semaphore(%arg10 : memref<!tpu.dma_semaphore, #tpu.memory_space<semaphore_mem>>)
    %add3A_245 = arith.constant 1 : i32
    %add3A_246 = arith.addi %mul3A_6, %add3A_245 : i32
    %dma_start3A_247 = arith.constant 1 : i32
    %dma_start3A_248 = arith.constant 0 : i32
    %dma_start3A_249 = arith.constant 0 : i32
    %dma_start3A_250 = tpu.memref_slice %arg7[%dma_start3A_247, %dma_start3A_248, %dma_start3A_249] : memref<3x3x128xi32, #tpu.memory_space<vmem>> -> memref<1x3x128xi32, #tpu.memory_space<vmem>>
    %dma_start3A_251 = tpu.memref_squeeze %dma_start3A_250 : memref<1x3x128xi32, #tpu.memory_space<vmem>> -> memref<3x128xi32, #tpu.memory_space<vmem>>
    %dma_start3A_252 = arith.constant 0 : i32
    %dma_start3A_253 = arith.constant 0 : i32
    %dma_start3A_254 = tpu.memref_slice %arg2[%add3A_246, %dma_start3A_252, %dma_start3A_253] : memref<2512x3x128xi32, #tpu.memory_space<hbm>> -> memref<1x3x128xi32, #tpu.memory_space<hbm>>
    %dma_start3A_255 = tpu.memref_squeeze %dma_start3A_254 : memref<1x3x128xi32, #tpu.memory_space<hbm>> -> memref<3x128xi32, #tpu.memory_space<hbm>>
    %dma_start3A_256 = arith.constant 0 : i32
    %dma_start3A_257 = arith.constant 0 : i32
    %dma_start3A_258 = tpu.memref_slice %arg7[%dma_start3A_247, %dma_start3A_256, %dma_start3A_257] : memref<3x3x128xi32, #tpu.memory_space<vmem>> -> memref<1x3x128xi32, #tpu.memory_space<vmem>>
    %dma_start3A_259 = tpu.memref_squeeze %dma_start3A_258 : memref<1x3x128xi32, #tpu.memory_space<vmem>> -> memref<3x128xi32, #tpu.memory_space<vmem>>
    %dma_start3A_260 = arith.constant 0 : i32
    %dma_start3A_261 = arith.constant 0 : i32
    %dma_start3A_262 = tpu.memref_slice %arg2[%add3A_246, %dma_start3A_260, %dma_start3A_261] : memref<2512x3x128xi32, #tpu.memory_space<hbm>> -> memref<1x3x128xi32, #tpu.memory_space<hbm>>
    %dma_start3A_263 = tpu.memref_squeeze %dma_start3A_262 : memref<1x3x128xi32, #tpu.memory_space<hbm>> -> memref<3x128xi32, #tpu.memory_space<hbm>>
    tpu.enqueue_dma source(%dma_start3A_263 : memref<3x128xi32, #tpu.memory_space<hbm>>) target(%dma_start3A_259 : memref<3x128xi32, #tpu.memory_space<vmem>>) target_semaphore(%arg9 : memref<!tpu.dma_semaphore, #tpu.memory_space<semaphore_mem>>)
    %scan3A = arith.constant 0 : i32
    %scan3A_264 = arith.constant 0 : i32
    %scan3A_265 = arith.constant 157 : i32
    %scan3A_266 = arith.addi %scan3A_264, %scan3A_265 : i32
    %scan3A_267 = arith.constant 1 : i32
    scf.for %scan3A_289 = %scan3A_264 to %scan3A_266 step %scan3A_267  : i32 {
      %rem3A = arith.constant 2 : i32
      %rem3A_290 = arith.remsi %scan3A_289, %rem3A : i32
      %add3A_291 = arith.constant 1 : i32
      %add3A_292 = arith.addi %scan3A_289, %add3A_291 : i32
      %rem3A_293 = arith.constant 2 : i32
      %rem3A_294 = arith.remsi %add3A_292, %rem3A_293 : i32
      %rem3A_295 = arith.constant 3 : i32
      %rem3A_296 = arith.remsi %scan3A_289, %rem3A_295 : i32
      %add3A_297 = arith.constant 1 : i32
      %add3A_298 = arith.addi %scan3A_289, %add3A_297 : i32
      %rem3A_299 = arith.constant 3 : i32
      %rem3A_300 = arith.remsi %add3A_298, %rem3A_299 : i32
      %add3A_301 = arith.constant 2 : i32
      %add3A_302 = arith.addi %scan3A_289, %add3A_301 : i32
      %rem3A_303 = arith.constant 3 : i32
      %rem3A_304 = arith.remsi %add3A_302, %rem3A_303 : i32
      %ge3A = arith.constant 1 : i32
      %ge3A_305 = arith.cmpi sge, %scan3A_289, %ge3A : i32
      %convert_element_type3A = arith.extui %ge3A_305 : i1 to i32
      %cond3A = arith.constant 0 : i32
      %cond3A_306 = arith.cmpi ne, %convert_element_type3A, %cond3A : i32
      scf.if %cond3A_306 {
        %dma_wait3A_342 = arith.constant 1 : i32
        %dma_wait3A_343 = arith.constant 0 : i32
        %dma_wait3A_344 = arith.constant 0 : i32
        %dma_wait3A_345 = tpu.memref_slice %arg8[%rem3A_294, %dma_wait3A_343, %dma_wait3A_344] : memref<2x128x128xf32, #tpu.memory_space<vmem>> -> memref<1x128x128xf32, #tpu.memory_space<vmem>>
        %dma_wait3A_346 = tpu.memref_squeeze %dma_wait3A_345 : memref<1x128x128xf32, #tpu.memory_space<vmem>> -> memref<128x128xf32, #tpu.memory_space<vmem>>
        %dma_wait3A_347 = arith.constant 0 : i32
        %dma_wait3A_348 = tpu.memref_slice %arg7[%rem3A_304, %dma_wait3A_342, %dma_wait3A_347] : memref<3x3x128xi32, #tpu.memory_space<vmem>> -> memref<1x1x128xi32, #tpu.memory_space<vmem>>
        %dma_wait3A_349 = tpu.memref_squeeze %dma_wait3A_348 : memref<1x1x128xi32, #tpu.memory_space<vmem>> -> memref<128xi32, #tpu.memory_space<vmem>>
        %dma_wait3A_350 = arith.constant 0 : i32
        %dma_wait3A_351 = arith.constant 0 : i32
        %dma_wait3A_352 = tpu.memref_slice %arg6[%dma_wait3A_350, %dma_wait3A_351] : memref<10112x128xf32, #tpu.memory_space<vmem_shared>> -> memref<10112x128xf32, #tpu.memory_space<vmem_shared>>
        tpu.wait_indirect_dma semaphore(%arg11 : memref<!tpu.dma_semaphore, #tpu.memory_space<semaphore_mem>>) src(%dma_wait3A_346 : memref<128x128xf32, #tpu.memory_space<vmem>>) dst(%dma_wait3A_352 : memref<10112x128xf32, #tpu.memory_space<vmem_shared>>)
      } else {
      }
      %dma_wait3A_307 = arith.constant 0 : i32
      %dma_wait3A_308 = arith.constant 0 : i32
      %dma_wait3A_309 = arith.constant 0 : i32
      %dma_wait3A_310 = tpu.memref_slice %arg8[%rem3A_290, %dma_wait3A_308, %dma_wait3A_309] : memref<2x128x128xf32, #tpu.memory_space<vmem>> -> memref<1x128x128xf32, #tpu.memory_space<vmem>>
      %dma_wait3A_311 = tpu.memref_squeeze %dma_wait3A_310 : memref<1x128x128xf32, #tpu.memory_space<vmem>> -> memref<128x128xf32, #tpu.memory_space<vmem>>
      %dma_wait3A_312 = arith.constant 0 : i32
      %dma_wait3A_313 = tpu.memref_slice %arg7[%rem3A_296, %dma_wait3A_307, %dma_wait3A_312] : memref<3x3x128xi32, #tpu.memory_space<vmem>> -> memref<1x1x128xi32, #tpu.memory_space<vmem>>
      %dma_wait3A_314 = tpu.memref_squeeze %dma_wait3A_313 : memref<1x1x128xi32, #tpu.memory_space<vmem>> -> memref<128xi32, #tpu.memory_space<vmem>>
      %dma_wait3A_315 = arith.constant 0 : i32
      %dma_wait3A_316 = arith.constant 0 : i32
      %dma_wait3A_317 = tpu.memref_slice %arg3[%dma_wait3A_315, %dma_wait3A_316] : memref<647168x128xf32, #tpu.memory_space<hbm>> -> memref<647168x128xf32, #tpu.memory_space<hbm>>
      tpu.wait_indirect_dma semaphore(%arg10 : memref<!tpu.dma_semaphore, #tpu.memory_space<semaphore_mem>>) src(%dma_wait3A_317 : memref<647168x128xf32, #tpu.memory_space<hbm>>) dst(%dma_wait3A_311 : memref<128x128xf32, #tpu.memory_space<vmem>>)
      %add3A_318 = arith.constant 1 : i32
      %add3A_319 = arith.addi %scan3A_289, %add3A_318 : i32
      %lt3A = arith.constant 157 : i32
      %lt3A_320 = arith.cmpi slt, %add3A_319, %lt3A : i32
      %convert_element_type3A_321 = arith.extui %lt3A_320 : i1 to i32
      %cond3A_322 = arith.constant 0 : i32
      %cond3A_323 = arith.cmpi ne, %convert_element_type3A_321, %cond3A_322 : i32
      scf.if %cond3A_323 {
        %add3A_342 = arith.addi %mul3A_6, %scan3A_289 : i32
        %add3A_343 = arith.constant 1 : i32
        %add3A_344 = arith.addi %add3A_342, %add3A_343 : i32
        %dma_wait3A_345 = arith.constant 0 : i32
        %dma_wait3A_346 = arith.constant 0 : i32
        %dma_wait3A_347 = tpu.memref_slice %arg7[%rem3A_300, %dma_wait3A_345, %dma_wait3A_346] : memref<3x3x128xi32, #tpu.memory_space<vmem>> -> memref<1x3x128xi32, #tpu.memory_space<vmem>>
        %dma_wait3A_348 = tpu.memref_squeeze %dma_wait3A_347 : memref<1x3x128xi32, #tpu.memory_space<vmem>> -> memref<3x128xi32, #tpu.memory_space<vmem>>
        %dma_wait3A_349 = arith.constant 0 : i32
        %dma_wait3A_350 = arith.constant 0 : i32
        %dma_wait3A_351 = tpu.memref_slice %arg2[%add3A_344, %dma_wait3A_349, %dma_wait3A_350] : memref<2512x3x128xi32, #tpu.memory_space<hbm>> -> memref<1x3x128xi32, #tpu.memory_space<hbm>>
        %dma_wait3A_352 = tpu.memref_squeeze %dma_wait3A_351 : memref<1x3x128xi32, #tpu.memory_space<hbm>> -> memref<3x128xi32, #tpu.memory_space<hbm>>
        %dma_wait3A_353 = arith.constant 0 : i32
        %dma_wait3A_354 = arith.constant 0 : i32
        %dma_wait3A_355 = tpu.memref_slice %arg7[%rem3A_300, %dma_wait3A_353, %dma_wait3A_354] : memref<3x3x128xi32, #tpu.memory_space<vmem>> -> memref<1x3x128xi32, #tpu.memory_space<vmem>>
        %dma_wait3A_356 = tpu.memref_squeeze %dma_wait3A_355 : memref<1x3x128xi32, #tpu.memory_space<vmem>> -> memref<3x128xi32, #tpu.memory_space<vmem>>
        %dma_wait3A_357 = arith.constant 0 : i32
        %dma_wait3A_358 = arith.constant 0 : i32
        %dma_wait3A_359 = tpu.memref_slice %arg2[%add3A_344, %dma_wait3A_357, %dma_wait3A_358] : memref<2512x3x128xi32, #tpu.memory_space<hbm>> -> memref<1x3x128xi32, #tpu.memory_space<hbm>>
        %dma_wait3A_360 = tpu.memref_squeeze %dma_wait3A_359 : memref<1x3x128xi32, #tpu.memory_space<hbm>> -> memref<3x128xi32, #tpu.memory_space<hbm>>
        tpu.wait_dma2 semaphore(%arg9 : memref<!tpu.dma_semaphore, #tpu.memory_space<semaphore_mem>>) src(%dma_wait3A_360 : memref<3x128xi32, #tpu.memory_space<hbm>>) dst(%dma_wait3A_356 : memref<3x128xi32, #tpu.memory_space<vmem>>)
        %get3A_361 = arith.constant 2 : i32
        %get3A_362 = arith.index_cast %rem3A_300 : i32 to index
        %get3A_363 = arith.index_cast %get3A_361 : i32 to index
        %get3A_364 = arith.constant 0 : index
        %get3A_365 = tpu.vector_load %arg7[%get3A_362, %get3A_363, %get3A_364] {strides = array<i32>} : memref<3x3x128xi32, #tpu.memory_space<vmem>>, vector<1x1x16xi32>,
        %get3A_366 = vector.shape_cast %get3A_365 : vector<1x1x16xi32> to vector<16xi32>
        %add3A_367 = vector.broadcast %mul3A_10 : i32 to vector<16xi32>
        %add3A_368 = arith.addi %get3A_366, %add3A_367 : vector<16xi32>
        %mul3A_369 = arith.constant 10112 : i32
        %mul3A_370 = vector.broadcast %mul3A_369 : i32 to vector<16xi32>
        %mul3A_371 = arith.muli %add3A_368, %mul3A_370 : vector<16xi32>
        %get3A_372 = arith.constant 0 : i32
        %get3A_373 = arith.index_cast %rem3A_300 : i32 to index
        %get3A_374 = arith.index_cast %get3A_372 : i32 to index
        %get3A_375 = arith.constant 0 : index
        %get3A_376 = tpu.vector_load %arg7[%get3A_373, %get3A_374, %get3A_375] {strides = array<i32>} : memref<3x3x128xi32, #tpu.memory_space<vmem>>, vector<1x1x16xi32>,
        %get3A_377 = vector.shape_cast %get3A_376 : vector<1x1x16xi32> to vector<16xi32>
        %add3A_378 = arith.addi %get3A_377, %mul3A_371 : vector<16xi32>
        %swap3A_379 = arith.constant 0 : i32
        %swap3A_380 = arith.index_cast %rem3A_300 : i32 to index
        %swap3A_381 = arith.index_cast %swap3A_379 : i32 to index
        %swap3A_382 = arith.constant 0 : index
        %swap3A_383 = tpu.vector_load %arg7[%swap3A_380, %swap3A_381, %swap3A_382] {strides = array<i32>} : memref<3x3x128xi32, #tpu.memory_space<vmem>>, vector<1x1x16xi32>,
        %swap3A_384 = vector.shape_cast %swap3A_383 : vector<1x1x16xi32> to vector<16xi32>
        %swap3A_385 = vector.shape_cast %add3A_378 : vector<16xi32> to vector<1x1x16xi32>
        tpu.vector_store %arg7[%swap3A_380, %swap3A_381, %swap3A_382], %swap3A_385 {strides = array<i32>} : memref<3x3x128xi32, #tpu.memory_space<vmem>>, vector<1x1x16xi32>,
        %get3A_386 = arith.constant 2 : i32
        %get3A_387 = arith.index_cast %rem3A_300 : i32 to index
        %get3A_388 = arith.index_cast %get3A_386 : i32 to index
        %get3A_389 = arith.constant 16 : index
        %get3A_390 = tpu.vector_load %arg7[%get3A_387, %get3A_388, %get3A_389] {strides = array<i32>} : memref<3x3x128xi32, #tpu.memory_space<vmem>>, vector<1x1x16xi32>,
        %get3A_391 = vector.shape_cast %get3A_390 : vector<1x1x16xi32> to vector<16xi32>
        %add3A_392 = vector.broadcast %mul3A_10 : i32 to vector<16xi32>
        %add3A_393 = arith.addi %get3A_391, %add3A_392 : vector<16xi32>
        %mul3A_394 = arith.constant 10112 : i32
        %mul3A_395 = vector.broadcast %mul3A_394 : i32 to vector<16xi32>
        %mul3A_396 = arith.muli %add3A_393, %mul3A_395 : vector<16xi32>
        %get3A_397 = arith.constant 0 : i32
        %get3A_398 = arith.index_cast %rem3A_300 : i32 to index
        %get3A_399 = arith.index_cast %get3A_397 : i32 to index
        %get3A_400 = arith.constant 16 : index
        %get3A_401 = tpu.vector_load %arg7[%get3A_398, %get3A_399, %get3A_400] {strides = array<i32>} : memref<3x3x128xi32, #tpu.memory_space<vmem>>, vector<1x1x16xi32>,
        %get3A_402 = vector.shape_cast %get3A_401 : vector<1x1x16xi32> to vector<16xi32>
        %add3A_403 = arith.addi %get3A_402, %mul3A_396 : vector<16xi32>
        %swap3A_404 = arith.constant 0 : i32
        %swap3A_405 = arith.index_cast %rem3A_300 : i32 to index
        %swap3A_406 = arith.index_cast %swap3A_404 : i32 to index
        %swap3A_407 = arith.constant 16 : index
        %swap3A_408 = tpu.vector_load %arg7[%swap3A_405, %swap3A_406, %swap3A_407] {strides = array<i32>} : memref<3x3x128xi32, #tpu.memory_space<vmem>>, vector<1x1x16xi32>,
        %swap3A_409 = vector.shape_cast %swap3A_408 : vector<1x1x16xi32> to vector<16xi32>
        %swap3A_410 = vector.shape_cast %add3A_403 : vector<16xi32> to vector<1x1x16xi32>
        tpu.vector_store %arg7[%swap3A_405, %swap3A_406, %swap3A_407], %swap3A_410 {strides = array<i32>} : memref<3x3x128xi32, #tpu.memory_space<vmem>>, vector<1x1x16xi32>,
        %get3A_411 = arith.constant 2 : i32
        %get3A_412 = arith.index_cast %rem3A_300 : i32 to index
        %get3A_413 = arith.index_cast %get3A_411 : i32 to index
        %get3A_414 = arith.constant 32 : index
        %get3A_415 = tpu.vector_load %arg7[%get3A_412, %get3A_413, %get3A_414] {strides = array<i32>} : memref<3x3x128xi32, #tpu.memory_space<vmem>>, vector<1x1x16xi32>,
        %get3A_416 = vector.shape_cast %get3A_415 : vector<1x1x16xi32> to vector<16xi32>
        %add3A_417 = vector.broadcast %mul3A_10 : i32 to vector<16xi32>
        %add3A_418 = arith.addi %get3A_416, %add3A_417 : vector<16xi32>
        %mul3A_419 = arith.constant 10112 : i32
        %mul3A_420 = vector.broadcast %mul3A_419 : i32 to vector<16xi32>
        %mul3A_421 = arith.muli %add3A_418, %mul3A_420 : vector<16xi32>
        %get3A_422 = arith.constant 0 : i32
        %get3A_423 = arith.index_cast %rem3A_300 : i32 to index
        %get3A_424 = arith.index_cast %get3A_422 : i32 to index
        %get3A_425 = arith.constant 32 : index
        %get3A_426 = tpu.vector_load %arg7[%get3A_423, %get3A_424, %get3A_425] {strides = array<i32>} : memref<3x3x128xi32, #tpu.memory_space<vmem>>, vector<1x1x16xi32>,
        %get3A_427 = vector.shape_cast %get3A_426 : vector<1x1x16xi32> to vector<16xi32>
        %add3A_428 = arith.addi %get3A_427, %mul3A_421 : vector<16xi32>
        %swap3A_429 = arith.constant 0 : i32
        %swap3A_430 = arith.index_cast %rem3A_300 : i32 to index
        %swap3A_431 = arith.index_cast %swap3A_429 : i32 to index
        %swap3A_432 = arith.constant 32 : index
        %swap3A_433 = tpu.vector_load %arg7[%swap3A_430, %swap3A_431, %swap3A_432] {strides = array<i32>} : memref<3x3x128xi32, #tpu.memory_space<vmem>>, vector<1x1x16xi32>,
        %swap3A_434 = vector.shape_cast %swap3A_433 : vector<1x1x16xi32> to vector<16xi32>
        %swap3A_435 = vector.shape_cast %add3A_428 : vector<16xi32> to vector<1x1x16xi32>
        tpu.vector_store %arg7[%swap3A_430, %swap3A_431, %swap3A_432], %swap3A_435 {strides = array<i32>} : memref<3x3x128xi32, #tpu.memory_space<vmem>>, vector<1x1x16xi32>,
        %get3A_436 = arith.constant 2 : i32
        %get3A_437 = arith.index_cast %rem3A_300 : i32 to index
        %get3A_438 = arith.index_cast %get3A_436 : i32 to index
        %get3A_439 = arith.constant 48 : index
        %get3A_440 = tpu.vector_load %arg7[%get3A_437, %get3A_438, %get3A_439] {strides = array<i32>} : memref<3x3x128xi32, #tpu.memory_space<vmem>>, vector<1x1x16xi32>,
        %get3A_441 = vector.shape_cast %get3A_440 : vector<1x1x16xi32> to vector<16xi32>
        %add3A_442 = vector.broadcast %mul3A_10 : i32 to vector<16xi32>
        %add3A_443 = arith.addi %get3A_441, %add3A_442 : vector<16xi32>
        %mul3A_444 = arith.constant 10112 : i32
        %mul3A_445 = vector.broadcast %mul3A_444 : i32 to vector<16xi32>
        %mul3A_446 = arith.muli %add3A_443, %mul3A_445 : vector<16xi32>
        %get3A_447 = arith.constant 0 : i32
        %get3A_448 = arith.index_cast %rem3A_300 : i32 to index
        %get3A_449 = arith.index_cast %get3A_447 : i32 to index
        %get3A_450 = arith.constant 48 : index
        %get3A_451 = tpu.vector_load %arg7[%get3A_448, %get3A_449, %get3A_450] {strides = array<i32>} : memref<3x3x128xi32, #tpu.memory_space<vmem>>, vector<1x1x16xi32>,
        %get3A_452 = vector.shape_cast %get3A_451 : vector<1x1x16xi32> to vector<16xi32>
        %add3A_453 = arith.addi %get3A_452, %mul3A_446 : vector<16xi32>
        %swap3A_454 = arith.constant 0 : i32
        %swap3A_455 = arith.index_cast %rem3A_300 : i32 to index
        %swap3A_456 = arith.index_cast %swap3A_454 : i32 to index
        %swap3A_457 = arith.constant 48 : index
        %swap3A_458 = tpu.vector_load %arg7[%swap3A_455, %swap3A_456, %swap3A_457] {strides = array<i32>} : memref<3x3x128xi32, #tpu.memory_space<vmem>>, vector<1x1x16xi32>,
        %swap3A_459 = vector.shape_cast %swap3A_458 : vector<1x1x16xi32> to vector<16xi32>
        %swap3A_460 = vector.shape_cast %add3A_453 : vector<16xi32> to vector<1x1x16xi32>
        tpu.vector_store %arg7[%swap3A_455, %swap3A_456, %swap3A_457], %swap3A_460 {strides = array<i32>} : memref<3x3x128xi32, #tpu.memory_space<vmem>>, vector<1x1x16xi32>,
        %get3A_461 = arith.constant 2 : i32
        %get3A_462 = arith.index_cast %rem3A_300 : i32 to index
        %get3A_463 = arith.index_cast %get3A_461 : i32 to index
        %get3A_464 = arith.constant 64 : index
        %get3A_465 = tpu.vector_load %arg7[%get3A_462, %get3A_463, %get3A_464] {strides = array<i32>} : memref<3x3x128xi32, #tpu.memory_space<vmem>>, vector<1x1x16xi32>,
        %get3A_466 = vector.shape_cast %get3A_465 : vector<1x1x16xi32> to vector<16xi32>
        %add3A_467 = vector.broadcast %mul3A_10 : i32 to vector<16xi32>
        %add3A_468 = arith.addi %get3A_466, %add3A_467 : vector<16xi32>
        %mul3A_469 = arith.constant 10112 : i32
        %mul3A_470 = vector.broadcast %mul3A_469 : i32 to vector<16xi32>
        %mul3A_471 = arith.muli %add3A_468, %mul3A_470 : vector<16xi32>
        %get3A_472 = arith.constant 0 : i32
        %get3A_473 = arith.index_cast %rem3A_300 : i32 to index
        %get3A_474 = arith.index_cast %get3A_472 : i32 to index
        %get3A_475 = arith.constant 64 : index
        %get3A_476 = tpu.vector_load %arg7[%get3A_473, %get3A_474, %get3A_475] {strides = array<i32>} : memref<3x3x128xi32, #tpu.memory_space<vmem>>, vector<1x1x16xi32>,
        %get3A_477 = vector.shape_cast %get3A_476 : vector<1x1x16xi32> to vector<16xi32>
        %add3A_478 = arith.addi %get3A_477, %mul3A_471 : vector<16xi32>
        %swap3A_479 = arith.constant 0 : i32
        %swap3A_480 = arith.index_cast %rem3A_300 : i32 to index
        %swap3A_481 = arith.index_cast %swap3A_479 : i32 to index
        %swap3A_482 = arith.constant 64 : index
        %swap3A_483 = tpu.vector_load %arg7[%swap3A_480, %swap3A_481, %swap3A_482] {strides = array<i32>} : memref<3x3x128xi32, #tpu.memory_space<vmem>>, vector<1x1x16xi32>,
        %swap3A_484 = vector.shape_cast %swap3A_483 : vector<1x1x16xi32> to vector<16xi32>
        %swap3A_485 = vector.shape_cast %add3A_478 : vector<16xi32> to vector<1x1x16xi32>
        tpu.vector_store %arg7[%swap3A_480, %swap3A_481, %swap3A_482], %swap3A_485 {strides = array<i32>} : memref<3x3x128xi32, #tpu.memory_space<vmem>>, vector<1x1x16xi32>,
        %get3A_486 = arith.constant 2 : i32
        %get3A_487 = arith.index_cast %rem3A_300 : i32 to index
        %get3A_488 = arith.index_cast %get3A_486 : i32 to index
        %get3A_489 = arith.constant 80 : index
        %get3A_490 = tpu.vector_load %arg7[%get3A_487, %get3A_488, %get3A_489] {strides = array<i32>} : memref<3x3x128xi32, #tpu.memory_space<vmem>>, vector<1x1x16xi32>,
        %get3A_491 = vector.shape_cast %get3A_490 : vector<1x1x16xi32> to vector<16xi32>
        %add3A_492 = vector.broadcast %mul3A_10 : i32 to vector<16xi32>
        %add3A_493 = arith.addi %get3A_491, %add3A_492 : vector<16xi32>
        %mul3A_494 = arith.constant 10112 : i32
        %mul3A_495 = vector.broadcast %mul3A_494 : i32 to vector<16xi32>
        %mul3A_496 = arith.muli %add3A_493, %mul3A_495 : vector<16xi32>
        %get3A_497 = arith.constant 0 : i32
        %get3A_498 = arith.index_cast %rem3A_300 : i32 to index
        %get3A_499 = arith.index_cast %get3A_497 : i32 to index
        %get3A_500 = arith.constant 80 : index
        %get3A_501 = tpu.vector_load %arg7[%get3A_498, %get3A_499, %get3A_500] {strides = array<i32>} : memref<3x3x128xi32, #tpu.memory_space<vmem>>, vector<1x1x16xi32>,
        %get3A_502 = vector.shape_cast %get3A_501 : vector<1x1x16xi32> to vector<16xi32>
        %add3A_503 = arith.addi %get3A_502, %mul3A_496 : vector<16xi32>
        %swap3A_504 = arith.constant 0 : i32
        %swap3A_505 = arith.index_cast %rem3A_300 : i32 to index
        %swap3A_506 = arith.index_cast %swap3A_504 : i32 to index
        %swap3A_507 = arith.constant 80 : index
        %swap3A_508 = tpu.vector_load %arg7[%swap3A_505, %swap3A_506, %swap3A_507] {strides = array<i32>} : memref<3x3x128xi32, #tpu.memory_space<vmem>>, vector<1x1x16xi32>,
        %swap3A_509 = vector.shape_cast %swap3A_508 : vector<1x1x16xi32> to vector<16xi32>
        %swap3A_510 = vector.shape_cast %add3A_503 : vector<16xi32> to vector<1x1x16xi32>
        tpu.vector_store %arg7[%swap3A_505, %swap3A_506, %swap3A_507], %swap3A_510 {strides = array<i32>} : memref<3x3x128xi32, #tpu.memory_space<vmem>>, vector<1x1x16xi32>,
        %get3A_511 = arith.constant 2 : i32
        %get3A_512 = arith.index_cast %rem3A_300 : i32 to index
        %get3A_513 = arith.index_cast %get3A_511 : i32 to index
        %get3A_514 = arith.constant 96 : index
        %get3A_515 = tpu.vector_load %arg7[%get3A_512, %get3A_513, %get3A_514] {strides = array<i32>} : memref<3x3x128xi32, #tpu.memory_space<vmem>>, vector<1x1x16xi32>,
        %get3A_516 = vector.shape_cast %get3A_515 : vector<1x1x16xi32> to vector<16xi32>
        %add3A_517 = vector.broadcast %mul3A_10 : i32 to vector<16xi32>
        %add3A_518 = arith.addi %get3A_516, %add3A_517 : vector<16xi32>
        %mul3A_519 = arith.constant 10112 : i32
        %mul3A_520 = vector.broadcast %mul3A_519 : i32 to vector<16xi32>
        %mul3A_521 = arith.muli %add3A_518, %mul3A_520 : vector<16xi32>
        %get3A_522 = arith.constant 0 : i32
        %get3A_523 = arith.index_cast %rem3A_300 : i32 to index
        %get3A_524 = arith.index_cast %get3A_522 : i32 to index
        %get3A_525 = arith.constant 96 : index
        %get3A_526 = tpu.vector_load %arg7[%get3A_523, %get3A_524, %get3A_525] {strides = array<i32>} : memref<3x3x128xi32, #tpu.memory_space<vmem>>, vector<1x1x16xi32>,
        %get3A_527 = vector.shape_cast %get3A_526 : vector<1x1x16xi32> to vector<16xi32>
        %add3A_528 = arith.addi %get3A_527, %mul3A_521 : vector<16xi32>
        %swap3A_529 = arith.constant 0 : i32
        %swap3A_530 = arith.index_cast %rem3A_300 : i32 to index
        %swap3A_531 = arith.index_cast %swap3A_529 : i32 to index
        %swap3A_532 = arith.constant 96 : index
        %swap3A_533 = tpu.vector_load %arg7[%swap3A_530, %swap3A_531, %swap3A_532] {strides = array<i32>} : memref<3x3x128xi32, #tpu.memory_space<vmem>>, vector<1x1x16xi32>,
        %swap3A_534 = vector.shape_cast %swap3A_533 : vector<1x1x16xi32> to vector<16xi32>
        %swap3A_535 = vector.shape_cast %add3A_528 : vector<16xi32> to vector<1x1x16xi32>
        tpu.vector_store %arg7[%swap3A_530, %swap3A_531, %swap3A_532], %swap3A_535 {strides = array<i32>} : memref<3x3x128xi32, #tpu.memory_space<vmem>>, vector<1x1x16xi32>,
        %get3A_536 = arith.constant 2 : i32
        %get3A_537 = arith.index_cast %rem3A_300 : i32 to index
        %get3A_538 = arith.index_cast %get3A_536 : i32 to index
        %get3A_539 = arith.constant 112 : index
        %get3A_540 = tpu.vector_load %arg7[%get3A_537, %get3A_538, %get3A_539] {strides = array<i32>} : memref<3x3x128xi32, #tpu.memory_space<vmem>>, vector<1x1x16xi32>,
        %get3A_541 = vector.shape_cast %get3A_540 : vector<1x1x16xi32> to vector<16xi32>
        %add3A_542 = vector.broadcast %mul3A_10 : i32 to vector<16xi32>
        %add3A_543 = arith.addi %get3A_541, %add3A_542 : vector<16xi32>
        %mul3A_544 = arith.constant 10112 : i32
        %mul3A_545 = vector.broadcast %mul3A_544 : i32 to vector<16xi32>
        %mul3A_546 = arith.muli %add3A_543, %mul3A_545 : vector<16xi32>
        %get3A_547 = arith.constant 0 : i32
        %get3A_548 = arith.index_cast %rem3A_300 : i32 to index
        %get3A_549 = arith.index_cast %get3A_547 : i32 to index
        %get3A_550 = arith.constant 112 : index
        %get3A_551 = tpu.vector_load %arg7[%get3A_548, %get3A_549, %get3A_550] {strides = array<i32>} : memref<3x3x128xi32, #tpu.memory_space<vmem>>, vector<1x1x16xi32>,
        %get3A_552 = vector.shape_cast %get3A_551 : vector<1x1x16xi32> to vector<16xi32>
        %add3A_553 = arith.addi %get3A_552, %mul3A_546 : vector<16xi32>
        %swap3A_554 = arith.constant 0 : i32
        %swap3A_555 = arith.index_cast %rem3A_300 : i32 to index
        %swap3A_556 = arith.index_cast %swap3A_554 : i32 to index
        %swap3A_557 = arith.constant 112 : index
        %swap3A_558 = tpu.vector_load %arg7[%swap3A_555, %swap3A_556, %swap3A_557] {strides = array<i32>} : memref<3x3x128xi32, #tpu.memory_space<vmem>>, vector<1x1x16xi32>,
        %swap3A_559 = vector.shape_cast %swap3A_558 : vector<1x1x16xi32> to vector<16xi32>
        %swap3A_560 = vector.shape_cast %add3A_553 : vector<16xi32> to vector<1x1x16xi32>
        tpu.vector_store %arg7[%swap3A_555, %swap3A_556, %swap3A_557], %swap3A_560 {strides = array<i32>} : memref<3x3x128xi32, #tpu.memory_space<vmem>>, vector<1x1x16xi32>,
        %dma_start3A_561 = arith.constant 0 : i32
        %dma_start3A_562 = arith.constant 0 : i32
        %dma_start3A_563 = arith.constant 0 : i32
        %dma_start3A_564 = tpu.memref_slice %arg8[%rem3A_294, %dma_start3A_562, %dma_start3A_563] : memref<2x128x128xf32, #tpu.memory_space<vmem>> -> memref<1x128x128xf32, #tpu.memory_space<vmem>>
        %dma_start3A_565 = tpu.memref_squeeze %dma_start3A_564 : memref<1x128x128xf32, #tpu.memory_space<vmem>> -> memref<128x128xf32, #tpu.memory_space<vmem>>
        %dma_start3A_566 = arith.constant 0 : i32
        %dma_start3A_567 = tpu.memref_slice %arg7[%rem3A_300, %dma_start3A_561, %dma_start3A_566] : memref<3x3x128xi32, #tpu.memory_space<vmem>> -> memref<1x1x128xi32, #tpu.memory_space<vmem>>
        %dma_start3A_568 = tpu.memref_squeeze %dma_start3A_567 : memref<1x1x128xi32, #tpu.memory_space<vmem>> -> memref<128xi32, #tpu.memory_space<vmem>>
        %dma_start3A_569 = arith.constant 0 : i32
        %dma_start3A_570 = arith.constant 0 : i32
        %dma_start3A_571 = tpu.memref_slice %arg3[%dma_start3A_569, %dma_start3A_570] : memref<647168x128xf32, #tpu.memory_space<hbm>> -> memref<647168x128xf32, #tpu.memory_space<hbm>>
        tpu.enqueue_indirect_dma source(%dma_start3A_571 : memref<647168x128xf32, #tpu.memory_space<hbm>>) target(%dma_start3A_565 : memref<128x128xf32, #tpu.memory_space<vmem>>) offsets(%dma_start3A_568 : memref<128xi32, #tpu.memory_space<vmem>>) semaphore(%arg10 : memref<!tpu.dma_semaphore, #tpu.memory_space<semaphore_mem>>)
      } else {
      }
      %add3A_324 = arith.constant 2 : i32
      %add3A_325 = arith.addi %scan3A_289, %add3A_324 : i32
      %lt3A_326 = arith.constant 157 : i32
      %lt3A_327 = arith.cmpi slt, %add3A_325, %lt3A_326 : i32
      %convert_element_type3A_328 = arith.extui %lt3A_327 : i1 to i32
      %cond3A_329 = arith.constant 0 : i32
      %cond3A_330 = arith.cmpi ne, %convert_element_type3A_328, %cond3A_329 : i32
      scf.if %cond3A_330 {
        %add3A_342 = arith.addi %mul3A_6, %scan3A_289 : i32
        %add3A_343 = arith.constant 2 : i32
        %add3A_344 = arith.addi %add3A_342, %add3A_343 : i32
        %dma_start3A_345 = arith.constant 0 : i32
        %dma_start3A_346 = arith.constant 0 : i32
        %dma_start3A_347 = tpu.memref_slice %arg7[%rem3A_304, %dma_start3A_345, %dma_start3A_346] : memref<3x3x128xi32, #tpu.memory_space<vmem>> -> memref<1x3x128xi32, #tpu.memory_space<vmem>>
        %dma_start3A_348 = tpu.memref_squeeze %dma_start3A_347 : memref<1x3x128xi32, #tpu.memory_space<vmem>> -> memref<3x128xi32, #tpu.memory_space<vmem>>
        %dma_start3A_349 = arith.constant 0 : i32
        %dma_start3A_350 = arith.constant 0 : i32
        %dma_start3A_351 = tpu.memref_slice %arg2[%add3A_344, %dma_start3A_349, %dma_start3A_350] : memref<2512x3x128xi32, #tpu.memory_space<hbm>> -> memref<1x3x128xi32, #tpu.memory_space<hbm>>
        %dma_start3A_352 = tpu.memref_squeeze %dma_start3A_351 : memref<1x3x128xi32, #tpu.memory_space<hbm>> -> memref<3x128xi32, #tpu.memory_space<hbm>>
        %dma_start3A_353 = arith.constant 0 : i32
        %dma_start3A_354 = arith.constant 0 : i32
        %dma_start3A_355 = tpu.memref_slice %arg7[%rem3A_304, %dma_start3A_353, %dma_start3A_354] : memref<3x3x128xi32, #tpu.memory_space<vmem>> -> memref<1x3x128xi32, #tpu.memory_space<vmem>>
        %dma_start3A_356 = tpu.memref_squeeze %dma_start3A_355 : memref<1x3x128xi32, #tpu.memory_space<vmem>> -> memref<3x128xi32, #tpu.memory_space<vmem>>
        %dma_start3A_357 = arith.constant 0 : i32
        %dma_start3A_358 = arith.constant 0 : i32
        %dma_start3A_359 = tpu.memref_slice %arg2[%add3A_344, %dma_start3A_357, %dma_start3A_358] : memref<2512x3x128xi32, #tpu.memory_space<hbm>> -> memref<1x3x128xi32, #tpu.memory_space<hbm>>
        %dma_start3A_360 = tpu.memref_squeeze %dma_start3A_359 : memref<1x3x128xi32, #tpu.memory_space<hbm>> -> memref<3x128xi32, #tpu.memory_space<hbm>>
        tpu.enqueue_dma source(%dma_start3A_360 : memref<3x128xi32, #tpu.memory_space<hbm>>) target(%dma_start3A_356 : memref<3x128xi32, #tpu.memory_space<vmem>>) target_semaphore(%arg9 : memref<!tpu.dma_semaphore, #tpu.memory_space<semaphore_mem>>)
      } else {
      }
      %dma_start3A_331 = arith.constant 1 : i32
      %dma_start3A_332 = arith.constant 0 : i32
      %dma_start3A_333 = arith.constant 0 : i32
      %dma_start3A_334 = tpu.memref_slice %arg8[%rem3A_290, %dma_start3A_332, %dma_start3A_333] : memref<2x128x128xf32, #tpu.memory_space<vmem>> -> memref<1x128x128xf32, #tpu.memory_space<vmem>>
      %dma_start3A_335 = tpu.memref_squeeze %dma_start3A_334 : memref<1x128x128xf32, #tpu.memory_space<vmem>> -> memref<128x128xf32, #tpu.memory_space<vmem>>
      %dma_start3A_336 = arith.constant 0 : i32
      %dma_start3A_337 = tpu.memref_slice %arg7[%rem3A_296, %dma_start3A_331, %dma_start3A_336] : memref<3x3x128xi32, #tpu.memory_space<vmem>> -> memref<1x1x128xi32, #tpu.memory_space<vmem>>
      %dma_start3A_338 = tpu.memref_squeeze %dma_start3A_337 : memref<1x1x128xi32, #tpu.memory_space<vmem>> -> memref<128xi32, #tpu.memory_space<vmem>>
      %dma_start3A_339 = arith.constant 0 : i32
      %dma_start3A_340 = arith.constant 0 : i32
      %dma_start3A_341 = tpu.memref_slice %arg6[%dma_start3A_339, %dma_start3A_340] : memref<10112x128xf32, #tpu.memory_space<vmem_shared>> -> memref<10112x128xf32, #tpu.memory_space<vmem_shared>>
      tpu.enqueue_indirect_dma source(%dma_start3A_335 : memref<128x128xf32, #tpu.memory_space<vmem>>) target(%dma_start3A_341 : memref<10112x128xf32, #tpu.memory_space<vmem_shared>>) offsets(%dma_start3A_338 : memref<128xi32, #tpu.memory_space<vmem>>) semaphore(%arg11 : memref<!tpu.dma_semaphore, #tpu.memory_space<semaphore_mem>>) {add = true}
    }
    %scan3A_268 = arith.constant 157 : i32
    %dma_wait3A = arith.constant 0 : i32
    %dma_wait3A_269 = arith.constant 0 : i32
    %dma_wait3A_270 = arith.constant 1 : i32
    %dma_wait3A_271 = arith.constant 0 : i32
    %dma_wait3A_272 = arith.constant 0 : i32
    %dma_wait3A_273 = tpu.memref_slice %arg8[%dma_wait3A, %dma_wait3A_271, %dma_wait3A_272] : memref<2x128x128xf32, #tpu.memory_space<vmem>> -> memref<1x128x128xf32, #tpu.memory_space<vmem>>
    %dma_wait3A_274 = tpu.memref_squeeze %dma_wait3A_273 : memref<1x128x128xf32, #tpu.memory_space<vmem>> -> memref<128x128xf32, #tpu.memory_space<vmem>>
    %dma_wait3A_275 = arith.constant 0 : i32
    %dma_wait3A_276 = tpu.memref_slice %arg7[%dma_wait3A_269, %dma_wait3A_270, %dma_wait3A_275] : memref<3x3x128xi32, #tpu.memory_space<vmem>> -> memref<1x1x128xi32, #tpu.memory_space<vmem>>
    %dma_wait3A_277 = tpu.memref_squeeze %dma_wait3A_276 : memref<1x1x128xi32, #tpu.memory_space<vmem>> -> memref<128xi32, #tpu.memory_space<vmem>>
    %dma_wait3A_278 = arith.constant 0 : i32
    %dma_wait3A_279 = arith.constant 0 : i32
    %dma_wait3A_280 = tpu.memref_slice %arg6[%dma_wait3A_278, %dma_wait3A_279] : memref<10112x128xf32, #tpu.memory_space<vmem_shared>> -> memref<10112x128xf32, #tpu.memory_space<vmem_shared>>
    tpu.wait_indirect_dma semaphore(%arg11 : memref<!tpu.dma_semaphore, #tpu.memory_space<semaphore_mem>>) src(%dma_wait3A_274 : memref<128x128xf32, #tpu.memory_space<vmem>>) dst(%dma_wait3A_280 : memref<10112x128xf32, #tpu.memory_space<vmem_shared>>)
    %barrier3A_281 = arith.constant 0 : index
    tpu.barrier barrier_id(%barrier3A_281)
    %mul3A_282 = arith.constant 632 : i32
    %mul3A_283 = arith.muli %arg1, %mul3A_282 : i32
    %mul3A_284 = arith.constant 10112 : i32
    %mul3A_285 = arith.muli %arg0, %mul3A_284 : i32
    %mul3A_286 = arith.constant 632 : i32
    %mul3A_287 = arith.muli %arg1, %mul3A_286 : i32
    %add3A_288 = arith.addi %mul3A_285, %mul3A_287 : i32
    "tpu.region"() ({
      %run_scoped3A_289 = tpu.sem_alloc : memref<!tpu.dma_semaphore, #tpu.memory_space<semaphore_mem>>
      %dma_start3A_290 = arith.constant 0 : i32
      %dma_start3A_291 = tpu.memref_slice %arg5[%add3A_288, %dma_start3A_290] : memref<20224x128xf32, #tpu.memory_space<hbm>> -> memref<632x128xf32, #tpu.memory_space<hbm>>
      %dma_start3A_292 = arith.constant 0 : i32
      %dma_start3A_293 = tpu.memref_slice %arg6[%mul3A_283, %dma_start3A_292] : memref<10112x128xf32, #tpu.memory_space<vmem_shared>> -> memref<632x128xf32, #tpu.memory_space<vmem_shared>>
      tpu.enqueue_dma source(%dma_start3A_293 : memref<632x128xf32, #tpu.memory_space<vmem_shared>>) target(%dma_start3A_291 : memref<632x128xf32, #tpu.memory_space<hbm>>) target_semaphore(%run_scoped3A_289 : memref<!tpu.dma_semaphore, #tpu.memory_space<semaphore_mem>>)
      %dma_wait3A_294 = arith.constant 0 : i32
      %dma_wait3A_295 = tpu.memref_slice %arg5[%add3A_288, %dma_wait3A_294] : memref<20224x128xf32, #tpu.memory_space<hbm>> -> memref<632x128xf32, #tpu.memory_space<hbm>>
      %dma_wait3A_296 = arith.constant 0 : i32
      %dma_wait3A_297 = tpu.memref_slice %arg6[%mul3A_283, %dma_wait3A_296] : memref<10112x128xf32, #tpu.memory_space<vmem_shared>> -> memref<632x128xf32, #tpu.memory_space<vmem_shared>>
      tpu.wait_dma2 semaphore(%run_scoped3A_289 : memref<!tpu.dma_semaphore, #tpu.memory_space<semaphore_mem>>) src(%dma_wait3A_297 : memref<632x128xf32, #tpu.memory_space<vmem_shared>>) dst(%dma_wait3A_295 : memref<632x128xf32, #tpu.memory_space<hbm>>)
      tpu.yield
    }) : () -> ()
    return
  }
}

#map = affine_map<(d0, d1) -> (0, 0, 0)>
#map1 = affine_map<(d0, d1) -> (0, 0)>
module attributes {stable_mosaic.version = 14 : i64} {
  func.func @_edge_agg(%arg0: i32, %arg1: i32, %arg2: memref<2512x3x128xi32, #tpu.memory_space<hbm>>, %arg3: memref<647168x128xf32, #tpu.memory_space<hbm>>, %arg4: memref<20224x128xf32, #tpu.memory_space<hbm>>, %arg5: memref<20224x128xf32, #tpu.memory_space<hbm>>, %arg6: memref<10112x128xf32, #tpu.memory_space<vmem_shared>>, %arg7: memref<3x3x128xi32, #tpu.memory_space<vmem>>, %arg8: memref<2x128x128xf32, #tpu.memory_space<vmem>>, %arg9: memref<!tpu.dma_semaphore, #tpu.memory_space<semaphore_mem>>, %arg10: memref<!tpu.dma_semaphore, #tpu.memory_space<semaphore_mem>>, %arg11: memref<!tpu.dma_semaphore, #tpu.memory_space<semaphore_mem>>) attributes {dimension_semantics = [#tpu.dimension_semantics<core_parallel>, #tpu.dimension_semantics<subcore_parallel>], iteration_bounds = array<i64: 2, 16>, scalar_prefetch = 0 : i64, scratch_operands = 6 : i64, tpu.core_type = #tpu.core_type<sc_vector_subcore>, window_params = [{transform_indices = #map}, {transform_indices = #map1}, {transform_indices = #map1}, {transform_indices = #map1}]} {
    %mul3A = arith.constant 10112 : i32
    %mul3A_0 = arith.muli %arg0, %mul3A : i32
    %mul3A_1 = arith.constant 632 : i32
    %mul3A_2 = arith.muli %arg1, %mul3A_1 : i32
    %add3A = arith.addi %mul3A_0, %mul3A_2 : i32
    %mul3A_3 = arith.constant 632 : i32
    %mul3A_4 = arith.muli %arg1, %mul3A_3 : i32
    "tpu.region"() ({
      %run_scoped3A_289 = tpu.sem_alloc : memref<!tpu.dma_semaphore, #tpu.memory_space<semaphore_mem>>
      %dma_start3A_290 = arith.constant 0 : i32
      %dma_start3A_291 = tpu.memref_slice %arg6[%mul3A_4, %dma_start3A_290] : memref<10112x128xf32, #tpu.memory_space<vmem_shared>> -> memref<632x128xf32, #tpu.memory_space<vmem_shared>>
      %dma_start3A_292 = arith.constant 0 : i32
      %dma_start3A_293 = tpu.memref_slice %arg4[%add3A, %dma_start3A_292] : memref<20224x128xf32, #tpu.memory_space<hbm>> -> memref<632x128xf32, #tpu.memory_space<hbm>>
      tpu.enqueue_dma source(%dma_start3A_293 : memref<632x128xf32, #tpu.memory_space<hbm>>) target(%dma_start3A_291 : memref<632x128xf32, #tpu.memory_space<vmem_shared>>) target_semaphore(%run_scoped3A_289 : memref<!tpu.dma_semaphore, #tpu.memory_space<semaphore_mem>>)
      %dma_wait3A_294 = arith.constant 0 : i32
      %dma_wait3A_295 = tpu.memref_slice %arg6[%mul3A_4, %dma_wait3A_294] : memref<10112x128xf32, #tpu.memory_space<vmem_shared>> -> memref<632x128xf32, #tpu.memory_space<vmem_shared>>
      %dma_wait3A_296 = arith.constant 0 : i32
      %dma_wait3A_297 = tpu.memref_slice %arg4[%add3A, %dma_wait3A_296] : memref<20224x128xf32, #tpu.memory_space<hbm>> -> memref<632x128xf32, #tpu.memory_space<hbm>>
      tpu.wait_dma2 semaphore(%run_scoped3A_289 : memref<!tpu.dma_semaphore, #tpu.memory_space<semaphore_mem>>) src(%dma_wait3A_297 : memref<632x128xf32, #tpu.memory_space<hbm>>) dst(%dma_wait3A_295 : memref<632x128xf32, #tpu.memory_space<vmem_shared>>)
      tpu.yield
    }) : () -> ()
    %barrier3A = arith.constant 0 : index
    tpu.barrier barrier_id(%barrier3A)
    %mul3A_5 = arith.constant 157 : i32
    %mul3A_6 = arith.muli %arg1, %mul3A_5 : i32
    %mul3A_7 = arith.constant 2 : i32
    %mul3A_8 = arith.muli %arg0, %mul3A_7 : i32
    %mul3A_9 = arith.constant 16 : i32
    %mul3A_10 = arith.muli %mul3A_8, %mul3A_9 : i32
    %run_scoped3A = arith.constant 0 : i32
    "tpu.region"() ({
      %run_scoped3A_289 = tpu.sem_alloc : memref<!tpu.dma_semaphore, #tpu.memory_space<semaphore_mem>>
      %dma_start3A_290 = arith.constant 0 : i32
      %dma_start3A_291 = arith.constant 0 : i32
      %dma_start3A_292 = tpu.memref_slice %arg7[%run_scoped3A, %dma_start3A_290, %dma_start3A_291] : memref<3x3x128xi32, #tpu.memory_space<vmem>> -> memref<1x3x128xi32, #tpu.memory_space<vmem>>
      %dma_start3A_293 = tpu.memref_squeeze %dma_start3A_292 : memref<1x3x128xi32, #tpu.memory_space<vmem>> -> memref<3x128xi32, #tpu.memory_space<vmem>>
      %dma_start3A_294 = arith.constant 0 : i32
      %dma_start3A_295 = arith.constant 0 : i32
      %dma_start3A_296 = tpu.memref_slice %arg2[%mul3A_6, %dma_start3A_294, %dma_start3A_295] : memref<2512x3x128xi32, #tpu.memory_space<hbm>> -> memref<1x3x128xi32, #tpu.memory_space<hbm>>
      %dma_start3A_297 = tpu.memref_squeeze %dma_start3A_296 : memref<1x3x128xi32, #tpu.memory_space<hbm>> -> memref<3x128xi32, #tpu.memory_space<hbm>>
      %dma_start3A_298 = arith.constant 0 : i32
      %dma_start3A_299 = arith.constant 0 : i32
      %dma_start3A_300 = tpu.memref_slice %arg7[%run_scoped3A, %dma_start3A_298, %dma_start3A_299] : memref<3x3x128xi32, #tpu.memory_space<vmem>> -> memref<1x3x128xi32, #tpu.memory_space<vmem>>
      %dma_start3A_301 = tpu.memref_squeeze %dma_start3A_300 : memref<1x3x128xi32, #tpu.memory_space<vmem>> -> memref<3x128xi32, #tpu.memory_space<vmem>>
      %dma_start3A_302 = arith.constant 0 : i32
      %dma_start3A_303 = arith.constant 0 : i32
      %dma_start3A_304 = tpu.memref_slice %arg2[%mul3A_6, %dma_start3A_302, %dma_start3A_303] : memref<2512x3x128xi32, #tpu.memory_space<hbm>> -> memref<1x3x128xi32, #tpu.memory_space<hbm>>
      %dma_start3A_305 = tpu.memref_squeeze %dma_start3A_304 : memref<1x3x128xi32, #tpu.memory_space<hbm>> -> memref<3x128xi32, #tpu.memory_space<hbm>>
      tpu.enqueue_dma source(%dma_start3A_305 : memref<3x128xi32, #tpu.memory_space<hbm>>) target(%dma_start3A_301 : memref<3x128xi32, #tpu.memory_space<vmem>>) target_semaphore(%run_scoped3A_289 : memref<!tpu.dma_semaphore, #tpu.memory_space<semaphore_mem>>)
      %dma_wait3A_306 = arith.constant 0 : i32
      %dma_wait3A_307 = arith.constant 0 : i32
      %dma_wait3A_308 = tpu.memref_slice %arg7[%run_scoped3A, %dma_wait3A_306, %dma_wait3A_307] : memref<3x3x128xi32, #tpu.memory_space<vmem>> -> memref<1x3x128xi32, #tpu.memory_space<vmem>>
      %dma_wait3A_309 = tpu.memref_squeeze %dma_wait3A_308 : memref<1x3x128xi32, #tpu.memory_space<vmem>> -> memref<3x128xi32, #tpu.memory_space<vmem>>
      %dma_wait3A_310 = arith.constant 0 : i32
      %dma_wait3A_311 = arith.constant 0 : i32
      %dma_wait3A_312 = tpu.memref_slice %arg2[%mul3A_6, %dma_wait3A_310, %dma_wait3A_311] : memref<2512x3x128xi32, #tpu.memory_space<hbm>> -> memref<1x3x128xi32, #tpu.memory_space<hbm>>
      %dma_wait3A_313 = tpu.memref_squeeze %dma_wait3A_312 : memref<1x3x128xi32, #tpu.memory_space<hbm>> -> memref<3x128xi32, #tpu.memory_space<hbm>>
      %dma_wait3A_314 = arith.constant 0 : i32
      %dma_wait3A_315 = arith.constant 0 : i32
      %dma_wait3A_316 = tpu.memref_slice %arg7[%run_scoped3A, %dma_wait3A_314, %dma_wait3A_315] : memref<3x3x128xi32, #tpu.memory_space<vmem>> -> memref<1x3x128xi32, #tpu.memory_space<vmem>>
      %dma_wait3A_317 = tpu.memref_squeeze %dma_wait3A_316 : memref<1x3x128xi32, #tpu.memory_space<vmem>> -> memref<3x128xi32, #tpu.memory_space<vmem>>
      %dma_wait3A_318 = arith.constant 0 : i32
      %dma_wait3A_319 = arith.constant 0 : i32
      %dma_wait3A_320 = tpu.memref_slice %arg2[%mul3A_6, %dma_wait3A_318, %dma_wait3A_319] : memref<2512x3x128xi32, #tpu.memory_space<hbm>> -> memref<1x3x128xi32, #tpu.memory_space<hbm>>
      %dma_wait3A_321 = tpu.memref_squeeze %dma_wait3A_320 : memref<1x3x128xi32, #tpu.memory_space<hbm>> -> memref<3x128xi32, #tpu.memory_space<hbm>>
      tpu.wait_dma2 semaphore(%run_scoped3A_289 : memref<!tpu.dma_semaphore, #tpu.memory_space<semaphore_mem>>) src(%dma_wait3A_321 : memref<3x128xi32, #tpu.memory_space<hbm>>) dst(%dma_wait3A_317 : memref<3x128xi32, #tpu.memory_space<vmem>>)
      tpu.yield
    }) : () -> ()
    %get3A = arith.constant 0 : i32
    %get3A_11 = arith.constant 2 : i32
    %get3A_12 = arith.index_cast %get3A : i32 to index
    %get3A_13 = arith.index_cast %get3A_11 : i32 to index
    %get3A_14 = arith.constant 0 : index
    %get3A_15 = tpu.vector_load %arg7[%get3A_12, %get3A_13, %get3A_14] {strides = array<i32>} : memref<3x3x128xi32, #tpu.memory_space<vmem>>, vector<1x1x16xi32>,
    %get3A_16 = vector.shape_cast %get3A_15 : vector<1x1x16xi32> to vector<16xi32>
    %add3A_17 = vector.broadcast %mul3A_10 : i32 to vector<16xi32>
    %add3A_18 = arith.addi %get3A_16, %add3A_17 : vector<16xi32>
    %mul3A_19 = arith.constant 10112 : i32
    %mul3A_20 = vector.broadcast %mul3A_19 : i32 to vector<16xi32>
    %mul3A_21 = arith.muli %add3A_18, %mul3A_20 : vector<16xi32>
    %get3A_22 = arith.constant 0 : i32
    %get3A_23 = arith.constant 0 : i32
    %get3A_24 = arith.index_cast %get3A_22 : i32 to index
    %get3A_25 = arith.index_cast %get3A_23 : i32 to index
    %get3A_26 = arith.constant 0 : index
    %get3A_27 = tpu.vector_load %arg7[%get3A_24, %get3A_25, %get3A_26] {strides = array<i32>} : memref<3x3x128xi32, #tpu.memory_space<vmem>>, vector<1x1x16xi32>,
    %get3A_28 = vector.shape_cast %get3A_27 : vector<1x1x16xi32> to vector<16xi32>
    %add3A_29 = arith.addi %get3A_28, %mul3A_21 : vector<16xi32>
    %swap3A = arith.constant 0 : i32
    %swap3A_30 = arith.constant 0 : i32
    %swap3A_31 = arith.index_cast %swap3A : i32 to index
    %swap3A_32 = arith.index_cast %swap3A_30 : i32 to index
    %swap3A_33 = arith.constant 0 : index
    %swap3A_34 = tpu.vector_load %arg7[%swap3A_31, %swap3A_32, %swap3A_33] {strides = array<i32>} : memref<3x3x128xi32, #tpu.memory_space<vmem>>, vector<1x1x16xi32>,
    %swap3A_35 = vector.shape_cast %swap3A_34 : vector<1x1x16xi32> to vector<16xi32>
    %swap3A_36 = vector.shape_cast %add3A_29 : vector<16xi32> to vector<1x1x16xi32>
    tpu.vector_store %arg7[%swap3A_31, %swap3A_32, %swap3A_33], %swap3A_36 {strides = array<i32>} : memref<3x3x128xi32, #tpu.memory_space<vmem>>, vector<1x1x16xi32>,
    %get3A_37 = arith.constant 0 : i32
    %get3A_38 = arith.constant 2 : i32
    %get3A_39 = arith.index_cast %get3A_37 : i32 to index
    %get3A_40 = arith.index_cast %get3A_38 : i32 to index
    %get3A_41 = arith.constant 16 : index
    %get3A_42 = tpu.vector_load %arg7[%get3A_39, %get3A_40, %get3A_41] {strides = array<i32>} : memref<3x3x128xi32, #tpu.memory_space<vmem>>, vector<1x1x16xi32>,
    %get3A_43 = vector.shape_cast %get3A_42 : vector<1x1x16xi32> to vector<16xi32>
    %add3A_44 = vector.broadcast %mul3A_10 : i32 to vector<16xi32>
    %add3A_45 = arith.addi %get3A_43, %add3A_44 : vector<16xi32>
    %mul3A_46 = arith.constant 10112 : i32
    %mul3A_47 = vector.broadcast %mul3A_46 : i32 to vector<16xi32>
    %mul3A_48 = arith.muli %add3A_45, %mul3A_47 : vector<16xi32>
    %get3A_49 = arith.constant 0 : i32
    %get3A_50 = arith.constant 0 : i32
    %get3A_51 = arith.index_cast %get3A_49 : i32 to index
    %get3A_52 = arith.index_cast %get3A_50 : i32 to index
    %get3A_53 = arith.constant 16 : index
    %get3A_54 = tpu.vector_load %arg7[%get3A_51, %get3A_52, %get3A_53] {strides = array<i32>} : memref<3x3x128xi32, #tpu.memory_space<vmem>>, vector<1x1x16xi32>,
    %get3A_55 = vector.shape_cast %get3A_54 : vector<1x1x16xi32> to vector<16xi32>
    %add3A_56 = arith.addi %get3A_55, %mul3A_48 : vector<16xi32>
    %swap3A_57 = arith.constant 0 : i32
    %swap3A_58 = arith.constant 0 : i32
    %swap3A_59 = arith.index_cast %swap3A_57 : i32 to index
    %swap3A_60 = arith.index_cast %swap3A_58 : i32 to index
    %swap3A_61 = arith.constant 16 : index
    %swap3A_62 = tpu.vector_load %arg7[%swap3A_59, %swap3A_60, %swap3A_61] {strides = array<i32>} : memref<3x3x128xi32, #tpu.memory_space<vmem>>, vector<1x1x16xi32>,
    %swap3A_63 = vector.shape_cast %swap3A_62 : vector<1x1x16xi32> to vector<16xi32>
    %swap3A_64 = vector.shape_cast %add3A_56 : vector<16xi32> to vector<1x1x16xi32>
    tpu.vector_store %arg7[%swap3A_59, %swap3A_60, %swap3A_61], %swap3A_64 {strides = array<i32>} : memref<3x3x128xi32, #tpu.memory_space<vmem>>, vector<1x1x16xi32>,
    %get3A_65 = arith.constant 0 : i32
    %get3A_66 = arith.constant 2 : i32
    %get3A_67 = arith.index_cast %get3A_65 : i32 to index
    %get3A_68 = arith.index_cast %get3A_66 : i32 to index
    %get3A_69 = arith.constant 32 : index
    %get3A_70 = tpu.vector_load %arg7[%get3A_67, %get3A_68, %get3A_69] {strides = array<i32>} : memref<3x3x128xi32, #tpu.memory_space<vmem>>, vector<1x1x16xi32>,
    %get3A_71 = vector.shape_cast %get3A_70 : vector<1x1x16xi32> to vector<16xi32>
    %add3A_72 = vector.broadcast %mul3A_10 : i32 to vector<16xi32>
    %add3A_73 = arith.addi %get3A_71, %add3A_72 : vector<16xi32>
    %mul3A_74 = arith.constant 10112 : i32
    %mul3A_75 = vector.broadcast %mul3A_74 : i32 to vector<16xi32>
    %mul3A_76 = arith.muli %add3A_73, %mul3A_75 : vector<16xi32>
    %get3A_77 = arith.constant 0 : i32
    %get3A_78 = arith.constant 0 : i32
    %get3A_79 = arith.index_cast %get3A_77 : i32 to index
    %get3A_80 = arith.index_cast %get3A_78 : i32 to index
    %get3A_81 = arith.constant 32 : index
    %get3A_82 = tpu.vector_load %arg7[%get3A_79, %get3A_80, %get3A_81] {strides = array<i32>} : memref<3x3x128xi32, #tpu.memory_space<vmem>>, vector<1x1x16xi32>,
    %get3A_83 = vector.shape_cast %get3A_82 : vector<1x1x16xi32> to vector<16xi32>
    %add3A_84 = arith.addi %get3A_83, %mul3A_76 : vector<16xi32>
    %swap3A_85 = arith.constant 0 : i32
    %swap3A_86 = arith.constant 0 : i32
    %swap3A_87 = arith.index_cast %swap3A_85 : i32 to index
    %swap3A_88 = arith.index_cast %swap3A_86 : i32 to index
    %swap3A_89 = arith.constant 32 : index
    %swap3A_90 = tpu.vector_load %arg7[%swap3A_87, %swap3A_88, %swap3A_89] {strides = array<i32>} : memref<3x3x128xi32, #tpu.memory_space<vmem>>, vector<1x1x16xi32>,
    %swap3A_91 = vector.shape_cast %swap3A_90 : vector<1x1x16xi32> to vector<16xi32>
    %swap3A_92 = vector.shape_cast %add3A_84 : vector<16xi32> to vector<1x1x16xi32>
    tpu.vector_store %arg7[%swap3A_87, %swap3A_88, %swap3A_89], %swap3A_92 {strides = array<i32>} : memref<3x3x128xi32, #tpu.memory_space<vmem>>, vector<1x1x16xi32>,
    %get3A_93 = arith.constant 0 : i32
    %get3A_94 = arith.constant 2 : i32
    %get3A_95 = arith.index_cast %get3A_93 : i32 to index
    %get3A_96 = arith.index_cast %get3A_94 : i32 to index
    %get3A_97 = arith.constant 48 : index
    %get3A_98 = tpu.vector_load %arg7[%get3A_95, %get3A_96, %get3A_97] {strides = array<i32>} : memref<3x3x128xi32, #tpu.memory_space<vmem>>, vector<1x1x16xi32>,
    %get3A_99 = vector.shape_cast %get3A_98 : vector<1x1x16xi32> to vector<16xi32>
    %add3A_100 = vector.broadcast %mul3A_10 : i32 to vector<16xi32>
    %add3A_101 = arith.addi %get3A_99, %add3A_100 : vector<16xi32>
    %mul3A_102 = arith.constant 10112 : i32
    %mul3A_103 = vector.broadcast %mul3A_102 : i32 to vector<16xi32>
    %mul3A_104 = arith.muli %add3A_101, %mul3A_103 : vector<16xi32>
    %get3A_105 = arith.constant 0 : i32
    %get3A_106 = arith.constant 0 : i32
    %get3A_107 = arith.index_cast %get3A_105 : i32 to index
    %get3A_108 = arith.index_cast %get3A_106 : i32 to index
    %get3A_109 = arith.constant 48 : index
    %get3A_110 = tpu.vector_load %arg7[%get3A_107, %get3A_108, %get3A_109] {strides = array<i32>} : memref<3x3x128xi32, #tpu.memory_space<vmem>>, vector<1x1x16xi32>,
    %get3A_111 = vector.shape_cast %get3A_110 : vector<1x1x16xi32> to vector<16xi32>
    %add3A_112 = arith.addi %get3A_111, %mul3A_104 : vector<16xi32>
    %swap3A_113 = arith.constant 0 : i32
    %swap3A_114 = arith.constant 0 : i32
    %swap3A_115 = arith.index_cast %swap3A_113 : i32 to index
    %swap3A_116 = arith.index_cast %swap3A_114 : i32 to index
    %swap3A_117 = arith.constant 48 : index
    %swap3A_118 = tpu.vector_load %arg7[%swap3A_115, %swap3A_116, %swap3A_117] {strides = array<i32>} : memref<3x3x128xi32, #tpu.memory_space<vmem>>, vector<1x1x16xi32>,
    %swap3A_119 = vector.shape_cast %swap3A_118 : vector<1x1x16xi32> to vector<16xi32>
    %swap3A_120 = vector.shape_cast %add3A_112 : vector<16xi32> to vector<1x1x16xi32>
    tpu.vector_store %arg7[%swap3A_115, %swap3A_116, %swap3A_117], %swap3A_120 {strides = array<i32>} : memref<3x3x128xi32, #tpu.memory_space<vmem>>, vector<1x1x16xi32>,
    %get3A_121 = arith.constant 0 : i32
    %get3A_122 = arith.constant 2 : i32
    %get3A_123 = arith.index_cast %get3A_121 : i32 to index
    %get3A_124 = arith.index_cast %get3A_122 : i32 to index
    %get3A_125 = arith.constant 64 : index
    %get3A_126 = tpu.vector_load %arg7[%get3A_123, %get3A_124, %get3A_125] {strides = array<i32>} : memref<3x3x128xi32, #tpu.memory_space<vmem>>, vector<1x1x16xi32>,
    %get3A_127 = vector.shape_cast %get3A_126 : vector<1x1x16xi32> to vector<16xi32>
    %add3A_128 = vector.broadcast %mul3A_10 : i32 to vector<16xi32>
    %add3A_129 = arith.addi %get3A_127, %add3A_128 : vector<16xi32>
    %mul3A_130 = arith.constant 10112 : i32
    %mul3A_131 = vector.broadcast %mul3A_130 : i32 to vector<16xi32>
    %mul3A_132 = arith.muli %add3A_129, %mul3A_131 : vector<16xi32>
    %get3A_133 = arith.constant 0 : i32
    %get3A_134 = arith.constant 0 : i32
    %get3A_135 = arith.index_cast %get3A_133 : i32 to index
    %get3A_136 = arith.index_cast %get3A_134 : i32 to index
    %get3A_137 = arith.constant 64 : index
    %get3A_138 = tpu.vector_load %arg7[%get3A_135, %get3A_136, %get3A_137] {strides = array<i32>} : memref<3x3x128xi32, #tpu.memory_space<vmem>>, vector<1x1x16xi32>,
    %get3A_139 = vector.shape_cast %get3A_138 : vector<1x1x16xi32> to vector<16xi32>
    %add3A_140 = arith.addi %get3A_139, %mul3A_132 : vector<16xi32>
    %swap3A_141 = arith.constant 0 : i32
    %swap3A_142 = arith.constant 0 : i32
    %swap3A_143 = arith.index_cast %swap3A_141 : i32 to index
    %swap3A_144 = arith.index_cast %swap3A_142 : i32 to index
    %swap3A_145 = arith.constant 64 : index
    %swap3A_146 = tpu.vector_load %arg7[%swap3A_143, %swap3A_144, %swap3A_145] {strides = array<i32>} : memref<3x3x128xi32, #tpu.memory_space<vmem>>, vector<1x1x16xi32>,
    %swap3A_147 = vector.shape_cast %swap3A_146 : vector<1x1x16xi32> to vector<16xi32>
    %swap3A_148 = vector.shape_cast %add3A_140 : vector<16xi32> to vector<1x1x16xi32>
    tpu.vector_store %arg7[%swap3A_143, %swap3A_144, %swap3A_145], %swap3A_148 {strides = array<i32>} : memref<3x3x128xi32, #tpu.memory_space<vmem>>, vector<1x1x16xi32>,
    %get3A_149 = arith.constant 0 : i32
    %get3A_150 = arith.constant 2 : i32
    %get3A_151 = arith.index_cast %get3A_149 : i32 to index
    %get3A_152 = arith.index_cast %get3A_150 : i32 to index
    %get3A_153 = arith.constant 80 : index
    %get3A_154 = tpu.vector_load %arg7[%get3A_151, %get3A_152, %get3A_153] {strides = array<i32>} : memref<3x3x128xi32, #tpu.memory_space<vmem>>, vector<1x1x16xi32>,
    %get3A_155 = vector.shape_cast %get3A_154 : vector<1x1x16xi32> to vector<16xi32>
    %add3A_156 = vector.broadcast %mul3A_10 : i32 to vector<16xi32>
    %add3A_157 = arith.addi %get3A_155, %add3A_156 : vector<16xi32>
    %mul3A_158 = arith.constant 10112 : i32
    %mul3A_159 = vector.broadcast %mul3A_158 : i32 to vector<16xi32>
    %mul3A_160 = arith.muli %add3A_157, %mul3A_159 : vector<16xi32>
    %get3A_161 = arith.constant 0 : i32
    %get3A_162 = arith.constant 0 : i32
    %get3A_163 = arith.index_cast %get3A_161 : i32 to index
    %get3A_164 = arith.index_cast %get3A_162 : i32 to index
    %get3A_165 = arith.constant 80 : index
    %get3A_166 = tpu.vector_load %arg7[%get3A_163, %get3A_164, %get3A_165] {strides = array<i32>} : memref<3x3x128xi32, #tpu.memory_space<vmem>>, vector<1x1x16xi32>,
    %get3A_167 = vector.shape_cast %get3A_166 : vector<1x1x16xi32> to vector<16xi32>
    %add3A_168 = arith.addi %get3A_167, %mul3A_160 : vector<16xi32>
    %swap3A_169 = arith.constant 0 : i32
    %swap3A_170 = arith.constant 0 : i32
    %swap3A_171 = arith.index_cast %swap3A_169 : i32 to index
    %swap3A_172 = arith.index_cast %swap3A_170 : i32 to index
    %swap3A_173 = arith.constant 80 : index
    %swap3A_174 = tpu.vector_load %arg7[%swap3A_171, %swap3A_172, %swap3A_173] {strides = array<i32>} : memref<3x3x128xi32, #tpu.memory_space<vmem>>, vector<1x1x16xi32>,
    %swap3A_175 = vector.shape_cast %swap3A_174 : vector<1x1x16xi32> to vector<16xi32>
    %swap3A_176 = vector.shape_cast %add3A_168 : vector<16xi32> to vector<1x1x16xi32>
    tpu.vector_store %arg7[%swap3A_171, %swap3A_172, %swap3A_173], %swap3A_176 {strides = array<i32>} : memref<3x3x128xi32, #tpu.memory_space<vmem>>, vector<1x1x16xi32>,
    %get3A_177 = arith.constant 0 : i32
    %get3A_178 = arith.constant 2 : i32
    %get3A_179 = arith.index_cast %get3A_177 : i32 to index
    %get3A_180 = arith.index_cast %get3A_178 : i32 to index
    %get3A_181 = arith.constant 96 : index
    %get3A_182 = tpu.vector_load %arg7[%get3A_179, %get3A_180, %get3A_181] {strides = array<i32>} : memref<3x3x128xi32, #tpu.memory_space<vmem>>, vector<1x1x16xi32>,
    %get3A_183 = vector.shape_cast %get3A_182 : vector<1x1x16xi32> to vector<16xi32>
    %add3A_184 = vector.broadcast %mul3A_10 : i32 to vector<16xi32>
    %add3A_185 = arith.addi %get3A_183, %add3A_184 : vector<16xi32>
    %mul3A_186 = arith.constant 10112 : i32
    %mul3A_187 = vector.broadcast %mul3A_186 : i32 to vector<16xi32>
    %mul3A_188 = arith.muli %add3A_185, %mul3A_187 : vector<16xi32>
    %get3A_189 = arith.constant 0 : i32
    %get3A_190 = arith.constant 0 : i32
    %get3A_191 = arith.index_cast %get3A_189 : i32 to index
    %get3A_192 = arith.index_cast %get3A_190 : i32 to index
    %get3A_193 = arith.constant 96 : index
    %get3A_194 = tpu.vector_load %arg7[%get3A_191, %get3A_192, %get3A_193] {strides = array<i32>} : memref<3x3x128xi32, #tpu.memory_space<vmem>>, vector<1x1x16xi32>,
    %get3A_195 = vector.shape_cast %get3A_194 : vector<1x1x16xi32> to vector<16xi32>
    %add3A_196 = arith.addi %get3A_195, %mul3A_188 : vector<16xi32>
    %swap3A_197 = arith.constant 0 : i32
    %swap3A_198 = arith.constant 0 : i32
    %swap3A_199 = arith.index_cast %swap3A_197 : i32 to index
    %swap3A_200 = arith.index_cast %swap3A_198 : i32 to index
    %swap3A_201 = arith.constant 96 : index
    %swap3A_202 = tpu.vector_load %arg7[%swap3A_199, %swap3A_200, %swap3A_201] {strides = array<i32>} : memref<3x3x128xi32, #tpu.memory_space<vmem>>, vector<1x1x16xi32>,
    %swap3A_203 = vector.shape_cast %swap3A_202 : vector<1x1x16xi32> to vector<16xi32>
    %swap3A_204 = vector.shape_cast %add3A_196 : vector<16xi32> to vector<1x1x16xi32>
    tpu.vector_store %arg7[%swap3A_199, %swap3A_200, %swap3A_201], %swap3A_204 {strides = array<i32>} : memref<3x3x128xi32, #tpu.memory_space<vmem>>, vector<1x1x16xi32>,
    %get3A_205 = arith.constant 0 : i32
    %get3A_206 = arith.constant 2 : i32
    %get3A_207 = arith.index_cast %get3A_205 : i32 to index
    %get3A_208 = arith.index_cast %get3A_206 : i32 to index
    %get3A_209 = arith.constant 112 : index
    %get3A_210 = tpu.vector_load %arg7[%get3A_207, %get3A_208, %get3A_209] {strides = array<i32>} : memref<3x3x128xi32, #tpu.memory_space<vmem>>, vector<1x1x16xi32>,
    %get3A_211 = vector.shape_cast %get3A_210 : vector<1x1x16xi32> to vector<16xi32>
    %add3A_212 = vector.broadcast %mul3A_10 : i32 to vector<16xi32>
    %add3A_213 = arith.addi %get3A_211, %add3A_212 : vector<16xi32>
    %mul3A_214 = arith.constant 10112 : i32
    %mul3A_215 = vector.broadcast %mul3A_214 : i32 to vector<16xi32>
    %mul3A_216 = arith.muli %add3A_213, %mul3A_215 : vector<16xi32>
    %get3A_217 = arith.constant 0 : i32
    %get3A_218 = arith.constant 0 : i32
    %get3A_219 = arith.index_cast %get3A_217 : i32 to index
    %get3A_220 = arith.index_cast %get3A_218 : i32 to index
    %get3A_221 = arith.constant 112 : index
    %get3A_222 = tpu.vector_load %arg7[%get3A_219, %get3A_220, %get3A_221] {strides = array<i32>} : memref<3x3x128xi32, #tpu.memory_space<vmem>>, vector<1x1x16xi32>,
    %get3A_223 = vector.shape_cast %get3A_222 : vector<1x1x16xi32> to vector<16xi32>
    %add3A_224 = arith.addi %get3A_223, %mul3A_216 : vector<16xi32>
    %swap3A_225 = arith.constant 0 : i32
    %swap3A_226 = arith.constant 0 : i32
    %swap3A_227 = arith.index_cast %swap3A_225 : i32 to index
    %swap3A_228 = arith.index_cast %swap3A_226 : i32 to index
    %swap3A_229 = arith.constant 112 : index
    %swap3A_230 = tpu.vector_load %arg7[%swap3A_227, %swap3A_228, %swap3A_229] {strides = array<i32>} : memref<3x3x128xi32, #tpu.memory_space<vmem>>, vector<1x1x16xi32>,
    %swap3A_231 = vector.shape_cast %swap3A_230 : vector<1x1x16xi32> to vector<16xi32>
    %swap3A_232 = vector.shape_cast %add3A_224 : vector<16xi32> to vector<1x1x16xi32>
    tpu.vector_store %arg7[%swap3A_227, %swap3A_228, %swap3A_229], %swap3A_232 {strides = array<i32>} : memref<3x3x128xi32, #tpu.memory_space<vmem>>, vector<1x1x16xi32>,
    %dma_start3A = arith.constant 0 : i32
    %dma_start3A_233 = arith.constant 0 : i32
    %dma_start3A_234 = arith.constant 0 : i32
    %dma_start3A_235 = arith.constant 0 : i32
    %dma_start3A_236 = arith.constant 0 : i32
    %dma_start3A_237 = tpu.memref_slice %arg8[%dma_start3A_234, %dma_start3A_235, %dma_start3A_236] : memref<2x128x128xf32, #tpu.memory_space<vmem>> -> memref<1x128x128xf32, #tpu.memory_space<vmem>>
    %dma_start3A_238 = tpu.memref_squeeze %dma_start3A_237 : memref<1x128x128xf32, #tpu.memory_space<vmem>> -> memref<128x128xf32, #tpu.memory_space<vmem>>
    %dma_start3A_239 = arith.constant 0 : i32
    %dma_start3A_240 = tpu.memref_slice %arg7[%dma_start3A, %dma_start3A_233, %dma_start3A_239] : memref<3x3x128xi32, #tpu.memory_space<vmem>> -> memref<1x1x128xi32, #tpu.memory_space<vmem>>
    %dma_start3A_241 = tpu.memref_squeeze %dma_start3A_240 : memref<1x1x128xi32, #tpu.memory_space<vmem>> -> memref<128xi32, #tpu.memory_space<vmem>>
    %dma_start3A_242 = arith.constant 0 : i32
    %dma_start3A_243 = arith.constant 0 : i32
    %dma_start3A_244 = tpu.memref_slice %arg3[%dma_start3A_242, %dma_start3A_243] : memref<647168x128xf32, #tpu.memory_space<hbm>> -> memref<647168x128xf32, #tpu.memory_space<hbm>>
    tpu.enqueue_indirect_dma source(%dma_start3A_244 : memref<647168x128xf32, #tpu.memory_space<hbm>>) target(%dma_start3A_238 : memref<128x128xf32, #tpu.memory_space<vmem>>) offsets(%dma_start3A_241 : memref<128xi32, #tpu.memory_space<vmem>>) semaphore(%arg10 : memref<!tpu.dma_semaphore, #tpu.memory_space<semaphore_mem>>)
    %add3A_245 = arith.constant 1 : i32
    %add3A_246 = arith.addi %mul3A_6, %add3A_245 : i32
    %dma_start3A_247 = arith.constant 1 : i32
    %dma_start3A_248 = arith.constant 0 : i32
    %dma_start3A_249 = arith.constant 0 : i32
    %dma_start3A_250 = tpu.memref_slice %arg7[%dma_start3A_247, %dma_start3A_248, %dma_start3A_249] : memref<3x3x128xi32, #tpu.memory_space<vmem>> -> memref<1x3x128xi32, #tpu.memory_space<vmem>>
    %dma_start3A_251 = tpu.memref_squeeze %dma_start3A_250 : memref<1x3x128xi32, #tpu.memory_space<vmem>> -> memref<3x128xi32, #tpu.memory_space<vmem>>
    %dma_start3A_252 = arith.constant 0 : i32
    %dma_start3A_253 = arith.constant 0 : i32
    %dma_start3A_254 = tpu.memref_slice %arg2[%add3A_246, %dma_start3A_252, %dma_start3A_253] : memref<2512x3x128xi32, #tpu.memory_space<hbm>> -> memref<1x3x128xi32, #tpu.memory_space<hbm>>
    %dma_start3A_255 = tpu.memref_squeeze %dma_start3A_254 : memref<1x3x128xi32, #tpu.memory_space<hbm>> -> memref<3x128xi32, #tpu.memory_space<hbm>>
    %dma_start3A_256 = arith.constant 0 : i32
    %dma_start3A_257 = arith.constant 0 : i32
    %dma_start3A_258 = tpu.memref_slice %arg7[%dma_start3A_247, %dma_start3A_256, %dma_start3A_257] : memref<3x3x128xi32, #tpu.memory_space<vmem>> -> memref<1x3x128xi32, #tpu.memory_space<vmem>>
    %dma_start3A_259 = tpu.memref_squeeze %dma_start3A_258 : memref<1x3x128xi32, #tpu.memory_space<vmem>> -> memref<3x128xi32, #tpu.memory_space<vmem>>
    %dma_start3A_260 = arith.constant 0 : i32
    %dma_start3A_261 = arith.constant 0 : i32
    %dma_start3A_262 = tpu.memref_slice %arg2[%add3A_246, %dma_start3A_260, %dma_start3A_261] : memref<2512x3x128xi32, #tpu.memory_space<hbm>> -> memref<1x3x128xi32, #tpu.memory_space<hbm>>
    %dma_start3A_263 = tpu.memref_squeeze %dma_start3A_262 : memref<1x3x128xi32, #tpu.memory_space<hbm>> -> memref<3x128xi32, #tpu.memory_space<hbm>>
    tpu.enqueue_dma source(%dma_start3A_263 : memref<3x128xi32, #tpu.memory_space<hbm>>) target(%dma_start3A_259 : memref<3x128xi32, #tpu.memory_space<vmem>>) target_semaphore(%arg9 : memref<!tpu.dma_semaphore, #tpu.memory_space<semaphore_mem>>)
    %scan3A = arith.constant 0 : i32
    %scan3A_264 = arith.constant 0 : i32
    %scan3A_265 = arith.constant 157 : i32
    %scan3A_266 = arith.addi %scan3A_264, %scan3A_265 : i32
    %scan3A_267 = arith.constant 1 : i32
    scf.for %scan3A_289 = %scan3A_264 to %scan3A_266 step %scan3A_267  : i32 {
      %rem3A = arith.constant 2 : i32
      %rem3A_290 = arith.remsi %scan3A_289, %rem3A : i32
      %add3A_291 = arith.constant 1 : i32
      %add3A_292 = arith.addi %scan3A_289, %add3A_291 : i32
      %rem3A_293 = arith.constant 2 : i32
      %rem3A_294 = arith.remsi %add3A_292, %rem3A_293 : i32
      %rem3A_295 = arith.constant 3 : i32
      %rem3A_296 = arith.remsi %scan3A_289, %rem3A_295 : i32
      %add3A_297 = arith.constant 1 : i32
      %add3A_298 = arith.addi %scan3A_289, %add3A_297 : i32
      %rem3A_299 = arith.constant 3 : i32
      %rem3A_300 = arith.remsi %add3A_298, %rem3A_299 : i32
      %add3A_301 = arith.constant 2 : i32
      %add3A_302 = arith.addi %scan3A_289, %add3A_301 : i32
      %rem3A_303 = arith.constant 3 : i32
      %rem3A_304 = arith.remsi %add3A_302, %rem3A_303 : i32
      %ge3A = arith.constant 1 : i32
      %ge3A_305 = arith.cmpi sge, %scan3A_289, %ge3A : i32
      %convert_element_type3A = arith.extui %ge3A_305 : i1 to i32
      %cond3A = arith.constant 0 : i32
      %cond3A_306 = arith.cmpi ne, %convert_element_type3A, %cond3A : i32
      scf.if %cond3A_306 {
        %dma_wait3A_342 = arith.constant 1 : i32
        %dma_wait3A_343 = arith.constant 0 : i32
        %dma_wait3A_344 = arith.constant 0 : i32
        %dma_wait3A_345 = tpu.memref_slice %arg8[%rem3A_294, %dma_wait3A_343, %dma_wait3A_344] : memref<2x128x128xf32, #tpu.memory_space<vmem>> -> memref<1x128x128xf32, #tpu.memory_space<vmem>>
        %dma_wait3A_346 = tpu.memref_squeeze %dma_wait3A_345 : memref<1x128x128xf32, #tpu.memory_space<vmem>> -> memref<128x128xf32, #tpu.memory_space<vmem>>
        %dma_wait3A_347 = arith.constant 0 : i32
        %dma_wait3A_348 = tpu.memref_slice %arg7[%rem3A_304, %dma_wait3A_342, %dma_wait3A_347] : memref<3x3x128xi32, #tpu.memory_space<vmem>> -> memref<1x1x128xi32, #tpu.memory_space<vmem>>
        %dma_wait3A_349 = tpu.memref_squeeze %dma_wait3A_348 : memref<1x1x128xi32, #tpu.memory_space<vmem>> -> memref<128xi32, #tpu.memory_space<vmem>>
        %dma_wait3A_350 = arith.constant 0 : i32
        %dma_wait3A_351 = arith.constant 0 : i32
        %dma_wait3A_352 = tpu.memref_slice %arg6[%dma_wait3A_350, %dma_wait3A_351] : memref<10112x128xf32, #tpu.memory_space<vmem_shared>> -> memref<10112x128xf32, #tpu.memory_space<vmem_shared>>
        tpu.wait_indirect_dma semaphore(%arg11 : memref<!tpu.dma_semaphore, #tpu.memory_space<semaphore_mem>>) src(%dma_wait3A_346 : memref<128x128xf32, #tpu.memory_space<vmem>>) dst(%dma_wait3A_352 : memref<10112x128xf32, #tpu.memory_space<vmem_shared>>)
      } else {
      }
      %dma_wait3A_307 = arith.constant 0 : i32
      %dma_wait3A_308 = arith.constant 0 : i32
      %dma_wait3A_309 = arith.constant 0 : i32
      %dma_wait3A_310 = tpu.memref_slice %arg8[%rem3A_290, %dma_wait3A_308, %dma_wait3A_309] : memref<2x128x128xf32, #tpu.memory_space<vmem>> -> memref<1x128x128xf32, #tpu.memory_space<vmem>>
      %dma_wait3A_311 = tpu.memref_squeeze %dma_wait3A_310 : memref<1x128x128xf32, #tpu.memory_space<vmem>> -> memref<128x128xf32, #tpu.memory_space<vmem>>
      %dma_wait3A_312 = arith.constant 0 : i32
      %dma_wait3A_313 = tpu.memref_slice %arg7[%rem3A_296, %dma_wait3A_307, %dma_wait3A_312] : memref<3x3x128xi32, #tpu.memory_space<vmem>> -> memref<1x1x128xi32, #tpu.memory_space<vmem>>
      %dma_wait3A_314 = tpu.memref_squeeze %dma_wait3A_313 : memref<1x1x128xi32, #tpu.memory_space<vmem>> -> memref<128xi32, #tpu.memory_space<vmem>>
      %dma_wait3A_315 = arith.constant 0 : i32
      %dma_wait3A_316 = arith.constant 0 : i32
      %dma_wait3A_317 = tpu.memref_slice %arg3[%dma_wait3A_315, %dma_wait3A_316] : memref<647168x128xf32, #tpu.memory_space<hbm>> -> memref<647168x128xf32, #tpu.memory_space<hbm>>
      tpu.wait_indirect_dma semaphore(%arg10 : memref<!tpu.dma_semaphore, #tpu.memory_space<semaphore_mem>>) src(%dma_wait3A_317 : memref<647168x128xf32, #tpu.memory_space<hbm>>) dst(%dma_wait3A_311 : memref<128x128xf32, #tpu.memory_space<vmem>>)
      %add3A_318 = arith.constant 1 : i32
      %add3A_319 = arith.addi %scan3A_289, %add3A_318 : i32
      %lt3A = arith.constant 157 : i32
      %lt3A_320 = arith.cmpi slt, %add3A_319, %lt3A : i32
      %convert_element_type3A_321 = arith.extui %lt3A_320 : i1 to i32
      %cond3A_322 = arith.constant 0 : i32
      %cond3A_323 = arith.cmpi ne, %convert_element_type3A_321, %cond3A_322 : i32
      scf.if %cond3A_323 {
        %add3A_342 = arith.addi %mul3A_6, %scan3A_289 : i32
        %add3A_343 = arith.constant 1 : i32
        %add3A_344 = arith.addi %add3A_342, %add3A_343 : i32
        %dma_wait3A_345 = arith.constant 0 : i32
        %dma_wait3A_346 = arith.constant 0 : i32
        %dma_wait3A_347 = tpu.memref_slice %arg7[%rem3A_300, %dma_wait3A_345, %dma_wait3A_346] : memref<3x3x128xi32, #tpu.memory_space<vmem>> -> memref<1x3x128xi32, #tpu.memory_space<vmem>>
        %dma_wait3A_348 = tpu.memref_squeeze %dma_wait3A_347 : memref<1x3x128xi32, #tpu.memory_space<vmem>> -> memref<3x128xi32, #tpu.memory_space<vmem>>
        %dma_wait3A_349 = arith.constant 0 : i32
        %dma_wait3A_350 = arith.constant 0 : i32
        %dma_wait3A_351 = tpu.memref_slice %arg2[%add3A_344, %dma_wait3A_349, %dma_wait3A_350] : memref<2512x3x128xi32, #tpu.memory_space<hbm>> -> memref<1x3x128xi32, #tpu.memory_space<hbm>>
        %dma_wait3A_352 = tpu.memref_squeeze %dma_wait3A_351 : memref<1x3x128xi32, #tpu.memory_space<hbm>> -> memref<3x128xi32, #tpu.memory_space<hbm>>
        %dma_wait3A_353 = arith.constant 0 : i32
        %dma_wait3A_354 = arith.constant 0 : i32
        %dma_wait3A_355 = tpu.memref_slice %arg7[%rem3A_300, %dma_wait3A_353, %dma_wait3A_354] : memref<3x3x128xi32, #tpu.memory_space<vmem>> -> memref<1x3x128xi32, #tpu.memory_space<vmem>>
        %dma_wait3A_356 = tpu.memref_squeeze %dma_wait3A_355 : memref<1x3x128xi32, #tpu.memory_space<vmem>> -> memref<3x128xi32, #tpu.memory_space<vmem>>
        %dma_wait3A_357 = arith.constant 0 : i32
        %dma_wait3A_358 = arith.constant 0 : i32
        %dma_wait3A_359 = tpu.memref_slice %arg2[%add3A_344, %dma_wait3A_357, %dma_wait3A_358] : memref<2512x3x128xi32, #tpu.memory_space<hbm>> -> memref<1x3x128xi32, #tpu.memory_space<hbm>>
        %dma_wait3A_360 = tpu.memref_squeeze %dma_wait3A_359 : memref<1x3x128xi32, #tpu.memory_space<hbm>> -> memref<3x128xi32, #tpu.memory_space<hbm>>
        tpu.wait_dma2 semaphore(%arg9 : memref<!tpu.dma_semaphore, #tpu.memory_space<semaphore_mem>>) src(%dma_wait3A_360 : memref<3x128xi32, #tpu.memory_space<hbm>>) dst(%dma_wait3A_356 : memref<3x128xi32, #tpu.memory_space<vmem>>)
        %get3A_361 = arith.constant 2 : i32
        %get3A_362 = arith.index_cast %rem3A_300 : i32 to index
        %get3A_363 = arith.index_cast %get3A_361 : i32 to index
        %get3A_364 = arith.constant 0 : index
        %get3A_365 = tpu.vector_load %arg7[%get3A_362, %get3A_363, %get3A_364] {strides = array<i32>} : memref<3x3x128xi32, #tpu.memory_space<vmem>>, vector<1x1x16xi32>,
        %get3A_366 = vector.shape_cast %get3A_365 : vector<1x1x16xi32> to vector<16xi32>
        %add3A_367 = vector.broadcast %mul3A_10 : i32 to vector<16xi32>
        %add3A_368 = arith.addi %get3A_366, %add3A_367 : vector<16xi32>
        %mul3A_369 = arith.constant 10112 : i32
        %mul3A_370 = vector.broadcast %mul3A_369 : i32 to vector<16xi32>
        %mul3A_371 = arith.muli %add3A_368, %mul3A_370 : vector<16xi32>
        %get3A_372 = arith.constant 0 : i32
        %get3A_373 = arith.index_cast %rem3A_300 : i32 to index
        %get3A_374 = arith.index_cast %get3A_372 : i32 to index
        %get3A_375 = arith.constant 0 : index
        %get3A_376 = tpu.vector_load %arg7[%get3A_373, %get3A_374, %get3A_375] {strides = array<i32>} : memref<3x3x128xi32, #tpu.memory_space<vmem>>, vector<1x1x16xi32>,
        %get3A_377 = vector.shape_cast %get3A_376 : vector<1x1x16xi32> to vector<16xi32>
        %add3A_378 = arith.addi %get3A_377, %mul3A_371 : vector<16xi32>
        %swap3A_379 = arith.constant 0 : i32
        %swap3A_380 = arith.index_cast %rem3A_300 : i32 to index
        %swap3A_381 = arith.index_cast %swap3A_379 : i32 to index
        %swap3A_382 = arith.constant 0 : index
        %swap3A_383 = tpu.vector_load %arg7[%swap3A_380, %swap3A_381, %swap3A_382] {strides = array<i32>} : memref<3x3x128xi32, #tpu.memory_space<vmem>>, vector<1x1x16xi32>,
        %swap3A_384 = vector.shape_cast %swap3A_383 : vector<1x1x16xi32> to vector<16xi32>
        %swap3A_385 = vector.shape_cast %add3A_378 : vector<16xi32> to vector<1x1x16xi32>
        tpu.vector_store %arg7[%swap3A_380, %swap3A_381, %swap3A_382], %swap3A_385 {strides = array<i32>} : memref<3x3x128xi32, #tpu.memory_space<vmem>>, vector<1x1x16xi32>,
        %get3A_386 = arith.constant 2 : i32
        %get3A_387 = arith.index_cast %rem3A_300 : i32 to index
        %get3A_388 = arith.index_cast %get3A_386 : i32 to index
        %get3A_389 = arith.constant 16 : index
        %get3A_390 = tpu.vector_load %arg7[%get3A_387, %get3A_388, %get3A_389] {strides = array<i32>} : memref<3x3x128xi32, #tpu.memory_space<vmem>>, vector<1x1x16xi32>,
        %get3A_391 = vector.shape_cast %get3A_390 : vector<1x1x16xi32> to vector<16xi32>
        %add3A_392 = vector.broadcast %mul3A_10 : i32 to vector<16xi32>
        %add3A_393 = arith.addi %get3A_391, %add3A_392 : vector<16xi32>
        %mul3A_394 = arith.constant 10112 : i32
        %mul3A_395 = vector.broadcast %mul3A_394 : i32 to vector<16xi32>
        %mul3A_396 = arith.muli %add3A_393, %mul3A_395 : vector<16xi32>
        %get3A_397 = arith.constant 0 : i32
        %get3A_398 = arith.index_cast %rem3A_300 : i32 to index
        %get3A_399 = arith.index_cast %get3A_397 : i32 to index
        %get3A_400 = arith.constant 16 : index
        %get3A_401 = tpu.vector_load %arg7[%get3A_398, %get3A_399, %get3A_400] {strides = array<i32>} : memref<3x3x128xi32, #tpu.memory_space<vmem>>, vector<1x1x16xi32>,
        %get3A_402 = vector.shape_cast %get3A_401 : vector<1x1x16xi32> to vector<16xi32>
        %add3A_403 = arith.addi %get3A_402, %mul3A_396 : vector<16xi32>
        %swap3A_404 = arith.constant 0 : i32
        %swap3A_405 = arith.index_cast %rem3A_300 : i32 to index
        %swap3A_406 = arith.index_cast %swap3A_404 : i32 to index
        %swap3A_407 = arith.constant 16 : index
        %swap3A_408 = tpu.vector_load %arg7[%swap3A_405, %swap3A_406, %swap3A_407] {strides = array<i32>} : memref<3x3x128xi32, #tpu.memory_space<vmem>>, vector<1x1x16xi32>,
        %swap3A_409 = vector.shape_cast %swap3A_408 : vector<1x1x16xi32> to vector<16xi32>
        %swap3A_410 = vector.shape_cast %add3A_403 : vector<16xi32> to vector<1x1x16xi32>
        tpu.vector_store %arg7[%swap3A_405, %swap3A_406, %swap3A_407], %swap3A_410 {strides = array<i32>} : memref<3x3x128xi32, #tpu.memory_space<vmem>>, vector<1x1x16xi32>,
        %get3A_411 = arith.constant 2 : i32
        %get3A_412 = arith.index_cast %rem3A_300 : i32 to index
        %get3A_413 = arith.index_cast %get3A_411 : i32 to index
        %get3A_414 = arith.constant 32 : index
        %get3A_415 = tpu.vector_load %arg7[%get3A_412, %get3A_413, %get3A_414] {strides = array<i32>} : memref<3x3x128xi32, #tpu.memory_space<vmem>>, vector<1x1x16xi32>,
        %get3A_416 = vector.shape_cast %get3A_415 : vector<1x1x16xi32> to vector<16xi32>
        %add3A_417 = vector.broadcast %mul3A_10 : i32 to vector<16xi32>
        %add3A_418 = arith.addi %get3A_416, %add3A_417 : vector<16xi32>
        %mul3A_419 = arith.constant 10112 : i32
        %mul3A_420 = vector.broadcast %mul3A_419 : i32 to vector<16xi32>
        %mul3A_421 = arith.muli %add3A_418, %mul3A_420 : vector<16xi32>
        %get3A_422 = arith.constant 0 : i32
        %get3A_423 = arith.index_cast %rem3A_300 : i32 to index
        %get3A_424 = arith.index_cast %get3A_422 : i32 to index
        %get3A_425 = arith.constant 32 : index
        %get3A_426 = tpu.vector_load %arg7[%get3A_423, %get3A_424, %get3A_425] {strides = array<i32>} : memref<3x3x128xi32, #tpu.memory_space<vmem>>, vector<1x1x16xi32>,
        %get3A_427 = vector.shape_cast %get3A_426 : vector<1x1x16xi32> to vector<16xi32>
        %add3A_428 = arith.addi %get3A_427, %mul3A_421 : vector<16xi32>
        %swap3A_429 = arith.constant 0 : i32
        %swap3A_430 = arith.index_cast %rem3A_300 : i32 to index
        %swap3A_431 = arith.index_cast %swap3A_429 : i32 to index
        %swap3A_432 = arith.constant 32 : index
        %swap3A_433 = tpu.vector_load %arg7[%swap3A_430, %swap3A_431, %swap3A_432] {strides = array<i32>} : memref<3x3x128xi32, #tpu.memory_space<vmem>>, vector<1x1x16xi32>,
        %swap3A_434 = vector.shape_cast %swap3A_433 : vector<1x1x16xi32> to vector<16xi32>
        %swap3A_435 = vector.shape_cast %add3A_428 : vector<16xi32> to vector<1x1x16xi32>
        tpu.vector_store %arg7[%swap3A_430, %swap3A_431, %swap3A_432], %swap3A_435 {strides = array<i32>} : memref<3x3x128xi32, #tpu.memory_space<vmem>>, vector<1x1x16xi32>,
        %get3A_436 = arith.constant 2 : i32
        %get3A_437 = arith.index_cast %rem3A_300 : i32 to index
        %get3A_438 = arith.index_cast %get3A_436 : i32 to index
        %get3A_439 = arith.constant 48 : index
        %get3A_440 = tpu.vector_load %arg7[%get3A_437, %get3A_438, %get3A_439] {strides = array<i32>} : memref<3x3x128xi32, #tpu.memory_space<vmem>>, vector<1x1x16xi32>,
        %get3A_441 = vector.shape_cast %get3A_440 : vector<1x1x16xi32> to vector<16xi32>
        %add3A_442 = vector.broadcast %mul3A_10 : i32 to vector<16xi32>
        %add3A_443 = arith.addi %get3A_441, %add3A_442 : vector<16xi32>
        %mul3A_444 = arith.constant 10112 : i32
        %mul3A_445 = vector.broadcast %mul3A_444 : i32 to vector<16xi32>
        %mul3A_446 = arith.muli %add3A_443, %mul3A_445 : vector<16xi32>
        %get3A_447 = arith.constant 0 : i32
        %get3A_448 = arith.index_cast %rem3A_300 : i32 to index
        %get3A_449 = arith.index_cast %get3A_447 : i32 to index
        %get3A_450 = arith.constant 48 : index
        %get3A_451 = tpu.vector_load %arg7[%get3A_448, %get3A_449, %get3A_450] {strides = array<i32>} : memref<3x3x128xi32, #tpu.memory_space<vmem>>, vector<1x1x16xi32>,
        %get3A_452 = vector.shape_cast %get3A_451 : vector<1x1x16xi32> to vector<16xi32>
        %add3A_453 = arith.addi %get3A_452, %mul3A_446 : vector<16xi32>
        %swap3A_454 = arith.constant 0 : i32
        %swap3A_455 = arith.index_cast %rem3A_300 : i32 to index
        %swap3A_456 = arith.index_cast %swap3A_454 : i32 to index
        %swap3A_457 = arith.constant 48 : index
        %swap3A_458 = tpu.vector_load %arg7[%swap3A_455, %swap3A_456, %swap3A_457] {strides = array<i32>} : memref<3x3x128xi32, #tpu.memory_space<vmem>>, vector<1x1x16xi32>,
        %swap3A_459 = vector.shape_cast %swap3A_458 : vector<1x1x16xi32> to vector<16xi32>
        %swap3A_460 = vector.shape_cast %add3A_453 : vector<16xi32> to vector<1x1x16xi32>
        tpu.vector_store %arg7[%swap3A_455, %swap3A_456, %swap3A_457], %swap3A_460 {strides = array<i32>} : memref<3x3x128xi32, #tpu.memory_space<vmem>>, vector<1x1x16xi32>,
        %get3A_461 = arith.constant 2 : i32
        %get3A_462 = arith.index_cast %rem3A_300 : i32 to index
        %get3A_463 = arith.index_cast %get3A_461 : i32 to index
        %get3A_464 = arith.constant 64 : index
        %get3A_465 = tpu.vector_load %arg7[%get3A_462, %get3A_463, %get3A_464] {strides = array<i32>} : memref<3x3x128xi32, #tpu.memory_space<vmem>>, vector<1x1x16xi32>,
        %get3A_466 = vector.shape_cast %get3A_465 : vector<1x1x16xi32> to vector<16xi32>
        %add3A_467 = vector.broadcast %mul3A_10 : i32 to vector<16xi32>
        %add3A_468 = arith.addi %get3A_466, %add3A_467 : vector<16xi32>
        %mul3A_469 = arith.constant 10112 : i32
        %mul3A_470 = vector.broadcast %mul3A_469 : i32 to vector<16xi32>
        %mul3A_471 = arith.muli %add3A_468, %mul3A_470 : vector<16xi32>
        %get3A_472 = arith.constant 0 : i32
        %get3A_473 = arith.index_cast %rem3A_300 : i32 to index
        %get3A_474 = arith.index_cast %get3A_472 : i32 to index
        %get3A_475 = arith.constant 64 : index
        %get3A_476 = tpu.vector_load %arg7[%get3A_473, %get3A_474, %get3A_475] {strides = array<i32>} : memref<3x3x128xi32, #tpu.memory_space<vmem>>, vector<1x1x16xi32>,
        %get3A_477 = vector.shape_cast %get3A_476 : vector<1x1x16xi32> to vector<16xi32>
        %add3A_478 = arith.addi %get3A_477, %mul3A_471 : vector<16xi32>
        %swap3A_479 = arith.constant 0 : i32
        %swap3A_480 = arith.index_cast %rem3A_300 : i32 to index
        %swap3A_481 = arith.index_cast %swap3A_479 : i32 to index
        %swap3A_482 = arith.constant 64 : index
        %swap3A_483 = tpu.vector_load %arg7[%swap3A_480, %swap3A_481, %swap3A_482] {strides = array<i32>} : memref<3x3x128xi32, #tpu.memory_space<vmem>>, vector<1x1x16xi32>,
        %swap3A_484 = vector.shape_cast %swap3A_483 : vector<1x1x16xi32> to vector<16xi32>
        %swap3A_485 = vector.shape_cast %add3A_478 : vector<16xi32> to vector<1x1x16xi32>
        tpu.vector_store %arg7[%swap3A_480, %swap3A_481, %swap3A_482], %swap3A_485 {strides = array<i32>} : memref<3x3x128xi32, #tpu.memory_space<vmem>>, vector<1x1x16xi32>,
        %get3A_486 = arith.constant 2 : i32
        %get3A_487 = arith.index_cast %rem3A_300 : i32 to index
        %get3A_488 = arith.index_cast %get3A_486 : i32 to index
        %get3A_489 = arith.constant 80 : index
        %get3A_490 = tpu.vector_load %arg7[%get3A_487, %get3A_488, %get3A_489] {strides = array<i32>} : memref<3x3x128xi32, #tpu.memory_space<vmem>>, vector<1x1x16xi32>,
        %get3A_491 = vector.shape_cast %get3A_490 : vector<1x1x16xi32> to vector<16xi32>
        %add3A_492 = vector.broadcast %mul3A_10 : i32 to vector<16xi32>
        %add3A_493 = arith.addi %get3A_491, %add3A_492 : vector<16xi32>
        %mul3A_494 = arith.constant 10112 : i32
        %mul3A_495 = vector.broadcast %mul3A_494 : i32 to vector<16xi32>
        %mul3A_496 = arith.muli %add3A_493, %mul3A_495 : vector<16xi32>
        %get3A_497 = arith.constant 0 : i32
        %get3A_498 = arith.index_cast %rem3A_300 : i32 to index
        %get3A_499 = arith.index_cast %get3A_497 : i32 to index
        %get3A_500 = arith.constant 80 : index
        %get3A_501 = tpu.vector_load %arg7[%get3A_498, %get3A_499, %get3A_500] {strides = array<i32>} : memref<3x3x128xi32, #tpu.memory_space<vmem>>, vector<1x1x16xi32>,
        %get3A_502 = vector.shape_cast %get3A_501 : vector<1x1x16xi32> to vector<16xi32>
        %add3A_503 = arith.addi %get3A_502, %mul3A_496 : vector<16xi32>
        %swap3A_504 = arith.constant 0 : i32
        %swap3A_505 = arith.index_cast %rem3A_300 : i32 to index
        %swap3A_506 = arith.index_cast %swap3A_504 : i32 to index
        %swap3A_507 = arith.constant 80 : index
        %swap3A_508 = tpu.vector_load %arg7[%swap3A_505, %swap3A_506, %swap3A_507] {strides = array<i32>} : memref<3x3x128xi32, #tpu.memory_space<vmem>>, vector<1x1x16xi32>,
        %swap3A_509 = vector.shape_cast %swap3A_508 : vector<1x1x16xi32> to vector<16xi32>
        %swap3A_510 = vector.shape_cast %add3A_503 : vector<16xi32> to vector<1x1x16xi32>
        tpu.vector_store %arg7[%swap3A_505, %swap3A_506, %swap3A_507], %swap3A_510 {strides = array<i32>} : memref<3x3x128xi32, #tpu.memory_space<vmem>>, vector<1x1x16xi32>,
        %get3A_511 = arith.constant 2 : i32
        %get3A_512 = arith.index_cast %rem3A_300 : i32 to index
        %get3A_513 = arith.index_cast %get3A_511 : i32 to index
        %get3A_514 = arith.constant 96 : index
        %get3A_515 = tpu.vector_load %arg7[%get3A_512, %get3A_513, %get3A_514] {strides = array<i32>} : memref<3x3x128xi32, #tpu.memory_space<vmem>>, vector<1x1x16xi32>,
        %get3A_516 = vector.shape_cast %get3A_515 : vector<1x1x16xi32> to vector<16xi32>
        %add3A_517 = vector.broadcast %mul3A_10 : i32 to vector<16xi32>
        %add3A_518 = arith.addi %get3A_516, %add3A_517 : vector<16xi32>
        %mul3A_519 = arith.constant 10112 : i32
        %mul3A_520 = vector.broadcast %mul3A_519 : i32 to vector<16xi32>
        %mul3A_521 = arith.muli %add3A_518, %mul3A_520 : vector<16xi32>
        %get3A_522 = arith.constant 0 : i32
        %get3A_523 = arith.index_cast %rem3A_300 : i32 to index
        %get3A_524 = arith.index_cast %get3A_522 : i32 to index
        %get3A_525 = arith.constant 96 : index
        %get3A_526 = tpu.vector_load %arg7[%get3A_523, %get3A_524, %get3A_525] {strides = array<i32>} : memref<3x3x128xi32, #tpu.memory_space<vmem>>, vector<1x1x16xi32>,
        %get3A_527 = vector.shape_cast %get3A_526 : vector<1x1x16xi32> to vector<16xi32>
        %add3A_528 = arith.addi %get3A_527, %mul3A_521 : vector<16xi32>
        %swap3A_529 = arith.constant 0 : i32
        %swap3A_530 = arith.index_cast %rem3A_300 : i32 to index
        %swap3A_531 = arith.index_cast %swap3A_529 : i32 to index
        %swap3A_532 = arith.constant 96 : index
        %swap3A_533 = tpu.vector_load %arg7[%swap3A_530, %swap3A_531, %swap3A_532] {strides = array<i32>} : memref<3x3x128xi32, #tpu.memory_space<vmem>>, vector<1x1x16xi32>,
        %swap3A_534 = vector.shape_cast %swap3A_533 : vector<1x1x16xi32> to vector<16xi32>
        %swap3A_535 = vector.shape_cast %add3A_528 : vector<16xi32> to vector<1x1x16xi32>
        tpu.vector_store %arg7[%swap3A_530, %swap3A_531, %swap3A_532], %swap3A_535 {strides = array<i32>} : memref<3x3x128xi32, #tpu.memory_space<vmem>>, vector<1x1x16xi32>,
        %get3A_536 = arith.constant 2 : i32
        %get3A_537 = arith.index_cast %rem3A_300 : i32 to index
        %get3A_538 = arith.index_cast %get3A_536 : i32 to index
        %get3A_539 = arith.constant 112 : index
        %get3A_540 = tpu.vector_load %arg7[%get3A_537, %get3A_538, %get3A_539] {strides = array<i32>} : memref<3x3x128xi32, #tpu.memory_space<vmem>>, vector<1x1x16xi32>,
        %get3A_541 = vector.shape_cast %get3A_540 : vector<1x1x16xi32> to vector<16xi32>
        %add3A_542 = vector.broadcast %mul3A_10 : i32 to vector<16xi32>
        %add3A_543 = arith.addi %get3A_541, %add3A_542 : vector<16xi32>
        %mul3A_544 = arith.constant 10112 : i32
        %mul3A_545 = vector.broadcast %mul3A_544 : i32 to vector<16xi32>
        %mul3A_546 = arith.muli %add3A_543, %mul3A_545 : vector<16xi32>
        %get3A_547 = arith.constant 0 : i32
        %get3A_548 = arith.index_cast %rem3A_300 : i32 to index
        %get3A_549 = arith.index_cast %get3A_547 : i32 to index
        %get3A_550 = arith.constant 112 : index
        %get3A_551 = tpu.vector_load %arg7[%get3A_548, %get3A_549, %get3A_550] {strides = array<i32>} : memref<3x3x128xi32, #tpu.memory_space<vmem>>, vector<1x1x16xi32>,
        %get3A_552 = vector.shape_cast %get3A_551 : vector<1x1x16xi32> to vector<16xi32>
        %add3A_553 = arith.addi %get3A_552, %mul3A_546 : vector<16xi32>
        %swap3A_554 = arith.constant 0 : i32
        %swap3A_555 = arith.index_cast %rem3A_300 : i32 to index
        %swap3A_556 = arith.index_cast %swap3A_554 : i32 to index
        %swap3A_557 = arith.constant 112 : index
        %swap3A_558 = tpu.vector_load %arg7[%swap3A_555, %swap3A_556, %swap3A_557] {strides = array<i32>} : memref<3x3x128xi32, #tpu.memory_space<vmem>>, vector<1x1x16xi32>,
        %swap3A_559 = vector.shape_cast %swap3A_558 : vector<1x1x16xi32> to vector<16xi32>
        %swap3A_560 = vector.shape_cast %add3A_553 : vector<16xi32> to vector<1x1x16xi32>
        tpu.vector_store %arg7[%swap3A_555, %swap3A_556, %swap3A_557], %swap3A_560 {strides = array<i32>} : memref<3x3x128xi32, #tpu.memory_space<vmem>>, vector<1x1x16xi32>,
        %dma_start3A_561 = arith.constant 0 : i32
        %dma_start3A_562 = arith.constant 0 : i32
        %dma_start3A_563 = arith.constant 0 : i32
        %dma_start3A_564 = tpu.memref_slice %arg8[%rem3A_294, %dma_start3A_562, %dma_start3A_563] : memref<2x128x128xf32, #tpu.memory_space<vmem>> -> memref<1x128x128xf32, #tpu.memory_space<vmem>>
        %dma_start3A_565 = tpu.memref_squeeze %dma_start3A_564 : memref<1x128x128xf32, #tpu.memory_space<vmem>> -> memref<128x128xf32, #tpu.memory_space<vmem>>
        %dma_start3A_566 = arith.constant 0 : i32
        %dma_start3A_567 = tpu.memref_slice %arg7[%rem3A_300, %dma_start3A_561, %dma_start3A_566] : memref<3x3x128xi32, #tpu.memory_space<vmem>> -> memref<1x1x128xi32, #tpu.memory_space<vmem>>
        %dma_start3A_568 = tpu.memref_squeeze %dma_start3A_567 : memref<1x1x128xi32, #tpu.memory_space<vmem>> -> memref<128xi32, #tpu.memory_space<vmem>>
        %dma_start3A_569 = arith.constant 0 : i32
        %dma_start3A_570 = arith.constant 0 : i32
        %dma_start3A_571 = tpu.memref_slice %arg3[%dma_start3A_569, %dma_start3A_570] : memref<647168x128xf32, #tpu.memory_space<hbm>> -> memref<647168x128xf32, #tpu.memory_space<hbm>>
        tpu.enqueue_indirect_dma source(%dma_start3A_571 : memref<647168x128xf32, #tpu.memory_space<hbm>>) target(%dma_start3A_565 : memref<128x128xf32, #tpu.memory_space<vmem>>) offsets(%dma_start3A_568 : memref<128xi32, #tpu.memory_space<vmem>>) semaphore(%arg10 : memref<!tpu.dma_semaphore, #tpu.memory_space<semaphore_mem>>)
      } else {
      }
      %add3A_324 = arith.constant 2 : i32
      %add3A_325 = arith.addi %scan3A_289, %add3A_324 : i32
      %lt3A_326 = arith.constant 157 : i32
      %lt3A_327 = arith.cmpi slt, %add3A_325, %lt3A_326 : i32
      %convert_element_type3A_328 = arith.extui %lt3A_327 : i1 to i32
      %cond3A_329 = arith.constant 0 : i32
      %cond3A_330 = arith.cmpi ne, %convert_element_type3A_328, %cond3A_329 : i32
      scf.if %cond3A_330 {
        %add3A_342 = arith.addi %mul3A_6, %scan3A_289 : i32
        %add3A_343 = arith.constant 2 : i32
        %add3A_344 = arith.addi %add3A_342, %add3A_343 : i32
        %dma_start3A_345 = arith.constant 0 : i32
        %dma_start3A_346 = arith.constant 0 : i32
        %dma_start3A_347 = tpu.memref_slice %arg7[%rem3A_304, %dma_start3A_345, %dma_start3A_346] : memref<3x3x128xi32, #tpu.memory_space<vmem>> -> memref<1x3x128xi32, #tpu.memory_space<vmem>>
        %dma_start3A_348 = tpu.memref_squeeze %dma_start3A_347 : memref<1x3x128xi32, #tpu.memory_space<vmem>> -> memref<3x128xi32, #tpu.memory_space<vmem>>
        %dma_start3A_349 = arith.constant 0 : i32
        %dma_start3A_350 = arith.constant 0 : i32
        %dma_start3A_351 = tpu.memref_slice %arg2[%add3A_344, %dma_start3A_349, %dma_start3A_350] : memref<2512x3x128xi32, #tpu.memory_space<hbm>> -> memref<1x3x128xi32, #tpu.memory_space<hbm>>
        %dma_start3A_352 = tpu.memref_squeeze %dma_start3A_351 : memref<1x3x128xi32, #tpu.memory_space<hbm>> -> memref<3x128xi32, #tpu.memory_space<hbm>>
        %dma_start3A_353 = arith.constant 0 : i32
        %dma_start3A_354 = arith.constant 0 : i32
        %dma_start3A_355 = tpu.memref_slice %arg7[%rem3A_304, %dma_start3A_353, %dma_start3A_354] : memref<3x3x128xi32, #tpu.memory_space<vmem>> -> memref<1x3x128xi32, #tpu.memory_space<vmem>>
        %dma_start3A_356 = tpu.memref_squeeze %dma_start3A_355 : memref<1x3x128xi32, #tpu.memory_space<vmem>> -> memref<3x128xi32, #tpu.memory_space<vmem>>
        %dma_start3A_357 = arith.constant 0 : i32
        %dma_start3A_358 = arith.constant 0 : i32
        %dma_start3A_359 = tpu.memref_slice %arg2[%add3A_344, %dma_start3A_357, %dma_start3A_358] : memref<2512x3x128xi32, #tpu.memory_space<hbm>> -> memref<1x3x128xi32, #tpu.memory_space<hbm>>
        %dma_start3A_360 = tpu.memref_squeeze %dma_start3A_359 : memref<1x3x128xi32, #tpu.memory_space<hbm>> -> memref<3x128xi32, #tpu.memory_space<hbm>>
        tpu.enqueue_dma source(%dma_start3A_360 : memref<3x128xi32, #tpu.memory_space<hbm>>) target(%dma_start3A_356 : memref<3x128xi32, #tpu.memory_space<vmem>>) target_semaphore(%arg9 : memref<!tpu.dma_semaphore, #tpu.memory_space<semaphore_mem>>)
      } else {
      }
      %dma_start3A_331 = arith.constant 1 : i32
      %dma_start3A_332 = arith.constant 0 : i32
      %dma_start3A_333 = arith.constant 0 : i32
      %dma_start3A_334 = tpu.memref_slice %arg8[%rem3A_290, %dma_start3A_332, %dma_start3A_333] : memref<2x128x128xf32, #tpu.memory_space<vmem>> -> memref<1x128x128xf32, #tpu.memory_space<vmem>>
      %dma_start3A_335 = tpu.memref_squeeze %dma_start3A_334 : memref<1x128x128xf32, #tpu.memory_space<vmem>> -> memref<128x128xf32, #tpu.memory_space<vmem>>
      %dma_start3A_336 = arith.constant 0 : i32
      %dma_start3A_337 = tpu.memref_slice %arg7[%rem3A_296, %dma_start3A_331, %dma_start3A_336] : memref<3x3x128xi32, #tpu.memory_space<vmem>> -> memref<1x1x128xi32, #tpu.memory_space<vmem>>
      %dma_start3A_338 = tpu.memref_squeeze %dma_start3A_337 : memref<1x1x128xi32, #tpu.memory_space<vmem>> -> memref<128xi32, #tpu.memory_space<vmem>>
      %dma_start3A_339 = arith.constant 0 : i32
      %dma_start3A_340 = arith.constant 0 : i32
      %dma_start3A_341 = tpu.memref_slice %arg6[%dma_start3A_339, %dma_start3A_340] : memref<10112x128xf32, #tpu.memory_space<vmem_shared>> -> memref<10112x128xf32, #tpu.memory_space<vmem_shared>>
      tpu.enqueue_indirect_dma source(%dma_start3A_335 : memref<128x128xf32, #tpu.memory_space<vmem>>) target(%dma_start3A_341 : memref<10112x128xf32, #tpu.memory_space<vmem_shared>>) offsets(%dma_start3A_338 : memref<128xi32, #tpu.memory_space<vmem>>) semaphore(%arg11 : memref<!tpu.dma_semaphore, #tpu.memory_space<semaphore_mem>>) {add = true}
    }
    %scan3A_268 = arith.constant 157 : i32
    %dma_wait3A = arith.constant 0 : i32
    %dma_wait3A_269 = arith.constant 0 : i32
    %dma_wait3A_270 = arith.constant 1 : i32
    %dma_wait3A_271 = arith.constant 0 : i32
    %dma_wait3A_272 = arith.constant 0 : i32
    %dma_wait3A_273 = tpu.memref_slice %arg8[%dma_wait3A, %dma_wait3A_271, %dma_wait3A_272] : memref<2x128x128xf32, #tpu.memory_space<vmem>> -> memref<1x128x128xf32, #tpu.memory_space<vmem>>
    %dma_wait3A_274 = tpu.memref_squeeze %dma_wait3A_273 : memref<1x128x128xf32, #tpu.memory_space<vmem>> -> memref<128x128xf32, #tpu.memory_space<vmem>>
    %dma_wait3A_275 = arith.constant 0 : i32
    %dma_wait3A_276 = tpu.memref_slice %arg7[%dma_wait3A_269, %dma_wait3A_270, %dma_wait3A_275] : memref<3x3x128xi32, #tpu.memory_space<vmem>> -> memref<1x1x128xi32, #tpu.memory_space<vmem>>
    %dma_wait3A_277 = tpu.memref_squeeze %dma_wait3A_276 : memref<1x1x128xi32, #tpu.memory_space<vmem>> -> memref<128xi32, #tpu.memory_space<vmem>>
    %dma_wait3A_278 = arith.constant 0 : i32
    %dma_wait3A_279 = arith.constant 0 : i32
    %dma_wait3A_280 = tpu.memref_slice %arg6[%dma_wait3A_278, %dma_wait3A_279] : memref<10112x128xf32, #tpu.memory_space<vmem_shared>> -> memref<10112x128xf32, #tpu.memory_space<vmem_shared>>
    tpu.wait_indirect_dma semaphore(%arg11 : memref<!tpu.dma_semaphore, #tpu.memory_space<semaphore_mem>>) src(%dma_wait3A_274 : memref<128x128xf32, #tpu.memory_space<vmem>>) dst(%dma_wait3A_280 : memref<10112x128xf32, #tpu.memory_space<vmem_shared>>)
    %barrier3A_281 = arith.constant 0 : index
    tpu.barrier barrier_id(%barrier3A_281)
    %mul3A_282 = arith.constant 632 : i32
    %mul3A_283 = arith.muli %arg1, %mul3A_282 : i32
    %mul3A_284 = arith.constant 10112 : i32
    %mul3A_285 = arith.muli %arg0, %mul3A_284 : i32
    %mul3A_286 = arith.constant 632 : i32
    %mul3A_287 = arith.muli %arg1, %mul3A_286 : i32
    %add3A_288 = arith.addi %mul3A_285, %mul3A_287 : i32
    "tpu.region"() ({
      %run_scoped3A_289 = tpu.sem_alloc : memref<!tpu.dma_semaphore, #tpu.memory_space<semaphore_mem>>
      %dma_start3A_290 = arith.constant 0 : i32
      %dma_start3A_291 = tpu.memref_slice %arg5[%add3A_288, %dma_start3A_290] : memref<20224x128xf32, #tpu.memory_space<hbm>> -> memref<632x128xf32, #tpu.memory_space<hbm>>
      %dma_start3A_292 = arith.constant 0 : i32
      %dma_start3A_293 = tpu.memref_slice %arg6[%mul3A_283, %dma_start3A_292] : memref<10112x128xf32, #tpu.memory_space<vmem_shared>> -> memref<632x128xf32, #tpu.memory_space<vmem_shared>>
      tpu.enqueue_dma source(%dma_start3A_293 : memref<632x128xf32, #tpu.memory_space<vmem_shared>>) target(%dma_start3A_291 : memref<632x128xf32, #tpu.memory_space<hbm>>) target_semaphore(%run_scoped3A_289 : memref<!tpu.dma_semaphore, #tpu.memory_space<semaphore_mem>>)
      %dma_wait3A_294 = arith.constant 0 : i32
      %dma_wait3A_295 = tpu.memref_slice %arg5[%add3A_288, %dma_wait3A_294] : memref<20224x128xf32, #tpu.memory_space<hbm>> -> memref<632x128xf32, #tpu.memory_space<hbm>>
      %dma_wait3A_296 = arith.constant 0 : i32
      %dma_wait3A_297 = tpu.memref_slice %arg6[%mul3A_283, %dma_wait3A_296] : memref<10112x128xf32, #tpu.memory_space<vmem_shared>> -> memref<632x128xf32, #tpu.memory_space<vmem_shared>>
      tpu.wait_dma2 semaphore(%run_scoped3A_289 : memref<!tpu.dma_semaphore, #tpu.memory_space<semaphore_mem>>) src(%dma_wait3A_297 : memref<632x128xf32, #tpu.memory_space<vmem_shared>>) dst(%dma_wait3A_295 : memref<632x128xf32, #tpu.memory_space<hbm>>)
      tpu.yield
    }) : () -> ()
    return
  }
}

#map = affine_map<(d0, d1) -> (0, 0, 0)>
#map1 = affine_map<(d0, d1) -> (0, 0)>
module attributes {stable_mosaic.version = 14 : i64} {
  func.func @_edge_agg(%arg0: i32, %arg1: i32, %arg2: memref<2512x3x128xi32, #tpu.memory_space<hbm>>, %arg3: memref<647168x128xf32, #tpu.memory_space<hbm>>, %arg4: memref<20224x128xf32, #tpu.memory_space<hbm>>, %arg5: memref<20224x128xf32, #tpu.memory_space<hbm>>, %arg6: memref<10112x128xf32, #tpu.memory_space<vmem_shared>>, %arg7: memref<3x3x128xi32, #tpu.memory_space<vmem>>, %arg8: memref<2x128x128xf32, #tpu.memory_space<vmem>>, %arg9: memref<!tpu.dma_semaphore, #tpu.memory_space<semaphore_mem>>, %arg10: memref<!tpu.dma_semaphore, #tpu.memory_space<semaphore_mem>>, %arg11: memref<!tpu.dma_semaphore, #tpu.memory_space<semaphore_mem>>) attributes {dimension_semantics = [#tpu.dimension_semantics<core_parallel>, #tpu.dimension_semantics<subcore_parallel>], iteration_bounds = array<i64: 2, 16>, scalar_prefetch = 0 : i64, scratch_operands = 6 : i64, tpu.core_type = #tpu.core_type<sc_vector_subcore>, window_params = [{transform_indices = #map}, {transform_indices = #map1}, {transform_indices = #map1}, {transform_indices = #map1}]} {
    %mul3A = arith.constant 10112 : i32
    %mul3A_0 = arith.muli %arg0, %mul3A : i32
    %mul3A_1 = arith.constant 632 : i32
    %mul3A_2 = arith.muli %arg1, %mul3A_1 : i32
    %add3A = arith.addi %mul3A_0, %mul3A_2 : i32
    %mul3A_3 = arith.constant 632 : i32
    %mul3A_4 = arith.muli %arg1, %mul3A_3 : i32
    "tpu.region"() ({
      %run_scoped3A_289 = tpu.sem_alloc : memref<!tpu.dma_semaphore, #tpu.memory_space<semaphore_mem>>
      %dma_start3A_290 = arith.constant 0 : i32
      %dma_start3A_291 = tpu.memref_slice %arg6[%mul3A_4, %dma_start3A_290] : memref<10112x128xf32, #tpu.memory_space<vmem_shared>> -> memref<632x128xf32, #tpu.memory_space<vmem_shared>>
      %dma_start3A_292 = arith.constant 0 : i32
      %dma_start3A_293 = tpu.memref_slice %arg4[%add3A, %dma_start3A_292] : memref<20224x128xf32, #tpu.memory_space<hbm>> -> memref<632x128xf32, #tpu.memory_space<hbm>>
      tpu.enqueue_dma source(%dma_start3A_293 : memref<632x128xf32, #tpu.memory_space<hbm>>) target(%dma_start3A_291 : memref<632x128xf32, #tpu.memory_space<vmem_shared>>) target_semaphore(%run_scoped3A_289 : memref<!tpu.dma_semaphore, #tpu.memory_space<semaphore_mem>>)
      %dma_wait3A_294 = arith.constant 0 : i32
      %dma_wait3A_295 = tpu.memref_slice %arg6[%mul3A_4, %dma_wait3A_294] : memref<10112x128xf32, #tpu.memory_space<vmem_shared>> -> memref<632x128xf32, #tpu.memory_space<vmem_shared>>
      %dma_wait3A_296 = arith.constant 0 : i32
      %dma_wait3A_297 = tpu.memref_slice %arg4[%add3A, %dma_wait3A_296] : memref<20224x128xf32, #tpu.memory_space<hbm>> -> memref<632x128xf32, #tpu.memory_space<hbm>>
      tpu.wait_dma2 semaphore(%run_scoped3A_289 : memref<!tpu.dma_semaphore, #tpu.memory_space<semaphore_mem>>) src(%dma_wait3A_297 : memref<632x128xf32, #tpu.memory_space<hbm>>) dst(%dma_wait3A_295 : memref<632x128xf32, #tpu.memory_space<vmem_shared>>)
      tpu.yield
    }) : () -> ()
    %barrier3A = arith.constant 0 : index
    tpu.barrier barrier_id(%barrier3A)
    %mul3A_5 = arith.constant 157 : i32
    %mul3A_6 = arith.muli %arg1, %mul3A_5 : i32
    %mul3A_7 = arith.constant 2 : i32
    %mul3A_8 = arith.muli %arg0, %mul3A_7 : i32
    %mul3A_9 = arith.constant 16 : i32
    %mul3A_10 = arith.muli %mul3A_8, %mul3A_9 : i32
    %run_scoped3A = arith.constant 0 : i32
    "tpu.region"() ({
      %run_scoped3A_289 = tpu.sem_alloc : memref<!tpu.dma_semaphore, #tpu.memory_space<semaphore_mem>>
      %dma_start3A_290 = arith.constant 0 : i32
      %dma_start3A_291 = arith.constant 0 : i32
      %dma_start3A_292 = tpu.memref_slice %arg7[%run_scoped3A, %dma_start3A_290, %dma_start3A_291] : memref<3x3x128xi32, #tpu.memory_space<vmem>> -> memref<1x3x128xi32, #tpu.memory_space<vmem>>
      %dma_start3A_293 = tpu.memref_squeeze %dma_start3A_292 : memref<1x3x128xi32, #tpu.memory_space<vmem>> -> memref<3x128xi32, #tpu.memory_space<vmem>>
      %dma_start3A_294 = arith.constant 0 : i32
      %dma_start3A_295 = arith.constant 0 : i32
      %dma_start3A_296 = tpu.memref_slice %arg2[%mul3A_6, %dma_start3A_294, %dma_start3A_295] : memref<2512x3x128xi32, #tpu.memory_space<hbm>> -> memref<1x3x128xi32, #tpu.memory_space<hbm>>
      %dma_start3A_297 = tpu.memref_squeeze %dma_start3A_296 : memref<1x3x128xi32, #tpu.memory_space<hbm>> -> memref<3x128xi32, #tpu.memory_space<hbm>>
      %dma_start3A_298 = arith.constant 0 : i32
      %dma_start3A_299 = arith.constant 0 : i32
      %dma_start3A_300 = tpu.memref_slice %arg7[%run_scoped3A, %dma_start3A_298, %dma_start3A_299] : memref<3x3x128xi32, #tpu.memory_space<vmem>> -> memref<1x3x128xi32, #tpu.memory_space<vmem>>
      %dma_start3A_301 = tpu.memref_squeeze %dma_start3A_300 : memref<1x3x128xi32, #tpu.memory_space<vmem>> -> memref<3x128xi32, #tpu.memory_space<vmem>>
      %dma_start3A_302 = arith.constant 0 : i32
      %dma_start3A_303 = arith.constant 0 : i32
      %dma_start3A_304 = tpu.memref_slice %arg2[%mul3A_6, %dma_start3A_302, %dma_start3A_303] : memref<2512x3x128xi32, #tpu.memory_space<hbm>> -> memref<1x3x128xi32, #tpu.memory_space<hbm>>
      %dma_start3A_305 = tpu.memref_squeeze %dma_start3A_304 : memref<1x3x128xi32, #tpu.memory_space<hbm>> -> memref<3x128xi32, #tpu.memory_space<hbm>>
      tpu.enqueue_dma source(%dma_start3A_305 : memref<3x128xi32, #tpu.memory_space<hbm>>) target(%dma_start3A_301 : memref<3x128xi32, #tpu.memory_space<vmem>>) target_semaphore(%run_scoped3A_289 : memref<!tpu.dma_semaphore, #tpu.memory_space<semaphore_mem>>)
      %dma_wait3A_306 = arith.constant 0 : i32
      %dma_wait3A_307 = arith.constant 0 : i32
      %dma_wait3A_308 = tpu.memref_slice %arg7[%run_scoped3A, %dma_wait3A_306, %dma_wait3A_307] : memref<3x3x128xi32, #tpu.memory_space<vmem>> -> memref<1x3x128xi32, #tpu.memory_space<vmem>>
      %dma_wait3A_309 = tpu.memref_squeeze %dma_wait3A_308 : memref<1x3x128xi32, #tpu.memory_space<vmem>> -> memref<3x128xi32, #tpu.memory_space<vmem>>
      %dma_wait3A_310 = arith.constant 0 : i32
      %dma_wait3A_311 = arith.constant 0 : i32
      %dma_wait3A_312 = tpu.memref_slice %arg2[%mul3A_6, %dma_wait3A_310, %dma_wait3A_311] : memref<2512x3x128xi32, #tpu.memory_space<hbm>> -> memref<1x3x128xi32, #tpu.memory_space<hbm>>
      %dma_wait3A_313 = tpu.memref_squeeze %dma_wait3A_312 : memref<1x3x128xi32, #tpu.memory_space<hbm>> -> memref<3x128xi32, #tpu.memory_space<hbm>>
      %dma_wait3A_314 = arith.constant 0 : i32
      %dma_wait3A_315 = arith.constant 0 : i32
      %dma_wait3A_316 = tpu.memref_slice %arg7[%run_scoped3A, %dma_wait3A_314, %dma_wait3A_315] : memref<3x3x128xi32, #tpu.memory_space<vmem>> -> memref<1x3x128xi32, #tpu.memory_space<vmem>>
      %dma_wait3A_317 = tpu.memref_squeeze %dma_wait3A_316 : memref<1x3x128xi32, #tpu.memory_space<vmem>> -> memref<3x128xi32, #tpu.memory_space<vmem>>
      %dma_wait3A_318 = arith.constant 0 : i32
      %dma_wait3A_319 = arith.constant 0 : i32
      %dma_wait3A_320 = tpu.memref_slice %arg2[%mul3A_6, %dma_wait3A_318, %dma_wait3A_319] : memref<2512x3x128xi32, #tpu.memory_space<hbm>> -> memref<1x3x128xi32, #tpu.memory_space<hbm>>
      %dma_wait3A_321 = tpu.memref_squeeze %dma_wait3A_320 : memref<1x3x128xi32, #tpu.memory_space<hbm>> -> memref<3x128xi32, #tpu.memory_space<hbm>>
      tpu.wait_dma2 semaphore(%run_scoped3A_289 : memref<!tpu.dma_semaphore, #tpu.memory_space<semaphore_mem>>) src(%dma_wait3A_321 : memref<3x128xi32, #tpu.memory_space<hbm>>) dst(%dma_wait3A_317 : memref<3x128xi32, #tpu.memory_space<vmem>>)
      tpu.yield
    }) : () -> ()
    %get3A = arith.constant 0 : i32
    %get3A_11 = arith.constant 2 : i32
    %get3A_12 = arith.index_cast %get3A : i32 to index
    %get3A_13 = arith.index_cast %get3A_11 : i32 to index
    %get3A_14 = arith.constant 0 : index
    %get3A_15 = tpu.vector_load %arg7[%get3A_12, %get3A_13, %get3A_14] {strides = array<i32>} : memref<3x3x128xi32, #tpu.memory_space<vmem>>, vector<1x1x16xi32>,
    %get3A_16 = vector.shape_cast %get3A_15 : vector<1x1x16xi32> to vector<16xi32>
    %add3A_17 = vector.broadcast %mul3A_10 : i32 to vector<16xi32>
    %add3A_18 = arith.addi %get3A_16, %add3A_17 : vector<16xi32>
    %mul3A_19 = arith.constant 10112 : i32
    %mul3A_20 = vector.broadcast %mul3A_19 : i32 to vector<16xi32>
    %mul3A_21 = arith.muli %add3A_18, %mul3A_20 : vector<16xi32>
    %get3A_22 = arith.constant 0 : i32
    %get3A_23 = arith.constant 0 : i32
    %get3A_24 = arith.index_cast %get3A_22 : i32 to index
    %get3A_25 = arith.index_cast %get3A_23 : i32 to index
    %get3A_26 = arith.constant 0 : index
    %get3A_27 = tpu.vector_load %arg7[%get3A_24, %get3A_25, %get3A_26] {strides = array<i32>} : memref<3x3x128xi32, #tpu.memory_space<vmem>>, vector<1x1x16xi32>,
    %get3A_28 = vector.shape_cast %get3A_27 : vector<1x1x16xi32> to vector<16xi32>
    %add3A_29 = arith.addi %get3A_28, %mul3A_21 : vector<16xi32>
    %swap3A = arith.constant 0 : i32
    %swap3A_30 = arith.constant 0 : i32
    %swap3A_31 = arith.index_cast %swap3A : i32 to index
    %swap3A_32 = arith.index_cast %swap3A_30 : i32 to index
    %swap3A_33 = arith.constant 0 : index
    %swap3A_34 = tpu.vector_load %arg7[%swap3A_31, %swap3A_32, %swap3A_33] {strides = array<i32>} : memref<3x3x128xi32, #tpu.memory_space<vmem>>, vector<1x1x16xi32>,
    %swap3A_35 = vector.shape_cast %swap3A_34 : vector<1x1x16xi32> to vector<16xi32>
    %swap3A_36 = vector.shape_cast %add3A_29 : vector<16xi32> to vector<1x1x16xi32>
    tpu.vector_store %arg7[%swap3A_31, %swap3A_32, %swap3A_33], %swap3A_36 {strides = array<i32>} : memref<3x3x128xi32, #tpu.memory_space<vmem>>, vector<1x1x16xi32>,
    %get3A_37 = arith.constant 0 : i32
    %get3A_38 = arith.constant 2 : i32
    %get3A_39 = arith.index_cast %get3A_37 : i32 to index
    %get3A_40 = arith.index_cast %get3A_38 : i32 to index
    %get3A_41 = arith.constant 16 : index
    %get3A_42 = tpu.vector_load %arg7[%get3A_39, %get3A_40, %get3A_41] {strides = array<i32>} : memref<3x3x128xi32, #tpu.memory_space<vmem>>, vector<1x1x16xi32>,
    %get3A_43 = vector.shape_cast %get3A_42 : vector<1x1x16xi32> to vector<16xi32>
    %add3A_44 = vector.broadcast %mul3A_10 : i32 to vector<16xi32>
    %add3A_45 = arith.addi %get3A_43, %add3A_44 : vector<16xi32>
    %mul3A_46 = arith.constant 10112 : i32
    %mul3A_47 = vector.broadcast %mul3A_46 : i32 to vector<16xi32>
    %mul3A_48 = arith.muli %add3A_45, %mul3A_47 : vector<16xi32>
    %get3A_49 = arith.constant 0 : i32
    %get3A_50 = arith.constant 0 : i32
    %get3A_51 = arith.index_cast %get3A_49 : i32 to index
    %get3A_52 = arith.index_cast %get3A_50 : i32 to index
    %get3A_53 = arith.constant 16 : index
    %get3A_54 = tpu.vector_load %arg7[%get3A_51, %get3A_52, %get3A_53] {strides = array<i32>} : memref<3x3x128xi32, #tpu.memory_space<vmem>>, vector<1x1x16xi32>,
    %get3A_55 = vector.shape_cast %get3A_54 : vector<1x1x16xi32> to vector<16xi32>
    %add3A_56 = arith.addi %get3A_55, %mul3A_48 : vector<16xi32>
    %swap3A_57 = arith.constant 0 : i32
    %swap3A_58 = arith.constant 0 : i32
    %swap3A_59 = arith.index_cast %swap3A_57 : i32 to index
    %swap3A_60 = arith.index_cast %swap3A_58 : i32 to index
    %swap3A_61 = arith.constant 16 : index
    %swap3A_62 = tpu.vector_load %arg7[%swap3A_59, %swap3A_60, %swap3A_61] {strides = array<i32>} : memref<3x3x128xi32, #tpu.memory_space<vmem>>, vector<1x1x16xi32>,
    %swap3A_63 = vector.shape_cast %swap3A_62 : vector<1x1x16xi32> to vector<16xi32>
    %swap3A_64 = vector.shape_cast %add3A_56 : vector<16xi32> to vector<1x1x16xi32>
    tpu.vector_store %arg7[%swap3A_59, %swap3A_60, %swap3A_61], %swap3A_64 {strides = array<i32>} : memref<3x3x128xi32, #tpu.memory_space<vmem>>, vector<1x1x16xi32>,
    %get3A_65 = arith.constant 0 : i32
    %get3A_66 = arith.constant 2 : i32
    %get3A_67 = arith.index_cast %get3A_65 : i32 to index
    %get3A_68 = arith.index_cast %get3A_66 : i32 to index
    %get3A_69 = arith.constant 32 : index
    %get3A_70 = tpu.vector_load %arg7[%get3A_67, %get3A_68, %get3A_69] {strides = array<i32>} : memref<3x3x128xi32, #tpu.memory_space<vmem>>, vector<1x1x16xi32>,
    %get3A_71 = vector.shape_cast %get3A_70 : vector<1x1x16xi32> to vector<16xi32>
    %add3A_72 = vector.broadcast %mul3A_10 : i32 to vector<16xi32>
    %add3A_73 = arith.addi %get3A_71, %add3A_72 : vector<16xi32>
    %mul3A_74 = arith.constant 10112 : i32
    %mul3A_75 = vector.broadcast %mul3A_74 : i32 to vector<16xi32>
    %mul3A_76 = arith.muli %add3A_73, %mul3A_75 : vector<16xi32>
    %get3A_77 = arith.constant 0 : i32
    %get3A_78 = arith.constant 0 : i32
    %get3A_79 = arith.index_cast %get3A_77 : i32 to index
    %get3A_80 = arith.index_cast %get3A_78 : i32 to index
    %get3A_81 = arith.constant 32 : index
    %get3A_82 = tpu.vector_load %arg7[%get3A_79, %get3A_80, %get3A_81] {strides = array<i32>} : memref<3x3x128xi32, #tpu.memory_space<vmem>>, vector<1x1x16xi32>,
    %get3A_83 = vector.shape_cast %get3A_82 : vector<1x1x16xi32> to vector<16xi32>
    %add3A_84 = arith.addi %get3A_83, %mul3A_76 : vector<16xi32>
    %swap3A_85 = arith.constant 0 : i32
    %swap3A_86 = arith.constant 0 : i32
    %swap3A_87 = arith.index_cast %swap3A_85 : i32 to index
    %swap3A_88 = arith.index_cast %swap3A_86 : i32 to index
    %swap3A_89 = arith.constant 32 : index
    %swap3A_90 = tpu.vector_load %arg7[%swap3A_87, %swap3A_88, %swap3A_89] {strides = array<i32>} : memref<3x3x128xi32, #tpu.memory_space<vmem>>, vector<1x1x16xi32>,
    %swap3A_91 = vector.shape_cast %swap3A_90 : vector<1x1x16xi32> to vector<16xi32>
    %swap3A_92 = vector.shape_cast %add3A_84 : vector<16xi32> to vector<1x1x16xi32>
    tpu.vector_store %arg7[%swap3A_87, %swap3A_88, %swap3A_89], %swap3A_92 {strides = array<i32>} : memref<3x3x128xi32, #tpu.memory_space<vmem>>, vector<1x1x16xi32>,
    %get3A_93 = arith.constant 0 : i32
    %get3A_94 = arith.constant 2 : i32
    %get3A_95 = arith.index_cast %get3A_93 : i32 to index
    %get3A_96 = arith.index_cast %get3A_94 : i32 to index
    %get3A_97 = arith.constant 48 : index
    %get3A_98 = tpu.vector_load %arg7[%get3A_95, %get3A_96, %get3A_97] {strides = array<i32>} : memref<3x3x128xi32, #tpu.memory_space<vmem>>, vector<1x1x16xi32>,
    %get3A_99 = vector.shape_cast %get3A_98 : vector<1x1x16xi32> to vector<16xi32>
    %add3A_100 = vector.broadcast %mul3A_10 : i32 to vector<16xi32>
    %add3A_101 = arith.addi %get3A_99, %add3A_100 : vector<16xi32>
    %mul3A_102 = arith.constant 10112 : i32
    %mul3A_103 = vector.broadcast %mul3A_102 : i32 to vector<16xi32>
    %mul3A_104 = arith.muli %add3A_101, %mul3A_103 : vector<16xi32>
    %get3A_105 = arith.constant 0 : i32
    %get3A_106 = arith.constant 0 : i32
    %get3A_107 = arith.index_cast %get3A_105 : i32 to index
    %get3A_108 = arith.index_cast %get3A_106 : i32 to index
    %get3A_109 = arith.constant 48 : index
    %get3A_110 = tpu.vector_load %arg7[%get3A_107, %get3A_108, %get3A_109] {strides = array<i32>} : memref<3x3x128xi32, #tpu.memory_space<vmem>>, vector<1x1x16xi32>,
    %get3A_111 = vector.shape_cast %get3A_110 : vector<1x1x16xi32> to vector<16xi32>
    %add3A_112 = arith.addi %get3A_111, %mul3A_104 : vector<16xi32>
    %swap3A_113 = arith.constant 0 : i32
    %swap3A_114 = arith.constant 0 : i32
    %swap3A_115 = arith.index_cast %swap3A_113 : i32 to index
    %swap3A_116 = arith.index_cast %swap3A_114 : i32 to index
    %swap3A_117 = arith.constant 48 : index
    %swap3A_118 = tpu.vector_load %arg7[%swap3A_115, %swap3A_116, %swap3A_117] {strides = array<i32>} : memref<3x3x128xi32, #tpu.memory_space<vmem>>, vector<1x1x16xi32>,
    %swap3A_119 = vector.shape_cast %swap3A_118 : vector<1x1x16xi32> to vector<16xi32>
    %swap3A_120 = vector.shape_cast %add3A_112 : vector<16xi32> to vector<1x1x16xi32>
    tpu.vector_store %arg7[%swap3A_115, %swap3A_116, %swap3A_117], %swap3A_120 {strides = array<i32>} : memref<3x3x128xi32, #tpu.memory_space<vmem>>, vector<1x1x16xi32>,
    %get3A_121 = arith.constant 0 : i32
    %get3A_122 = arith.constant 2 : i32
    %get3A_123 = arith.index_cast %get3A_121 : i32 to index
    %get3A_124 = arith.index_cast %get3A_122 : i32 to index
    %get3A_125 = arith.constant 64 : index
    %get3A_126 = tpu.vector_load %arg7[%get3A_123, %get3A_124, %get3A_125] {strides = array<i32>} : memref<3x3x128xi32, #tpu.memory_space<vmem>>, vector<1x1x16xi32>,
    %get3A_127 = vector.shape_cast %get3A_126 : vector<1x1x16xi32> to vector<16xi32>
    %add3A_128 = vector.broadcast %mul3A_10 : i32 to vector<16xi32>
    %add3A_129 = arith.addi %get3A_127, %add3A_128 : vector<16xi32>
    %mul3A_130 = arith.constant 10112 : i32
    %mul3A_131 = vector.broadcast %mul3A_130 : i32 to vector<16xi32>
    %mul3A_132 = arith.muli %add3A_129, %mul3A_131 : vector<16xi32>
    %get3A_133 = arith.constant 0 : i32
    %get3A_134 = arith.constant 0 : i32
    %get3A_135 = arith.index_cast %get3A_133 : i32 to index
    %get3A_136 = arith.index_cast %get3A_134 : i32 to index
    %get3A_137 = arith.constant 64 : index
    %get3A_138 = tpu.vector_load %arg7[%get3A_135, %get3A_136, %get3A_137] {strides = array<i32>} : memref<3x3x128xi32, #tpu.memory_space<vmem>>, vector<1x1x16xi32>,
    %get3A_139 = vector.shape_cast %get3A_138 : vector<1x1x16xi32> to vector<16xi32>
    %add3A_140 = arith.addi %get3A_139, %mul3A_132 : vector<16xi32>
    %swap3A_141 = arith.constant 0 : i32
    %swap3A_142 = arith.constant 0 : i32
    %swap3A_143 = arith.index_cast %swap3A_141 : i32 to index
    %swap3A_144 = arith.index_cast %swap3A_142 : i32 to index
    %swap3A_145 = arith.constant 64 : index
    %swap3A_146 = tpu.vector_load %arg7[%swap3A_143, %swap3A_144, %swap3A_145] {strides = array<i32>} : memref<3x3x128xi32, #tpu.memory_space<vmem>>, vector<1x1x16xi32>,
    %swap3A_147 = vector.shape_cast %swap3A_146 : vector<1x1x16xi32> to vector<16xi32>
    %swap3A_148 = vector.shape_cast %add3A_140 : vector<16xi32> to vector<1x1x16xi32>
    tpu.vector_store %arg7[%swap3A_143, %swap3A_144, %swap3A_145], %swap3A_148 {strides = array<i32>} : memref<3x3x128xi32, #tpu.memory_space<vmem>>, vector<1x1x16xi32>,
    %get3A_149 = arith.constant 0 : i32
    %get3A_150 = arith.constant 2 : i32
    %get3A_151 = arith.index_cast %get3A_149 : i32 to index
    %get3A_152 = arith.index_cast %get3A_150 : i32 to index
    %get3A_153 = arith.constant 80 : index
    %get3A_154 = tpu.vector_load %arg7[%get3A_151, %get3A_152, %get3A_153] {strides = array<i32>} : memref<3x3x128xi32, #tpu.memory_space<vmem>>, vector<1x1x16xi32>,
    %get3A_155 = vector.shape_cast %get3A_154 : vector<1x1x16xi32> to vector<16xi32>
    %add3A_156 = vector.broadcast %mul3A_10 : i32 to vector<16xi32>
    %add3A_157 = arith.addi %get3A_155, %add3A_156 : vector<16xi32>
    %mul3A_158 = arith.constant 10112 : i32
    %mul3A_159 = vector.broadcast %mul3A_158 : i32 to vector<16xi32>
    %mul3A_160 = arith.muli %add3A_157, %mul3A_159 : vector<16xi32>
    %get3A_161 = arith.constant 0 : i32
    %get3A_162 = arith.constant 0 : i32
    %get3A_163 = arith.index_cast %get3A_161 : i32 to index
    %get3A_164 = arith.index_cast %get3A_162 : i32 to index
    %get3A_165 = arith.constant 80 : index
    %get3A_166 = tpu.vector_load %arg7[%get3A_163, %get3A_164, %get3A_165] {strides = array<i32>} : memref<3x3x128xi32, #tpu.memory_space<vmem>>, vector<1x1x16xi32>,
    %get3A_167 = vector.shape_cast %get3A_166 : vector<1x1x16xi32> to vector<16xi32>
    %add3A_168 = arith.addi %get3A_167, %mul3A_160 : vector<16xi32>
    %swap3A_169 = arith.constant 0 : i32
    %swap3A_170 = arith.constant 0 : i32
    %swap3A_171 = arith.index_cast %swap3A_169 : i32 to index
    %swap3A_172 = arith.index_cast %swap3A_170 : i32 to index
    %swap3A_173 = arith.constant 80 : index
    %swap3A_174 = tpu.vector_load %arg7[%swap3A_171, %swap3A_172, %swap3A_173] {strides = array<i32>} : memref<3x3x128xi32, #tpu.memory_space<vmem>>, vector<1x1x16xi32>,
    %swap3A_175 = vector.shape_cast %swap3A_174 : vector<1x1x16xi32> to vector<16xi32>
    %swap3A_176 = vector.shape_cast %add3A_168 : vector<16xi32> to vector<1x1x16xi32>
    tpu.vector_store %arg7[%swap3A_171, %swap3A_172, %swap3A_173], %swap3A_176 {strides = array<i32>} : memref<3x3x128xi32, #tpu.memory_space<vmem>>, vector<1x1x16xi32>,
    %get3A_177 = arith.constant 0 : i32
    %get3A_178 = arith.constant 2 : i32
    %get3A_179 = arith.index_cast %get3A_177 : i32 to index
    %get3A_180 = arith.index_cast %get3A_178 : i32 to index
    %get3A_181 = arith.constant 96 : index
    %get3A_182 = tpu.vector_load %arg7[%get3A_179, %get3A_180, %get3A_181] {strides = array<i32>} : memref<3x3x128xi32, #tpu.memory_space<vmem>>, vector<1x1x16xi32>,
    %get3A_183 = vector.shape_cast %get3A_182 : vector<1x1x16xi32> to vector<16xi32>
    %add3A_184 = vector.broadcast %mul3A_10 : i32 to vector<16xi32>
    %add3A_185 = arith.addi %get3A_183, %add3A_184 : vector<16xi32>
    %mul3A_186 = arith.constant 10112 : i32
    %mul3A_187 = vector.broadcast %mul3A_186 : i32 to vector<16xi32>
    %mul3A_188 = arith.muli %add3A_185, %mul3A_187 : vector<16xi32>
    %get3A_189 = arith.constant 0 : i32
    %get3A_190 = arith.constant 0 : i32
    %get3A_191 = arith.index_cast %get3A_189 : i32 to index
    %get3A_192 = arith.index_cast %get3A_190 : i32 to index
    %get3A_193 = arith.constant 96 : index
    %get3A_194 = tpu.vector_load %arg7[%get3A_191, %get3A_192, %get3A_193] {strides = array<i32>} : memref<3x3x128xi32, #tpu.memory_space<vmem>>, vector<1x1x16xi32>,
    %get3A_195 = vector.shape_cast %get3A_194 : vector<1x1x16xi32> to vector<16xi32>
    %add3A_196 = arith.addi %get3A_195, %mul3A_188 : vector<16xi32>
    %swap3A_197 = arith.constant 0 : i32
    %swap3A_198 = arith.constant 0 : i32
    %swap3A_199 = arith.index_cast %swap3A_197 : i32 to index
    %swap3A_200 = arith.index_cast %swap3A_198 : i32 to index
    %swap3A_201 = arith.constant 96 : index
    %swap3A_202 = tpu.vector_load %arg7[%swap3A_199, %swap3A_200, %swap3A_201] {strides = array<i32>} : memref<3x3x128xi32, #tpu.memory_space<vmem>>, vector<1x1x16xi32>,
    %swap3A_203 = vector.shape_cast %swap3A_202 : vector<1x1x16xi32> to vector<16xi32>
    %swap3A_204 = vector.shape_cast %add3A_196 : vector<16xi32> to vector<1x1x16xi32>
    tpu.vector_store %arg7[%swap3A_199, %swap3A_200, %swap3A_201], %swap3A_204 {strides = array<i32>} : memref<3x3x128xi32, #tpu.memory_space<vmem>>, vector<1x1x16xi32>,
    %get3A_205 = arith.constant 0 : i32
    %get3A_206 = arith.constant 2 : i32
    %get3A_207 = arith.index_cast %get3A_205 : i32 to index
    %get3A_208 = arith.index_cast %get3A_206 : i32 to index
    %get3A_209 = arith.constant 112 : index
    %get3A_210 = tpu.vector_load %arg7[%get3A_207, %get3A_208, %get3A_209] {strides = array<i32>} : memref<3x3x128xi32, #tpu.memory_space<vmem>>, vector<1x1x16xi32>,
    %get3A_211 = vector.shape_cast %get3A_210 : vector<1x1x16xi32> to vector<16xi32>
    %add3A_212 = vector.broadcast %mul3A_10 : i32 to vector<16xi32>
    %add3A_213 = arith.addi %get3A_211, %add3A_212 : vector<16xi32>
    %mul3A_214 = arith.constant 10112 : i32
    %mul3A_215 = vector.broadcast %mul3A_214 : i32 to vector<16xi32>
    %mul3A_216 = arith.muli %add3A_213, %mul3A_215 : vector<16xi32>
    %get3A_217 = arith.constant 0 : i32
    %get3A_218 = arith.constant 0 : i32
    %get3A_219 = arith.index_cast %get3A_217 : i32 to index
    %get3A_220 = arith.index_cast %get3A_218 : i32 to index
    %get3A_221 = arith.constant 112 : index
    %get3A_222 = tpu.vector_load %arg7[%get3A_219, %get3A_220, %get3A_221] {strides = array<i32>} : memref<3x3x128xi32, #tpu.memory_space<vmem>>, vector<1x1x16xi32>,
    %get3A_223 = vector.shape_cast %get3A_222 : vector<1x1x16xi32> to vector<16xi32>
    %add3A_224 = arith.addi %get3A_223, %mul3A_216 : vector<16xi32>
    %swap3A_225 = arith.constant 0 : i32
    %swap3A_226 = arith.constant 0 : i32
    %swap3A_227 = arith.index_cast %swap3A_225 : i32 to index
    %swap3A_228 = arith.index_cast %swap3A_226 : i32 to index
    %swap3A_229 = arith.constant 112 : index
    %swap3A_230 = tpu.vector_load %arg7[%swap3A_227, %swap3A_228, %swap3A_229] {strides = array<i32>} : memref<3x3x128xi32, #tpu.memory_space<vmem>>, vector<1x1x16xi32>,
    %swap3A_231 = vector.shape_cast %swap3A_230 : vector<1x1x16xi32> to vector<16xi32>
    %swap3A_232 = vector.shape_cast %add3A_224 : vector<16xi32> to vector<1x1x16xi32>
    tpu.vector_store %arg7[%swap3A_227, %swap3A_228, %swap3A_229], %swap3A_232 {strides = array<i32>} : memref<3x3x128xi32, #tpu.memory_space<vmem>>, vector<1x1x16xi32>,
    %dma_start3A = arith.constant 0 : i32
    %dma_start3A_233 = arith.constant 0 : i32
    %dma_start3A_234 = arith.constant 0 : i32
    %dma_start3A_235 = arith.constant 0 : i32
    %dma_start3A_236 = arith.constant 0 : i32
    %dma_start3A_237 = tpu.memref_slice %arg8[%dma_start3A_234, %dma_start3A_235, %dma_start3A_236] : memref<2x128x128xf32, #tpu.memory_space<vmem>> -> memref<1x128x128xf32, #tpu.memory_space<vmem>>
    %dma_start3A_238 = tpu.memref_squeeze %dma_start3A_237 : memref<1x128x128xf32, #tpu.memory_space<vmem>> -> memref<128x128xf32, #tpu.memory_space<vmem>>
    %dma_start3A_239 = arith.constant 0 : i32
    %dma_start3A_240 = tpu.memref_slice %arg7[%dma_start3A, %dma_start3A_233, %dma_start3A_239] : memref<3x3x128xi32, #tpu.memory_space<vmem>> -> memref<1x1x128xi32, #tpu.memory_space<vmem>>
    %dma_start3A_241 = tpu.memref_squeeze %dma_start3A_240 : memref<1x1x128xi32, #tpu.memory_space<vmem>> -> memref<128xi32, #tpu.memory_space<vmem>>
    %dma_start3A_242 = arith.constant 0 : i32
    %dma_start3A_243 = arith.constant 0 : i32
    %dma_start3A_244 = tpu.memref_slice %arg3[%dma_start3A_242, %dma_start3A_243] : memref<647168x128xf32, #tpu.memory_space<hbm>> -> memref<647168x128xf32, #tpu.memory_space<hbm>>
    tpu.enqueue_indirect_dma source(%dma_start3A_244 : memref<647168x128xf32, #tpu.memory_space<hbm>>) target(%dma_start3A_238 : memref<128x128xf32, #tpu.memory_space<vmem>>) offsets(%dma_start3A_241 : memref<128xi32, #tpu.memory_space<vmem>>) semaphore(%arg10 : memref<!tpu.dma_semaphore, #tpu.memory_space<semaphore_mem>>)
    %add3A_245 = arith.constant 1 : i32
    %add3A_246 = arith.addi %mul3A_6, %add3A_245 : i32
    %dma_start3A_247 = arith.constant 1 : i32
    %dma_start3A_248 = arith.constant 0 : i32
    %dma_start3A_249 = arith.constant 0 : i32
    %dma_start3A_250 = tpu.memref_slice %arg7[%dma_start3A_247, %dma_start3A_248, %dma_start3A_249] : memref<3x3x128xi32, #tpu.memory_space<vmem>> -> memref<1x3x128xi32, #tpu.memory_space<vmem>>
    %dma_start3A_251 = tpu.memref_squeeze %dma_start3A_250 : memref<1x3x128xi32, #tpu.memory_space<vmem>> -> memref<3x128xi32, #tpu.memory_space<vmem>>
    %dma_start3A_252 = arith.constant 0 : i32
    %dma_start3A_253 = arith.constant 0 : i32
    %dma_start3A_254 = tpu.memref_slice %arg2[%add3A_246, %dma_start3A_252, %dma_start3A_253] : memref<2512x3x128xi32, #tpu.memory_space<hbm>> -> memref<1x3x128xi32, #tpu.memory_space<hbm>>
    %dma_start3A_255 = tpu.memref_squeeze %dma_start3A_254 : memref<1x3x128xi32, #tpu.memory_space<hbm>> -> memref<3x128xi32, #tpu.memory_space<hbm>>
    %dma_start3A_256 = arith.constant 0 : i32
    %dma_start3A_257 = arith.constant 0 : i32
    %dma_start3A_258 = tpu.memref_slice %arg7[%dma_start3A_247, %dma_start3A_256, %dma_start3A_257] : memref<3x3x128xi32, #tpu.memory_space<vmem>> -> memref<1x3x128xi32, #tpu.memory_space<vmem>>
    %dma_start3A_259 = tpu.memref_squeeze %dma_start3A_258 : memref<1x3x128xi32, #tpu.memory_space<vmem>> -> memref<3x128xi32, #tpu.memory_space<vmem>>
    %dma_start3A_260 = arith.constant 0 : i32
    %dma_start3A_261 = arith.constant 0 : i32
    %dma_start3A_262 = tpu.memref_slice %arg2[%add3A_246, %dma_start3A_260, %dma_start3A_261] : memref<2512x3x128xi32, #tpu.memory_space<hbm>> -> memref<1x3x128xi32, #tpu.memory_space<hbm>>
    %dma_start3A_263 = tpu.memref_squeeze %dma_start3A_262 : memref<1x3x128xi32, #tpu.memory_space<hbm>> -> memref<3x128xi32, #tpu.memory_space<hbm>>
    tpu.enqueue_dma source(%dma_start3A_263 : memref<3x128xi32, #tpu.memory_space<hbm>>) target(%dma_start3A_259 : memref<3x128xi32, #tpu.memory_space<vmem>>) target_semaphore(%arg9 : memref<!tpu.dma_semaphore, #tpu.memory_space<semaphore_mem>>)
    %scan3A = arith.constant 0 : i32
    %scan3A_264 = arith.constant 0 : i32
    %scan3A_265 = arith.constant 157 : i32
    %scan3A_266 = arith.addi %scan3A_264, %scan3A_265 : i32
    %scan3A_267 = arith.constant 1 : i32
    scf.for %scan3A_289 = %scan3A_264 to %scan3A_266 step %scan3A_267  : i32 {
      %rem3A = arith.constant 2 : i32
      %rem3A_290 = arith.remsi %scan3A_289, %rem3A : i32
      %add3A_291 = arith.constant 1 : i32
      %add3A_292 = arith.addi %scan3A_289, %add3A_291 : i32
      %rem3A_293 = arith.constant 2 : i32
      %rem3A_294 = arith.remsi %add3A_292, %rem3A_293 : i32
      %rem3A_295 = arith.constant 3 : i32
      %rem3A_296 = arith.remsi %scan3A_289, %rem3A_295 : i32
      %add3A_297 = arith.constant 1 : i32
      %add3A_298 = arith.addi %scan3A_289, %add3A_297 : i32
      %rem3A_299 = arith.constant 3 : i32
      %rem3A_300 = arith.remsi %add3A_298, %rem3A_299 : i32
      %add3A_301 = arith.constant 2 : i32
      %add3A_302 = arith.addi %scan3A_289, %add3A_301 : i32
      %rem3A_303 = arith.constant 3 : i32
      %rem3A_304 = arith.remsi %add3A_302, %rem3A_303 : i32
      %ge3A = arith.constant 1 : i32
      %ge3A_305 = arith.cmpi sge, %scan3A_289, %ge3A : i32
      %convert_element_type3A = arith.extui %ge3A_305 : i1 to i32
      %cond3A = arith.constant 0 : i32
      %cond3A_306 = arith.cmpi ne, %convert_element_type3A, %cond3A : i32
      scf.if %cond3A_306 {
        %dma_wait3A_342 = arith.constant 1 : i32
        %dma_wait3A_343 = arith.constant 0 : i32
        %dma_wait3A_344 = arith.constant 0 : i32
        %dma_wait3A_345 = tpu.memref_slice %arg8[%rem3A_294, %dma_wait3A_343, %dma_wait3A_344] : memref<2x128x128xf32, #tpu.memory_space<vmem>> -> memref<1x128x128xf32, #tpu.memory_space<vmem>>
        %dma_wait3A_346 = tpu.memref_squeeze %dma_wait3A_345 : memref<1x128x128xf32, #tpu.memory_space<vmem>> -> memref<128x128xf32, #tpu.memory_space<vmem>>
        %dma_wait3A_347 = arith.constant 0 : i32
        %dma_wait3A_348 = tpu.memref_slice %arg7[%rem3A_304, %dma_wait3A_342, %dma_wait3A_347] : memref<3x3x128xi32, #tpu.memory_space<vmem>> -> memref<1x1x128xi32, #tpu.memory_space<vmem>>
        %dma_wait3A_349 = tpu.memref_squeeze %dma_wait3A_348 : memref<1x1x128xi32, #tpu.memory_space<vmem>> -> memref<128xi32, #tpu.memory_space<vmem>>
        %dma_wait3A_350 = arith.constant 0 : i32
        %dma_wait3A_351 = arith.constant 0 : i32
        %dma_wait3A_352 = tpu.memref_slice %arg6[%dma_wait3A_350, %dma_wait3A_351] : memref<10112x128xf32, #tpu.memory_space<vmem_shared>> -> memref<10112x128xf32, #tpu.memory_space<vmem_shared>>
        tpu.wait_indirect_dma semaphore(%arg11 : memref<!tpu.dma_semaphore, #tpu.memory_space<semaphore_mem>>) src(%dma_wait3A_346 : memref<128x128xf32, #tpu.memory_space<vmem>>) dst(%dma_wait3A_352 : memref<10112x128xf32, #tpu.memory_space<vmem_shared>>)
      } else {
      }
      %dma_wait3A_307 = arith.constant 0 : i32
      %dma_wait3A_308 = arith.constant 0 : i32
      %dma_wait3A_309 = arith.constant 0 : i32
      %dma_wait3A_310 = tpu.memref_slice %arg8[%rem3A_290, %dma_wait3A_308, %dma_wait3A_309] : memref<2x128x128xf32, #tpu.memory_space<vmem>> -> memref<1x128x128xf32, #tpu.memory_space<vmem>>
      %dma_wait3A_311 = tpu.memref_squeeze %dma_wait3A_310 : memref<1x128x128xf32, #tpu.memory_space<vmem>> -> memref<128x128xf32, #tpu.memory_space<vmem>>
      %dma_wait3A_312 = arith.constant 0 : i32
      %dma_wait3A_313 = tpu.memref_slice %arg7[%rem3A_296, %dma_wait3A_307, %dma_wait3A_312] : memref<3x3x128xi32, #tpu.memory_space<vmem>> -> memref<1x1x128xi32, #tpu.memory_space<vmem>>
      %dma_wait3A_314 = tpu.memref_squeeze %dma_wait3A_313 : memref<1x1x128xi32, #tpu.memory_space<vmem>> -> memref<128xi32, #tpu.memory_space<vmem>>
      %dma_wait3A_315 = arith.constant 0 : i32
      %dma_wait3A_316 = arith.constant 0 : i32
      %dma_wait3A_317 = tpu.memref_slice %arg3[%dma_wait3A_315, %dma_wait3A_316] : memref<647168x128xf32, #tpu.memory_space<hbm>> -> memref<647168x128xf32, #tpu.memory_space<hbm>>
      tpu.wait_indirect_dma semaphore(%arg10 : memref<!tpu.dma_semaphore, #tpu.memory_space<semaphore_mem>>) src(%dma_wait3A_317 : memref<647168x128xf32, #tpu.memory_space<hbm>>) dst(%dma_wait3A_311 : memref<128x128xf32, #tpu.memory_space<vmem>>)
      %add3A_318 = arith.constant 1 : i32
      %add3A_319 = arith.addi %scan3A_289, %add3A_318 : i32
      %lt3A = arith.constant 157 : i32
      %lt3A_320 = arith.cmpi slt, %add3A_319, %lt3A : i32
      %convert_element_type3A_321 = arith.extui %lt3A_320 : i1 to i32
      %cond3A_322 = arith.constant 0 : i32
      %cond3A_323 = arith.cmpi ne, %convert_element_type3A_321, %cond3A_322 : i32
      scf.if %cond3A_323 {
        %add3A_342 = arith.addi %mul3A_6, %scan3A_289 : i32
        %add3A_343 = arith.constant 1 : i32
        %add3A_344 = arith.addi %add3A_342, %add3A_343 : i32
        %dma_wait3A_345 = arith.constant 0 : i32
        %dma_wait3A_346 = arith.constant 0 : i32
        %dma_wait3A_347 = tpu.memref_slice %arg7[%rem3A_300, %dma_wait3A_345, %dma_wait3A_346] : memref<3x3x128xi32, #tpu.memory_space<vmem>> -> memref<1x3x128xi32, #tpu.memory_space<vmem>>
        %dma_wait3A_348 = tpu.memref_squeeze %dma_wait3A_347 : memref<1x3x128xi32, #tpu.memory_space<vmem>> -> memref<3x128xi32, #tpu.memory_space<vmem>>
        %dma_wait3A_349 = arith.constant 0 : i32
        %dma_wait3A_350 = arith.constant 0 : i32
        %dma_wait3A_351 = tpu.memref_slice %arg2[%add3A_344, %dma_wait3A_349, %dma_wait3A_350] : memref<2512x3x128xi32, #tpu.memory_space<hbm>> -> memref<1x3x128xi32, #tpu.memory_space<hbm>>
        %dma_wait3A_352 = tpu.memref_squeeze %dma_wait3A_351 : memref<1x3x128xi32, #tpu.memory_space<hbm>> -> memref<3x128xi32, #tpu.memory_space<hbm>>
        %dma_wait3A_353 = arith.constant 0 : i32
        %dma_wait3A_354 = arith.constant 0 : i32
        %dma_wait3A_355 = tpu.memref_slice %arg7[%rem3A_300, %dma_wait3A_353, %dma_wait3A_354] : memref<3x3x128xi32, #tpu.memory_space<vmem>> -> memref<1x3x128xi32, #tpu.memory_space<vmem>>
        %dma_wait3A_356 = tpu.memref_squeeze %dma_wait3A_355 : memref<1x3x128xi32, #tpu.memory_space<vmem>> -> memref<3x128xi32, #tpu.memory_space<vmem>>
        %dma_wait3A_357 = arith.constant 0 : i32
        %dma_wait3A_358 = arith.constant 0 : i32
        %dma_wait3A_359 = tpu.memref_slice %arg2[%add3A_344, %dma_wait3A_357, %dma_wait3A_358] : memref<2512x3x128xi32, #tpu.memory_space<hbm>> -> memref<1x3x128xi32, #tpu.memory_space<hbm>>
        %dma_wait3A_360 = tpu.memref_squeeze %dma_wait3A_359 : memref<1x3x128xi32, #tpu.memory_space<hbm>> -> memref<3x128xi32, #tpu.memory_space<hbm>>
        tpu.wait_dma2 semaphore(%arg9 : memref<!tpu.dma_semaphore, #tpu.memory_space<semaphore_mem>>) src(%dma_wait3A_360 : memref<3x128xi32, #tpu.memory_space<hbm>>) dst(%dma_wait3A_356 : memref<3x128xi32, #tpu.memory_space<vmem>>)
        %get3A_361 = arith.constant 2 : i32
        %get3A_362 = arith.index_cast %rem3A_300 : i32 to index
        %get3A_363 = arith.index_cast %get3A_361 : i32 to index
        %get3A_364 = arith.constant 0 : index
        %get3A_365 = tpu.vector_load %arg7[%get3A_362, %get3A_363, %get3A_364] {strides = array<i32>} : memref<3x3x128xi32, #tpu.memory_space<vmem>>, vector<1x1x16xi32>,
        %get3A_366 = vector.shape_cast %get3A_365 : vector<1x1x16xi32> to vector<16xi32>
        %add3A_367 = vector.broadcast %mul3A_10 : i32 to vector<16xi32>
        %add3A_368 = arith.addi %get3A_366, %add3A_367 : vector<16xi32>
        %mul3A_369 = arith.constant 10112 : i32
        %mul3A_370 = vector.broadcast %mul3A_369 : i32 to vector<16xi32>
        %mul3A_371 = arith.muli %add3A_368, %mul3A_370 : vector<16xi32>
        %get3A_372 = arith.constant 0 : i32
        %get3A_373 = arith.index_cast %rem3A_300 : i32 to index
        %get3A_374 = arith.index_cast %get3A_372 : i32 to index
        %get3A_375 = arith.constant 0 : index
        %get3A_376 = tpu.vector_load %arg7[%get3A_373, %get3A_374, %get3A_375] {strides = array<i32>} : memref<3x3x128xi32, #tpu.memory_space<vmem>>, vector<1x1x16xi32>,
        %get3A_377 = vector.shape_cast %get3A_376 : vector<1x1x16xi32> to vector<16xi32>
        %add3A_378 = arith.addi %get3A_377, %mul3A_371 : vector<16xi32>
        %swap3A_379 = arith.constant 0 : i32
        %swap3A_380 = arith.index_cast %rem3A_300 : i32 to index
        %swap3A_381 = arith.index_cast %swap3A_379 : i32 to index
        %swap3A_382 = arith.constant 0 : index
        %swap3A_383 = tpu.vector_load %arg7[%swap3A_380, %swap3A_381, %swap3A_382] {strides = array<i32>} : memref<3x3x128xi32, #tpu.memory_space<vmem>>, vector<1x1x16xi32>,
        %swap3A_384 = vector.shape_cast %swap3A_383 : vector<1x1x16xi32> to vector<16xi32>
        %swap3A_385 = vector.shape_cast %add3A_378 : vector<16xi32> to vector<1x1x16xi32>
        tpu.vector_store %arg7[%swap3A_380, %swap3A_381, %swap3A_382], %swap3A_385 {strides = array<i32>} : memref<3x3x128xi32, #tpu.memory_space<vmem>>, vector<1x1x16xi32>,
        %get3A_386 = arith.constant 2 : i32
        %get3A_387 = arith.index_cast %rem3A_300 : i32 to index
        %get3A_388 = arith.index_cast %get3A_386 : i32 to index
        %get3A_389 = arith.constant 16 : index
        %get3A_390 = tpu.vector_load %arg7[%get3A_387, %get3A_388, %get3A_389] {strides = array<i32>} : memref<3x3x128xi32, #tpu.memory_space<vmem>>, vector<1x1x16xi32>,
        %get3A_391 = vector.shape_cast %get3A_390 : vector<1x1x16xi32> to vector<16xi32>
        %add3A_392 = vector.broadcast %mul3A_10 : i32 to vector<16xi32>
        %add3A_393 = arith.addi %get3A_391, %add3A_392 : vector<16xi32>
        %mul3A_394 = arith.constant 10112 : i32
        %mul3A_395 = vector.broadcast %mul3A_394 : i32 to vector<16xi32>
        %mul3A_396 = arith.muli %add3A_393, %mul3A_395 : vector<16xi32>
        %get3A_397 = arith.constant 0 : i32
        %get3A_398 = arith.index_cast %rem3A_300 : i32 to index
        %get3A_399 = arith.index_cast %get3A_397 : i32 to index
        %get3A_400 = arith.constant 16 : index
        %get3A_401 = tpu.vector_load %arg7[%get3A_398, %get3A_399, %get3A_400] {strides = array<i32>} : memref<3x3x128xi32, #tpu.memory_space<vmem>>, vector<1x1x16xi32>,
        %get3A_402 = vector.shape_cast %get3A_401 : vector<1x1x16xi32> to vector<16xi32>
        %add3A_403 = arith.addi %get3A_402, %mul3A_396 : vector<16xi32>
        %swap3A_404 = arith.constant 0 : i32
        %swap3A_405 = arith.index_cast %rem3A_300 : i32 to index
        %swap3A_406 = arith.index_cast %swap3A_404 : i32 to index
        %swap3A_407 = arith.constant 16 : index
        %swap3A_408 = tpu.vector_load %arg7[%swap3A_405, %swap3A_406, %swap3A_407] {strides = array<i32>} : memref<3x3x128xi32, #tpu.memory_space<vmem>>, vector<1x1x16xi32>,
        %swap3A_409 = vector.shape_cast %swap3A_408 : vector<1x1x16xi32> to vector<16xi32>
        %swap3A_410 = vector.shape_cast %add3A_403 : vector<16xi32> to vector<1x1x16xi32>
        tpu.vector_store %arg7[%swap3A_405, %swap3A_406, %swap3A_407], %swap3A_410 {strides = array<i32>} : memref<3x3x128xi32, #tpu.memory_space<vmem>>, vector<1x1x16xi32>,
        %get3A_411 = arith.constant 2 : i32
        %get3A_412 = arith.index_cast %rem3A_300 : i32 to index
        %get3A_413 = arith.index_cast %get3A_411 : i32 to index
        %get3A_414 = arith.constant 32 : index
        %get3A_415 = tpu.vector_load %arg7[%get3A_412, %get3A_413, %get3A_414] {strides = array<i32>} : memref<3x3x128xi32, #tpu.memory_space<vmem>>, vector<1x1x16xi32>,
        %get3A_416 = vector.shape_cast %get3A_415 : vector<1x1x16xi32> to vector<16xi32>
        %add3A_417 = vector.broadcast %mul3A_10 : i32 to vector<16xi32>
        %add3A_418 = arith.addi %get3A_416, %add3A_417 : vector<16xi32>
        %mul3A_419 = arith.constant 10112 : i32
        %mul3A_420 = vector.broadcast %mul3A_419 : i32 to vector<16xi32>
        %mul3A_421 = arith.muli %add3A_418, %mul3A_420 : vector<16xi32>
        %get3A_422 = arith.constant 0 : i32
        %get3A_423 = arith.index_cast %rem3A_300 : i32 to index
        %get3A_424 = arith.index_cast %get3A_422 : i32 to index
        %get3A_425 = arith.constant 32 : index
        %get3A_426 = tpu.vector_load %arg7[%get3A_423, %get3A_424, %get3A_425] {strides = array<i32>} : memref<3x3x128xi32, #tpu.memory_space<vmem>>, vector<1x1x16xi32>,
        %get3A_427 = vector.shape_cast %get3A_426 : vector<1x1x16xi32> to vector<16xi32>
        %add3A_428 = arith.addi %get3A_427, %mul3A_421 : vector<16xi32>
        %swap3A_429 = arith.constant 0 : i32
        %swap3A_430 = arith.index_cast %rem3A_300 : i32 to index
        %swap3A_431 = arith.index_cast %swap3A_429 : i32 to index
        %swap3A_432 = arith.constant 32 : index
        %swap3A_433 = tpu.vector_load %arg7[%swap3A_430, %swap3A_431, %swap3A_432] {strides = array<i32>} : memref<3x3x128xi32, #tpu.memory_space<vmem>>, vector<1x1x16xi32>,
        %swap3A_434 = vector.shape_cast %swap3A_433 : vector<1x1x16xi32> to vector<16xi32>
        %swap3A_435 = vector.shape_cast %add3A_428 : vector<16xi32> to vector<1x1x16xi32>
        tpu.vector_store %arg7[%swap3A_430, %swap3A_431, %swap3A_432], %swap3A_435 {strides = array<i32>} : memref<3x3x128xi32, #tpu.memory_space<vmem>>, vector<1x1x16xi32>,
        %get3A_436 = arith.constant 2 : i32
        %get3A_437 = arith.index_cast %rem3A_300 : i32 to index
        %get3A_438 = arith.index_cast %get3A_436 : i32 to index
        %get3A_439 = arith.constant 48 : index
        %get3A_440 = tpu.vector_load %arg7[%get3A_437, %get3A_438, %get3A_439] {strides = array<i32>} : memref<3x3x128xi32, #tpu.memory_space<vmem>>, vector<1x1x16xi32>,
        %get3A_441 = vector.shape_cast %get3A_440 : vector<1x1x16xi32> to vector<16xi32>
        %add3A_442 = vector.broadcast %mul3A_10 : i32 to vector<16xi32>
        %add3A_443 = arith.addi %get3A_441, %add3A_442 : vector<16xi32>
        %mul3A_444 = arith.constant 10112 : i32
        %mul3A_445 = vector.broadcast %mul3A_444 : i32 to vector<16xi32>
        %mul3A_446 = arith.muli %add3A_443, %mul3A_445 : vector<16xi32>
        %get3A_447 = arith.constant 0 : i32
        %get3A_448 = arith.index_cast %rem3A_300 : i32 to index
        %get3A_449 = arith.index_cast %get3A_447 : i32 to index
        %get3A_450 = arith.constant 48 : index
        %get3A_451 = tpu.vector_load %arg7[%get3A_448, %get3A_449, %get3A_450] {strides = array<i32>} : memref<3x3x128xi32, #tpu.memory_space<vmem>>, vector<1x1x16xi32>,
        %get3A_452 = vector.shape_cast %get3A_451 : vector<1x1x16xi32> to vector<16xi32>
        %add3A_453 = arith.addi %get3A_452, %mul3A_446 : vector<16xi32>
        %swap3A_454 = arith.constant 0 : i32
        %swap3A_455 = arith.index_cast %rem3A_300 : i32 to index
        %swap3A_456 = arith.index_cast %swap3A_454 : i32 to index
        %swap3A_457 = arith.constant 48 : index
        %swap3A_458 = tpu.vector_load %arg7[%swap3A_455, %swap3A_456, %swap3A_457] {strides = array<i32>} : memref<3x3x128xi32, #tpu.memory_space<vmem>>, vector<1x1x16xi32>,
        %swap3A_459 = vector.shape_cast %swap3A_458 : vector<1x1x16xi32> to vector<16xi32>
        %swap3A_460 = vector.shape_cast %add3A_453 : vector<16xi32> to vector<1x1x16xi32>
        tpu.vector_store %arg7[%swap3A_455, %swap3A_456, %swap3A_457], %swap3A_460 {strides = array<i32>} : memref<3x3x128xi32, #tpu.memory_space<vmem>>, vector<1x1x16xi32>,
        %get3A_461 = arith.constant 2 : i32
        %get3A_462 = arith.index_cast %rem3A_300 : i32 to index
        %get3A_463 = arith.index_cast %get3A_461 : i32 to index
        %get3A_464 = arith.constant 64 : index
        %get3A_465 = tpu.vector_load %arg7[%get3A_462, %get3A_463, %get3A_464] {strides = array<i32>} : memref<3x3x128xi32, #tpu.memory_space<vmem>>, vector<1x1x16xi32>,
        %get3A_466 = vector.shape_cast %get3A_465 : vector<1x1x16xi32> to vector<16xi32>
        %add3A_467 = vector.broadcast %mul3A_10 : i32 to vector<16xi32>
        %add3A_468 = arith.addi %get3A_466, %add3A_467 : vector<16xi32>
        %mul3A_469 = arith.constant 10112 : i32
        %mul3A_470 = vector.broadcast %mul3A_469 : i32 to vector<16xi32>
        %mul3A_471 = arith.muli %add3A_468, %mul3A_470 : vector<16xi32>
        %get3A_472 = arith.constant 0 : i32
        %get3A_473 = arith.index_cast %rem3A_300 : i32 to index
        %get3A_474 = arith.index_cast %get3A_472 : i32 to index
        %get3A_475 = arith.constant 64 : index
        %get3A_476 = tpu.vector_load %arg7[%get3A_473, %get3A_474, %get3A_475] {strides = array<i32>} : memref<3x3x128xi32, #tpu.memory_space<vmem>>, vector<1x1x16xi32>,
        %get3A_477 = vector.shape_cast %get3A_476 : vector<1x1x16xi32> to vector<16xi32>
        %add3A_478 = arith.addi %get3A_477, %mul3A_471 : vector<16xi32>
        %swap3A_479 = arith.constant 0 : i32
        %swap3A_480 = arith.index_cast %rem3A_300 : i32 to index
        %swap3A_481 = arith.index_cast %swap3A_479 : i32 to index
        %swap3A_482 = arith.constant 64 : index
        %swap3A_483 = tpu.vector_load %arg7[%swap3A_480, %swap3A_481, %swap3A_482] {strides = array<i32>} : memref<3x3x128xi32, #tpu.memory_space<vmem>>, vector<1x1x16xi32>,
        %swap3A_484 = vector.shape_cast %swap3A_483 : vector<1x1x16xi32> to vector<16xi32>
        %swap3A_485 = vector.shape_cast %add3A_478 : vector<16xi32> to vector<1x1x16xi32>
        tpu.vector_store %arg7[%swap3A_480, %swap3A_481, %swap3A_482], %swap3A_485 {strides = array<i32>} : memref<3x3x128xi32, #tpu.memory_space<vmem>>, vector<1x1x16xi32>,
        %get3A_486 = arith.constant 2 : i32
        %get3A_487 = arith.index_cast %rem3A_300 : i32 to index
        %get3A_488 = arith.index_cast %get3A_486 : i32 to index
        %get3A_489 = arith.constant 80 : index
        %get3A_490 = tpu.vector_load %arg7[%get3A_487, %get3A_488, %get3A_489] {strides = array<i32>} : memref<3x3x128xi32, #tpu.memory_space<vmem>>, vector<1x1x16xi32>,
        %get3A_491 = vector.shape_cast %get3A_490 : vector<1x1x16xi32> to vector<16xi32>
        %add3A_492 = vector.broadcast %mul3A_10 : i32 to vector<16xi32>
        %add3A_493 = arith.addi %get3A_491, %add3A_492 : vector<16xi32>
        %mul3A_494 = arith.constant 10112 : i32
        %mul3A_495 = vector.broadcast %mul3A_494 : i32 to vector<16xi32>
        %mul3A_496 = arith.muli %add3A_493, %mul3A_495 : vector<16xi32>
        %get3A_497 = arith.constant 0 : i32
        %get3A_498 = arith.index_cast %rem3A_300 : i32 to index
        %get3A_499 = arith.index_cast %get3A_497 : i32 to index
        %get3A_500 = arith.constant 80 : index
        %get3A_501 = tpu.vector_load %arg7[%get3A_498, %get3A_499, %get3A_500] {strides = array<i32>} : memref<3x3x128xi32, #tpu.memory_space<vmem>>, vector<1x1x16xi32>,
        %get3A_502 = vector.shape_cast %get3A_501 : vector<1x1x16xi32> to vector<16xi32>
        %add3A_503 = arith.addi %get3A_502, %mul3A_496 : vector<16xi32>
        %swap3A_504 = arith.constant 0 : i32
        %swap3A_505 = arith.index_cast %rem3A_300 : i32 to index
        %swap3A_506 = arith.index_cast %swap3A_504 : i32 to index
        %swap3A_507 = arith.constant 80 : index
        %swap3A_508 = tpu.vector_load %arg7[%swap3A_505, %swap3A_506, %swap3A_507] {strides = array<i32>} : memref<3x3x128xi32, #tpu.memory_space<vmem>>, vector<1x1x16xi32>,
        %swap3A_509 = vector.shape_cast %swap3A_508 : vector<1x1x16xi32> to vector<16xi32>
        %swap3A_510 = vector.shape_cast %add3A_503 : vector<16xi32> to vector<1x1x16xi32>
        tpu.vector_store %arg7[%swap3A_505, %swap3A_506, %swap3A_507], %swap3A_510 {strides = array<i32>} : memref<3x3x128xi32, #tpu.memory_space<vmem>>, vector<1x1x16xi32>,
        %get3A_511 = arith.constant 2 : i32
        %get3A_512 = arith.index_cast %rem3A_300 : i32 to index
        %get3A_513 = arith.index_cast %get3A_511 : i32 to index
        %get3A_514 = arith.constant 96 : index
        %get3A_515 = tpu.vector_load %arg7[%get3A_512, %get3A_513, %get3A_514] {strides = array<i32>} : memref<3x3x128xi32, #tpu.memory_space<vmem>>, vector<1x1x16xi32>,
        %get3A_516 = vector.shape_cast %get3A_515 : vector<1x1x16xi32> to vector<16xi32>
        %add3A_517 = vector.broadcast %mul3A_10 : i32 to vector<16xi32>
        %add3A_518 = arith.addi %get3A_516, %add3A_517 : vector<16xi32>
        %mul3A_519 = arith.constant 10112 : i32
        %mul3A_520 = vector.broadcast %mul3A_519 : i32 to vector<16xi32>
        %mul3A_521 = arith.muli %add3A_518, %mul3A_520 : vector<16xi32>
        %get3A_522 = arith.constant 0 : i32
        %get3A_523 = arith.index_cast %rem3A_300 : i32 to index
        %get3A_524 = arith.index_cast %get3A_522 : i32 to index
        %get3A_525 = arith.constant 96 : index
        %get3A_526 = tpu.vector_load %arg7[%get3A_523, %get3A_524, %get3A_525] {strides = array<i32>} : memref<3x3x128xi32, #tpu.memory_space<vmem>>, vector<1x1x16xi32>,
        %get3A_527 = vector.shape_cast %get3A_526 : vector<1x1x16xi32> to vector<16xi32>
        %add3A_528 = arith.addi %get3A_527, %mul3A_521 : vector<16xi32>
        %swap3A_529 = arith.constant 0 : i32
        %swap3A_530 = arith.index_cast %rem3A_300 : i32 to index
        %swap3A_531 = arith.index_cast %swap3A_529 : i32 to index
        %swap3A_532 = arith.constant 96 : index
        %swap3A_533 = tpu.vector_load %arg7[%swap3A_530, %swap3A_531, %swap3A_532] {strides = array<i32>} : memref<3x3x128xi32, #tpu.memory_space<vmem>>, vector<1x1x16xi32>,
        %swap3A_534 = vector.shape_cast %swap3A_533 : vector<1x1x16xi32> to vector<16xi32>
        %swap3A_535 = vector.shape_cast %add3A_528 : vector<16xi32> to vector<1x1x16xi32>
        tpu.vector_store %arg7[%swap3A_530, %swap3A_531, %swap3A_532], %swap3A_535 {strides = array<i32>} : memref<3x3x128xi32, #tpu.memory_space<vmem>>, vector<1x1x16xi32>,
        %get3A_536 = arith.constant 2 : i32
        %get3A_537 = arith.index_cast %rem3A_300 : i32 to index
        %get3A_538 = arith.index_cast %get3A_536 : i32 to index
        %get3A_539 = arith.constant 112 : index
        %get3A_540 = tpu.vector_load %arg7[%get3A_537, %get3A_538, %get3A_539] {strides = array<i32>} : memref<3x3x128xi32, #tpu.memory_space<vmem>>, vector<1x1x16xi32>,
        %get3A_541 = vector.shape_cast %get3A_540 : vector<1x1x16xi32> to vector<16xi32>
        %add3A_542 = vector.broadcast %mul3A_10 : i32 to vector<16xi32>
        %add3A_543 = arith.addi %get3A_541, %add3A_542 : vector<16xi32>
        %mul3A_544 = arith.constant 10112 : i32
        %mul3A_545 = vector.broadcast %mul3A_544 : i32 to vector<16xi32>
        %mul3A_546 = arith.muli %add3A_543, %mul3A_545 : vector<16xi32>
        %get3A_547 = arith.constant 0 : i32
        %get3A_548 = arith.index_cast %rem3A_300 : i32 to index
        %get3A_549 = arith.index_cast %get3A_547 : i32 to index
        %get3A_550 = arith.constant 112 : index
        %get3A_551 = tpu.vector_load %arg7[%get3A_548, %get3A_549, %get3A_550] {strides = array<i32>} : memref<3x3x128xi32, #tpu.memory_space<vmem>>, vector<1x1x16xi32>,
        %get3A_552 = vector.shape_cast %get3A_551 : vector<1x1x16xi32> to vector<16xi32>
        %add3A_553 = arith.addi %get3A_552, %mul3A_546 : vector<16xi32>
        %swap3A_554 = arith.constant 0 : i32
        %swap3A_555 = arith.index_cast %rem3A_300 : i32 to index
        %swap3A_556 = arith.index_cast %swap3A_554 : i32 to index
        %swap3A_557 = arith.constant 112 : index
        %swap3A_558 = tpu.vector_load %arg7[%swap3A_555, %swap3A_556, %swap3A_557] {strides = array<i32>} : memref<3x3x128xi32, #tpu.memory_space<vmem>>, vector<1x1x16xi32>,
        %swap3A_559 = vector.shape_cast %swap3A_558 : vector<1x1x16xi32> to vector<16xi32>
        %swap3A_560 = vector.shape_cast %add3A_553 : vector<16xi32> to vector<1x1x16xi32>
        tpu.vector_store %arg7[%swap3A_555, %swap3A_556, %swap3A_557], %swap3A_560 {strides = array<i32>} : memref<3x3x128xi32, #tpu.memory_space<vmem>>, vector<1x1x16xi32>,
        %dma_start3A_561 = arith.constant 0 : i32
        %dma_start3A_562 = arith.constant 0 : i32
        %dma_start3A_563 = arith.constant 0 : i32
        %dma_start3A_564 = tpu.memref_slice %arg8[%rem3A_294, %dma_start3A_562, %dma_start3A_563] : memref<2x128x128xf32, #tpu.memory_space<vmem>> -> memref<1x128x128xf32, #tpu.memory_space<vmem>>
        %dma_start3A_565 = tpu.memref_squeeze %dma_start3A_564 : memref<1x128x128xf32, #tpu.memory_space<vmem>> -> memref<128x128xf32, #tpu.memory_space<vmem>>
        %dma_start3A_566 = arith.constant 0 : i32
        %dma_start3A_567 = tpu.memref_slice %arg7[%rem3A_300, %dma_start3A_561, %dma_start3A_566] : memref<3x3x128xi32, #tpu.memory_space<vmem>> -> memref<1x1x128xi32, #tpu.memory_space<vmem>>
        %dma_start3A_568 = tpu.memref_squeeze %dma_start3A_567 : memref<1x1x128xi32, #tpu.memory_space<vmem>> -> memref<128xi32, #tpu.memory_space<vmem>>
        %dma_start3A_569 = arith.constant 0 : i32
        %dma_start3A_570 = arith.constant 0 : i32
        %dma_start3A_571 = tpu.memref_slice %arg3[%dma_start3A_569, %dma_start3A_570] : memref<647168x128xf32, #tpu.memory_space<hbm>> -> memref<647168x128xf32, #tpu.memory_space<hbm>>
        tpu.enqueue_indirect_dma source(%dma_start3A_571 : memref<647168x128xf32, #tpu.memory_space<hbm>>) target(%dma_start3A_565 : memref<128x128xf32, #tpu.memory_space<vmem>>) offsets(%dma_start3A_568 : memref<128xi32, #tpu.memory_space<vmem>>) semaphore(%arg10 : memref<!tpu.dma_semaphore, #tpu.memory_space<semaphore_mem>>)
      } else {
      }
      %add3A_324 = arith.constant 2 : i32
      %add3A_325 = arith.addi %scan3A_289, %add3A_324 : i32
      %lt3A_326 = arith.constant 157 : i32
      %lt3A_327 = arith.cmpi slt, %add3A_325, %lt3A_326 : i32
      %convert_element_type3A_328 = arith.extui %lt3A_327 : i1 to i32
      %cond3A_329 = arith.constant 0 : i32
      %cond3A_330 = arith.cmpi ne, %convert_element_type3A_328, %cond3A_329 : i32
      scf.if %cond3A_330 {
        %add3A_342 = arith.addi %mul3A_6, %scan3A_289 : i32
        %add3A_343 = arith.constant 2 : i32
        %add3A_344 = arith.addi %add3A_342, %add3A_343 : i32
        %dma_start3A_345 = arith.constant 0 : i32
        %dma_start3A_346 = arith.constant 0 : i32
        %dma_start3A_347 = tpu.memref_slice %arg7[%rem3A_304, %dma_start3A_345, %dma_start3A_346] : memref<3x3x128xi32, #tpu.memory_space<vmem>> -> memref<1x3x128xi32, #tpu.memory_space<vmem>>
        %dma_start3A_348 = tpu.memref_squeeze %dma_start3A_347 : memref<1x3x128xi32, #tpu.memory_space<vmem>> -> memref<3x128xi32, #tpu.memory_space<vmem>>
        %dma_start3A_349 = arith.constant 0 : i32
        %dma_start3A_350 = arith.constant 0 : i32
        %dma_start3A_351 = tpu.memref_slice %arg2[%add3A_344, %dma_start3A_349, %dma_start3A_350] : memref<2512x3x128xi32, #tpu.memory_space<hbm>> -> memref<1x3x128xi32, #tpu.memory_space<hbm>>
        %dma_start3A_352 = tpu.memref_squeeze %dma_start3A_351 : memref<1x3x128xi32, #tpu.memory_space<hbm>> -> memref<3x128xi32, #tpu.memory_space<hbm>>
        %dma_start3A_353 = arith.constant 0 : i32
        %dma_start3A_354 = arith.constant 0 : i32
        %dma_start3A_355 = tpu.memref_slice %arg7[%rem3A_304, %dma_start3A_353, %dma_start3A_354] : memref<3x3x128xi32, #tpu.memory_space<vmem>> -> memref<1x3x128xi32, #tpu.memory_space<vmem>>
        %dma_start3A_356 = tpu.memref_squeeze %dma_start3A_355 : memref<1x3x128xi32, #tpu.memory_space<vmem>> -> memref<3x128xi32, #tpu.memory_space<vmem>>
        %dma_start3A_357 = arith.constant 0 : i32
        %dma_start3A_358 = arith.constant 0 : i32
        %dma_start3A_359 = tpu.memref_slice %arg2[%add3A_344, %dma_start3A_357, %dma_start3A_358] : memref<2512x3x128xi32, #tpu.memory_space<hbm>> -> memref<1x3x128xi32, #tpu.memory_space<hbm>>
        %dma_start3A_360 = tpu.memref_squeeze %dma_start3A_359 : memref<1x3x128xi32, #tpu.memory_space<hbm>> -> memref<3x128xi32, #tpu.memory_space<hbm>>
        tpu.enqueue_dma source(%dma_start3A_360 : memref<3x128xi32, #tpu.memory_space<hbm>>) target(%dma_start3A_356 : memref<3x128xi32, #tpu.memory_space<vmem>>) target_semaphore(%arg9 : memref<!tpu.dma_semaphore, #tpu.memory_space<semaphore_mem>>)
      } else {
      }
      %dma_start3A_331 = arith.constant 1 : i32
      %dma_start3A_332 = arith.constant 0 : i32
      %dma_start3A_333 = arith.constant 0 : i32
      %dma_start3A_334 = tpu.memref_slice %arg8[%rem3A_290, %dma_start3A_332, %dma_start3A_333] : memref<2x128x128xf32, #tpu.memory_space<vmem>> -> memref<1x128x128xf32, #tpu.memory_space<vmem>>
      %dma_start3A_335 = tpu.memref_squeeze %dma_start3A_334 : memref<1x128x128xf32, #tpu.memory_space<vmem>> -> memref<128x128xf32, #tpu.memory_space<vmem>>
      %dma_start3A_336 = arith.constant 0 : i32
      %dma_start3A_337 = tpu.memref_slice %arg7[%rem3A_296, %dma_start3A_331, %dma_start3A_336] : memref<3x3x128xi32, #tpu.memory_space<vmem>> -> memref<1x1x128xi32, #tpu.memory_space<vmem>>
      %dma_start3A_338 = tpu.memref_squeeze %dma_start3A_337 : memref<1x1x128xi32, #tpu.memory_space<vmem>> -> memref<128xi32, #tpu.memory_space<vmem>>
      %dma_start3A_339 = arith.constant 0 : i32
      %dma_start3A_340 = arith.constant 0 : i32
      %dma_start3A_341 = tpu.memref_slice %arg6[%dma_start3A_339, %dma_start3A_340] : memref<10112x128xf32, #tpu.memory_space<vmem_shared>> -> memref<10112x128xf32, #tpu.memory_space<vmem_shared>>
      tpu.enqueue_indirect_dma source(%dma_start3A_335 : memref<128x128xf32, #tpu.memory_space<vmem>>) target(%dma_start3A_341 : memref<10112x128xf32, #tpu.memory_space<vmem_shared>>) offsets(%dma_start3A_338 : memref<128xi32, #tpu.memory_space<vmem>>) semaphore(%arg11 : memref<!tpu.dma_semaphore, #tpu.memory_space<semaphore_mem>>) {add = true}
    }
    %scan3A_268 = arith.constant 157 : i32
    %dma_wait3A = arith.constant 0 : i32
    %dma_wait3A_269 = arith.constant 0 : i32
    %dma_wait3A_270 = arith.constant 1 : i32
    %dma_wait3A_271 = arith.constant 0 : i32
    %dma_wait3A_272 = arith.constant 0 : i32
    %dma_wait3A_273 = tpu.memref_slice %arg8[%dma_wait3A, %dma_wait3A_271, %dma_wait3A_272] : memref<2x128x128xf32, #tpu.memory_space<vmem>> -> memref<1x128x128xf32, #tpu.memory_space<vmem>>
    %dma_wait3A_274 = tpu.memref_squeeze %dma_wait3A_273 : memref<1x128x128xf32, #tpu.memory_space<vmem>> -> memref<128x128xf32, #tpu.memory_space<vmem>>
    %dma_wait3A_275 = arith.constant 0 : i32
    %dma_wait3A_276 = tpu.memref_slice %arg7[%dma_wait3A_269, %dma_wait3A_270, %dma_wait3A_275] : memref<3x3x128xi32, #tpu.memory_space<vmem>> -> memref<1x1x128xi32, #tpu.memory_space<vmem>>
    %dma_wait3A_277 = tpu.memref_squeeze %dma_wait3A_276 : memref<1x1x128xi32, #tpu.memory_space<vmem>> -> memref<128xi32, #tpu.memory_space<vmem>>
    %dma_wait3A_278 = arith.constant 0 : i32
    %dma_wait3A_279 = arith.constant 0 : i32
    %dma_wait3A_280 = tpu.memref_slice %arg6[%dma_wait3A_278, %dma_wait3A_279] : memref<10112x128xf32, #tpu.memory_space<vmem_shared>> -> memref<10112x128xf32, #tpu.memory_space<vmem_shared>>
    tpu.wait_indirect_dma semaphore(%arg11 : memref<!tpu.dma_semaphore, #tpu.memory_space<semaphore_mem>>) src(%dma_wait3A_274 : memref<128x128xf32, #tpu.memory_space<vmem>>) dst(%dma_wait3A_280 : memref<10112x128xf32, #tpu.memory_space<vmem_shared>>)
    %barrier3A_281 = arith.constant 0 : index
    tpu.barrier barrier_id(%barrier3A_281)
    %mul3A_282 = arith.constant 632 : i32
    %mul3A_283 = arith.muli %arg1, %mul3A_282 : i32
    %mul3A_284 = arith.constant 10112 : i32
    %mul3A_285 = arith.muli %arg0, %mul3A_284 : i32
    %mul3A_286 = arith.constant 632 : i32
    %mul3A_287 = arith.muli %arg1, %mul3A_286 : i32
    %add3A_288 = arith.addi %mul3A_285, %mul3A_287 : i32
    "tpu.region"() ({
      %run_scoped3A_289 = tpu.sem_alloc : memref<!tpu.dma_semaphore, #tpu.memory_space<semaphore_mem>>
      %dma_start3A_290 = arith.constant 0 : i32
      %dma_start3A_291 = tpu.memref_slice %arg5[%add3A_288, %dma_start3A_290] : memref<20224x128xf32, #tpu.memory_space<hbm>> -> memref<632x128xf32, #tpu.memory_space<hbm>>
      %dma_start3A_292 = arith.constant 0 : i32
      %dma_start3A_293 = tpu.memref_slice %arg6[%mul3A_283, %dma_start3A_292] : memref<10112x128xf32, #tpu.memory_space<vmem_shared>> -> memref<632x128xf32, #tpu.memory_space<vmem_shared>>
      tpu.enqueue_dma source(%dma_start3A_293 : memref<632x128xf32, #tpu.memory_space<vmem_shared>>) target(%dma_start3A_291 : memref<632x128xf32, #tpu.memory_space<hbm>>) target_semaphore(%run_scoped3A_289 : memref<!tpu.dma_semaphore, #tpu.memory_space<semaphore_mem>>)
      %dma_wait3A_294 = arith.constant 0 : i32
      %dma_wait3A_295 = tpu.memref_slice %arg5[%add3A_288, %dma_wait3A_294] : memref<20224x128xf32, #tpu.memory_space<hbm>> -> memref<632x128xf32, #tpu.memory_space<hbm>>
      %dma_wait3A_296 = arith.constant 0 : i32
      %dma_wait3A_297 = tpu.memref_slice %arg6[%mul3A_283, %dma_wait3A_296] : memref<10112x128xf32, #tpu.memory_space<vmem_shared>> -> memref<632x128xf32, #tpu.memory_space<vmem_shared>>
      tpu.wait_dma2 semaphore(%run_scoped3A_289 : memref<!tpu.dma_semaphore, #tpu.memory_space<semaphore_mem>>) src(%dma_wait3A_297 : memref<632x128xf32, #tpu.memory_space<vmem_shared>>) dst(%dma_wait3A_295 : memref<632x128xf32, #tpu.memory_space<hbm>>)
      tpu.yield
    }) : () -> ()
    return
  }
}

#map = affine_map<(d0, d1) -> (0, 0)>
#map1 = affine_map<(d0, d1) -> (0)>
#map2 = affine_map<(d0, d1) -> (0, 0, 0)>
module attributes {stable_mosaic.version = 14 : i64} {
  func.func @_tgather(%arg0: i32, %arg1: i32, %arg2: memref<20224x128xf32, #tpu.memory_space<hbm>>, %arg3: memref<64xi32, #tpu.memory_space<hbm>>, %arg4: memref<2x64x128xf32, #tpu.memory_space<hbm>>, %arg5: memref<64xi32, #tpu.memory_space<vmem>>, %arg6: memref<64x128xf32, #tpu.memory_space<vmem>>, %arg7: memref<!tpu.dma_semaphore, #tpu.memory_space<semaphore_mem>>) attributes {dimension_semantics = [#tpu.dimension_semantics<core_parallel>, #tpu.dimension_semantics<subcore_parallel>], iteration_bounds = array<i64: 2, 16>, scalar_prefetch = 0 : i64, scratch_operands = 3 : i64, tpu.core_type = #tpu.core_type<sc_vector_subcore>, window_params = [{transform_indices = #map}, {transform_indices = #map1}, {transform_indices = #map2}]} {
    %eq3A = arith.constant 0 : i32
    %eq3A_0 = arith.cmpi eq, %arg1, %eq3A : i32
    %convert_element_type3A = arith.extui %eq3A_0 : i1 to i32
    %cond3A = arith.constant 0 : i32
    %cond3A_1 = arith.cmpi ne, %convert_element_type3A, %cond3A : i32
    scf.if %cond3A_1 {
      "tpu.region"() ({
        %run_scoped3A = tpu.sem_alloc : memref<!tpu.dma_semaphore, #tpu.memory_space<semaphore_mem>>
        tpu.enqueue_dma source(%arg3 : memref<64xi32, #tpu.memory_space<hbm>>) target(%arg5 : memref<64xi32, #tpu.memory_space<vmem>>) target_semaphore(%run_scoped3A : memref<!tpu.dma_semaphore, #tpu.memory_space<semaphore_mem>>)
        tpu.wait_dma2 semaphore(%run_scoped3A : memref<!tpu.dma_semaphore, #tpu.memory_space<semaphore_mem>>) src(%arg3 : memref<64xi32, #tpu.memory_space<hbm>>) dst(%arg5 : memref<64xi32, #tpu.memory_space<vmem>>)
        tpu.yield
      }) : () -> ()
      %mul3A = arith.constant 10112 : i32
      %mul3A_2 = arith.muli %arg0, %mul3A : i32
      %get3A = arith.constant 0 : index
      %get3A_3 = tpu.vector_load %arg5[%get3A] {strides = array<i32>} : memref<64xi32, #tpu.memory_space<vmem>>, vector<16xi32>,
      %get3A_4 = vector.shape_cast %get3A_3 : vector<16xi32> to vector<16xi32>
      %add3A = vector.broadcast %mul3A_2 : i32 to vector<16xi32>
      %add3A_5 = arith.addi %get3A_4, %add3A : vector<16xi32>
      %swap3A = arith.constant 0 : index
      %swap3A_6 = tpu.vector_load %arg5[%swap3A] {strides = array<i32>} : memref<64xi32, #tpu.memory_space<vmem>>, vector<16xi32>,
      %swap3A_7 = vector.shape_cast %swap3A_6 : vector<16xi32> to vector<16xi32>
      %swap3A_8 = vector.shape_cast %add3A_5 : vector<16xi32> to vector<16xi32>
      tpu.vector_store %arg5[%swap3A], %swap3A_8 {strides = array<i32>} : memref<64xi32, #tpu.memory_space<vmem>>, vector<16xi32>,
      %get3A_9 = arith.constant 16 : index
      %get3A_10 = tpu.vector_load %arg5[%get3A_9] {strides = array<i32>} : memref<64xi32, #tpu.memory_space<vmem>>, vector<16xi32>,
      %get3A_11 = vector.shape_cast %get3A_10 : vector<16xi32> to vector<16xi32>
      %add3A_12 = vector.broadcast %mul3A_2 : i32 to vector<16xi32>
      %add3A_13 = arith.addi %get3A_11, %add3A_12 : vector<16xi32>
      %swap3A_14 = arith.constant 16 : index
      %swap3A_15 = tpu.vector_load %arg5[%swap3A_14] {strides = array<i32>} : memref<64xi32, #tpu.memory_space<vmem>>, vector<16xi32>,
      %swap3A_16 = vector.shape_cast %swap3A_15 : vector<16xi32> to vector<16xi32>
      %swap3A_17 = vector.shape_cast %add3A_13 : vector<16xi32> to vector<16xi32>
      tpu.vector_store %arg5[%swap3A_14], %swap3A_17 {strides = array<i32>} : memref<64xi32, #tpu.memory_space<vmem>>, vector<16xi32>,
      %get3A_18 = arith.constant 32 : index
      %get3A_19 = tpu.vector_load %arg5[%get3A_18] {strides = array<i32>} : memref<64xi32, #tpu.memory_space<vmem>>, vector<16xi32>,
      %get3A_20 = vector.shape_cast %get3A_19 : vector<16xi32> to vector<16xi32>
      %add3A_21 = vector.broadcast %mul3A_2 : i32 to vector<16xi32>
      %add3A_22 = arith.addi %get3A_20, %add3A_21 : vector<16xi32>
      %swap3A_23 = arith.constant 32 : index
      %swap3A_24 = tpu.vector_load %arg5[%swap3A_23] {strides = array<i32>} : memref<64xi32, #tpu.memory_space<vmem>>, vector<16xi32>,
      %swap3A_25 = vector.shape_cast %swap3A_24 : vector<16xi32> to vector<16xi32>
      %swap3A_26 = vector.shape_cast %add3A_22 : vector<16xi32> to vector<16xi32>
      tpu.vector_store %arg5[%swap3A_23], %swap3A_26 {strides = array<i32>} : memref<64xi32, #tpu.memory_space<vmem>>, vector<16xi32>,
      %get3A_27 = arith.constant 48 : index
      %get3A_28 = tpu.vector_load %arg5[%get3A_27] {strides = array<i32>} : memref<64xi32, #tpu.memory_space<vmem>>, vector<16xi32>,
      %get3A_29 = vector.shape_cast %get3A_28 : vector<16xi32> to vector<16xi32>
      %add3A_30 = vector.broadcast %mul3A_2 : i32 to vector<16xi32>
      %add3A_31 = arith.addi %get3A_29, %add3A_30 : vector<16xi32>
      %swap3A_32 = arith.constant 48 : index
      %swap3A_33 = tpu.vector_load %arg5[%swap3A_32] {strides = array<i32>} : memref<64xi32, #tpu.memory_space<vmem>>, vector<16xi32>,
      %swap3A_34 = vector.shape_cast %swap3A_33 : vector<16xi32> to vector<16xi32>
      %swap3A_35 = vector.shape_cast %add3A_31 : vector<16xi32> to vector<16xi32>
      tpu.vector_store %arg5[%swap3A_32], %swap3A_35 {strides = array<i32>} : memref<64xi32, #tpu.memory_space<vmem>>, vector<16xi32>,
      %dma_start3A = arith.constant 0 : i32
      %dma_start3A_36 = arith.constant 0 : i32
      %dma_start3A_37 = tpu.memref_slice %arg2[%dma_start3A, %dma_start3A_36] : memref<20224x128xf32, #tpu.memory_space<hbm>> -> memref<20224x128xf32, #tpu.memory_space<hbm>>
      tpu.enqueue_indirect_dma source(%dma_start3A_37 : memref<20224x128xf32, #tpu.memory_space<hbm>>) target(%arg6 : memref<64x128xf32, #tpu.memory_space<vmem>>) offsets(%arg5 : memref<64xi32, #tpu.memory_space<vmem>>) semaphore(%arg7 : memref<!tpu.dma_semaphore, #tpu.memory_space<semaphore_mem>>)
      %dma_wait3A = arith.constant 0 : i32
      %dma_wait3A_38 = arith.constant 0 : i32
      %dma_wait3A_39 = tpu.memref_slice %arg2[%dma_wait3A, %dma_wait3A_38] : memref<20224x128xf32, #tpu.memory_space<hbm>> -> memref<20224x128xf32, #tpu.memory_space<hbm>>
      tpu.wait_indirect_dma semaphore(%arg7 : memref<!tpu.dma_semaphore, #tpu.memory_space<semaphore_mem>>) src(%dma_wait3A_39 : memref<20224x128xf32, #tpu.memory_space<hbm>>) dst(%arg6 : memref<64x128xf32, #tpu.memory_space<vmem>>)
      "tpu.region"() ({
        %run_scoped3A = tpu.sem_alloc : memref<!tpu.dma_semaphore, #tpu.memory_space<semaphore_mem>>
        %dma_start3A_40 = arith.constant 0 : i32
        %dma_start3A_41 = arith.constant 0 : i32
        %dma_start3A_42 = tpu.memref_slice %arg4[%arg0, %dma_start3A_40, %dma_start3A_41] : memref<2x64x128xf32, #tpu.memory_space<hbm>> -> memref<1x64x128xf32, #tpu.memory_space<hbm>>
        %dma_start3A_43 = tpu.memref_squeeze %dma_start3A_42 : memref<1x64x128xf32, #tpu.memory_space<hbm>> -> memref<64x128xf32, #tpu.memory_space<hbm>>
        %dma_start3A_44 = arith.constant 0 : i32
        %dma_start3A_45 = arith.constant 0 : i32
        %dma_start3A_46 = tpu.memref_slice %arg4[%arg0, %dma_start3A_44, %dma_start3A_45] : memref<2x64x128xf32, #tpu.memory_space<hbm>> -> memref<1x64x128xf32, #tpu.memory_space<hbm>>
        %dma_start3A_47 = tpu.memref_squeeze %dma_start3A_46 : memref<1x64x128xf32, #tpu.memory_space<hbm>> -> memref<64x128xf32, #tpu.memory_space<hbm>>
        tpu.enqueue_dma source(%arg6 : memref<64x128xf32, #tpu.memory_space<vmem>>) target(%dma_start3A_47 : memref<64x128xf32, #tpu.memory_space<hbm>>) target_semaphore(%run_scoped3A : memref<!tpu.dma_semaphore, #tpu.memory_space<semaphore_mem>>)
        %dma_wait3A_48 = arith.constant 0 : i32
        %dma_wait3A_49 = arith.constant 0 : i32
        %dma_wait3A_50 = tpu.memref_slice %arg4[%arg0, %dma_wait3A_48, %dma_wait3A_49] : memref<2x64x128xf32, #tpu.memory_space<hbm>> -> memref<1x64x128xf32, #tpu.memory_space<hbm>>
        %dma_wait3A_51 = tpu.memref_squeeze %dma_wait3A_50 : memref<1x64x128xf32, #tpu.memory_space<hbm>> -> memref<64x128xf32, #tpu.memory_space<hbm>>
        %dma_wait3A_52 = arith.constant 0 : i32
        %dma_wait3A_53 = arith.constant 0 : i32
        %dma_wait3A_54 = tpu.memref_slice %arg4[%arg0, %dma_wait3A_52, %dma_wait3A_53] : memref<2x64x128xf32, #tpu.memory_space<hbm>> -> memref<1x64x128xf32, #tpu.memory_space<hbm>>
        %dma_wait3A_55 = tpu.memref_squeeze %dma_wait3A_54 : memref<1x64x128xf32, #tpu.memory_space<hbm>> -> memref<64x128xf32, #tpu.memory_space<hbm>>
        tpu.wait_dma2 semaphore(%run_scoped3A : memref<!tpu.dma_semaphore, #tpu.memory_space<semaphore_mem>>) src(%arg6 : memref<64x128xf32, #tpu.memory_space<vmem>>) dst(%dma_wait3A_55 : memref<64x128xf32, #tpu.memory_space<hbm>>)
        tpu.yield
      }) : () -> ()
    } else {
    }
    return
  }
}

module attributes {stable_mosaic.version = 14 : i64} {
  func.func @_mult0_body(%arg0: i32, %arg1: i32, %arg2: i32, %arg3: memref<1x1000x128xf32, #tpu.memory_space<vmem>>, %arg4: memref<1x8x128xf32, #tpu.memory_space<vmem>>, %arg5: memref<1x8x1000x128xf32, #tpu.memory_space<vmem>>) attributes {dimension_semantics = [#tpu.dimension_semantics<arbitrary>, #tpu.dimension_semantics<arbitrary>, #tpu.dimension_semantics<arbitrary>], iteration_bounds = array<i64: 10, 2, 4>, scalar_prefetch = 0 : i64, scratch_operands = 0 : i64, tpu.core_type = #tpu.core_type<tc>, window_params = [{transform_indices = @transform_0, window_bounds = array<i64: 1, 1000, 128>}, {transform_indices = @transform_1, window_bounds = array<i64: 1, 8, 128>}, {transform_indices = @transform_2, window_bounds = array<i64: 1, 8, 1000, 128>}]} {
    %get3A = arith.constant 0 : index
    %get3A_0 = arith.constant 0 : index
    %get3A_1 = arith.constant 0 : index
    %get3A_2 = vector.load %arg3[%get3A, %get3A_0, %get3A_1] : memref<1x1000x128xf32, #tpu.memory_space<vmem>>, vector<1x1000x128xf32>
    %get3A_3 = vector.shape_cast %get3A_2 : vector<1x1000x128xf32> to vector<1000x128xf32>
    %get3A_4 = arith.constant 0 : index
    %get3A_5 = arith.constant 0 : index
    %get3A_6 = arith.constant 0 : index
    %get3A_7 = vector.load %arg4[%get3A_4, %get3A_5, %get3A_6] : memref<1x8x128xf32, #tpu.memory_space<vmem>>, vector<1x1x128xf32>
    %get3A_8 = vector.shape_cast %get3A_7 : vector<1x1x128xf32> to vector<128xf32>
    %broadcast_in_dim3A = vector.shape_cast %get3A_8 : vector<128xf32> to vector<1x128xf32>
    %mul3A = vector.broadcast %broadcast_in_dim3A : vector<1x128xf32> to vector<1000x128xf32>
    %mul3A_9 = arith.mulf %get3A_3, %mul3A : vector<1000x128xf32>
    %swap3A = arith.constant 0 : index
    %swap3A_10 = arith.constant 0 : index
    %swap3A_11 = arith.constant 0 : index
    %swap3A_12 = arith.constant 0 : index
    %swap3A_13 = vector.load %arg5[%swap3A, %swap3A_10, %swap3A_11, %swap3A_12] : memref<1x8x1000x128xf32, #tpu.memory_space<vmem>>, vector<1x1x1000x128xf32>
    %swap3A_14 = vector.shape_cast %swap3A_13 : vector<1x1x1000x128xf32> to vector<1000x128xf32>
    %swap3A_15 = vector.shape_cast %mul3A_9 : vector<1000x128xf32> to vector<1x1x1000x128xf32>
    tpu.vector_store %arg5[%swap3A, %swap3A_10, %swap3A_11, %swap3A_12], %swap3A_15 {strides = array<i32>} : memref<1x8x1000x128xf32, #tpu.memory_space<vmem>>, vector<1x1x1000x128xf32>,
    %get3A_16 = arith.constant 0 : index
    %get3A_17 = arith.constant 0 : index
    %get3A_18 = arith.constant 0 : index
    %get3A_19 = vector.load %arg3[%get3A_16, %get3A_17, %get3A_18] : memref<1x1000x128xf32, #tpu.memory_space<vmem>>, vector<1x1000x128xf32>
    %get3A_20 = vector.shape_cast %get3A_19 : vector<1x1000x128xf32> to vector<1000x128xf32>
    %get3A_21 = arith.constant 0 : index
    %get3A_22 = arith.constant 1 : index
    %get3A_23 = arith.constant 0 : index
    %get3A_24 = vector.load %arg4[%get3A_21, %get3A_22, %get3A_23] : memref<1x8x128xf32, #tpu.memory_space<vmem>>, vector<1x1x128xf32>
    %get3A_25 = vector.shape_cast %get3A_24 : vector<1x1x128xf32> to vector<128xf32>
    %broadcast_in_dim3A_26 = vector.shape_cast %get3A_25 : vector<128xf32> to vector<1x128xf32>
    %mul3A_27 = vector.broadcast %broadcast_in_dim3A_26 : vector<1x128xf32> to vector<1000x128xf32>
    %mul3A_28 = arith.mulf %get3A_20, %mul3A_27 : vector<1000x128xf32>
    %swap3A_29 = arith.constant 0 : index
    %swap3A_30 = arith.constant 1 : index
    %swap3A_31 = arith.constant 0 : index
    %swap3A_32 = arith.constant 0 : index
    %swap3A_33 = vector.load %arg5[%swap3A_29, %swap3A_30, %swap3A_31, %swap3A_32] : memref<1x8x1000x128xf32, #tpu.memory_space<vmem>>, vector<1x1x1000x128xf32>
    %swap3A_34 = vector.shape_cast %swap3A_33 : vector<1x1x1000x128xf32> to vector<1000x128xf32>
    %swap3A_35 = vector.shape_cast %mul3A_28 : vector<1000x128xf32> to vector<1x1x1000x128xf32>
    tpu.vector_store %arg5[%swap3A_29, %swap3A_30, %swap3A_31, %swap3A_32], %swap3A_35 {strides = array<i32>} : memref<1x8x1000x128xf32, #tpu.memory_space<vmem>>, vector<1x1x1000x128xf32>,
    %get3A_36 = arith.constant 0 : index
    %get3A_37 = arith.constant 0 : index
    %get3A_38 = arith.constant 0 : index
    %get3A_39 = vector.load %arg3[%get3A_36, %get3A_37, %get3A_38] : memref<1x1000x128xf32, #tpu.memory_space<vmem>>, vector<1x1000x128xf32>
    %get3A_40 = vector.shape_cast %get3A_39 : vector<1x1000x128xf32> to vector<1000x128xf32>
    %get3A_41 = arith.constant 0 : index
    %get3A_42 = arith.constant 2 : index
    %get3A_43 = arith.constant 0 : index
    %get3A_44 = vector.load %arg4[%get3A_41, %get3A_42, %get3A_43] : memref<1x8x128xf32, #tpu.memory_space<vmem>>, vector<1x1x128xf32>
    %get3A_45 = vector.shape_cast %get3A_44 : vector<1x1x128xf32> to vector<128xf32>
    %broadcast_in_dim3A_46 = vector.shape_cast %get3A_45 : vector<128xf32> to vector<1x128xf32>
    %mul3A_47 = vector.broadcast %broadcast_in_dim3A_46 : vector<1x128xf32> to vector<1000x128xf32>
    %mul3A_48 = arith.mulf %get3A_40, %mul3A_47 : vector<1000x128xf32>
    %swap3A_49 = arith.constant 0 : index
    %swap3A_50 = arith.constant 2 : index
    %swap3A_51 = arith.constant 0 : index
    %swap3A_52 = arith.constant 0 : index
    %swap3A_53 = vector.load %arg5[%swap3A_49, %swap3A_50, %swap3A_51, %swap3A_52] : memref<1x8x1000x128xf32, #tpu.memory_space<vmem>>, vector<1x1x1000x128xf32>
    %swap3A_54 = vector.shape_cast %swap3A_53 : vector<1x1x1000x128xf32> to vector<1000x128xf32>
    %swap3A_55 = vector.shape_cast %mul3A_48 : vector<1000x128xf32> to vector<1x1x1000x128xf32>
    tpu.vector_store %arg5[%swap3A_49, %swap3A_50, %swap3A_51, %swap3A_52], %swap3A_55 {strides = array<i32>} : memref<1x8x1000x128xf32, #tpu.memory_space<vmem>>, vector<1x1x1000x128xf32>,
    %get3A_56 = arith.constant 0 : index
    %get3A_57 = arith.constant 0 : index
    %get3A_58 = arith.constant 0 : index
    %get3A_59 = vector.load %arg3[%get3A_56, %get3A_57, %get3A_58] : memref<1x1000x128xf32, #tpu.memory_space<vmem>>, vector<1x1000x128xf32>
    %get3A_60 = vector.shape_cast %get3A_59 : vector<1x1000x128xf32> to vector<1000x128xf32>
    %get3A_61 = arith.constant 0 : index
    %get3A_62 = arith.constant 3 : index
    %get3A_63 = arith.constant 0 : index
    %get3A_64 = vector.load %arg4[%get3A_61, %get3A_62, %get3A_63] : memref<1x8x128xf32, #tpu.memory_space<vmem>>, vector<1x1x128xf32>
    %get3A_65 = vector.shape_cast %get3A_64 : vector<1x1x128xf32> to vector<128xf32>
    %broadcast_in_dim3A_66 = vector.shape_cast %get3A_65 : vector<128xf32> to vector<1x128xf32>
    %mul3A_67 = vector.broadcast %broadcast_in_dim3A_66 : vector<1x128xf32> to vector<1000x128xf32>
    %mul3A_68 = arith.mulf %get3A_60, %mul3A_67 : vector<1000x128xf32>
    %swap3A_69 = arith.constant 0 : index
    %swap3A_70 = arith.constant 3 : index
    %swap3A_71 = arith.constant 0 : index
    %swap3A_72 = arith.constant 0 : index
    %swap3A_73 = vector.load %arg5[%swap3A_69, %swap3A_70, %swap3A_71, %swap3A_72] : memref<1x8x1000x128xf32, #tpu.memory_space<vmem>>, vector<1x1x1000x128xf32>
    %swap3A_74 = vector.shape_cast %swap3A_73 : vector<1x1x1000x128xf32> to vector<1000x128xf32>
    %swap3A_75 = vector.shape_cast %mul3A_68 : vector<1000x128xf32> to vector<1x1x1000x128xf32>
    tpu.vector_store %arg5[%swap3A_69, %swap3A_70, %swap3A_71, %swap3A_72], %swap3A_75 {strides = array<i32>} : memref<1x8x1000x128xf32, #tpu.memory_space<vmem>>, vector<1x1x1000x128xf32>,
    %get3A_76 = arith.constant 0 : index
    %get3A_77 = arith.constant 0 : index
    %get3A_78 = arith.constant 0 : index
    %get3A_79 = vector.load %arg3[%get3A_76, %get3A_77, %get3A_78] : memref<1x1000x128xf32, #tpu.memory_space<vmem>>, vector<1x1000x128xf32>
    %get3A_80 = vector.shape_cast %get3A_79 : vector<1x1000x128xf32> to vector<1000x128xf32>
    %get3A_81 = arith.constant 0 : index
    %get3A_82 = arith.constant 4 : index
    %get3A_83 = arith.constant 0 : index
    %get3A_84 = vector.load %arg4[%get3A_81, %get3A_82, %get3A_83] : memref<1x8x128xf32, #tpu.memory_space<vmem>>, vector<1x1x128xf32>
    %get3A_85 = vector.shape_cast %get3A_84 : vector<1x1x128xf32> to vector<128xf32>
    %broadcast_in_dim3A_86 = vector.shape_cast %get3A_85 : vector<128xf32> to vector<1x128xf32>
    %mul3A_87 = vector.broadcast %broadcast_in_dim3A_86 : vector<1x128xf32> to vector<1000x128xf32>
    %mul3A_88 = arith.mulf %get3A_80, %mul3A_87 : vector<1000x128xf32>
    %swap3A_89 = arith.constant 0 : index
    %swap3A_90 = arith.constant 4 : index
    %swap3A_91 = arith.constant 0 : index
    %swap3A_92 = arith.constant 0 : index
    %swap3A_93 = vector.load %arg5[%swap3A_89, %swap3A_90, %swap3A_91, %swap3A_92] : memref<1x8x1000x128xf32, #tpu.memory_space<vmem>>, vector<1x1x1000x128xf32>
    %swap3A_94 = vector.shape_cast %swap3A_93 : vector<1x1x1000x128xf32> to vector<1000x128xf32>
    %swap3A_95 = vector.shape_cast %mul3A_88 : vector<1000x128xf32> to vector<1x1x1000x128xf32>
    tpu.vector_store %arg5[%swap3A_89, %swap3A_90, %swap3A_91, %swap3A_92], %swap3A_95 {strides = array<i32>} : memref<1x8x1000x128xf32, #tpu.memory_space<vmem>>, vector<1x1x1000x128xf32>,
    %get3A_96 = arith.constant 0 : index
    %get3A_97 = arith.constant 0 : index
    %get3A_98 = arith.constant 0 : index
    %get3A_99 = vector.load %arg3[%get3A_96, %get3A_97, %get3A_98] : memref<1x1000x128xf32, #tpu.memory_space<vmem>>, vector<1x1000x128xf32>
    %get3A_100 = vector.shape_cast %get3A_99 : vector<1x1000x128xf32> to vector<1000x128xf32>
    %get3A_101 = arith.constant 0 : index
    %get3A_102 = arith.constant 5 : index
    %get3A_103 = arith.constant 0 : index
    %get3A_104 = vector.load %arg4[%get3A_101, %get3A_102, %get3A_103] : memref<1x8x128xf32, #tpu.memory_space<vmem>>, vector<1x1x128xf32>
    %get3A_105 = vector.shape_cast %get3A_104 : vector<1x1x128xf32> to vector<128xf32>
    %broadcast_in_dim3A_106 = vector.shape_cast %get3A_105 : vector<128xf32> to vector<1x128xf32>
    %mul3A_107 = vector.broadcast %broadcast_in_dim3A_106 : vector<1x128xf32> to vector<1000x128xf32>
    %mul3A_108 = arith.mulf %get3A_100, %mul3A_107 : vector<1000x128xf32>
    %swap3A_109 = arith.constant 0 : index
    %swap3A_110 = arith.constant 5 : index
    %swap3A_111 = arith.constant 0 : index
    %swap3A_112 = arith.constant 0 : index
    %swap3A_113 = vector.load %arg5[%swap3A_109, %swap3A_110, %swap3A_111, %swap3A_112] : memref<1x8x1000x128xf32, #tpu.memory_space<vmem>>, vector<1x1x1000x128xf32>
    %swap3A_114 = vector.shape_cast %swap3A_113 : vector<1x1x1000x128xf32> to vector<1000x128xf32>
    %swap3A_115 = vector.shape_cast %mul3A_108 : vector<1000x128xf32> to vector<1x1x1000x128xf32>
    tpu.vector_store %arg5[%swap3A_109, %swap3A_110, %swap3A_111, %swap3A_112], %swap3A_115 {strides = array<i32>} : memref<1x8x1000x128xf32, #tpu.memory_space<vmem>>, vector<1x1x1000x128xf32>,
    %get3A_116 = arith.constant 0 : index
    %get3A_117 = arith.constant 0 : index
    %get3A_118 = arith.constant 0 : index
    %get3A_119 = vector.load %arg3[%get3A_116, %get3A_117, %get3A_118] : memref<1x1000x128xf32, #tpu.memory_space<vmem>>, vector<1x1000x128xf32>
    %get3A_120 = vector.shape_cast %get3A_119 : vector<1x1000x128xf32> to vector<1000x128xf32>
    %get3A_121 = arith.constant 0 : index
    %get3A_122 = arith.constant 6 : index
    %get3A_123 = arith.constant 0 : index
    %get3A_124 = vector.load %arg4[%get3A_121, %get3A_122, %get3A_123] : memref<1x8x128xf32, #tpu.memory_space<vmem>>, vector<1x1x128xf32>
    %get3A_125 = vector.shape_cast %get3A_124 : vector<1x1x128xf32> to vector<128xf32>
    %broadcast_in_dim3A_126 = vector.shape_cast %get3A_125 : vector<128xf32> to vector<1x128xf32>
    %mul3A_127 = vector.broadcast %broadcast_in_dim3A_126 : vector<1x128xf32> to vector<1000x128xf32>
    %mul3A_128 = arith.mulf %get3A_120, %mul3A_127 : vector<1000x128xf32>
    %swap3A_129 = arith.constant 0 : index
    %swap3A_130 = arith.constant 6 : index
    %swap3A_131 = arith.constant 0 : index
    %swap3A_132 = arith.constant 0 : index
    %swap3A_133 = vector.load %arg5[%swap3A_129, %swap3A_130, %swap3A_131, %swap3A_132] : memref<1x8x1000x128xf32, #tpu.memory_space<vmem>>, vector<1x1x1000x128xf32>
    %swap3A_134 = vector.shape_cast %swap3A_133 : vector<1x1x1000x128xf32> to vector<1000x128xf32>
    %swap3A_135 = vector.shape_cast %mul3A_128 : vector<1000x128xf32> to vector<1x1x1000x128xf32>
    tpu.vector_store %arg5[%swap3A_129, %swap3A_130, %swap3A_131, %swap3A_132], %swap3A_135 {strides = array<i32>} : memref<1x8x1000x128xf32, #tpu.memory_space<vmem>>, vector<1x1x1000x128xf32>,
    %get3A_136 = arith.constant 0 : index
    %get3A_137 = arith.constant 0 : index
    %get3A_138 = arith.constant 0 : index
    %get3A_139 = vector.load %arg3[%get3A_136, %get3A_137, %get3A_138] : memref<1x1000x128xf32, #tpu.memory_space<vmem>>, vector<1x1000x128xf32>
    %get3A_140 = vector.shape_cast %get3A_139 : vector<1x1000x128xf32> to vector<1000x128xf32>
    %get3A_141 = arith.constant 0 : index
    %get3A_142 = arith.constant 7 : index
    %get3A_143 = arith.constant 0 : index
    %get3A_144 = vector.load %arg4[%get3A_141, %get3A_142, %get3A_143] : memref<1x8x128xf32, #tpu.memory_space<vmem>>, vector<1x1x128xf32>
    %get3A_145 = vector.shape_cast %get3A_144 : vector<1x1x128xf32> to vector<128xf32>
    %broadcast_in_dim3A_146 = vector.shape_cast %get3A_145 : vector<128xf32> to vector<1x128xf32>
    %mul3A_147 = vector.broadcast %broadcast_in_dim3A_146 : vector<1x128xf32> to vector<1000x128xf32>
    %mul3A_148 = arith.mulf %get3A_140, %mul3A_147 : vector<1000x128xf32>
    %swap3A_149 = arith.constant 0 : index
    %swap3A_150 = arith.constant 7 : index
    %swap3A_151 = arith.constant 0 : index
    %swap3A_152 = arith.constant 0 : index
    %swap3A_153 = vector.load %arg5[%swap3A_149, %swap3A_150, %swap3A_151, %swap3A_152] : memref<1x8x1000x128xf32, #tpu.memory_space<vmem>>, vector<1x1x1000x128xf32>
    %swap3A_154 = vector.shape_cast %swap3A_153 : vector<1x1x1000x128xf32> to vector<1000x128xf32>
    %swap3A_155 = vector.shape_cast %mul3A_148 : vector<1000x128xf32> to vector<1x1x1000x128xf32>
    tpu.vector_store %arg5[%swap3A_149, %swap3A_150, %swap3A_151, %swap3A_152], %swap3A_155 {strides = array<i32>} : memref<1x8x1000x128xf32, #tpu.memory_space<vmem>>, vector<1x1x1000x128xf32>,
    return
  }
  func.func @transform_0(%arg0: i32, %arg1: i32, %arg2: i32) -> (i32, i32, i32) {
    %c0_i32 = arith.constant 0 : i32
    %c0_i32_0 = arith.constant 0 : i32
    return %arg1, %arg0, %c0_i32 : i32, i32, i32
  }
  func.func @transform_1(%arg0: i32, %arg1: i32, %arg2: i32) -> (i32, i32, i32) {
    %c0_i32 = arith.constant 0 : i32
    %c0_i32_0 = arith.constant 0 : i32
    return %arg1, %arg2, %c0_i32 : i32, i32, i32
  }
  func.func @transform_2(%arg0: i32, %arg1: i32, %arg2: i32) -> (i32, i32, i32, i32) {
    %c0_i32 = arith.constant 0 : i32
    %c0_i32_0 = arith.constant 0 : i32
    return %arg1, %arg2, %arg0, %c0_i32 : i32, i32, i32, i32
  }
}

module attributes {stable_mosaic.version = 14 : i64} {
  func.func @_combine2_body(%arg0: i32, %arg1: i32, %arg2: i32, %arg3: memref<1x1000x128xf32, #tpu.memory_space<vmem>>, %arg4: memref<1x1000x128xf32, #tpu.memory_space<vmem>>, %arg5: memref<1x1000x128xf32, #tpu.memory_space<vmem>>, %arg6: memref<1x1000x128xf32, #tpu.memory_space<vmem>>, %arg7: memref<512x128xf32, #tpu.memory_space<vmem>>, %arg8: memref<2x128xf32, #tpu.memory_space<vmem>>, %arg9: memref<1x8x128xf32, #tpu.memory_space<vmem>>, %arg10: memref<1x1000x128xf32, #tpu.memory_space<vmem>>, %arg11: memref<1x8x1000x128xf32, #tpu.memory_space<vmem>>, %arg12: memref<1000x128xf32, #tpu.memory_space<vmem>>) attributes {dimension_semantics = [#tpu.dimension_semantics<arbitrary>, #tpu.dimension_semantics<arbitrary>, #tpu.dimension_semantics<arbitrary>], iteration_bounds = array<i64: 10, 2, 4>, scalar_prefetch = 0 : i64, scratch_operands = 1 : i64, tpu.core_type = #tpu.core_type<tc>, window_params = [{transform_indices = @transform_0, window_bounds = array<i64: 1, 1000, 128>}, {transform_indices = @transform_1, window_bounds = array<i64: 1, 1000, 128>}, {transform_indices = @transform_2, window_bounds = array<i64: 1, 1000, 128>}, {transform_indices = @transform_3, window_bounds = array<i64: 1, 1000, 128>}, {transform_indices = @transform_4, window_bounds = array<i64: 512, 128>}, {pipeline_mode = #tpu.pipeline_mode<synchronous>, transform_indices = @transform_5, window_bounds = array<i64: 2, 128>}, {transform_indices = @transform_6, window_bounds = array<i64: 1, 8, 128>}, {transform_indices = @transform_7, window_bounds = array<i64: 1, 1000, 128>}, {transform_indices = @transform_8, window_bounds = array<i64: 1, 8, 1000, 128>}]} {
    %eq3A = arith.constant 0 : i32
    %eq3A_0 = arith.cmpi eq, %arg2, %eq3A : i32
    %convert_element_type3A = arith.extui %eq3A_0 : i1 to i32
    %cond3A = arith.constant 0 : i32
    %cond3A_1 = arith.cmpi ne, %convert_element_type3A, %cond3A : i32
    scf.if %cond3A_1 {
      %get3A_127 = arith.constant 0 : index
      %get3A_128 = arith.constant 0 : index
      %get3A_129 = arith.constant 0 : index
      %get3A_130 = vector.load %arg3[%get3A_127, %get3A_128, %get3A_129] : memref<1x1000x128xf32, #tpu.memory_space<vmem>>, vector<1x1000x128xf32>
      %get3A_131 = vector.shape_cast %get3A_130 : vector<1x1000x128xf32> to vector<1000x128xf32>
      %get3A_132 = arith.constant 0 : index
      %get3A_133 = arith.constant 0 : index
      %get3A_134 = vector.load %arg7[%get3A_132, %get3A_133] : memref<512x128xf32, #tpu.memory_space<vmem>>, vector<128x128xf32>
      %dot_general3A = arith.constant dense<0.000000e+00> : vector<1000x128xf32>
      %dot_general3A_135 = tpu.matmul %get3A_131, %get3A_134, %dot_general3A {dimension_numbers = #tpu.dot_dimension_numbers<[1], [0], [0], [1], [0, 0, 1, 1], [], []>, transpose_lhs_hint = false} : vector<1000x128xf32>, vector<128x128xf32>, vector<1000x128xf32> -> vector<1000x128xf32>
      %get3A_136 = arith.constant 0 : index
      %get3A_137 = arith.constant 0 : index
      %get3A_138 = arith.constant 0 : index
      %get3A_139 = vector.load %arg4[%get3A_136, %get3A_137, %get3A_138] : memref<1x1000x128xf32, #tpu.memory_space<vmem>>, vector<1x1000x128xf32>
      %get3A_140 = vector.shape_cast %get3A_139 : vector<1x1000x128xf32> to vector<1000x128xf32>
      %get3A_141 = arith.constant 128 : index
      %get3A_142 = arith.constant 0 : index
      %get3A_143 = vector.load %arg7[%get3A_141, %get3A_142] : memref<512x128xf32, #tpu.memory_space<vmem>>, vector<128x128xf32>
      %dot_general3A_144 = arith.constant dense<0.000000e+00> : vector<1000x128xf32>
      %dot_general3A_145 = tpu.matmul %get3A_140, %get3A_143, %dot_general3A_144 {dimension_numbers = #tpu.dot_dimension_numbers<[1], [0], [0], [1], [0, 0, 1, 1], [], []>, transpose_lhs_hint = false} : vector<1000x128xf32>, vector<128x128xf32>, vector<1000x128xf32> -> vector<1000x128xf32>
      %add3A = arith.addf %dot_general3A_135, %dot_general3A_145 : vector<1000x128xf32>
      %get3A_146 = arith.constant 0 : index
      %get3A_147 = arith.constant 0 : index
      %get3A_148 = arith.constant 0 : index
      %get3A_149 = vector.load %arg5[%get3A_146, %get3A_147, %get3A_148] : memref<1x1000x128xf32, #tpu.memory_space<vmem>>, vector<1x1000x128xf32>
      %get3A_150 = vector.shape_cast %get3A_149 : vector<1x1000x128xf32> to vector<1000x128xf32>
      %get3A_151 = arith.constant 256 : index
      %get3A_152 = arith.constant 0 : index
      %get3A_153 = vector.load %arg7[%get3A_151, %get3A_152] : memref<512x128xf32, #tpu.memory_space<vmem>>, vector<128x128xf32>
      %dot_general3A_154 = arith.constant dense<0.000000e+00> : vector<1000x128xf32>
      %dot_general3A_155 = tpu.matmul %get3A_150, %get3A_153, %dot_general3A_154 {dimension_numbers = #tpu.dot_dimension_numbers<[1], [0], [0], [1], [0, 0, 1, 1], [], []>, transpose_lhs_hint = false} : vector<1000x128xf32>, vector<128x128xf32>, vector<1000x128xf32> -> vector<1000x128xf32>
      %add3A_156 = arith.addf %add3A, %dot_general3A_155 : vector<1000x128xf32>
      %get3A_157 = arith.constant 0 : index
      %get3A_158 = arith.constant 0 : index
      %get3A_159 = arith.constant 0 : index
      %get3A_160 = vector.load %arg6[%get3A_157, %get3A_158, %get3A_159] : memref<1x1000x128xf32, #tpu.memory_space<vmem>>, vector<1x1000x128xf32>
      %get3A_161 = vector.shape_cast %get3A_160 : vector<1x1000x128xf32> to vector<1000x128xf32>
      %get3A_162 = arith.constant 384 : index
      %get3A_163 = arith.constant 0 : index
      %get3A_164 = vector.load %arg7[%get3A_162, %get3A_163] : memref<512x128xf32, #tpu.memory_space<vmem>>, vector<128x128xf32>
      %dot_general3A_165 = arith.constant dense<0.000000e+00> : vector<1000x128xf32>
      %dot_general3A_166 = tpu.matmul %get3A_161, %get3A_164, %dot_general3A_165 {dimension_numbers = #tpu.dot_dimension_numbers<[1], [0], [0], [1], [0, 0, 1, 1], [], []>, transpose_lhs_hint = false} : vector<1000x128xf32>, vector<128x128xf32>, vector<1000x128xf32> -> vector<1000x128xf32>
      %add3A_167 = arith.addf %add3A_156, %dot_general3A_166 : vector<1000x128xf32>
      %eq3A_168 = arith.constant 0 : i32
      %eq3A_169 = arith.cmpi eq, %arg1, %eq3A_168 : i32
      %get3A_170 = arith.constant 0 : index
      %get3A_171 = arith.constant 0 : index
      %get3A_172 = vector.load %arg8[%get3A_170, %get3A_171] : memref<2x128xf32, #tpu.memory_space<vmem>>, vector<1x128xf32>
      %get3A_173 = arith.constant 1 : index
      %get3A_174 = arith.constant 0 : index
      %get3A_175 = vector.load %arg8[%get3A_173, %get3A_174] : memref<2x128xf32, #tpu.memory_space<vmem>>, vector<1x128xf32>
      %select_n3A = arith.select %eq3A_169, %get3A_172, %get3A_175 : vector<1x128xf32>
      %add3A_176 = vector.broadcast %select_n3A : vector<1x128xf32> to vector<1000x128xf32>
      %add3A_177 = arith.addf %add3A_167, %add3A_176 : vector<1000x128xf32>
      %max3A = arith.constant 0.000000e+00 : f32
      %max3A_178 = vector.broadcast %max3A : f32 to vector<1000x128xf32>
      %max3A_179 = arith.maximumf %add3A_177, %max3A_178 : vector<1000x128xf32>
      %swap3A_180 = arith.constant 0 : index
      %swap3A_181 = arith.constant 0 : index
      %swap3A_182 = vector.load %arg12[%swap3A_180, %swap3A_181] : memref<1000x128xf32, #tpu.memory_space<vmem>>, vector<1000x128xf32>
      tpu.vector_store %arg12[%swap3A_180, %swap3A_181], %max3A_179 {strides = array<i32>} : memref<1000x128xf32, #tpu.memory_space<vmem>>, vector<1000x128xf32>,
    } else {
    }
    %get3A = arith.constant 0 : index
    %get3A_2 = arith.constant 0 : index
    %get3A_3 = vector.load %arg12[%get3A, %get3A_2] : memref<1000x128xf32, #tpu.memory_space<vmem>>, vector<1000x128xf32>
    %swap3A = arith.constant 0 : index
    %swap3A_4 = arith.constant 0 : index
    %swap3A_5 = arith.constant 0 : index
    %swap3A_6 = vector.load %arg10[%swap3A, %swap3A_4, %swap3A_5] : memref<1x1000x128xf32, #tpu.memory_space<vmem>>, vector<1x1000x128xf32>
    %swap3A_7 = vector.shape_cast %swap3A_6 : vector<1x1000x128xf32> to vector<1000x128xf32>
    %swap3A_8 = vector.shape_cast %get3A_3 : vector<1000x128xf32> to vector<1x1000x128xf32>
    tpu.vector_store %arg10[%swap3A, %swap3A_4, %swap3A_5], %swap3A_8 {strides = array<i32>} : memref<1x1000x128xf32, #tpu.memory_space<vmem>>, vector<1x1000x128xf32>,
    %get3A_9 = arith.constant 0 : index
    %get3A_10 = arith.constant 0 : index
    %get3A_11 = arith.constant 0 : index
    %get3A_12 = vector.load %arg9[%get3A_9, %get3A_10, %get3A_11] : memref<1x8x128xf32, #tpu.memory_space<vmem>>, vector<1x1x128xf32>
    %get3A_13 = vector.shape_cast %get3A_12 : vector<1x1x128xf32> to vector<128xf32>
    %broadcast_in_dim3A = vector.shape_cast %get3A_13 : vector<128xf32> to vector<1x128xf32>
    %mul3A = vector.broadcast %broadcast_in_dim3A : vector<1x128xf32> to vector<1000x128xf32>
    %mul3A_14 = arith.mulf %get3A_3, %mul3A : vector<1000x128xf32>
    %swap3A_15 = arith.constant 0 : index
    %swap3A_16 = arith.constant 0 : index
    %swap3A_17 = arith.constant 0 : index
    %swap3A_18 = arith.constant 0 : index
    %swap3A_19 = vector.load %arg11[%swap3A_15, %swap3A_16, %swap3A_17, %swap3A_18] : memref<1x8x1000x128xf32, #tpu.memory_space<vmem>>, vector<1x1x1000x128xf32>
    %swap3A_20 = vector.shape_cast %swap3A_19 : vector<1x1x1000x128xf32> to vector<1000x128xf32>
    %swap3A_21 = vector.shape_cast %mul3A_14 : vector<1000x128xf32> to vector<1x1x1000x128xf32>
    tpu.vector_store %arg11[%swap3A_15, %swap3A_16, %swap3A_17, %swap3A_18], %swap3A_21 {strides = array<i32>} : memref<1x8x1000x128xf32, #tpu.memory_space<vmem>>, vector<1x1x1000x128xf32>,
    %get3A_22 = arith.constant 0 : index
    %get3A_23 = arith.constant 1 : index
    %get3A_24 = arith.constant 0 : index
    %get3A_25 = vector.load %arg9[%get3A_22, %get3A_23, %get3A_24] : memref<1x8x128xf32, #tpu.memory_space<vmem>>, vector<1x1x128xf32>
    %get3A_26 = vector.shape_cast %get3A_25 : vector<1x1x128xf32> to vector<128xf32>
    %broadcast_in_dim3A_27 = vector.shape_cast %get3A_26 : vector<128xf32> to vector<1x128xf32>
    %mul3A_28 = vector.broadcast %broadcast_in_dim3A_27 : vector<1x128xf32> to vector<1000x128xf32>
    %mul3A_29 = arith.mulf %get3A_3, %mul3A_28 : vector<1000x128xf32>
    %swap3A_30 = arith.constant 0 : index
    %swap3A_31 = arith.constant 1 : index
    %swap3A_32 = arith.constant 0 : index
    %swap3A_33 = arith.constant 0 : index
    %swap3A_34 = vector.load %arg11[%swap3A_30, %swap3A_31, %swap3A_32, %swap3A_33] : memref<1x8x1000x128xf32, #tpu.memory_space<vmem>>, vector<1x1x1000x128xf32>
    %swap3A_35 = vector.shape_cast %swap3A_34 : vector<1x1x1000x128xf32> to vector<1000x128xf32>
    %swap3A_36 = vector.shape_cast %mul3A_29 : vector<1000x128xf32> to vector<1x1x1000x128xf32>
    tpu.vector_store %arg11[%swap3A_30, %swap3A_31, %swap3A_32, %swap3A_33], %swap3A_36 {strides = array<i32>} : memref<1x8x1000x128xf32, #tpu.memory_space<vmem>>, vector<1x1x1000x128xf32>,
    %get3A_37 = arith.constant 0 : index
    %get3A_38 = arith.constant 2 : index
    %get3A_39 = arith.constant 0 : index
    %get3A_40 = vector.load %arg9[%get3A_37, %get3A_38, %get3A_39] : memref<1x8x128xf32, #tpu.memory_space<vmem>>, vector<1x1x128xf32>
    %get3A_41 = vector.shape_cast %get3A_40 : vector<1x1x128xf32> to vector<128xf32>
    %broadcast_in_dim3A_42 = vector.shape_cast %get3A_41 : vector<128xf32> to vector<1x128xf32>
    %mul3A_43 = vector.broadcast %broadcast_in_dim3A_42 : vector<1x128xf32> to vector<1000x128xf32>
    %mul3A_44 = arith.mulf %get3A_3, %mul3A_43 : vector<1000x128xf32>
    %swap3A_45 = arith.constant 0 : index
    %swap3A_46 = arith.constant 2 : index
    %swap3A_47 = arith.constant 0 : index
    %swap3A_48 = arith.constant 0 : index
    %swap3A_49 = vector.load %arg11[%swap3A_45, %swap3A_46, %swap3A_47, %swap3A_48] : memref<1x8x1000x128xf32, #tpu.memory_space<vmem>>, vector<1x1x1000x128xf32>
    %swap3A_50 = vector.shape_cast %swap3A_49 : vector<1x1x1000x128xf32> to vector<1000x128xf32>
    %swap3A_51 = vector.shape_cast %mul3A_44 : vector<1000x128xf32> to vector<1x1x1000x128xf32>
    tpu.vector_store %arg11[%swap3A_45, %swap3A_46, %swap3A_47, %swap3A_48], %swap3A_51 {strides = array<i32>} : memref<1x8x1000x128xf32, #tpu.memory_space<vmem>>, vector<1x1x1000x128xf32>,
    %get3A_52 = arith.constant 0 : index
    %get3A_53 = arith.constant 3 : index
    %get3A_54 = arith.constant 0 : index
    %get3A_55 = vector.load %arg9[%get3A_52, %get3A_53, %get3A_54] : memref<1x8x128xf32, #tpu.memory_space<vmem>>, vector<1x1x128xf32>
    %get3A_56 = vector.shape_cast %get3A_55 : vector<1x1x128xf32> to vector<128xf32>
    %broadcast_in_dim3A_57 = vector.shape_cast %get3A_56 : vector<128xf32> to vector<1x128xf32>
    %mul3A_58 = vector.broadcast %broadcast_in_dim3A_57 : vector<1x128xf32> to vector<1000x128xf32>
    %mul3A_59 = arith.mulf %get3A_3, %mul3A_58 : vector<1000x128xf32>
    %swap3A_60 = arith.constant 0 : index
    %swap3A_61 = arith.constant 3 : index
    %swap3A_62 = arith.constant 0 : index
    %swap3A_63 = arith.constant 0 : index
    %swap3A_64 = vector.load %arg11[%swap3A_60, %swap3A_61, %swap3A_62, %swap3A_63] : memref<1x8x1000x128xf32, #tpu.memory_space<vmem>>, vector<1x1x1000x128xf32>
    %swap3A_65 = vector.shape_cast %swap3A_64 : vector<1x1x1000x128xf32> to vector<1000x128xf32>
    %swap3A_66 = vector.shape_cast %mul3A_59 : vector<1000x128xf32> to vector<1x1x1000x128xf32>
    tpu.vector_store %arg11[%swap3A_60, %swap3A_61, %swap3A_62, %swap3A_63], %swap3A_66 {strides = array<i32>} : memref<1x8x1000x128xf32, #tpu.memory_space<vmem>>, vector<1x1x1000x128xf32>,
    %get3A_67 = arith.constant 0 : index
    %get3A_68 = arith.constant 4 : index
    %get3A_69 = arith.constant 0 : index
    %get3A_70 = vector.load %arg9[%get3A_67, %get3A_68, %get3A_69] : memref<1x8x128xf32, #tpu.memory_space<vmem>>, vector<1x1x128xf32>
    %get3A_71 = vector.shape_cast %get3A_70 : vector<1x1x128xf32> to vector<128xf32>
    %broadcast_in_dim3A_72 = vector.shape_cast %get3A_71 : vector<128xf32> to vector<1x128xf32>
    %mul3A_73 = vector.broadcast %broadcast_in_dim3A_72 : vector<1x128xf32> to vector<1000x128xf32>
    %mul3A_74 = arith.mulf %get3A_3, %mul3A_73 : vector<1000x128xf32>
    %swap3A_75 = arith.constant 0 : index
    %swap3A_76 = arith.constant 4 : index
    %swap3A_77 = arith.constant 0 : index
    %swap3A_78 = arith.constant 0 : index
    %swap3A_79 = vector.load %arg11[%swap3A_75, %swap3A_76, %swap3A_77, %swap3A_78] : memref<1x8x1000x128xf32, #tpu.memory_space<vmem>>, vector<1x1x1000x128xf32>
    %swap3A_80 = vector.shape_cast %swap3A_79 : vector<1x1x1000x128xf32> to vector<1000x128xf32>
    %swap3A_81 = vector.shape_cast %mul3A_74 : vector<1000x128xf32> to vector<1x1x1000x128xf32>
    tpu.vector_store %arg11[%swap3A_75, %swap3A_76, %swap3A_77, %swap3A_78], %swap3A_81 {strides = array<i32>} : memref<1x8x1000x128xf32, #tpu.memory_space<vmem>>, vector<1x1x1000x128xf32>,
    %get3A_82 = arith.constant 0 : index
    %get3A_83 = arith.constant 5 : index
    %get3A_84 = arith.constant 0 : index
    %get3A_85 = vector.load %arg9[%get3A_82, %get3A_83, %get3A_84] : memref<1x8x128xf32, #tpu.memory_space<vmem>>, vector<1x1x128xf32>
    %get3A_86 = vector.shape_cast %get3A_85 : vector<1x1x128xf32> to vector<128xf32>
    %broadcast_in_dim3A_87 = vector.shape_cast %get3A_86 : vector<128xf32> to vector<1x128xf32>
    %mul3A_88 = vector.broadcast %broadcast_in_dim3A_87 : vector<1x128xf32> to vector<1000x128xf32>
    %mul3A_89 = arith.mulf %get3A_3, %mul3A_88 : vector<1000x128xf32>
    %swap3A_90 = arith.constant 0 : index
    %swap3A_91 = arith.constant 5 : index
    %swap3A_92 = arith.constant 0 : index
    %swap3A_93 = arith.constant 0 : index
    %swap3A_94 = vector.load %arg11[%swap3A_90, %swap3A_91, %swap3A_92, %swap3A_93] : memref<1x8x1000x128xf32, #tpu.memory_space<vmem>>, vector<1x1x1000x128xf32>
    %swap3A_95 = vector.shape_cast %swap3A_94 : vector<1x1x1000x128xf32> to vector<1000x128xf32>
    %swap3A_96 = vector.shape_cast %mul3A_89 : vector<1000x128xf32> to vector<1x1x1000x128xf32>
    tpu.vector_store %arg11[%swap3A_90, %swap3A_91, %swap3A_92, %swap3A_93], %swap3A_96 {strides = array<i32>} : memref<1x8x1000x128xf32, #tpu.memory_space<vmem>>, vector<1x1x1000x128xf32>,
    %get3A_97 = arith.constant 0 : index
    %get3A_98 = arith.constant 6 : index
    %get3A_99 = arith.constant 0 : index
    %get3A_100 = vector.load %arg9[%get3A_97, %get3A_98, %get3A_99] : memref<1x8x128xf32, #tpu.memory_space<vmem>>, vector<1x1x128xf32>
    %get3A_101 = vector.shape_cast %get3A_100 : vector<1x1x128xf32> to vector<128xf32>
    %broadcast_in_dim3A_102 = vector.shape_cast %get3A_101 : vector<128xf32> to vector<1x128xf32>
    %mul3A_103 = vector.broadcast %broadcast_in_dim3A_102 : vector<1x128xf32> to vector<1000x128xf32>
    %mul3A_104 = arith.mulf %get3A_3, %mul3A_103 : vector<1000x128xf32>
    %swap3A_105 = arith.constant 0 : index
    %swap3A_106 = arith.constant 6 : index
    %swap3A_107 = arith.constant 0 : index
    %swap3A_108 = arith.constant 0 : index
    %swap3A_109 = vector.load %arg11[%swap3A_105, %swap3A_106, %swap3A_107, %swap3A_108] : memref<1x8x1000x128xf32, #tpu.memory_space<vmem>>, vector<1x1x1000x128xf32>
    %swap3A_110 = vector.shape_cast %swap3A_109 : vector<1x1x1000x128xf32> to vector<1000x128xf32>
    %swap3A_111 = vector.shape_cast %mul3A_104 : vector<1000x128xf32> to vector<1x1x1000x128xf32>
    tpu.vector_store %arg11[%swap3A_105, %swap3A_106, %swap3A_107, %swap3A_108], %swap3A_111 {strides = array<i32>} : memref<1x8x1000x128xf32, #tpu.memory_space<vmem>>, vector<1x1x1000x128xf32>,
    %get3A_112 = arith.constant 0 : index
    %get3A_113 = arith.constant 7 : index
    %get3A_114 = arith.constant 0 : index
    %get3A_115 = vector.load %arg9[%get3A_112, %get3A_113, %get3A_114] : memref<1x8x128xf32, #tpu.memory_space<vmem>>, vector<1x1x128xf32>
    %get3A_116 = vector.shape_cast %get3A_115 : vector<1x1x128xf32> to vector<128xf32>
    %broadcast_in_dim3A_117 = vector.shape_cast %get3A_116 : vector<128xf32> to vector<1x128xf32>
    %mul3A_118 = vector.broadcast %broadcast_in_dim3A_117 : vector<1x128xf32> to vector<1000x128xf32>
    %mul3A_119 = arith.mulf %get3A_3, %mul3A_118 : vector<1000x128xf32>
    %swap3A_120 = arith.constant 0 : index
    %swap3A_121 = arith.constant 7 : index
    %swap3A_122 = arith.constant 0 : index
    %swap3A_123 = arith.constant 0 : index
    %swap3A_124 = vector.load %arg11[%swap3A_120, %swap3A_121, %swap3A_122, %swap3A_123] : memref<1x8x1000x128xf32, #tpu.memory_space<vmem>>, vector<1x1x1000x128xf32>
    %swap3A_125 = vector.shape_cast %swap3A_124 : vector<1x1x1000x128xf32> to vector<1000x128xf32>
    %swap3A_126 = vector.shape_cast %mul3A_119 : vector<1000x128xf32> to vector<1x1x1000x128xf32>
    tpu.vector_store %arg11[%swap3A_120, %swap3A_121, %swap3A_122, %swap3A_123], %swap3A_126 {strides = array<i32>} : memref<1x8x1000x128xf32, #tpu.memory_space<vmem>>, vector<1x1x1000x128xf32>,
    return
  }
  func.func @transform_0(%arg0: i32, %arg1: i32, %arg2: i32) -> (i32, i32, i32) {
    %c0_i32 = arith.constant 0 : i32
    %c0_i32_0 = arith.constant 0 : i32
    %c0_i32_1 = arith.constant 0 : i32
    return %c0_i32, %arg0, %c0_i32_0 : i32, i32, i32
  }
  func.func @transform_1(%arg0: i32, %arg1: i32, %arg2: i32) -> (i32, i32, i32) {
    %c1_i32 = arith.constant 1 : i32
    %c0_i32 = arith.constant 0 : i32
    %c0_i32_0 = arith.constant 0 : i32
    return %c1_i32, %arg0, %c0_i32 : i32, i32, i32
  }
  func.func @transform_2(%arg0: i32, %arg1: i32, %arg2: i32) -> (i32, i32, i32) {
    %c0_i32 = arith.constant 0 : i32
    %c0_i32_0 = arith.constant 0 : i32
    %c0_i32_1 = arith.constant 0 : i32
    return %c0_i32, %arg0, %c0_i32_0 : i32, i32, i32
  }
  func.func @transform_3(%arg0: i32, %arg1: i32, %arg2: i32) -> (i32, i32, i32) {
    %c1_i32 = arith.constant 1 : i32
    %c0_i32 = arith.constant 0 : i32
    %c0_i32_0 = arith.constant 0 : i32
    return %c1_i32, %arg0, %c0_i32 : i32, i32, i32
  }
  func.func @transform_4(%arg0: i32, %arg1: i32, %arg2: i32) -> (i32, i32) {
    %c0_i32 = arith.constant 0 : i32
    %c0_i32_0 = arith.constant 0 : i32
    return %c0_i32, %arg1 : i32, i32
  }
  func.func @transform_5(%arg0: i32, %arg1: i32, %arg2: i32) -> (i32, i32) {
    %c0_i32 = arith.constant 0 : i32
    %c0_i32_0 = arith.constant 0 : i32
    %c0_i32_1 = arith.constant 0 : i32
    return %c0_i32, %c0_i32_0 : i32, i32
  }
  func.func @transform_6(%arg0: i32, %arg1: i32, %arg2: i32) -> (i32, i32, i32) {
    %c0_i32 = arith.constant 0 : i32
    %c0_i32_0 = arith.constant 0 : i32
    return %arg1, %arg2, %c0_i32 : i32, i32, i32
  }
  func.func @transform_7(%arg0: i32, %arg1: i32, %arg2: i32) -> (i32, i32, i32) {
    %c0_i32 = arith.constant 0 : i32
    %c0_i32_0 = arith.constant 0 : i32
    return %arg1, %arg0, %c0_i32 : i32, i32, i32
  }
  func.func @transform_8(%arg0: i32, %arg1: i32, %arg2: i32) -> (i32, i32, i32, i32) {
    %c0_i32 = arith.constant 0 : i32
    %c0_i32_0 = arith.constant 0 : i32
    return %arg1, %arg2, %arg0, %c0_i32 : i32, i32, i32, i32
  }
}

module attributes {stable_mosaic.version = 14 : i64} {
  func.func @_combine_body(%arg0: i32, %arg1: i32, %arg2: memref<1x1000x128xf32, #tpu.memory_space<vmem>>, %arg3: memref<1x1000x128xf32, #tpu.memory_space<vmem>>, %arg4: memref<1x1000x128xf32, #tpu.memory_space<vmem>>, %arg5: memref<1x1000x128xf32, #tpu.memory_space<vmem>>, %arg6: memref<512x128xf32, #tpu.memory_space<vmem>>, %arg7: memref<2x128xf32, #tpu.memory_space<vmem>>, %arg8: memref<1x1000x128xf32, #tpu.memory_space<vmem>>) attributes {dimension_semantics = [#tpu.dimension_semantics<arbitrary>, #tpu.dimension_semantics<arbitrary>], iteration_bounds = array<i64: 10, 2>, scalar_prefetch = 0 : i64, scratch_operands = 0 : i64, tpu.core_type = #tpu.core_type<tc>, window_params = [{transform_indices = @transform_0, window_bounds = array<i64: 1, 1000, 128>}, {transform_indices = @transform_1, window_bounds = array<i64: 1, 1000, 128>}, {transform_indices = @transform_2, window_bounds = array<i64: 1, 1000, 128>}, {transform_indices = @transform_3, window_bounds = array<i64: 1, 1000, 128>}, {transform_indices = @transform_4, window_bounds = array<i64: 512, 128>}, {pipeline_mode = #tpu.pipeline_mode<synchronous>, transform_indices = @transform_5, window_bounds = array<i64: 2, 128>}, {transform_indices = @transform_6, window_bounds = array<i64: 1, 1000, 128>}]} {
    %get3A = arith.constant 0 : index
    %get3A_0 = arith.constant 0 : index
    %get3A_1 = arith.constant 0 : index
    %get3A_2 = vector.load %arg2[%get3A, %get3A_0, %get3A_1] : memref<1x1000x128xf32, #tpu.memory_space<vmem>>, vector<1x1000x128xf32>
    %get3A_3 = vector.shape_cast %get3A_2 : vector<1x1000x128xf32> to vector<1000x128xf32>
    %get3A_4 = arith.constant 0 : index
    %get3A_5 = arith.constant 0 : index
    %get3A_6 = vector.load %arg6[%get3A_4, %get3A_5] : memref<512x128xf32, #tpu.memory_space<vmem>>, vector<128x128xf32>
    %dot_general3A = arith.constant dense<0.000000e+00> : vector<1000x128xf32>
    %dot_general3A_7 = tpu.matmul %get3A_3, %get3A_6, %dot_general3A {dimension_numbers = #tpu.dot_dimension_numbers<[1], [0], [0], [1], [0, 0, 1, 1], [], []>, transpose_lhs_hint = false} : vector<1000x128xf32>, vector<128x128xf32>, vector<1000x128xf32> -> vector<1000x128xf32>
    %get3A_8 = arith.constant 0 : index
    %get3A_9 = arith.constant 0 : index
    %get3A_10 = arith.constant 0 : index
    %get3A_11 = vector.load %arg3[%get3A_8, %get3A_9, %get3A_10] : memref<1x1000x128xf32, #tpu.memory_space<vmem>>, vector<1x1000x128xf32>
    %get3A_12 = vector.shape_cast %get3A_11 : vector<1x1000x128xf32> to vector<1000x128xf32>
    %get3A_13 = arith.constant 128 : index
    %get3A_14 = arith.constant 0 : index
    %get3A_15 = vector.load %arg6[%get3A_13, %get3A_14] : memref<512x128xf32, #tpu.memory_space<vmem>>, vector<128x128xf32>
    %dot_general3A_16 = arith.constant dense<0.000000e+00> : vector<1000x128xf32>
    %dot_general3A_17 = tpu.matmul %get3A_12, %get3A_15, %dot_general3A_16 {dimension_numbers = #tpu.dot_dimension_numbers<[1], [0], [0], [1], [0, 0, 1, 1], [], []>, transpose_lhs_hint = false} : vector<1000x128xf32>, vector<128x128xf32>, vector<1000x128xf32> -> vector<1000x128xf32>
    %add3A = arith.addf %dot_general3A_7, %dot_general3A_17 : vector<1000x128xf32>
    %get3A_18 = arith.constant 0 : index
    %get3A_19 = arith.constant 0 : index
    %get3A_20 = arith.constant 0 : index
    %get3A_21 = vector.load %arg4[%get3A_18, %get3A_19, %get3A_20] : memref<1x1000x128xf32, #tpu.memory_space<vmem>>, vector<1x1000x128xf32>
    %get3A_22 = vector.shape_cast %get3A_21 : vector<1x1000x128xf32> to vector<1000x128xf32>
    %get3A_23 = arith.constant 256 : index
    %get3A_24 = arith.constant 0 : index
    %get3A_25 = vector.load %arg6[%get3A_23, %get3A_24] : memref<512x128xf32, #tpu.memory_space<vmem>>, vector<128x128xf32>
    %dot_general3A_26 = arith.constant dense<0.000000e+00> : vector<1000x128xf32>
    %dot_general3A_27 = tpu.matmul %get3A_22, %get3A_25, %dot_general3A_26 {dimension_numbers = #tpu.dot_dimension_numbers<[1], [0], [0], [1], [0, 0, 1, 1], [], []>, transpose_lhs_hint = false} : vector<1000x128xf32>, vector<128x128xf32>, vector<1000x128xf32> -> vector<1000x128xf32>
    %add3A_28 = arith.addf %add3A, %dot_general3A_27 : vector<1000x128xf32>
    %get3A_29 = arith.constant 0 : index
    %get3A_30 = arith.constant 0 : index
    %get3A_31 = arith.constant 0 : index
    %get3A_32 = vector.load %arg5[%get3A_29, %get3A_30, %get3A_31] : memref<1x1000x128xf32, #tpu.memory_space<vmem>>, vector<1x1000x128xf32>
    %get3A_33 = vector.shape_cast %get3A_32 : vector<1x1000x128xf32> to vector<1000x128xf32>
    %get3A_34 = arith.constant 384 : index
    %get3A_35 = arith.constant 0 : index
    %get3A_36 = vector.load %arg6[%get3A_34, %get3A_35] : memref<512x128xf32, #tpu.memory_space<vmem>>, vector<128x128xf32>
    %dot_general3A_37 = arith.constant dense<0.000000e+00> : vector<1000x128xf32>
    %dot_general3A_38 = tpu.matmul %get3A_33, %get3A_36, %dot_general3A_37 {dimension_numbers = #tpu.dot_dimension_numbers<[1], [0], [0], [1], [0, 0, 1, 1], [], []>, transpose_lhs_hint = false} : vector<1000x128xf32>, vector<128x128xf32>, vector<1000x128xf32> -> vector<1000x128xf32>
    %add3A_39 = arith.addf %add3A_28, %dot_general3A_38 : vector<1000x128xf32>
    %eq3A = arith.constant 0 : i32
    %eq3A_40 = arith.cmpi eq, %arg1, %eq3A : i32
    %get3A_41 = arith.constant 0 : index
    %get3A_42 = arith.constant 0 : index
    %get3A_43 = vector.load %arg7[%get3A_41, %get3A_42] : memref<2x128xf32, #tpu.memory_space<vmem>>, vector<1x128xf32>
    %get3A_44 = arith.constant 1 : index
    %get3A_45 = arith.constant 0 : index
    %get3A_46 = vector.load %arg7[%get3A_44, %get3A_45] : memref<2x128xf32, #tpu.memory_space<vmem>>, vector<1x128xf32>
    %select_n3A = arith.select %eq3A_40, %get3A_43, %get3A_46 : vector<1x128xf32>
    %add3A_47 = vector.broadcast %select_n3A : vector<1x128xf32> to vector<1000x128xf32>
    %add3A_48 = arith.addf %add3A_39, %add3A_47 : vector<1000x128xf32>
    %max3A = arith.constant 0.000000e+00 : f32
    %max3A_49 = vector.broadcast %max3A : f32 to vector<1000x128xf32>
    %max3A_50 = arith.maximumf %add3A_48, %max3A_49 : vector<1000x128xf32>
    %swap3A = arith.constant 0 : index
    %swap3A_51 = arith.constant 0 : index
    %swap3A_52 = arith.constant 0 : index
    %swap3A_53 = vector.load %arg8[%swap3A, %swap3A_51, %swap3A_52] : memref<1x1000x128xf32, #tpu.memory_space<vmem>>, vector<1x1000x128xf32>
    %swap3A_54 = vector.shape_cast %swap3A_53 : vector<1x1000x128xf32> to vector<1000x128xf32>
    %swap3A_55 = vector.shape_cast %max3A_50 : vector<1000x128xf32> to vector<1x1000x128xf32>
    tpu.vector_store %arg8[%swap3A, %swap3A_51, %swap3A_52], %swap3A_55 {strides = array<i32>} : memref<1x1000x128xf32, #tpu.memory_space<vmem>>, vector<1x1000x128xf32>,
    return
  }
  func.func @transform_0(%arg0: i32, %arg1: i32) -> (i32, i32, i32) {
    %c0_i32 = arith.constant 0 : i32
    %c0_i32_0 = arith.constant 0 : i32
    %c0_i32_1 = arith.constant 0 : i32
    return %c0_i32, %arg0, %c0_i32_0 : i32, i32, i32
  }
  func.func @transform_1(%arg0: i32, %arg1: i32) -> (i32, i32, i32) {
    %c1_i32 = arith.constant 1 : i32
    %c0_i32 = arith.constant 0 : i32
    %c0_i32_0 = arith.constant 0 : i32
    return %c1_i32, %arg0, %c0_i32 : i32, i32, i32
  }
  func.func @transform_2(%arg0: i32, %arg1: i32) -> (i32, i32, i32) {
    %c0_i32 = arith.constant 0 : i32
    %c0_i32_0 = arith.constant 0 : i32
    %c0_i32_1 = arith.constant 0 : i32
    return %c0_i32, %arg0, %c0_i32_0 : i32, i32, i32
  }
  func.func @transform_3(%arg0: i32, %arg1: i32) -> (i32, i32, i32) {
    %c1_i32 = arith.constant 1 : i32
    %c0_i32 = arith.constant 0 : i32
    %c0_i32_0 = arith.constant 0 : i32
    return %c1_i32, %arg0, %c0_i32 : i32, i32, i32
  }
  func.func @transform_4(%arg0: i32, %arg1: i32) -> (i32, i32) {
    %c0_i32 = arith.constant 0 : i32
    %c0_i32_0 = arith.constant 0 : i32
    return %c0_i32, %arg1 : i32, i32
  }
  func.func @transform_5(%arg0: i32, %arg1: i32) -> (i32, i32) {
    %c0_i32 = arith.constant 0 : i32
    %c0_i32_0 = arith.constant 0 : i32
    %c0_i32_1 = arith.constant 0 : i32
    return %c0_i32, %c0_i32_0 : i32, i32
  }
  func.func @transform_6(%arg0: i32, %arg1: i32) -> (i32, i32, i32) {
    %c0_i32 = arith.constant 0 : i32
    %c0_i32_0 = arith.constant 0 : i32
    return %arg1, %arg0, %c0_i32 : i32, i32, i32
  }
}

</mosaic_0001>

<sc_bundles>
// kernel: kernel.11.cloned.1.call-start
scs
__scs_entry_jumppad:
0x0: {  	(pc) =	sbr.rel $0x88, $3  }
0x1: {  	(tag) =	ssettag $0x0;
	lr =	simm.s32 $0x1  }
0x2: {  	[smem:$0x3F94] =	sst lr;
	_ =	strace $0xD0000000  }
0x3: {  	_ = 	snop  }
0x4: {  	_ = 	snop  }
0x5: {  	_ = 	snop  }
0x6: {  	_ = 	snop  }
0x7: {  	_ = 	snop  }
__scs_overlays_trampoline_lowered:
0x8: {  	[smem:$0x3FA3] =	sst s0  }
0x9: {  	[smem:$0x3FA4] =	sst s1  }
0xa: {  	[smem:$0x3FA5] =	sst s2  }
0xb: {  	[smem:$0x3FA6] =	sst s3  }
0xc: {  	[smem:$0x3FA7] =	sst s4  }
0xd: {  	[smem:$0x3FA8] =	sst s5  }
0xe: {  	[smem:$0x3FA9] =	sst s6  }
0xf: {  	[smem:$0x3FAA] =	sst s7  }
0x10: {  	[smem:$0x3FAB] =	sst s8  }
0x11: {  	[smem:$0x3FAC] =	sst s9;
	s0 =	simm.s32 @!p0 $0x0  }
0x12: {  	s1 =	sld [smem:$0x3F92];
	s0 =	simm.s32 @p0 $0x1  }
0x13: {  	[smem:$0x3FAD] =	sst s0;
	s0 =	simm.s32 @!p1 $0x0  }
0x14: {  	s2 =	sld [smem:$0x3F91];
	s0 =	simm.s32 @p1 $0x1  }
0x15: {  	[smem:$0x3FAE] =	sst s0;
	s0 =	simm.s32 @!p2 $0x0  }
0x16: {  	s3 =	sld [smem:$0x3FDB];
	s0 =	simm.s32 @p2 $0x1  }
0x17: {  	s4 =	simm.s32 $0x1BF5;
	[smem:$0x3FB0] =	sst s0  }
0x18: {  	s0 =	sld [smem:$0x3F93];
	_ =	swait.ge [sflag:s4], $0x0  }
0x19: {  	s7 =	sld [smem:$0x3F94]  }
0x1a: {  	s8 =	sadd.s32 $0xFFFFE003, lr  }
0x1b: {  	s9 =	sadd.s32 $0xFFFFFEF7, lr;
	s5 =	simm.s32 $0xFFFFFFFF;
	p2 =	slt.u32 s8, $0xFFFFF086  }
0x1c: {  	p1 =	slt.u32 s9, $0xF7A;
	s5 =	simm.s32 @!p2 $0x0  }
0x1d: {  	s5 =	simm.s32 @p1 $0x1;
	p0 =	seq.s32 s7, s2  }
0x1e: {  	s7 =	smul.u32 @!p0 $0xF7A, s2;
	p2 =	seq.s32 @!p0 s5, $0x0  }
0x1f: {  	s9 =	smul.u32 $0xF7A, s1;
	s8 =	simm.s32 @!p0 $0x1BF5;
	p2 =	por !p2, p0  }
0x20: {  	[sflag:s8] =	ssyncset.s32 @!p0 $0xFFFFF086;
	s6 =	sadd.s32 @!p0 s3, s7;
	s7 =	simm.s32 @!p0 $0x108  }
0x21: {  	s3 =	sadd.s32 s3, s9;
	s6 =	sadd.s32 @!p0 $0x88, s6;
	s7 =	simm.s32 @p2 $0x1082  }
0x22: {  	[simem:s7], [sflag:s8] =	dma.local @!p0 [hbm:s6], $0xF7A  }
0x23: {  	s9 =	sor.u32 $0xD0000000, s2;
	s6 =	simm.s32 $0x108;
	_ =	swait.ge @!p0 [sflag:s8], $0x0  }
0x24: {  	s3 =	sadd.s32 $0x88, s3;
	s6 =	simm.s32 @!p1 $0x1082;
	[sflag:s4] =	ssyncset.s32 $0xFFFFF086  }
0x25: {  	[simem:s6], [sflag:s4] =	dma.local [hbm:s3], $0xF7A  }
0x26: {  	[smem:$0x3F94] =	sst s1;
	(tag) =	ssettag s2;
	_ =	strace s9  }
0x27: {  	s1 =	sld [smem:$0x3FA4]  }
0x28: {  	s2 =	sld [smem:$0x3FA5]  }
0x29: {  	s4 =	sld [smem:$0x3FA7]  }
0x2a: {  	p0 =	seq.s32 s5, $0x0;
	s5 =	sld [smem:$0x3FA8]  }
0x2b: {  	s6 =	sld [smem:$0x3FA9]  }
0x2c: {  	s7 =	sld [smem:$0x3FAA]  }
0x2d: {  	s3 =	simm.s32 $0x108;
	s8 =	sld [smem:$0x3FAB]  }
0x2e: {  	s3 =	simm.s32 @!p0 $0x1082;
	s9 =	sld [smem:$0x3FAC]  }
0x2f: {  	lr =	sadd.s32 s0, s3;
	s0 =	sld [smem:$0x3FA3]  }
0x30: {  	s3 =	sld [smem:$0x3FA6]  }
0x31: {  	[smem:$0x3FAF] =	sst s10  }
0x32: {  	s10 =	sld [smem:$0x3FAD];
	_ =	sdelay $0x3  }
0x33: {  	p0 =	seq.s32 s10, $0x1;
	s10 =	sld [smem:$0x3FAF];
	_ =	sdelay $0x3  }
0x34: {  	[smem:$0x3FAF] =	sst s10  }
0x35: {  	s10 =	sld [smem:$0x3FAE];
	_ =	sdelay $0x3  }
0x36: {  	p1 =	seq.s32 s10, $0x1;
	s10 =	sld [smem:$0x3FAF];
	_ =	sdelay $0x3  }
0x37: {  	[smem:$0x3FAF] =	sst s10  }
0x38: {  	s10 =	sld [smem:$0x3FB0]  }
0x39: {  	_ = 	snop;
	(pc) =	sbr.ind lr, $3  }
0x3a: {  	_ = 	snop  }
0x3b: {  	_ = 	snop  }
0x3c: {  	p2 =	seq.s32 s10, $0x1;
	s10 =	sld [smem:$0x3FAF]  }
0x3d: {  	_ =	shalt  }
0x3e: {  	_ =	shalt  }
0x3f: {  	_ =	shalt  }
0x40: {  	_ =	shalt  }
0x41: {  	_ =	shalt  }
0x42: {  	_ =	shalt  }
0x43: {  	_ =	shalt  }
0x44: {  	_ =	shalt  }
0x45: {  	_ =	shalt  }
0x46: {  	_ =	shalt  }
0x47: {  	_ =	shalt  }
0x48: {  	_ =	shalt  }
0x49: {  	_ =	shalt  }
0x4a: {  	_ =	shalt  }
0x4b: {  	_ =	shalt  }
0x4c: {  	_ =	shalt  }
0x4d: {  	_ =	shalt  }
0x4e: {  	_ =	shalt  }
0x4f: {  	_ =	shalt  }
0x50: {  	_ =	shalt  }
0x51: {  	_ =	shalt  }
0x52: {  	_ =	shalt  }
0x53: {  	_ =	shalt  }
0x54: {  	_ =	shalt  }
0x55: {  	_ =	shalt  }
0x56: {  	_ =	shalt  }
0x57: {  	_ =	shalt  }
0x58: {  	_ =	shalt  }
0x59: {  	_ =	shalt  }
0x5a: {  	_ =	shalt  }
0x5b: {  	_ =	shalt  }
0x5c: {  	_ =	shalt  }
0x5d: {  	_ =	shalt  }
0x5e: {  	_ =	shalt  }
0x5f: {  	_ =	shalt  }
0x60: {  	_ =	shalt  }
0x61: {  	_ =	shalt  }
0x62: {  	_ =	shalt  }
0x63: {  	_ =	shalt  }
0x64: {  	_ =	shalt  }
0x65: {  	_ =	shalt  }
0x66: {  	_ =	shalt  }
0x67: {  	_ =	shalt  }
0x68: {  	_ =	shalt  }
0x69: {  	_ =	shalt  }
0x6a: {  	_ =	shalt  }
0x6b: {  	_ =	shalt  }
0x6c: {  	_ =	shalt  }
0x6d: {  	_ =	shalt  }
0x6e: {  	_ =	shalt  }
0x6f: {  	_ =	shalt  }
0x70: {  	_ =	shalt  }
0x71: {  	_ =	shalt  }
0x72: {  	_ =	shalt  }
0x73: {  	_ =	shalt  }
0x74: {  	_ =	shalt  }
0x75: {  	_ =	shalt  }
0x76: {  	_ =	shalt  }
0x77: {  	_ =	shalt  }
0x78: {  	_ =	shalt  }
0x79: {  	_ =	shalt  }
0x7a: {  	_ =	shalt  }
0x7b: {  	_ =	shalt  }
0x7c: {  	_ =	shalt  }
0x7d: {  	_ =	shalt  }
0x7e: {  	_ =	shalt  }
0x7f: {  	_ =	shalt  }
0x80: {  	_ =	shalt  }
0x81: {  	_ =	shalt  }
0x82: {  	_ =	shalt  }
0x83: {  	_ =	shalt  }
0x84: {  	_ =	shalt  }
0x85: {  	_ =	shalt  }
0x86: {  	_ =	shalt  }
0x87: {  	_ =	shalt  }
.Lfunc_end0:
.L_simem_size_0:
called_computation_lowered:
.L_overlay_start_0:
0x88: {  	s2 =	sld [smem:$0x3FD9]  }
0x89: {  	s3 =	sld [smem:$0x3FFE];
	_ =	sdelay $0x1  }
0x8a: {  	s1 =	srdreg.scid  }
0x8b: {  	s0 =	sand.u32 $0x1, s1  }
0x8c: {  	s17 =	sshll.u32 s0, $0xA;
	s2 =	sadd.s32 s3, s2  }
0x8d: {  	s2 =	sadd.s32 s2, s17  }
0x8e: {  	[smem:$0x3FBB] =	sst s2  }
0x8f: {  	_ = 	snop  }
0x90: {  	s2 =	sld [smem:$0x3FC6]  }
0x91: {  	s18 =	sld [smem:$0x3FD0];
	(tm) =	ssettm $0x1  }
0x92: {  	s4 =	sld [smem:$0x3FFB];
	_ =	sdelay $0x3  }
0x93: {  	_ =	strace s4  }
0x94: {  	s4 =	sld [smem:$0x3FFC];
	_ =	sdelay $0x3  }
0x95: {  	_ =	strace s4  }
0x96: {  	s4 =	sld [smem:$0x3FFD];
	_ =	sdelay $0x3  }
0x97: {  	_ =	strace s4  }
0x98: {  	_ =	strace $0x8FFFFFFF  }
0x99: {  	s19 =	sld [smem:$0x3FDB];
	_ =	sdelay $0x1  }
0x9a: {  	s5 =	simm.s32 $_scs_section_size  }
0x9b: {  	s6 =	simm.s32 $_size__tile_overlayer_lowered;
	s7 =	simm.s32 $_tile_overlayer_lowered  }
0x9c: {  	s22 =	simm.s32 $0x1BFF;
	s21 =	sshll.u32 s7, $0x1;
	s4 =	sadd.s32 s5, s19  }
0x9d: {  	s8 =	simm.s32 $0x0;
	s20 =	sshll.u32 s6, $0x1;
	s6 =	sadd.s32 s21, s4  }
0x9e: {  	[timem:s8], [sflag:s22] =	dma.local [hbm:s6], s20  }
0x9f: {  	_ =	swait.ge [sflag:s22], s20  }
0xa0: {  	s5 =	ssub.s32 $0x0, s20;
	[sflag:s22] =	ssyncset.done $0x0  }
0xa1: {  	[sflag:s22] =	ssyncadd.s32 s5;
	_ =	sdelay $0x1  }
0xa2: {  	s23 =	simm.s32 $0x1B8B  }
0xa3: {  	_ =	swait.ge [sflag:s23], $0x1  }
0xa4: {  	[sflag:s23] =	ssyncset.done $0x0  }
0xa5: {  	s25 =	simm.s32 $0x1B8E;
	s24 =	sld [smem:$0x3FFE];
	[sflag:s23] =	ssyncadd.s32 $0xFFFFFFFF  }
0xa6: {  	s26 =	simm.s32 $execute0_lowered;
	[smem:$0x3FD2] =	sst s25  }
0xa7: {  	s6 =	sshll.u32 s26, $0x1;
	_ =	strace $0x80000046;
	[dreg:$0x1] =	wrdreg $0xFFFFFFFF  }
0xa8: {  	s28 =	simm.s32 $_size_execute0_lowered;
	s4 =	sadd.s32 s4, s6;
	[dreg:$0x0] =	wrdreg $0x0  }
0xa9: {  	s6 =	sshll.u32 s28, $0x1;
	[dreg:$0x2] =	wrdreg s4  }
0xaa: {  	[dreg:$0x3] =	wrdreg s6  }
0xab: {  	[dreg:$0x4] =	wrdreg $0xC0  }
0xac: {  	_ =	task [dreg:s8], $0x5FFFF  }
0xad: {  	[dreg:$0x1] =	wrdreg $0xFFFFFFFF  }
0xae: {  	[dreg:$0x0] =	wrdreg $0x60  }
0xaf: {  	[dreg:$0x2] =	wrdreg s2  }
0xb0: {  	[dreg:$0x3] =	wrdreg s24  }
0xb1: {  	[dreg:$0x4] =	wrdreg s18  }
0xb2: {  	[dreg:$0x5] =	wrdreg $0x9  }
0xb3: {  	_ =	task.clear_ibuf [dreg:s8], $0x6FFFF;
	_ =	strace $0x90000046  }
0xb4: {  	s29 =	simm.s32 $0x9;
	_ =	strace $0x80000048  }
0xb5: {  	_ =	swait.ge [sflag:s29], $0x1  }
0xb6: {  	[sflag:s29] =	ssyncadd.s32 $0xFFFFFFFF  }
0xb7: {  	_ =	strace $0x90000048  }
0xb8: {  	_ =	sfence  }
0xb9: {  	s30 =	sld [smem:$0x0];
	_ =	sdelay $0x2  }
0xba: {  	s31 =	sshll.u32 s1, $0xD;
	s1 =	sshrl.u32 s1, $0x2  }
0xbb: {  	s3 =	sand.u32 $0x4000, s31;
	s1 =	sadd.s32 s1, s30  }
0xbc: {  	s0 =	sor.u32 s3, s0;
	s1 =	sshll.u32 s1, $0x11  }
0xbd: {  	s0 =	sor.u32 s1, s0  }
0xbe: {  	s0 =	sadd.s32 $0x8F2B, s0  }
0xbf: {  	[sflag:s0] =	ssyncadd.remote.s32 $0x1  }
0xc0: {  	_ =	sfence.sel $0xFFFF  }
0xc1: {  	[dreg:$0x0] =	wrdreg $0xFFFFFFFF;
	(pc) =	sbr.abs _section_cstart, $3  }
0xc2: {  	[dreg:$0x1] =	wrdreg $0xFFFFFFFF  }
0xc3: {  	_ =	task.clear_ibuf [dreg:s8], $0x2FFFF;
	_ =	strace $0x9FFFFFFF  }
0xc4: {  	(tm) =	ssettm $0x7FFFFFFF  }
0xc5: {  	_ =	shalt  }
tec
execute0_lowered:
.L_overlay_start_1:
0x0: {  	(tag) =	ssettag $0x1  }
0x1: {  	s5 =	rddreg [dreg:$0x0]  }
0x2: {  	s3 =	rddreg [dreg:$0x1]  }
0x3: {  	s8 =	rddreg [dreg:$0x2]  }
0x4: {  	s0 =	rddreg [dreg:$0x3];
	s1 =	simm.s32 $0x0  }
0x5: {  	s2 =	srdreg.scid;
	s10 =	stileid.u32;
	s12 =	simm.s32 $0x15C00  }
0x6: {  	s13 =	simm.s32 $0x40;
	s14 =	simm.s32 $0x13C00;
	[smem:$0x7FF] =	sst s1  }
0x7: {  	s16 =	sand.u32 $0x1, s2;
	s4 =	smul.u32 $0x278, s10;
	s2 =	sadd.s32 $0x3E00, s3  }
0x8: {  	p0 =	sne.s32 s10, $0x0;
	s10 =	simm.s32 $0x1;
	s15 =	smul.u32 $0x2780, s16  }
0x9: {  	_ =	strace $0x80000047;
	s7 =	sshll.u32 s16, $0x9;
	s9 =	ssub.s32 $0x2, s16  }
0xa: {  	s31 =	sshll.u32 s16, $0x4;
	p1 =	sne.s32 s16, $0x0;
	s16 =	simm.s32 $0x0  }
.Ltmp0:
0xb: {  	s6 =	sadd.s32 s7, s3;
	s3 =	sadd.s32 $0x4600, s3;
	(pc) =	sbr.rel .LBB2_1-.Ltmp0, $4  }
0xc: {  	s11 =	sshrl.u32 s9, $0x1;
	s5 =	sadd.s32 s5, s31;
	s7 =	sadd.s32 s8, s7  }
0xd: {  	s8 =	sadd.s32 $0x400, s8;
	s4 =	sadd.s32 s4, s15;
	s9 =	ssub.s32 s9, s11  }
0xe: {  	s6 =	sadd.s32 $0x4200, s6;
	s11 =	simm.s32 $0x15C80;
	s4 =	sshll.u32 s4, $0x4  }
0xf: {  	v1 =	vimm.f32 $0.0e+00;
	v0 =	vmov s15;
	s15 =	simm.s32 $0x15D00;
	s9 =	smax.u32 s9, $0x1;
	s4 =	sadd.s32 s3, s4  }
.LBB2_8:
0x10: {  	v3 =	vld [tilespmem:$0x15C80];
	_ =	sdelay $0x4  }
0x11: {  	v2 =	vmul.f32 v3, v2;
	_ =	sdelay $0x1  }
0x12: {  	[tilespmem:s17+$0x15D00] =	vst v2;
	v2 =	vld [tilespmem:s17+$0x15D10]  }
0x13: {  	v3 =	vld [tilespmem:$0x15C90];
	_ =	sdelay $0x4  }
0x14: {  	v2 =	vmul.f32 v3, v2;
	_ =	sdelay $0x1  }
0x15: {  	[tilespmem:s17+$0x15D10] =	vst v2;
	v2 =	vld [tilespmem:s17+$0x15D20]  }
0x16: {  	v3 =	vld [tilespmem:$0x15CA0];
	_ =	sdelay $0x4  }
0x17: {  	v2 =	vmul.f32 v3, v2;
	_ =	sdelay $0x1  }
0x18: {  	[tilespmem:s17+$0x15D20] =	vst v2;
	v2 =	vld [tilespmem:s17+$0x15D30]  }
0x19: {  	v3 =	vld [tilespmem:$0x15CB0];
	_ =	sdelay $0x4  }
0x1a: {  	v2 =	vmul.f32 v3, v2;
	_ =	sdelay $0x1  }
0x1b: {  	[tilespmem:s17+$0x15D30] =	vst v2;
	v2 =	vld [tilespmem:s17+$0x15D40]  }
0x1c: {  	v3 =	vld [tilespmem:$0x15CC0];
	_ =	sdelay $0x4  }
0x1d: {  	v2 =	vmul.f32 v3, v2;
	_ =	sdelay $0x1  }
0x1e: {  	[tilespmem:s17+$0x15D40] =	vst v2;
	v2 =	vld [tilespmem:s17+$0x15D50]  }
0x1f: {  	v3 =	vld [tilespmem:$0x15CD0];
	_ =	sdelay $0x4  }
0x20: {  	v2 =	vmul.f32 v3, v2;
	_ =	sdelay $0x1  }
0x21: {  	[tilespmem:s17+$0x15D50] =	vst v2;
	v2 =	vld [tilespmem:s17+$0x15D60]  }
0x22: {  	v3 =	vld [tilespmem:$0x15CE0];
	_ =	sdelay $0x4  }
0x23: {  	v2 =	vmul.f32 v3, v2;
	_ =	sdelay $0x1  }
0x24: {  	[tilespmem:s17+$0x15D60] =	vst v2;
	v2 =	vld [tilespmem:s17+$0x15D70]  }
0x25: {  	v3 =	vld [tilespmem:$0x15CF0];
	_ =	sdelay $0x4  }
0x26: {  	v2 =	vmul.f32 v3, v2;
	_ =	sdelay $0x1  }
0x27: {  	[tilespmem:s17+$0x15D70] =	vst v2  }
0x28: {  	[hbm4b:s7+s1] =	stream.linear.scatter [tilespmem:s15], [sflag:$0x1], $0x1000, $0x38;
	[tilespmem:$0x16D00] =	vst v63  }
0x29: {  	_ =	swait.ge [sflag:s10], $0x1000  }
0x2a: {  	[sflag:s10] =	ssyncset.done $0x0  }
0x2b: {  	s17 =	simm.s32 @!p1 $0x0;
	[sflag:s10] =	ssyncadd.s32 $0xFFFFF000  }
0x2c: {  	[hbm4b:s8+s17] =	stream.linear.scatter @!p1 [tilespmem:s17], [sflag:$0x1], $0x400, $0x38;
	[tilespmem:$0x16D00] =	vst v63  }
0x2d: {  	s17 =	simm.s32 @!p1 $0x1  }
0x2e: {  	_ =	swait.ge @!p1 [sflag:s17], $0x400  }
0x2f: {  	[sflag:s17] =	ssyncset.done @!p1 $0x0  }
0x30: {  	[sflag:s17] =	ssyncadd.s32 @!p1 $0xFFFFFC00  }
.LBB2_9:
0x31: {  	s16 =	sadd.s32 $0x1, s16  }
0x32: {  	p2 =	sne.s32 s16, s9  }
.Ltmp1:
0x33: {  	_ = 	snop;
	(pc) =	sbr.rel @!p2 .LBB2_10-.Ltmp1, $1  }
0x34: {  	_ =	sdelay $0x3  }
.LBB2_1:
0x35: {  	s17 =	simm.s32 $0x0;
	s18 =	simm.s32 $0x200  }
.LBB2_2:
0x36: {  	p2 =	sne.s32 s18, $0x4EE00;
	[tilespmem:s17+$0x70] =	vst v1  }
0x37: {  	[tilespmem:s17+$0x0] =	vst v1  }
0x38: {  	[tilespmem:s17+$0x10] =	vst v1  }
.Ltmp2:
0x39: {  	[tilespmem:s17+$0x20] =	vst v1;
	(pc) =	sbr.rel @p2 .LBB2_2-.Ltmp2, $4  }
0x3a: {  	[tilespmem:s17+$0x30] =	vst v1  }
0x3b: {  	[tilespmem:s17+$0x40] =	vst v1  }
0x3c: {  	[tilespmem:s17+$0x50] =	vst v1  }
0x3d: {  	[tilespmem:s17+$0x60] =	vst v1;
	s17 =	sshra.s32 s18, $0x2;
	s18 =	sadd.s32 $0x200, s18  }
0x3e: {  	[tilespmem:s17+$0x70] =	vst v1  }
0x3f: {  	[tilespmem:s17+$0x0] =	vst v1  }
0x40: {  	[tilespmem:s17+$0x10] =	vst v1  }
0x41: {  	[tilespmem:s17+$0x20] =	vst v1  }
0x42: {  	[tilespmem:s17+$0x30] =	vst v1  }
0x43: {  	[tilespmem:s17+$0x40] =	vst v1  }
0x44: {  	[tilespmem:s17+$0x50] =	vst v1  }
0x45: {  	[tilespmem:s17+$0x60] =	vst v1  }
0x46: {  	[hbm4b:s4+s1] =	stream.linear.scatter [tilespmem:s1], [sflag:$0x1], $0x13C00, $0x38;
	[tilespmem:$0x16D00] =	vst v63  }
.Ltmp3:
0x47: {  	_ =	swait.ge [sflag:s10], $0x13C00;
	(pc) =	sbr.rel @p0 .LBB2_9-.Ltmp3, $3  }
0x48: {  	[sflag:s10] =	ssyncset.done $0x0  }
0x49: {  	[sflag:s10] =	ssyncadd.s32 $0xFFFEC400  }
0x4a: {  	[bflag:$0x0] =	sbarrier.arrive $0xFFFF;
	_ =	sdelay $0x1  }
0x4b: {  	s17 =	simm.s32 $0x0  }
0x4c: {  	[tilespmem:s11], [sflag:$0x1] =	stream.linear.gather [hbm4b:s5+s17], $0x80, $0x38;
	[tilespmem:$0x16D00] =	vst v63  }
0x4d: {  	_ =	swait.ge [sflag:s10], $0x80  }
0x4e: {  	[sflag:s10] =	ssyncset.done $0x0  }
0x4f: {  	[sflag:s10] =	ssyncadd.s32 $0xFFFFFF80  }
0x50: {  	[tilespmem:s12], [sflag:$0x1] =	stream.linear.gather [hbm4b:s2+s17], $0x80, $0x38;
	[tilespmem:$0x16D00] =	vst v63  }
0x51: {  	_ =	swait.ge [sflag:s10], $0x80  }
0x52: {  	[sflag:s10] =	ssyncset.done $0x0  }
0x53: {  	[sflag:s10] =	ssyncadd.s32 $0xFFFFFF80  }
0x54: {  	s18 =	simm.s32 $0x200;
	v2 =	vld [tilespmem:$0x15C80]  }
.LBB2_5:
0x55: {  	p2 =	sne.s32 s18, $0x7E00;
	_ =	sdelay $0x2  }
0x56: {  	s19 =	sshra.s32 s17, $0x2;
	s17 =	smov.u32 s18  }
0x57: {  	[tilespmem:s19+$0x13C00] =	vst v2  }
0x58: {  	v2 =	vld [tilespmem:$0x15C90];
	_ =	sdelay $0x4  }
0x59: {  	[tilespmem:s19+$0x13C10] =	vst v2  }
0x5a: {  	v2 =	vld [tilespmem:$0x15CA0];
	_ =	sdelay $0x4  }
0x5b: {  	[tilespmem:s19+$0x13C20] =	vst v2  }
0x5c: {  	v2 =	vld [tilespmem:$0x15CB0];
	_ =	sdelay $0x4  }
0x5d: {  	[tilespmem:s19+$0x13C30] =	vst v2  }
0x5e: {  	v2 =	vld [tilespmem:$0x15CC0];
	_ =	sdelay $0x4  }
0x5f: {  	[tilespmem:s19+$0x13C40] =	vst v2  }
0x60: {  	v2 =	vld [tilespmem:$0x15CD0];
	_ =	sdelay $0x4  }
0x61: {  	[tilespmem:s19+$0x13C50] =	vst v2  }
0x62: {  	v2 =	vld [tilespmem:$0x15CE0];
	_ =	sdelay $0x4  }
0x63: {  	[tilespmem:s19+$0x13C60] =	vst v2  }
0x64: {  	v2 =	vld [tilespmem:$0x15CF0];
	_ =	sdelay $0x1  }
.Ltmp4:
0x65: {  	(pc) =	sbr.rel @p2 .LBB2_5-.Ltmp4, $3  }
0x66: {  	_ =	sdelay $0x1  }
0x67: {  	[tilespmem:s19+$0x13C70] =	vst v2  }
0x68: {  	s18 =	sadd.s32 $0x200, s18;
	v2 =	vld [tilespmem:$0x15C80]  }
0x69: {  	_ =	sdelay $0x2  }
0x6a: {  	s17 =	sshra.s32 s17, $0x2  }
0x6b: {  	[tilespmem:s17+$0x13C00] =	vst v2  }
0x6c: {  	v2 =	vld [tilespmem:$0x15C90];
	_ =	sdelay $0x4  }
0x6d: {  	[tilespmem:s17+$0x13C10] =	vst v2  }
0x6e: {  	v2 =	vld [tilespmem:$0x15CA0];
	_ =	sdelay $0x4  }
0x6f: {  	[tilespmem:s17+$0x13C20] =	vst v2  }
0x70: {  	v2 =	vld [tilespmem:$0x15CB0];
	_ =	sdelay $0x4  }
0x71: {  	[tilespmem:s17+$0x13C30] =	vst v2  }
0x72: {  	v2 =	vld [tilespmem:$0x15CC0];
	_ =	sdelay $0x4  }
0x73: {  	[tilespmem:s17+$0x13C40] =	vst v2  }
0x74: {  	v2 =	vld [tilespmem:$0x15CD0];
	_ =	sdelay $0x4  }
0x75: {  	[tilespmem:s17+$0x13C50] =	vst v2  }
0x76: {  	v2 =	vld [tilespmem:$0x15CE0];
	_ =	sdelay $0x4  }
0x77: {  	[tilespmem:s17+$0x13C60] =	vst v2  }
0x78: {  	v2 =	vld [tilespmem:$0x15CF0];
	_ =	sdelay $0x4  }
0x79: {  	[tilespmem:s17+$0x13C70] =	vst v2  }
0x7a: {  	v2 =	vld [tilespmem:$0x15C00]  }
0x7b: {  	v3 =	vld [tilespmem:$0x15C10]  }
0x7c: {  	v4 =	vld [tilespmem:$0x15C20]  }
0x7d: {  	v5 =	vld [tilespmem:$0x15C30];
	_ =	sdelay $0x1  }
0x7e: {  	v2 =	vadd.s32 v0, v2  }
0x7f: {  	[tilespmem:$0x15C00] =	vst v2;
	v2 =	vadd.s32 v0, v3  }
0x80: {  	[tilespmem:$0x15C10] =	vst v2;
	v2 =	vadd.s32 v0, v4  }
0x81: {  	[tilespmem:$0x15C20] =	vst v2;
	v2 =	vadd.s32 v0, v5  }
0x82: {  	[tilespmem:$0x15C30] =	vst v2  }
0x83: {  	[hbm4b:s3+s13] =	stream.indirect.scatter [tilespmem:s14], [sflag:$0x1], $0x80, s12, s13, $0xb8;
	[tilespmem:$0x16D00] =	vst v63  }
0x84: {  	_ =	swait.ge [sflag:s10], $0x2000  }
0x85: {  	[sflag:s10] =	ssyncset.done $0x0  }
0x86: {  	s31 =	simm.s32 $0x0;
	[sflag:s10] =	ssyncadd.s32 $0xFFFFE000  }
0x87: {  	[tilespmem:s15], [sflag:$0x1] =	stream.linear.gather [hbm4b:s6+s31], $0x1000, $0x38;
	[tilespmem:$0x16D00] =	vst v63  }
0x88: {  	_ =	swait.ge [sflag:s10], $0x1000  }
0x89: {  	[sflag:s10] =	ssyncset.done $0x0  }
0x8a: {  	s17 =	simm.s32 $0x0;
	[sflag:s10] =	ssyncadd.s32 $0xFFFFF000  }
0x8b: {  	s18 =	simm.s32 $0x200;
	v2 =	vld [tilespmem:s17+$0x15D00]  }
.LBB2_7:
0x8c: {  	p2 =	sne.s32 s18, $0x3E00;
	v3 =	vld [tilespmem:$0x15C80];
	_ =	sdelay $0x4  }
0x8d: {  	v2 =	vmul.f32 v3, v2;
	_ =	sdelay $0x1  }
0x8e: {  	[tilespmem:s17+$0x15D00] =	vst v2;
	v2 =	vld [tilespmem:s17+$0x15D10]  }
0x8f: {  	v3 =	vld [tilespmem:$0x15C90];
	_ =	sdelay $0x4  }
0x90: {  	v2 =	vmul.f32 v3, v2;
	_ =	sdelay $0x1  }
0x91: {  	[tilespmem:s17+$0x15D10] =	vst v2;
	v2 =	vld [tilespmem:s17+$0x15D20]  }
0x92: {  	v3 =	vld [tilespmem:$0x15CA0];
	_ =	sdelay $0x4  }
0x93: {  	v2 =	vmul.f32 v3, v2;
	_ =	sdelay $0x1  }
0x94: {  	[tilespmem:s17+$0x15D20] =	vst v2;
	v2 =	vld [tilespmem:s17+$0x15D30]  }
0x95: {  	v3 =	vld [tilespmem:$0x15CB0];
	_ =	sdelay $0x4  }
0x96: {  	v2 =	vmul.f32 v3, v2;
	_ =	sdelay $0x1  }
0x97: {  	[tilespmem:s17+$0x15D30] =	vst v2;
	v2 =	vld [tilespmem:s17+$0x15D40]  }
0x98: {  	v3 =	vld [tilespmem:$0x15CC0];
	_ =	sdelay $0x4  }
0x99: {  	v2 =	vmul.f32 v3, v2;
	_ =	sdelay $0x1  }
0x9a: {  	[tilespmem:s17+$0x15D40] =	vst v2;
	v2 =	vld [tilespmem:s17+$0x15D50]  }
0x9b: {  	v3 =	vld [tilespmem:$0x15CD0];
	_ =	sdelay $0x4  }
0x9c: {  	v2 =	vmul.f32 v3, v2;
	_ =	sdelay $0x1  }
0x9d: {  	[tilespmem:s17+$0x15D50] =	vst v2;
	v2 =	vld [tilespmem:s17+$0x15D60]  }
0x9e: {  	v3 =	vld [tilespmem:$0x15CE0];
	_ =	sdelay $0x4  }
0x9f: {  	v2 =	vmul.f32 v3, v2;
	_ =	sdelay $0x1  }
0xa0: {  	[tilespmem:s17+$0x15D60] =	vst v2;
	v2 =	vld [tilespmem:s17+$0x15D70]  }
0xa1: {  	v3 =	vld [tilespmem:$0x15CF0];
	_ =	sdelay $0x2  }
.Ltmp5:
0xa2: {  	(pc) =	sbr.rel @p2 .LBB2_7-.Ltmp5, $4  }
0xa3: {  	_ = 	snop  }
0xa4: {  	v3 =	vmul.f32 v3, v2  }
0xa5: {  	s19 =	sshra.s32 s18, $0x2  }
0xa6: {  	s18 =	sadd.s32 $0x200, s18;
	v2 =	vld [tilespmem:s19+$0x15D00];
	[tilespmem:s17+$0x15D70] =	vst v3;
	s17 =	smov.u32 s19  }
.Ltmp6:
0xa7: {  	_ = 	snop;
	(pc) =	sbr.rel .LBB2_8-.Ltmp6, $1  }
0xa8: {  	_ =	sdelay $0x3  }
.LBB2_10:
0xa9: {  	_ =	sfence.sel $0x180000  }
0xaa: {  	[bflag:$0x0] =	sbarrier.arrive $0xFFFF  }
0xab: {  	_ =	strace $0x90000047  }
0xac: {  	s0 =	sadd.s32 @!p0 $0x100000, s0;
	[bflag:$0x2] =	sbarrier.arrive $0xFFFF  }
0xad: {  	[sflag:s0] =	ssyncadd.tile.s32 @!p0 $0x1;
	_ =	shalt  }
.Lfunc_end2:
_tile_overlayer_lowered:
.L_overlay_start_2:
0xae: {  	(tag) =	ssettag $0x2  }
0xaf: {  	s0 =	rddreg [dreg:$0x0];
	s2 =	stileid.u32  }
0xb0: {  	s1 =	rddreg [dreg:$0x1];
	p0 =	sne.s32 s2, $0x0  }
0xb1: {  	s3 =	rddreg [dreg:$0x2];
	[bflag:$0x3] =	sbarrier.arrive $0xFFFF;
	s2 =	simm.s32 @!p0 $0x1C01  }
0xb2: {  	[timem:s3], [sflag:s2] =	dma.local @!p0 [hbm:s0], s1  }
0xb3: {  	s0 =	simm.s32 @!p0 $0x1  }
0xb4: {  	_ =	swait.ge @!p0 [sflag:s0], s1  }
0xb5: {  	s1 =	ssub.s32 @!p0 $0x0, s1;
	[sflag:s0] =	ssyncset.done @!p0 $0x0  }
0xb6: {  	[sflag:s0] =	ssyncadd.s32 @!p0 s1  }
0xb7: {  	[bflag:$0x3] =	sbarrier.arrive $0xFFFF  }
0xb8: {  	_ =	shalt  }

// kernel: kernel.14.cloned.1.call-start
scs
__scs_entry_jumppad:
0x0: {  	(pc) =	sbr.rel $0x88, $3  }
0x1: {  	(tag) =	ssettag $0x0;
	lr =	simm.s32 $0x1  }
0x2: {  	[smem:$0x3F94] =	sst lr;
	_ =	strace $0xD0000000  }
0x3: {  	_ = 	snop  }
0x4: {  	_ = 	snop  }
0x5: {  	_ = 	snop  }
0x6: {  	_ = 	snop  }
0x7: {  	_ = 	snop  }
__scs_overlays_trampoline_lowered:
0x8: {  	[smem:$0x3FA3] =	sst s0  }
0x9: {  	[smem:$0x3FA4] =	sst s1  }
0xa: {  	[smem:$0x3FA5] =	sst s2  }
0xb: {  	[smem:$0x3FA6] =	sst s3  }
0xc: {  	[smem:$0x3FA7] =	sst s4  }
0xd: {  	[smem:$0x3FA8] =	sst s5  }
0xe: {  	[smem:$0x3FA9] =	sst s6  }
0xf: {  	[smem:$0x3FAA] =	sst s7  }
0x10: {  	[smem:$0x3FAB] =	sst s8  }
0x11: {  	[smem:$0x3FAC] =	sst s9;
	s0 =	simm.s32 @!p0 $0x0  }
0x12: {  	s1 =	sld [smem:$0x3F92];
	s0 =	simm.s32 @p0 $0x1  }
0x13: {  	[smem:$0x3FAD] =	sst s0;
	s0 =	simm.s32 @!p1 $0x0  }
0x14: {  	s2 =	sld [smem:$0x3F91];
	s0 =	simm.s32 @p1 $0x1  }
0x15: {  	[smem:$0x3FAE] =	sst s0;
	s0 =	simm.s32 @!p2 $0x0  }
0x16: {  	s3 =	sld [smem:$0x3FDB];
	s0 =	simm.s32 @p2 $0x1  }
0x17: {  	s4 =	simm.s32 $0x1BF5;
	[smem:$0x3FB0] =	sst s0  }
0x18: {  	s0 =	sld [smem:$0x3F93];
	_ =	swait.ge [sflag:s4], $0x0  }
0x19: {  	s7 =	sld [smem:$0x3F94]  }
0x1a: {  	s8 =	sadd.s32 $0xFFFFE003, lr  }
0x1b: {  	s9 =	sadd.s32 $0xFFFFFEF7, lr;
	s5 =	simm.s32 $0xFFFFFFFF;
	p2 =	slt.u32 s8, $0xFFFFF086  }
0x1c: {  	p1 =	slt.u32 s9, $0xF7A;
	s5 =	simm.s32 @!p2 $0x0  }
0x1d: {  	s5 =	simm.s32 @p1 $0x1;
	p0 =	seq.s32 s7, s2  }
0x1e: {  	s7 =	smul.u32 @!p0 $0xF7A, s2;
	p2 =	seq.s32 @!p0 s5, $0x0  }
0x1f: {  	s9 =	smul.u32 $0xF7A, s1;
	s8 =	simm.s32 @!p0 $0x1BF5;
	p2 =	por !p2, p0  }
0x20: {  	[sflag:s8] =	ssyncset.s32 @!p0 $0xFFFFF086;
	s6 =	sadd.s32 @!p0 s3, s7;
	s7 =	simm.s32 @!p0 $0x108  }
0x21: {  	s3 =	sadd.s32 s3, s9;
	s6 =	sadd.s32 @!p0 $0x88, s6;
	s7 =	simm.s32 @p2 $0x1082  }
0x22: {  	[simem:s7], [sflag:s8] =	dma.local @!p0 [hbm:s6], $0xF7A  }
0x23: {  	s9 =	sor.u32 $0xD0000000, s2;
	s6 =	simm.s32 $0x108;
	_ =	swait.ge @!p0 [sflag:s8], $0x0  }
0x24: {  	s3 =	sadd.s32 $0x88, s3;
	s6 =	simm.s32 @!p1 $0x1082;
	[sflag:s4] =	ssyncset.s32 $0xFFFFF086  }
0x25: {  	[simem:s6], [sflag:s4] =	dma.local [hbm:s3], $0xF7A  }
0x26: {  	[smem:$0x3F94] =	sst s1;
	(tag) =	ssettag s2;
	_ =	strace s9  }
0x27: {  	s1 =	sld [smem:$0x3FA4]  }
0x28: {  	s2 =	sld [smem:$0x3FA5]  }
0x29: {  	s4 =	sld [smem:$0x3FA7]  }
0x2a: {  	p0 =	seq.s32 s5, $0x0;
	s5 =	sld [smem:$0x3FA8]  }
0x2b: {  	s6 =	sld [smem:$0x3FA9]  }
0x2c: {  	s7 =	sld [smem:$0x3FAA]  }
0x2d: {  	s3 =	simm.s32 $0x108;
	s8 =	sld [smem:$0x3FAB]  }
0x2e: {  	s3 =	simm.s32 @!p0 $0x1082;
	s9 =	sld [smem:$0x3FAC]  }
0x2f: {  	lr =	sadd.s32 s0, s3;
	s0 =	sld [smem:$0x3FA3]  }
0x30: {  	s3 =	sld [smem:$0x3FA6]  }
0x31: {  	[smem:$0x3FAF] =	sst s10  }
0x32: {  	s10 =	sld [smem:$0x3FAD];
	_ =	sdelay $0x3  }
0x33: {  	p0 =	seq.s32 s10, $0x1;
	s10 =	sld [smem:$0x3FAF];
	_ =	sdelay $0x3  }
0x34: {  	[smem:$0x3FAF] =	sst s10  }
0x35: {  	s10 =	sld [smem:$0x3FAE];
	_ =	sdelay $0x3  }
0x36: {  	p1 =	seq.s32 s10, $0x1;
	s10 =	sld [smem:$0x3FAF];
	_ =	sdelay $0x3  }
0x37: {  	[smem:$0x3FAF] =	sst s10  }
0x38: {  	s10 =	sld [smem:$0x3FB0]  }
0x39: {  	_ = 	snop;
	(pc) =	sbr.ind lr, $3  }
0x3a: {  	_ = 	snop  }
0x3b: {  	_ = 	snop  }
0x3c: {  	p2 =	seq.s32 s10, $0x1;
	s10 =	sld [smem:$0x3FAF]  }
0x3d: {  	_ =	shalt  }
0x3e: {  	_ =	shalt  }
0x3f: {  	_ =	shalt  }
0x40: {  	_ =	shalt  }
0x41: {  	_ =	shalt  }
0x42: {  	_ =	shalt  }
0x43: {  	_ =	shalt  }
0x44: {  	_ =	shalt  }
0x45: {  	_ =	shalt  }
0x46: {  	_ =	shalt  }
0x47: {  	_ =	shalt  }
0x48: {  	_ =	shalt  }
0x49: {  	_ =	shalt  }
0x4a: {  	_ =	shalt  }
0x4b: {  	_ =	shalt  }
0x4c: {  	_ =	shalt  }
0x4d: {  	_ =	shalt  }
0x4e: {  	_ =	shalt  }
0x4f: {  	_ =	shalt  }
0x50: {  	_ =	shalt  }
0x51: {  	_ =	shalt  }
0x52: {  	_ =	shalt  }
0x53: {  	_ =	shalt  }
0x54: {  	_ =	shalt  }
0x55: {  	_ =	shalt  }
0x56: {  	_ =	shalt  }
0x57: {  	_ =	shalt  }
0x58: {  	_ =	shalt  }
0x59: {  	_ =	shalt  }
0x5a: {  	_ =	shalt  }
0x5b: {  	_ =	shalt  }
0x5c: {  	_ =	shalt  }
0x5d: {  	_ =	shalt  }
0x5e: {  	_ =	shalt  }
0x5f: {  	_ =	shalt  }
0x60: {  	_ =	shalt  }
0x61: {  	_ =	shalt  }
0x62: {  	_ =	shalt  }
0x63: {  	_ =	shalt  }
0x64: {  	_ =	shalt  }
0x65: {  	_ =	shalt  }
0x66: {  	_ =	shalt  }
0x67: {  	_ =	shalt  }
0x68: {  	_ =	shalt  }
0x69: {  	_ =	shalt  }
0x6a: {  	_ =	shalt  }
0x6b: {  	_ =	shalt  }
0x6c: {  	_ =	shalt  }
0x6d: {  	_ =	shalt  }
0x6e: {  	_ =	shalt  }
0x6f: {  	_ =	shalt  }
0x70: {  	_ =	shalt  }
0x71: {  	_ =	shalt  }
0x72: {  	_ =	shalt  }
0x73: {  	_ =	shalt  }
0x74: {  	_ =	shalt  }
0x75: {  	_ =	shalt  }
0x76: {  	_ =	shalt  }
0x77: {  	_ =	shalt  }
0x78: {  	_ =	shalt  }
0x79: {  	_ =	shalt  }
0x7a: {  	_ =	shalt  }
0x7b: {  	_ =	shalt  }
0x7c: {  	_ =	shalt  }
0x7d: {  	_ =	shalt  }
0x7e: {  	_ =	shalt  }
0x7f: {  	_ =	shalt  }
0x80: {  	_ =	shalt  }
0x81: {  	_ =	shalt  }
0x82: {  	_ =	shalt  }
0x83: {  	_ =	shalt  }
0x84: {  	_ =	shalt  }
0x85: {  	_ =	shalt  }
0x86: {  	_ =	shalt  }
0x87: {  	_ =	shalt  }
.Lfunc_end0:
.L_simem_size_0:
called_computation.1_lowered:
.L_overlay_start_0:
0x88: {  	s2 =	sld [smem:$0x3FD9]  }
0x89: {  	s3 =	sld [smem:$0x3FFE];
	_ =	sdelay $0x1  }
0x8a: {  	s1 =	srdreg.scid  }
0x8b: {  	s0 =	sand.u32 $0x1, s1  }
0x8c: {  	s16 =	sshll.u32 s0, $0xA;
	s2 =	sadd.s32 s3, s2  }
0x8d: {  	s2 =	sadd.s32 s2, s16  }
0x8e: {  	[smem:$0x3FBB] =	sst s2  }
0x8f: {  	_ = 	snop  }
0x90: {  	(tm) =	ssettm $0x1  }
0x91: {  	s17 =	sld [smem:$0x3FFB];
	_ =	sdelay $0x3  }
0x92: {  	_ =	strace s17  }
0x93: {  	s2 =	sld [smem:$0x3FFC];
	_ =	sdelay $0x3  }
0x94: {  	_ =	strace s2  }
0x95: {  	s2 =	sld [smem:$0x3FFD];
	_ =	sdelay $0x3  }
0x96: {  	_ =	strace s2  }
0x97: {  	_ =	strace $0x8FFFFFFF  }
0x98: {  	s18 =	sld [smem:$0x3FDB];
	_ =	sdelay $0x1  }
0x99: {  	s19 =	simm.s32 $_scs_section_size  }
0x9a: {  	s4 =	simm.s32 $_size__tile_overlayer_lowered;
	s5 =	simm.s32 $_tile_overlayer_lowered  }
0x9b: {  	s22 =	simm.s32 $0x1BFF;
	s21 =	sshll.u32 s5, $0x1;
	s2 =	sadd.s32 s19, s18  }
0x9c: {  	s6 =	simm.s32 $0x0;
	s20 =	sshll.u32 s4, $0x1;
	s4 =	sadd.s32 s21, s2  }
0x9d: {  	[timem:s6], [sflag:s22] =	dma.local [hbm:s4], s20  }
0x9e: {  	_ =	swait.ge [sflag:s22], s20  }
0x9f: {  	s3 =	ssub.s32 $0x0, s20;
	[sflag:s22] =	ssyncset.done $0x0  }
0xa0: {  	[sflag:s22] =	ssyncadd.s32 s3;
	_ =	sdelay $0x1  }
0xa1: {  	s23 =	simm.s32 $0x1B8B  }
0xa2: {  	_ =	swait.ge [sflag:s23], $0x1  }
0xa3: {  	[sflag:s23] =	ssyncset.done $0x0  }
0xa4: {  	s25 =	simm.s32 $0x1B8E;
	s24 =	sld [smem:$0x3FFE];
	[sflag:s23] =	ssyncadd.s32 $0xFFFFFFFF  }
0xa5: {  	s26 =	simm.s32 $execute0_lowered;
	[smem:$0x3FD2] =	sst s25  }
0xa6: {  	s4 =	sshll.u32 s26, $0x1;
	_ =	strace $0x80000049;
	[dreg:$0x1] =	wrdreg $0xFFFFFFFF  }
0xa7: {  	s28 =	simm.s32 $_size_execute0_lowered;
	s2 =	sadd.s32 s2, s4;
	[dreg:$0x0] =	wrdreg $0x0  }
0xa8: {  	s4 =	sshll.u32 s28, $0x1;
	[dreg:$0x2] =	wrdreg s2  }
0xa9: {  	[dreg:$0x3] =	wrdreg s4  }
0xaa: {  	[dreg:$0x4] =	wrdreg $0xC0  }
0xab: {  	_ =	task [dreg:s6], $0x5FFFF  }
0xac: {  	[dreg:$0x1] =	wrdreg $0xFFFFFFFF  }
0xad: {  	[dreg:$0x0] =	wrdreg $0x60  }
0xae: {  	[dreg:$0x2] =	wrdreg s24  }
0xaf: {  	[dreg:$0x3] =	wrdreg $0x0  }
0xb0: {  	[dreg:$0x4] =	wrdreg $0x9  }
0xb1: {  	_ =	task.clear_ibuf [dreg:s6], $0x5FFFF;
	_ =	strace $0x90000049  }
0xb2: {  	s29 =	simm.s32 $0x9;
	_ =	strace $0x8000004B  }
0xb3: {  	_ =	swait.ge [sflag:s29], $0x1  }
0xb4: {  	[sflag:s29] =	ssyncadd.s32 $0xFFFFFFFF  }
0xb5: {  	_ =	strace $0x9000004B  }
0xb6: {  	_ =	sfence  }
0xb7: {  	s30 =	sld [smem:$0x0];
	_ =	sdelay $0x2  }
0xb8: {  	s31 =	sshll.u32 s1, $0xD;
	s1 =	sshrl.u32 s1, $0x2  }
0xb9: {  	s3 =	sand.u32 $0x4000, s31;
	s1 =	sadd.s32 s1, s30  }
0xba: {  	s0 =	sor.u32 s3, s0;
	s1 =	sshll.u32 s1, $0x11  }
0xbb: {  	s0 =	sor.u32 s1, s0  }
0xbc: {  	s0 =	sadd.s32 $0x8F2B, s0  }
0xbd: {  	[sflag:s0] =	ssyncadd.remote.s32 $0x1  }
0xbe: {  	_ =	sfence.sel $0xFFFF  }
0xbf: {  	[dreg:$0x0] =	wrdreg $0xFFFFFFFF;
	(pc) =	sbr.abs _section_cstart, $3  }
0xc0: {  	[dreg:$0x1] =	wrdreg $0xFFFFFFFF  }
0xc1: {  	_ =	task.clear_ibuf [dreg:s6], $0x2FFFF;
	_ =	strace $0x9FFFFFFF  }
0xc2: {  	(tm) =	ssettm $0x7FFFFFFF  }
0xc3: {  	_ =	shalt  }
tec
execute0_lowered:
.L_overlay_start_1:
0x0: {  	(tag) =	ssettag $0x1  }
0x1: {  	s5 =	rddreg [dreg:$0x0]  }
0x2: {  	s0 =	srdreg.scid;
	s2 =	rddreg [dreg:$0x1]  }
0x3: {  	s1 =	stileid.u32;
	s3 =	simm.s32 $0x0;
	s14 =	simm.s32 $0x13C00  }
0x4: {  	s15 =	simm.s32 $0x80;
	s16 =	simm.s32 $0x14200;
	s6 =	smul.u32 $0x278, s1  }
0x5: {  	s17 =	simm.s32 $0x13E00;
	s18 =	simm.s32 $0x2;
	s9 =	smul.u32 $0x4F000, s1  }
0x6: {  	s20 =	simm.s32 $0x1;
	s21 =	simm.s32 $0x0;
	s11 =	smul.u32 $0x13A00, s1  }
0x7: {  	s7 =	sand.u32 $0x1, s0;
	[smem:$0x7FF] =	sst s3;
	s31 =	smul.u32 $0x2740, s1  }
0x8: {  	s8 =	sadd.s32 $0x53600, s5;
	s30 =	sshll.u32 s1, $0x6;
	s4 =	smul.u32 $0x2780, s7  }
0x9: {  	_ =	strace $0x8000004A;
	s28 =	ssub.s32 $0x2, s7;
	s19 =	sshll.u32 s7, $0x5  }
0xa: {  	s29 =	sshrl.u32 s28, $0x1;
	s9 =	sshrl.u32 s9, $0x2;
	s11 =	sshrl.u32 s11, $0x3  }
0xb: {  	s7 =	sadd.s32 s8, s31;
	v0 =	vmov s19;
	s19 =	simm.s32 $0x3;
	s4 =	sadd.s32 s6, s4  }
.Ltmp0:
0xc: {  	s12 =	ssub.s32 s28, s29;
	s13 =	sadd.s32 s9, s2;
	(pc) =	sbr.rel .LBB2_1-.Ltmp0, $4  }
0xd: {  	s11 =	sadd.s32 s8, s11;
	s6 =	sshll.u32 s4, $0x4;
	s4 =	sadd.s32 $0x7AA00, s5  }
0xe: {  	s8 =	sadd.s32 $0x40, s11;
	s11 =	sadd.s32 $0x80, s7;
	s10 =	sadd.s32 s6, s5  }
0xf: {  	s6 =	sor.u32 $0x1C04, s30;
	s5 =	sadd.s32 $0x4600, s10;
	s9 =	sadd.s32 $0xA5AA00, s10  }
0x10: {  	s10 =	smax.u32 s12, $0x1;
	s12 =	sshrl.u32 s13, $0x3;
	s13 =	simm.s32 $0x4  }
.LBB2_3:
0x11: {  	s22 =	sshll.u32 s26, $0x9  }
0x12: {  	s22 =	sadd.s32 $0x13C80, s22  }
0x13: {  	[spmem:s2] =	stream.indirect.scatter.add.f32 [tilespmem:s25], [sflag:$0x3], $0x80, s22, s15, $0xb8;
	[tilespmem:$0x1C200] =	vst v63  }
.LBB2_5:
0x14: {  	_ =	swait.ge [sflag:s19], $0x4000  }
0x15: {  	s21 =	sadd.s32 $0x1, s21;
	[sflag:s19] =	ssyncset.done $0x0  }
0x16: {  	p0 =	sne.s32 s21, s10;
	[sflag:s19] =	ssyncadd.s32 $0xFFFFC000  }
.Ltmp1:
0x17: {  	[bflag:$0x0] =	sbarrier.arrive $0xFFFF;
	(pc) =	sbr.rel @!p0 .LBB2_6-.Ltmp1, $4  }
0x18: {  	[hbm:s9], [sflag:s6] =	dma.local [spmem:s12], $0x2780  }
0x19: {  	_ =	swait.ge [sflag:s13], $0x2780  }
0x1a: {  	[sflag:s13] =	ssyncset.done $0x0  }
0x1b: {  	[sflag:s13] =	ssyncadd.s32 $0xFFFFD880  }
.LBB2_1:
0x1c: {  	[spmem:s12], [sflag:s6] =	dma.local [hbm:s5], $0x2780  }
0x1d: {  	_ =	swait.ge [sflag:s13], $0x2780  }
0x1e: {  	[sflag:s13] =	ssyncset.done $0x0  }
0x1f: {  	[sflag:s13] =	ssyncadd.s32 $0xFFFFD880  }
0x20: {  	[bflag:$0x0] =	sbarrier.arrive $0xFFFF  }
0x21: {  	[tilespmem:s14], [sflag:$0x4] =	stream.linear.gather [hbm4b:s7+s3], $0x180, $0x38;
	[tilespmem:$0x1C200] =	vst v63  }
0x22: {  	_ =	swait.ge [sflag:s13], $0x180  }
0x23: {  	[sflag:s13] =	ssyncset.done $0x0  }
0x24: {  	[sflag:s13] =	ssyncadd.s32 $0xFFFFFE80  }
0x25: {  	v1 =	vld [tilespmem:$0x13D00]  }
0x26: {  	v2 =	vld [tilespmem:$0x13C00]  }
0x27: {  	v3 =	vld [tilespmem:$0x13D10]  }
0x28: {  	v4 =	vld [tilespmem:$0x13C10]  }
0x29: {  	v5 =	vld [tilespmem:$0x13D20]  }
0x2a: {  	v6 =	vld [tilespmem:$0x13C20]  }
0x2b: {  	v7 =	vld [tilespmem:$0x13D30]  }
0x2c: {  	v8 =	vld [tilespmem:$0x13C30]  }
0x2d: {  	v9 =	vld [tilespmem:$0x13D40]  }
0x2e: {  	v10 =	vld [tilespmem:$0x13C40]  }
0x2f: {  	v11 =	vld [tilespmem:$0x13D50];
	v1 =	vadd.s32 v0, v1  }
0x30: {  	v12 =	vld [tilespmem:$0x13D60];
	v3 =	vadd.s32 v0, v3;
	v1 =	vmul.u32 $0x2780, v1  }
0x31: {  	v13 =	vld [tilespmem:$0x13D70];
	v5 =	vadd.s32 v0, v5;
	v3 =	vmul.u32 $0x2780, v3  }
0x32: {  	v57 =	vld [tilespmem:$0x13C50];
	v56 =	vadd.s32 v0, v7;
	v1 =	vadd.s32 v2, v1;
	v2 =	vmul.u32 $0x2780, v5  }
0x33: {  	v59 =	vld [tilespmem:$0x13C60];
	v58 =	vadd.s32 v0, v9;
	[tilespmem:$0x13C00] =	vst v1;
	v1 =	vadd.s32 v4, v3;
	v3 =	vmul.u32 $0x2780, v56  }
0x34: {  	v61 =	vld [tilespmem:$0x13C70];
	v60 =	vadd.s32 v0, v11;
	[tilespmem:$0x13C10] =	vst v1;
	v1 =	vadd.s32 v6, v2;
	v2 =	vmul.u32 $0x2780, v58  }
0x35: {  	v62 =	vadd.s32 v0, v12;
	[tilespmem:$0x13C20] =	vst v1;
	v1 =	vadd.s32 v8, v3;
	v3 =	vmul.u32 $0x2780, v60  }
0x36: {  	v63 =	vadd.s32 v0, v13;
	[tilespmem:$0x13C30] =	vst v1;
	v1 =	vadd.s32 v10, v2;
	v2 =	vmul.u32 $0x2780, v62  }
0x37: {  	[tilespmem:$0x13C40] =	vst v1;
	v1 =	vadd.s32 v57, v3;
	v3 =	vmul.u32 $0x2780, v63  }
0x38: {  	[tilespmem:$0x13C50] =	vst v1;
	v1 =	vadd.s32 v59, v2  }
0x39: {  	[tilespmem:$0x13C60] =	vst v1;
	v1 =	vadd.s32 v61, v3  }
0x3a: {  	[tilespmem:$0x13C70] =	vst v1  }
0x3b: {  	[tilespmem:s16], [sflag:$0x2] =	stream.indirect.gather [hbm4b:s4+s15], $0x80, s14, s15, $0xb8;
	[tilespmem:$0x1C200] =	vst v63  }
0x3c: {  	s22 =	simm.s32 $0x10000;
	s23 =	smov.u32 s11;
	s24 =	simm.s32 $0x0  }
0x3d: {  	[tilespmem:s17], [sflag:$0x1] =	stream.linear.gather [hbm4b:s8+s3], $0x180, $0x38;
	[tilespmem:$0x1C200] =	vst v63  }
.LBB2_2:
0x3e: {  	p0 =	seq.s32 s24, $0x0  }
0x3f: {  	s26 =	simm.s32 @!p0 $0x3  }
0x40: {  	s25 =	smul.u32 $0xAB, s24;
	_ =	swait.ge @!p0 [sflag:s26], $0x4000  }
0x41: {  	[sflag:s26] =	ssyncset.done @!p0 $0x0  }
0x42: {  	s25 =	sshrl.u32 s25, $0x9;
	[sflag:s26] =	ssyncadd.s32 @!p0 $0xFFFFC000;
	p0 =	sne.s32 s24, $0x9C  }
.Ltmp2:
0x43: {  	s25 =	sand.u32 $0x7F, s25;
	(pc) =	sbr.rel @!p0 .LBB2_3-.Ltmp2, $4  }
0x44: {  	s31 =	sadd.s32 $0xFFFF0000, s22;
	s25 =	smul.u32 $0x3, s25  }
0x45: {  	s26 =	sand.u32 $0x10000, s31;
	_ =	swait.ge [sflag:s18], $0x4000  }
0x46: {  	s28 =	sshrl.u32 s26, $0x2;
	s25 =	ssub.s32 s24, s25;
	[sflag:s18] =	ssyncset.done $0x0  }
0x47: {  	s26 =	sand.u32 $0xFF, s25;
	s25 =	sadd.s32 $0x14200, s28;
	[sflag:s18] =	ssyncadd.s32 $0xFFFFC000  }
0x48: {  	s28 =	sadd.s32 $0x1, s24  }
0x49: {  	s29 =	sand.u32 $0xFF, s28  }
0x4a: {  	s29 =	smul.u32 $0xAB, s29;
	_ =	sdelay $0x1  }
0x4b: {  	s29 =	sshrl.u32 s29, $0x9  }
0x4c: {  	s29 =	smul.u32 $0x3, s29;
	_ =	sdelay $0x1  }
0x4d: {  	_ =	swait.ge [sflag:s20], $0x180;
	s29 =	ssub.s32 s28, s29  }
0x4e: {  	[sflag:s20] =	ssyncset.done $0x0;
	s29 =	sand.u32 $0xFF, s29  }
0x4f: {  	[sflag:s20] =	ssyncadd.s32 $0xFFFFFE80;
	s29 =	sshll.u32 s29, $0x9  }
0x50: {  	v1 =	vld [tilespmem:s29+$0x13D00]  }
0x51: {  	v2 =	vld [tilespmem:s29+$0x13C00]  }
0x52: {  	v3 =	vld [tilespmem:s29+$0x13D10]  }
0x53: {  	v4 =	vld [tilespmem:s29+$0x13C10]  }
0x54: {  	v5 =	vld [tilespmem:s29+$0x13D20]  }
0x55: {  	v6 =	vld [tilespmem:s29+$0x13C20]  }
0x56: {  	v7 =	vld [tilespmem:s29+$0x13D30]  }
0x57: {  	v8 =	vld [tilespmem:s29+$0x13C30]  }
0x58: {  	v9 =	vld [tilespmem:s29+$0x13D40]  }
0x59: {  	v10 =	vld [tilespmem:s29+$0x13C40]  }
0x5a: {  	v11 =	vld [tilespmem:s29+$0x13D50];
	v1 =	vadd.s32 v0, v1  }
0x5b: {  	v12 =	vld [tilespmem:s29+$0x13D60];
	v3 =	vadd.s32 v0, v3;
	v1 =	vmul.u32 $0x2780, v1  }
0x5c: {  	v13 =	vld [tilespmem:s29+$0x13D70];
	v5 =	vadd.s32 v0, v5;
	v3 =	vmul.u32 $0x2780, v3  }
0x5d: {  	v57 =	vld [tilespmem:s29+$0x13C50];
	v56 =	vadd.s32 v0, v7;
	v1 =	vadd.s32 v2, v1;
	v2 =	vmul.u32 $0x2780, v5  }
0x5e: {  	s30 =	sadd.s32 $0x2, s24;
	v59 =	vld [tilespmem:s29+$0x13C60];
	v58 =	vadd.s32 v0, v9;
	[tilespmem:s29+$0x13C00] =	vst v1;
	v1 =	vadd.s32 v4, v3;
	v3 =	vmul.u32 $0x2780, v56  }
0x5f: {  	s31 =	sand.u32 $0xFF, s30;
	v61 =	vld [tilespmem:s29+$0x13C70];
	v60 =	vadd.s32 v0, v11;
	[tilespmem:s29+$0x13C10] =	vst v1;
	v1 =	vadd.s32 v6, v2;
	v2 =	vmul.u32 $0x2780, v58  }
0x60: {  	s31 =	smul.u32 $0xAB, s31;
	v62 =	vadd.s32 v0, v12;
	[tilespmem:s29+$0x13C20] =	vst v1;
	v1 =	vadd.s32 v8, v3;
	v3 =	vmul.u32 $0x2780, v60  }
0x61: {  	v63 =	vadd.s32 v0, v13;
	[tilespmem:s29+$0x13C30] =	vst v1;
	v1 =	vadd.s32 v10, v2;
	v2 =	vmul.u32 $0x2780, v62  }
0x62: {  	s31 =	sshrl.u32 s31, $0x9;
	[tilespmem:s29+$0x13C40] =	vst v1;
	v1 =	vadd.s32 v57, v3;
	v3 =	vmul.u32 $0x2780, v63  }
0x63: {  	s0 =	sand.u32 $0x10000, s22;
	s31 =	smul.u32 $0x3, s31;
	[tilespmem:s29+$0x13C50] =	vst v1;
	v1 =	vadd.s32 v59, v2  }
0x64: {  	s0 =	sshrl.u32 s0, $0x2;
	[tilespmem:s29+$0x13C60] =	vst v1;
	v1 =	vadd.s32 v61, v3  }
0x65: {  	s0 =	sadd.s32 $0x14200, s0;
	s30 =	ssub.s32 s30, s31;
	[tilespmem:s29+$0x13C70] =	vst v1;
	s29 =	sadd.s32 $0x13C00, s29  }
0x66: {  	[tilespmem:s0], [sflag:$0x2] =	stream.indirect.gather [hbm4b:s4+s15], $0x80, s29, s15, $0xb8;
	[tilespmem:$0x1C200] =	vst v63  }
0x67: {  	p0 =	sgt.u32 s24, $0x9A;
	s0 =	sand.u32 $0xFF, s30  }
0x68: {  	s0 =	sshll.u32 @!p0 s0, $0x9  }
0x69: {  	s24 =	simm.s32 @!p0 $0x0;
	s0 =	sadd.s32 @!p0 $0x13C00, s0  }
0x6a: {  	[tilespmem:s0], [sflag:$0x1] =	stream.linear.gather @!p0 [hbm4b:s23+s24], $0x180, $0x38;
	[tilespmem:$0x1C200] =	vst v63  }
0x6b: {  	p0 =	sne.s32 s28, $0x9D  }
.Ltmp3:
0x6c: {  	_ = 	snop;
	(pc) =	sbr.rel @p0 .LBB2_2-.Ltmp3, $4  }
.Ltmp4:
0x6d: {  	_ = 	snop;
	(pc) =	sbr.rel @!p0 .LBB2_5-.Ltmp4, $4  }
0x6e: {  	s22 =	sadd.s32 $0x10000, s22;
	s31 =	sshll.u32 s26, $0x9  }
0x6f: {  	s0 =	sadd.s32 $0x13C80, s31;
	s23 =	sadd.s32 $0x40, s23;
	s24 =	smov.u32 s28  }
0x70: {  	[spmem:s2] =	stream.indirect.scatter.add.f32 [tilespmem:s25], [sflag:$0x3], $0x80, s0, s15, $0xb8;
	[tilespmem:$0x1C200] =	vst v63  }
0x71: {  	_ = 	snop  }
.LBB2_6:
0x72: {  	_ =	sfence.sel $0x180000  }
0x73: {  	[bflag:$0x0] =	sbarrier.arrive $0xFFFF  }
0x74: {  	_ =	strace $0x9000004A  }
0x75: {  	[bflag:$0x2] =	sbarrier.arrive $0xFFFF  }
0x76: {  	p0 =	sne.s32 s1, $0x0;
	s0 =	rddreg [dreg:$0x2]  }
0x77: {  	s0 =	sadd.s32 @!p0 $0x100000, s0  }
0x78: {  	[sflag:s0] =	ssyncadd.tile.s32 @!p0 $0x1;
	_ =	shalt  }
.Lfunc_end2:
_tile_overlayer_lowered:
.L_overlay_start_2:
0x79: {  	(tag) =	ssettag $0x2  }
0x7a: {  	s0 =	rddreg [dreg:$0x0];
	s2 =	stileid.u32  }
0x7b: {  	s1 =	rddreg [dreg:$0x1];
	p0 =	sne.s32 s2, $0x0  }
0x7c: {  	s3 =	rddreg [dreg:$0x2];
	[bflag:$0x3] =	sbarrier.arrive $0xFFFF;
	s2 =	simm.s32 @!p0 $0x1C04  }
0x7d: {  	[timem:s3], [sflag:s2] =	dma.local @!p0 [hbm:s0], s1  }
0x7e: {  	s0 =	simm.s32 @!p0 $0x4  }
0x7f: {  	_ =	swait.ge @!p0 [sflag:s0], s1  }
0x80: {  	s1 =	ssub.s32 @!p0 $0x0, s1;
	[sflag:s0] =	ssyncset.done @!p0 $0x0  }
0x81: {  	[sflag:s0] =	ssyncadd.s32 @!p0 s1  }
0x82: {  	[bflag:$0x3] =	sbarrier.arrive $0xFFFF  }
0x83: {  	_ =	shalt  }

// kernel: kernel.17.cloned.1.call-start
scs
__scs_entry_jumppad:
0x0: {  	(pc) =	sbr.rel $0x88, $3  }
0x1: {  	(tag) =	ssettag $0x0;
	lr =	simm.s32 $0x1  }
0x2: {  	[smem:$0x3F94] =	sst lr;
	_ =	strace $0xD0000000  }
0x3: {  	_ = 	snop  }
0x4: {  	_ = 	snop  }
0x5: {  	_ = 	snop  }
0x6: {  	_ = 	snop  }
0x7: {  	_ = 	snop  }
__scs_overlays_trampoline_lowered:
0x8: {  	[smem:$0x3FA3] =	sst s0  }
0x9: {  	[smem:$0x3FA4] =	sst s1  }
0xa: {  	[smem:$0x3FA5] =	sst s2  }
0xb: {  	[smem:$0x3FA6] =	sst s3  }
0xc: {  	[smem:$0x3FA7] =	sst s4  }
0xd: {  	[smem:$0x3FA8] =	sst s5  }
0xe: {  	[smem:$0x3FA9] =	sst s6  }
0xf: {  	[smem:$0x3FAA] =	sst s7  }
0x10: {  	[smem:$0x3FAB] =	sst s8  }
0x11: {  	[smem:$0x3FAC] =	sst s9;
	s0 =	simm.s32 @!p0 $0x0  }
0x12: {  	s1 =	sld [smem:$0x3F92];
	s0 =	simm.s32 @p0 $0x1  }
0x13: {  	[smem:$0x3FAD] =	sst s0;
	s0 =	simm.s32 @!p1 $0x0  }
0x14: {  	s2 =	sld [smem:$0x3F91];
	s0 =	simm.s32 @p1 $0x1  }
0x15: {  	[smem:$0x3FAE] =	sst s0;
	s0 =	simm.s32 @!p2 $0x0  }
0x16: {  	s3 =	sld [smem:$0x3FDB];
	s0 =	simm.s32 @p2 $0x1  }
0x17: {  	s4 =	simm.s32 $0x1BF5;
	[smem:$0x3FB0] =	sst s0  }
0x18: {  	s0 =	sld [smem:$0x3F93];
	_ =	swait.ge [sflag:s4], $0x0  }
0x19: {  	s7 =	sld [smem:$0x3F94]  }
0x1a: {  	s8 =	sadd.s32 $0xFFFFE003, lr  }
0x1b: {  	s9 =	sadd.s32 $0xFFFFFEF7, lr;
	s5 =	simm.s32 $0xFFFFFFFF;
	p2 =	slt.u32 s8, $0xFFFFF086  }
0x1c: {  	p1 =	slt.u32 s9, $0xF7A;
	s5 =	simm.s32 @!p2 $0x0  }
0x1d: {  	s5 =	simm.s32 @p1 $0x1;
	p0 =	seq.s32 s7, s2  }
0x1e: {  	s7 =	smul.u32 @!p0 $0xF7A, s2;
	p2 =	seq.s32 @!p0 s5, $0x0  }
0x1f: {  	s9 =	smul.u32 $0xF7A, s1;
	s8 =	simm.s32 @!p0 $0x1BF5;
	p2 =	por !p2, p0  }
0x20: {  	[sflag:s8] =	ssyncset.s32 @!p0 $0xFFFFF086;
	s6 =	sadd.s32 @!p0 s3, s7;
	s7 =	simm.s32 @!p0 $0x108  }
0x21: {  	s3 =	sadd.s32 s3, s9;
	s6 =	sadd.s32 @!p0 $0x88, s6;
	s7 =	simm.s32 @p2 $0x1082  }
0x22: {  	[simem:s7], [sflag:s8] =	dma.local @!p0 [hbm:s6], $0xF7A  }
0x23: {  	s9 =	sor.u32 $0xD0000000, s2;
	s6 =	simm.s32 $0x108;
	_ =	swait.ge @!p0 [sflag:s8], $0x0  }
0x24: {  	s3 =	sadd.s32 $0x88, s3;
	s6 =	simm.s32 @!p1 $0x1082;
	[sflag:s4] =	ssyncset.s32 $0xFFFFF086  }
0x25: {  	[simem:s6], [sflag:s4] =	dma.local [hbm:s3], $0xF7A  }
0x26: {  	[smem:$0x3F94] =	sst s1;
	(tag) =	ssettag s2;
	_ =	strace s9  }
0x27: {  	s1 =	sld [smem:$0x3FA4]  }
0x28: {  	s2 =	sld [smem:$0x3FA5]  }
0x29: {  	s4 =	sld [smem:$0x3FA7]  }
0x2a: {  	p0 =	seq.s32 s5, $0x0;
	s5 =	sld [smem:$0x3FA8]  }
0x2b: {  	s6 =	sld [smem:$0x3FA9]  }
0x2c: {  	s7 =	sld [smem:$0x3FAA]  }
0x2d: {  	s3 =	simm.s32 $0x108;
	s8 =	sld [smem:$0x3FAB]  }
0x2e: {  	s3 =	simm.s32 @!p0 $0x1082;
	s9 =	sld [smem:$0x3FAC]  }
0x2f: {  	lr =	sadd.s32 s0, s3;
	s0 =	sld [smem:$0x3FA3]  }
0x30: {  	s3 =	sld [smem:$0x3FA6]  }
0x31: {  	[smem:$0x3FAF] =	sst s10  }
0x32: {  	s10 =	sld [smem:$0x3FAD];
	_ =	sdelay $0x3  }
0x33: {  	p0 =	seq.s32 s10, $0x1;
	s10 =	sld [smem:$0x3FAF];
	_ =	sdelay $0x3  }
0x34: {  	[smem:$0x3FAF] =	sst s10  }
0x35: {  	s10 =	sld [smem:$0x3FAE];
	_ =	sdelay $0x3  }
0x36: {  	p1 =	seq.s32 s10, $0x1;
	s10 =	sld [smem:$0x3FAF];
	_ =	sdelay $0x3  }
0x37: {  	[smem:$0x3FAF] =	sst s10  }
0x38: {  	s10 =	sld [smem:$0x3FB0]  }
0x39: {  	_ = 	snop;
	(pc) =	sbr.ind lr, $3  }
0x3a: {  	_ = 	snop  }
0x3b: {  	_ = 	snop  }
0x3c: {  	p2 =	seq.s32 s10, $0x1;
	s10 =	sld [smem:$0x3FAF]  }
0x3d: {  	_ =	shalt  }
0x3e: {  	_ =	shalt  }
0x3f: {  	_ =	shalt  }
0x40: {  	_ =	shalt  }
0x41: {  	_ =	shalt  }
0x42: {  	_ =	shalt  }
0x43: {  	_ =	shalt  }
0x44: {  	_ =	shalt  }
0x45: {  	_ =	shalt  }
0x46: {  	_ =	shalt  }
0x47: {  	_ =	shalt  }
0x48: {  	_ =	shalt  }
0x49: {  	_ =	shalt  }
0x4a: {  	_ =	shalt  }
0x4b: {  	_ =	shalt  }
0x4c: {  	_ =	shalt  }
0x4d: {  	_ =	shalt  }
0x4e: {  	_ =	shalt  }
0x4f: {  	_ =	shalt  }
0x50: {  	_ =	shalt  }
0x51: {  	_ =	shalt  }
0x52: {  	_ =	shalt  }
0x53: {  	_ =	shalt  }
0x54: {  	_ =	shalt  }
0x55: {  	_ =	shalt  }
0x56: {  	_ =	shalt  }
0x57: {  	_ =	shalt  }
0x58: {  	_ =	shalt  }
0x59: {  	_ =	shalt  }
0x5a: {  	_ =	shalt  }
0x5b: {  	_ =	shalt  }
0x5c: {  	_ =	shalt  }
0x5d: {  	_ =	shalt  }
0x5e: {  	_ =	shalt  }
0x5f: {  	_ =	shalt  }
0x60: {  	_ =	shalt  }
0x61: {  	_ =	shalt  }
0x62: {  	_ =	shalt  }
0x63: {  	_ =	shalt  }
0x64: {  	_ =	shalt  }
0x65: {  	_ =	shalt  }
0x66: {  	_ =	shalt  }
0x67: {  	_ =	shalt  }
0x68: {  	_ =	shalt  }
0x69: {  	_ =	shalt  }
0x6a: {  	_ =	shalt  }
0x6b: {  	_ =	shalt  }
0x6c: {  	_ =	shalt  }
0x6d: {  	_ =	shalt  }
0x6e: {  	_ =	shalt  }
0x6f: {  	_ =	shalt  }
0x70: {  	_ =	shalt  }
0x71: {  	_ =	shalt  }
0x72: {  	_ =	shalt  }
0x73: {  	_ =	shalt  }
0x74: {  	_ =	shalt  }
0x75: {  	_ =	shalt  }
0x76: {  	_ =	shalt  }
0x77: {  	_ =	shalt  }
0x78: {  	_ =	shalt  }
0x79: {  	_ =	shalt  }
0x7a: {  	_ =	shalt  }
0x7b: {  	_ =	shalt  }
0x7c: {  	_ =	shalt  }
0x7d: {  	_ =	shalt  }
0x7e: {  	_ =	shalt  }
0x7f: {  	_ =	shalt  }
0x80: {  	_ =	shalt  }
0x81: {  	_ =	shalt  }
0x82: {  	_ =	shalt  }
0x83: {  	_ =	shalt  }
0x84: {  	_ =	shalt  }
0x85: {  	_ =	shalt  }
0x86: {  	_ =	shalt  }
0x87: {  	_ =	shalt  }
.Lfunc_end0:
.L_simem_size_0:
called_computation.2_lowered:
.L_overlay_start_0:
0x88: {  	s2 =	sld [smem:$0x3FD9]  }
0x89: {  	s3 =	sld [smem:$0x3FFE];
	_ =	sdelay $0x1  }
0x8a: {  	s1 =	srdreg.scid  }
0x8b: {  	s0 =	sand.u32 $0x1, s1  }
0x8c: {  	s16 =	sshll.u32 s0, $0xA;
	s2 =	sadd.s32 s3, s2  }
0x8d: {  	s2 =	sadd.s32 s2, s16  }
0x8e: {  	[smem:$0x3FBB] =	sst s2  }
0x8f: {  	_ = 	snop  }
0x90: {  	(tm) =	ssettm $0x1  }
0x91: {  	s17 =	sld [smem:$0x3FFB];
	_ =	sdelay $0x3  }
0x92: {  	_ =	strace s17  }
0x93: {  	s2 =	sld [smem:$0x3FFC];
	_ =	sdelay $0x3  }
0x94: {  	_ =	strace s2  }
0x95: {  	s2 =	sld [smem:$0x3FFD];
	_ =	sdelay $0x3  }
0x96: {  	_ =	strace s2  }
0x97: {  	_ =	strace $0x8FFFFFFF  }
0x98: {  	s18 =	sld [smem:$0x3FDB];
	_ =	sdelay $0x1  }
0x99: {  	s19 =	simm.s32 $_scs_section_size  }
0x9a: {  	s4 =	simm.s32 $_size__tile_overlayer_lowered;
	s5 =	simm.s32 $_tile_overlayer_lowered  }
0x9b: {  	s22 =	simm.s32 $0x1BFF;
	s21 =	sshll.u32 s5, $0x1;
	s2 =	sadd.s32 s19, s18  }
0x9c: {  	s6 =	simm.s32 $0x0;
	s20 =	sshll.u32 s4, $0x1;
	s4 =	sadd.s32 s21, s2  }
0x9d: {  	[timem:s6], [sflag:s22] =	dma.local [hbm:s4], s20  }
0x9e: {  	_ =	swait.ge [sflag:s22], s20  }
0x9f: {  	s3 =	ssub.s32 $0x0, s20;
	[sflag:s22] =	ssyncset.done $0x0  }
0xa0: {  	[sflag:s22] =	ssyncadd.s32 s3;
	_ =	sdelay $0x1  }
0xa1: {  	s23 =	simm.s32 $0x1B8B  }
0xa2: {  	_ =	swait.ge [sflag:s23], $0x1  }
0xa3: {  	[sflag:s23] =	ssyncset.done $0x0  }
0xa4: {  	s25 =	simm.s32 $0x1B8E;
	s24 =	sld [smem:$0x3FFE];
	[sflag:s23] =	ssyncadd.s32 $0xFFFFFFFF  }
0xa5: {  	s26 =	simm.s32 $execute0_lowered;
	[smem:$0x3FD2] =	sst s25  }
0xa6: {  	s4 =	sshll.u32 s26, $0x1;
	_ =	strace $0x8000004C;
	[dreg:$0x1] =	wrdreg $0xFFFFFFFF  }
0xa7: {  	s28 =	simm.s32 $_size_execute0_lowered;
	s2 =	sadd.s32 s2, s4;
	[dreg:$0x0] =	wrdreg $0x0  }
0xa8: {  	s4 =	sshll.u32 s28, $0x1;
	[dreg:$0x2] =	wrdreg s2  }
0xa9: {  	[dreg:$0x3] =	wrdreg s4  }
0xaa: {  	[dreg:$0x4] =	wrdreg $0xC0  }
0xab: {  	_ =	task [dreg:s6], $0x5FFFF  }
0xac: {  	[dreg:$0x1] =	wrdreg $0xFFFFFFFF  }
0xad: {  	[dreg:$0x0] =	wrdreg $0x60  }
0xae: {  	[dreg:$0x2] =	wrdreg s24  }
0xaf: {  	[dreg:$0x3] =	wrdreg $0x0  }
0xb0: {  	[dreg:$0x4] =	wrdreg $0x9  }
0xb1: {  	_ =	task.clear_ibuf [dreg:s6], $0x5FFFF;
	_ =	strace $0x9000004C  }
0xb2: {  	s29 =	simm.s32 $0x9;
	_ =	strace $0x8000004E  }
0xb3: {  	_ =	swait.ge [sflag:s29], $0x1  }
0xb4: {  	[sflag:s29] =	ssyncadd.s32 $0xFFFFFFFF  }
0xb5: {  	_ =	strace $0x9000004E  }
0xb6: {  	_ =	sfence  }
0xb7: {  	s30 =	sld [smem:$0x0];
	_ =	sdelay $0x2  }
0xb8: {  	s31 =	sshll.u32 s1, $0xD;
	s1 =	sshrl.u32 s1, $0x2  }
0xb9: {  	s3 =	sand.u32 $0x4000, s31;
	s1 =	sadd.s32 s1, s30  }
0xba: {  	s0 =	sor.u32 s3, s0;
	s1 =	sshll.u32 s1, $0x11  }
0xbb: {  	s0 =	sor.u32 s1, s0  }
0xbc: {  	s0 =	sadd.s32 $0x8F2B, s0  }
0xbd: {  	[sflag:s0] =	ssyncadd.remote.s32 $0x1  }
0xbe: {  	_ =	sfence.sel $0xFFFF  }
0xbf: {  	[dreg:$0x0] =	wrdreg $0xFFFFFFFF;
	(pc) =	sbr.abs _section_cstart, $3  }
0xc0: {  	[dreg:$0x1] =	wrdreg $0xFFFFFFFF  }
0xc1: {  	_ =	task.clear_ibuf [dreg:s6], $0x2FFFF;
	_ =	strace $0x9FFFFFFF  }
0xc2: {  	(tm) =	ssettm $0x7FFFFFFF  }
0xc3: {  	_ =	shalt  }
tec
execute0_lowered:
.L_overlay_start_1:
0x0: {  	(tag) =	ssettag $0x1  }
0x1: {  	s5 =	rddreg [dreg:$0x0]  }
0x2: {  	s0 =	srdreg.scid;
	s2 =	rddreg [dreg:$0x1]  }
0x3: {  	s1 =	stileid.u32;
	s3 =	simm.s32 $0x0;
	s14 =	simm.s32 $0x13C00  }
0x4: {  	s15 =	simm.s32 $0x80;
	s16 =	simm.s32 $0x14200;
	s6 =	smul.u32 $0x278, s1  }
0x5: {  	s17 =	simm.s32 $0x13E00;
	s18 =	simm.s32 $0x2;
	s9 =	smul.u32 $0x4F000, s1  }
0x6: {  	s20 =	simm.s32 $0x1;
	s21 =	simm.s32 $0x0;
	s11 =	smul.u32 $0x13A00, s1  }
0x7: {  	s7 =	sand.u32 $0x1, s0;
	[smem:$0x7FF] =	sst s3;
	s31 =	smul.u32 $0x2740, s1  }
0x8: {  	s8 =	sadd.s32 $0x53600, s5;
	s30 =	sshll.u32 s1, $0x6;
	s4 =	smul.u32 $0x2780, s7  }
0x9: {  	_ =	strace $0x8000004D;
	s28 =	ssub.s32 $0x2, s7;
	s19 =	sshll.u32 s7, $0x5  }
0xa: {  	s29 =	sshrl.u32 s28, $0x1;
	s9 =	sshrl.u32 s9, $0x2;
	s11 =	sshrl.u32 s11, $0x3  }
0xb: {  	s7 =	sadd.s32 s8, s31;
	v0 =	vmov s19;
	s19 =	simm.s32 $0x3;
	s4 =	sadd.s32 s6, s4  }
.Ltmp0:
0xc: {  	s12 =	ssub.s32 s28, s29;
	s13 =	sadd.s32 s9, s2;
	(pc) =	sbr.rel .LBB2_1-.Ltmp0, $4  }
0xd: {  	s11 =	sadd.s32 s8, s11;
	s6 =	sshll.u32 s4, $0x4;
	s4 =	sadd.s32 $0x7AA00, s5  }
0xe: {  	s8 =	sadd.s32 $0x40, s11;
	s11 =	sadd.s32 $0x80, s7;
	s10 =	sadd.s32 s6, s5  }
0xf: {  	s6 =	sor.u32 $0x1C04, s30;
	s5 =	sadd.s32 $0x4600, s10;
	s9 =	sadd.s32 $0xAA9A00, s10  }
0x10: {  	s10 =	smax.u32 s12, $0x1;
	s12 =	sshrl.u32 s13, $0x3;
	s13 =	simm.s32 $0x4  }
.LBB2_3:
0x11: {  	s22 =	sshll.u32 s26, $0x9  }
0x12: {  	s22 =	sadd.s32 $0x13C80, s22  }
0x13: {  	[spmem:s2] =	stream.indirect.scatter.add.f32 [tilespmem:s25], [sflag:$0x3], $0x80, s22, s15, $0xb8;
	[tilespmem:$0x1C200] =	vst v63  }
.LBB2_5:
0x14: {  	_ =	swait.ge [sflag:s19], $0x4000  }
0x15: {  	s21 =	sadd.s32 $0x1, s21;
	[sflag:s19] =	ssyncset.done $0x0  }
0x16: {  	p0 =	sne.s32 s21, s10;
	[sflag:s19] =	ssyncadd.s32 $0xFFFFC000  }
.Ltmp1:
0x17: {  	[bflag:$0x0] =	sbarrier.arrive $0xFFFF;
	(pc) =	sbr.rel @!p0 .LBB2_6-.Ltmp1, $4  }
0x18: {  	[hbm:s9], [sflag:s6] =	dma.local [spmem:s12], $0x2780  }
0x19: {  	_ =	swait.ge [sflag:s13], $0x2780  }
0x1a: {  	[sflag:s13] =	ssyncset.done $0x0  }
0x1b: {  	[sflag:s13] =	ssyncadd.s32 $0xFFFFD880  }
.LBB2_1:
0x1c: {  	[spmem:s12], [sflag:s6] =	dma.local [hbm:s5], $0x2780  }
0x1d: {  	_ =	swait.ge [sflag:s13], $0x2780  }
0x1e: {  	[sflag:s13] =	ssyncset.done $0x0  }
0x1f: {  	[sflag:s13] =	ssyncadd.s32 $0xFFFFD880  }
0x20: {  	[bflag:$0x0] =	sbarrier.arrive $0xFFFF  }
0x21: {  	[tilespmem:s14], [sflag:$0x4] =	stream.linear.gather [hbm4b:s7+s3], $0x180, $0x38;
	[tilespmem:$0x1C200] =	vst v63  }
0x22: {  	_ =	swait.ge [sflag:s13], $0x180  }
0x23: {  	[sflag:s13] =	ssyncset.done $0x0  }
0x24: {  	[sflag:s13] =	ssyncadd.s32 $0xFFFFFE80  }
0x25: {  	v1 =	vld [tilespmem:$0x13D00]  }
0x26: {  	v2 =	vld [tilespmem:$0x13C00]  }
0x27: {  	v3 =	vld [tilespmem:$0x13D10]  }
0x28: {  	v4 =	vld [tilespmem:$0x13C10]  }
0x29: {  	v5 =	vld [tilespmem:$0x13D20]  }
0x2a: {  	v6 =	vld [tilespmem:$0x13C20]  }
0x2b: {  	v7 =	vld [tilespmem:$0x13D30]  }
0x2c: {  	v8 =	vld [tilespmem:$0x13C30]  }
0x2d: {  	v9 =	vld [tilespmem:$0x13D40]  }
0x2e: {  	v10 =	vld [tilespmem:$0x13C40]  }
0x2f: {  	v11 =	vld [tilespmem:$0x13D50];
	v1 =	vadd.s32 v0, v1  }
0x30: {  	v12 =	vld [tilespmem:$0x13D60];
	v3 =	vadd.s32 v0, v3;
	v1 =	vmul.u32 $0x2780, v1  }
0x31: {  	v13 =	vld [tilespmem:$0x13D70];
	v5 =	vadd.s32 v0, v5;
	v3 =	vmul.u32 $0x2780, v3  }
0x32: {  	v57 =	vld [tilespmem:$0x13C50];
	v56 =	vadd.s32 v0, v7;
	v1 =	vadd.s32 v2, v1;
	v2 =	vmul.u32 $0x2780, v5  }
0x33: {  	v59 =	vld [tilespmem:$0x13C60];
	v58 =	vadd.s32 v0, v9;
	[tilespmem:$0x13C00] =	vst v1;
	v1 =	vadd.s32 v4, v3;
	v3 =	vmul.u32 $0x2780, v56  }
0x34: {  	v61 =	vld [tilespmem:$0x13C70];
	v60 =	vadd.s32 v0, v11;
	[tilespmem:$0x13C10] =	vst v1;
	v1 =	vadd.s32 v6, v2;
	v2 =	vmul.u32 $0x2780, v58  }
0x35: {  	v62 =	vadd.s32 v0, v12;
	[tilespmem:$0x13C20] =	vst v1;
	v1 =	vadd.s32 v8, v3;
	v3 =	vmul.u32 $0x2780, v60  }
0x36: {  	v63 =	vadd.s32 v0, v13;
	[tilespmem:$0x13C30] =	vst v1;
	v1 =	vadd.s32 v10, v2;
	v2 =	vmul.u32 $0x2780, v62  }
0x37: {  	[tilespmem:$0x13C40] =	vst v1;
	v1 =	vadd.s32 v57, v3;
	v3 =	vmul.u32 $0x2780, v63  }
0x38: {  	[tilespmem:$0x13C50] =	vst v1;
	v1 =	vadd.s32 v59, v2  }
0x39: {  	[tilespmem:$0x13C60] =	vst v1;
	v1 =	vadd.s32 v61, v3  }
0x3a: {  	[tilespmem:$0x13C70] =	vst v1  }
0x3b: {  	[tilespmem:s16], [sflag:$0x2] =	stream.indirect.gather [hbm4b:s4+s15], $0x80, s14, s15, $0xb8;
	[tilespmem:$0x1C200] =	vst v63  }
0x3c: {  	s22 =	simm.s32 $0x10000;
	s23 =	smov.u32 s11;
	s24 =	simm.s32 $0x0  }
0x3d: {  	[tilespmem:s17], [sflag:$0x1] =	stream.linear.gather [hbm4b:s8+s3], $0x180, $0x38;
	[tilespmem:$0x1C200] =	vst v63  }
.LBB2_2:
0x3e: {  	p0 =	seq.s32 s24, $0x0  }
0x3f: {  	s26 =	simm.s32 @!p0 $0x3  }
0x40: {  	s25 =	smul.u32 $0xAB, s24;
	_ =	swait.ge @!p0 [sflag:s26], $0x4000  }
0x41: {  	[sflag:s26] =	ssyncset.done @!p0 $0x0  }
0x42: {  	s25 =	sshrl.u32 s25, $0x9;
	[sflag:s26] =	ssyncadd.s32 @!p0 $0xFFFFC000;
	p0 =	sne.s32 s24, $0x9C  }
.Ltmp2:
0x43: {  	s25 =	sand.u32 $0x7F, s25;
	(pc) =	sbr.rel @!p0 .LBB2_3-.Ltmp2, $4  }
0x44: {  	s31 =	sadd.s32 $0xFFFF0000, s22;
	s25 =	smul.u32 $0x3, s25  }
0x45: {  	s26 =	sand.u32 $0x10000, s31;
	_ =	swait.ge [sflag:s18], $0x4000  }
0x46: {  	s28 =	sshrl.u32 s26, $0x2;
	s25 =	ssub.s32 s24, s25;
	[sflag:s18] =	ssyncset.done $0x0  }
0x47: {  	s26 =	sand.u32 $0xFF, s25;
	s25 =	sadd.s32 $0x14200, s28;
	[sflag:s18] =	ssyncadd.s32 $0xFFFFC000  }
0x48: {  	s28 =	sadd.s32 $0x1, s24  }
0x49: {  	s29 =	sand.u32 $0xFF, s28  }
0x4a: {  	s29 =	smul.u32 $0xAB, s29;
	_ =	sdelay $0x1  }
0x4b: {  	s29 =	sshrl.u32 s29, $0x9  }
0x4c: {  	s29 =	smul.u32 $0x3, s29;
	_ =	sdelay $0x1  }
0x4d: {  	_ =	swait.ge [sflag:s20], $0x180;
	s29 =	ssub.s32 s28, s29  }
0x4e: {  	[sflag:s20] =	ssyncset.done $0x0;
	s29 =	sand.u32 $0xFF, s29  }
0x4f: {  	[sflag:s20] =	ssyncadd.s32 $0xFFFFFE80;
	s29 =	sshll.u32 s29, $0x9  }
0x50: {  	v1 =	vld [tilespmem:s29+$0x13D00]  }
0x51: {  	v2 =	vld [tilespmem:s29+$0x13C00]  }
0x52: {  	v3 =	vld [tilespmem:s29+$0x13D10]  }
0x53: {  	v4 =	vld [tilespmem:s29+$0x13C10]  }
0x54: {  	v5 =	vld [tilespmem:s29+$0x13D20]  }
0x55: {  	v6 =	vld [tilespmem:s29+$0x13C20]  }
0x56: {  	v7 =	vld [tilespmem:s29+$0x13D30]  }
0x57: {  	v8 =	vld [tilespmem:s29+$0x13C30]  }
0x58: {  	v9 =	vld [tilespmem:s29+$0x13D40]  }
0x59: {  	v10 =	vld [tilespmem:s29+$0x13C40]  }
0x5a: {  	v11 =	vld [tilespmem:s29+$0x13D50];
	v1 =	vadd.s32 v0, v1  }
0x5b: {  	v12 =	vld [tilespmem:s29+$0x13D60];
	v3 =	vadd.s32 v0, v3;
	v1 =	vmul.u32 $0x2780, v1  }
0x5c: {  	v13 =	vld [tilespmem:s29+$0x13D70];
	v5 =	vadd.s32 v0, v5;
	v3 =	vmul.u32 $0x2780, v3  }
0x5d: {  	v57 =	vld [tilespmem:s29+$0x13C50];
	v56 =	vadd.s32 v0, v7;
	v1 =	vadd.s32 v2, v1;
	v2 =	vmul.u32 $0x2780, v5  }
0x5e: {  	s30 =	sadd.s32 $0x2, s24;
	v59 =	vld [tilespmem:s29+$0x13C60];
	v58 =	vadd.s32 v0, v9;
	[tilespmem:s29+$0x13C00] =	vst v1;
	v1 =	vadd.s32 v4, v3;
	v3 =	vmul.u32 $0x2780, v56  }
0x5f: {  	s31 =	sand.u32 $0xFF, s30;
	v61 =	vld [tilespmem:s29+$0x13C70];
	v60 =	vadd.s32 v0, v11;
	[tilespmem:s29+$0x13C10] =	vst v1;
	v1 =	vadd.s32 v6, v2;
	v2 =	vmul.u32 $0x2780, v58  }
0x60: {  	s31 =	smul.u32 $0xAB, s31;
	v62 =	vadd.s32 v0, v12;
	[tilespmem:s29+$0x13C20] =	vst v1;
	v1 =	vadd.s32 v8, v3;
	v3 =	vmul.u32 $0x2780, v60  }
0x61: {  	v63 =	vadd.s32 v0, v13;
	[tilespmem:s29+$0x13C30] =	vst v1;
	v1 =	vadd.s32 v10, v2;
	v2 =	vmul.u32 $0x2780, v62  }
0x62: {  	s31 =	sshrl.u32 s31, $0x9;
	[tilespmem:s29+$0x13C40] =	vst v1;
	v1 =	vadd.s32 v57, v3;
	v3 =	vmul.u32 $0x2780, v63  }
0x63: {  	s0 =	sand.u32 $0x10000, s22;
	s31 =	smul.u32 $0x3, s31;
	[tilespmem:s29+$0x13C50] =	vst v1;
	v1 =	vadd.s32 v59, v2  }
0x64: {  	s0 =	sshrl.u32 s0, $0x2;
	[tilespmem:s29+$0x13C60] =	vst v1;
	v1 =	vadd.s32 v61, v3  }
0x65: {  	s0 =	sadd.s32 $0x14200, s0;
	s30 =	ssub.s32 s30, s31;
	[tilespmem:s29+$0x13C70] =	vst v1;
	s29 =	sadd.s32 $0x13C00, s29  }
0x66: {  	[tilespmem:s0], [sflag:$0x2] =	stream.indirect.gather [hbm4b:s4+s15], $0x80, s29, s15, $0xb8;
	[tilespmem:$0x1C200] =	vst v63  }
0x67: {  	p0 =	sgt.u32 s24, $0x9A;
	s0 =	sand.u32 $0xFF, s30  }
0x68: {  	s0 =	sshll.u32 @!p0 s0, $0x9  }
0x69: {  	s24 =	simm.s32 @!p0 $0x0;
	s0 =	sadd.s32 @!p0 $0x13C00, s0  }
0x6a: {  	[tilespmem:s0], [sflag:$0x1] =	stream.linear.gather @!p0 [hbm4b:s23+s24], $0x180, $0x38;
	[tilespmem:$0x1C200] =	vst v63  }
0x6b: {  	p0 =	sne.s32 s28, $0x9D  }
.Ltmp3:
0x6c: {  	_ = 	snop;
	(pc) =	sbr.rel @p0 .LBB2_2-.Ltmp3, $4  }
.Ltmp4:
0x6d: {  	_ = 	snop;
	(pc) =	sbr.rel @!p0 .LBB2_5-.Ltmp4, $4  }
0x6e: {  	s22 =	sadd.s32 $0x10000, s22;
	s31 =	sshll.u32 s26, $0x9  }
0x6f: {  	s0 =	sadd.s32 $0x13C80, s31;
	s23 =	sadd.s32 $0x40, s23;
	s24 =	smov.u32 s28  }
0x70: {  	[spmem:s2] =	stream.indirect.scatter.add.f32 [tilespmem:s25], [sflag:$0x3], $0x80, s0, s15, $0xb8;
	[tilespmem:$0x1C200] =	vst v63  }
0x71: {  	_ = 	snop  }
.LBB2_6:
0x72: {  	_ =	sfence.sel $0x180000  }
0x73: {  	[bflag:$0x0] =	sbarrier.arrive $0xFFFF  }
0x74: {  	_ =	strace $0x9000004D  }
0x75: {  	[bflag:$0x2] =	sbarrier.arrive $0xFFFF  }
0x76: {  	p0 =	sne.s32 s1, $0x0;
	s0 =	rddreg [dreg:$0x2]  }
0x77: {  	s0 =	sadd.s32 @!p0 $0x100000, s0  }
0x78: {  	[sflag:s0] =	ssyncadd.tile.s32 @!p0 $0x1;
	_ =	shalt  }
.Lfunc_end2:
_tile_overlayer_lowered:
.L_overlay_start_2:
0x79: {  	(tag) =	ssettag $0x2  }
0x7a: {  	s0 =	rddreg [dreg:$0x0];
	s2 =	stileid.u32  }
0x7b: {  	s1 =	rddreg [dreg:$0x1];
	p0 =	sne.s32 s2, $0x0  }
0x7c: {  	s3 =	rddreg [dreg:$0x2];
	[bflag:$0x3] =	sbarrier.arrive $0xFFFF;
	s2 =	simm.s32 @!p0 $0x1C04  }
0x7d: {  	[timem:s3], [sflag:s2] =	dma.local @!p0 [hbm:s0], s1  }
0x7e: {  	s0 =	simm.s32 @!p0 $0x4  }
0x7f: {  	_ =	swait.ge @!p0 [sflag:s0], s1  }
0x80: {  	s1 =	ssub.s32 @!p0 $0x0, s1;
	[sflag:s0] =	ssyncset.done @!p0 $0x0  }
0x81: {  	[sflag:s0] =	ssyncadd.s32 @!p0 s1  }
0x82: {  	[bflag:$0x3] =	sbarrier.arrive $0xFFFF  }
0x83: {  	_ =	shalt  }

// kernel: kernel.20.cloned.1.call-start
scs
__scs_entry_jumppad:
0x0: {  	(pc) =	sbr.rel $0x88, $3  }
0x1: {  	(tag) =	ssettag $0x0;
	lr =	simm.s32 $0x1  }
0x2: {  	[smem:$0x3F94] =	sst lr;
	_ =	strace $0xD0000000  }
0x3: {  	_ = 	snop  }
0x4: {  	_ = 	snop  }
0x5: {  	_ = 	snop  }
0x6: {  	_ = 	snop  }
0x7: {  	_ = 	snop  }
__scs_overlays_trampoline_lowered:
0x8: {  	[smem:$0x3FA3] =	sst s0  }
0x9: {  	[smem:$0x3FA4] =	sst s1  }
0xa: {  	[smem:$0x3FA5] =	sst s2  }
0xb: {  	[smem:$0x3FA6] =	sst s3  }
0xc: {  	[smem:$0x3FA7] =	sst s4  }
0xd: {  	[smem:$0x3FA8] =	sst s5  }
0xe: {  	[smem:$0x3FA9] =	sst s6  }
0xf: {  	[smem:$0x3FAA] =	sst s7  }
0x10: {  	[smem:$0x3FAB] =	sst s8  }
0x11: {  	[smem:$0x3FAC] =	sst s9;
	s0 =	simm.s32 @!p0 $0x0  }
0x12: {  	s1 =	sld [smem:$0x3F92];
	s0 =	simm.s32 @p0 $0x1  }
0x13: {  	[smem:$0x3FAD] =	sst s0;
	s0 =	simm.s32 @!p1 $0x0  }
0x14: {  	s2 =	sld [smem:$0x3F91];
	s0 =	simm.s32 @p1 $0x1  }
0x15: {  	[smem:$0x3FAE] =	sst s0;
	s0 =	simm.s32 @!p2 $0x0  }
0x16: {  	s3 =	sld [smem:$0x3FDB];
	s0 =	simm.s32 @p2 $0x1  }
0x17: {  	s4 =	simm.s32 $0x1BF5;
	[smem:$0x3FB0] =	sst s0  }
0x18: {  	s0 =	sld [smem:$0x3F93];
	_ =	swait.ge [sflag:s4], $0x0  }
0x19: {  	s7 =	sld [smem:$0x3F94]  }
0x1a: {  	s8 =	sadd.s32 $0xFFFFE003, lr  }
0x1b: {  	s9 =	sadd.s32 $0xFFFFFEF7, lr;
	s5 =	simm.s32 $0xFFFFFFFF;
	p2 =	slt.u32 s8, $0xFFFFF086  }
0x1c: {  	p1 =	slt.u32 s9, $0xF7A;
	s5 =	simm.s32 @!p2 $0x0  }
0x1d: {  	s5 =	simm.s32 @p1 $0x1;
	p0 =	seq.s32 s7, s2  }
0x1e: {  	s7 =	smul.u32 @!p0 $0xF7A, s2;
	p2 =	seq.s32 @!p0 s5, $0x0  }
0x1f: {  	s9 =	smul.u32 $0xF7A, s1;
	s8 =	simm.s32 @!p0 $0x1BF5;
	p2 =	por !p2, p0  }
0x20: {  	[sflag:s8] =	ssyncset.s32 @!p0 $0xFFFFF086;
	s6 =	sadd.s32 @!p0 s3, s7;
	s7 =	simm.s32 @!p0 $0x108  }
0x21: {  	s3 =	sadd.s32 s3, s9;
	s6 =	sadd.s32 @!p0 $0x88, s6;
	s7 =	simm.s32 @p2 $0x1082  }
0x22: {  	[simem:s7], [sflag:s8] =	dma.local @!p0 [hbm:s6], $0xF7A  }
0x23: {  	s9 =	sor.u32 $0xD0000000, s2;
	s6 =	simm.s32 $0x108;
	_ =	swait.ge @!p0 [sflag:s8], $0x0  }
0x24: {  	s3 =	sadd.s32 $0x88, s3;
	s6 =	simm.s32 @!p1 $0x1082;
	[sflag:s4] =	ssyncset.s32 $0xFFFFF086  }
0x25: {  	[simem:s6], [sflag:s4] =	dma.local [hbm:s3], $0xF7A  }
0x26: {  	[smem:$0x3F94] =	sst s1;
	(tag) =	ssettag s2;
	_ =	strace s9  }
0x27: {  	s1 =	sld [smem:$0x3FA4]  }
0x28: {  	s2 =	sld [smem:$0x3FA5]  }
0x29: {  	s4 =	sld [smem:$0x3FA7]  }
0x2a: {  	p0 =	seq.s32 s5, $0x0;
	s5 =	sld [smem:$0x3FA8]  }
0x2b: {  	s6 =	sld [smem:$0x3FA9]  }
0x2c: {  	s7 =	sld [smem:$0x3FAA]  }
0x2d: {  	s3 =	simm.s32 $0x108;
	s8 =	sld [smem:$0x3FAB]  }
0x2e: {  	s3 =	simm.s32 @!p0 $0x1082;
	s9 =	sld [smem:$0x3FAC]  }
0x2f: {  	lr =	sadd.s32 s0, s3;
	s0 =	sld [smem:$0x3FA3]  }
0x30: {  	s3 =	sld [smem:$0x3FA6]  }
0x31: {  	[smem:$0x3FAF] =	sst s10  }
0x32: {  	s10 =	sld [smem:$0x3FAD];
	_ =	sdelay $0x3  }
0x33: {  	p0 =	seq.s32 s10, $0x1;
	s10 =	sld [smem:$0x3FAF];
	_ =	sdelay $0x3  }
0x34: {  	[smem:$0x3FAF] =	sst s10  }
0x35: {  	s10 =	sld [smem:$0x3FAE];
	_ =	sdelay $0x3  }
0x36: {  	p1 =	seq.s32 s10, $0x1;
	s10 =	sld [smem:$0x3FAF];
	_ =	sdelay $0x3  }
0x37: {  	[smem:$0x3FAF] =	sst s10  }
0x38: {  	s10 =	sld [smem:$0x3FB0]  }
0x39: {  	_ = 	snop;
	(pc) =	sbr.ind lr, $3  }
0x3a: {  	_ = 	snop  }
0x3b: {  	_ = 	snop  }
0x3c: {  	p2 =	seq.s32 s10, $0x1;
	s10 =	sld [smem:$0x3FAF]  }
0x3d: {  	_ =	shalt  }
0x3e: {  	_ =	shalt  }
0x3f: {  	_ =	shalt  }
0x40: {  	_ =	shalt  }
0x41: {  	_ =	shalt  }
0x42: {  	_ =	shalt  }
0x43: {  	_ =	shalt  }
0x44: {  	_ =	shalt  }
0x45: {  	_ =	shalt  }
0x46: {  	_ =	shalt  }
0x47: {  	_ =	shalt  }
0x48: {  	_ =	shalt  }
0x49: {  	_ =	shalt  }
0x4a: {  	_ =	shalt  }
0x4b: {  	_ =	shalt  }
0x4c: {  	_ =	shalt  }
0x4d: {  	_ =	shalt  }
0x4e: {  	_ =	shalt  }
0x4f: {  	_ =	shalt  }
0x50: {  	_ =	shalt  }
0x51: {  	_ =	shalt  }
0x52: {  	_ =	shalt  }
0x53: {  	_ =	shalt  }
0x54: {  	_ =	shalt  }
0x55: {  	_ =	shalt  }
0x56: {  	_ =	shalt  }
0x57: {  	_ =	shalt  }
0x58: {  	_ =	shalt  }
0x59: {  	_ =	shalt  }
0x5a: {  	_ =	shalt  }
0x5b: {  	_ =	shalt  }
0x5c: {  	_ =	shalt  }
0x5d: {  	_ =	shalt  }
0x5e: {  	_ =	shalt  }
0x5f: {  	_ =	shalt  }
0x60: {  	_ =	shalt  }
0x61: {  	_ =	shalt  }
0x62: {  	_ =	shalt  }
0x63: {  	_ =	shalt  }
0x64: {  	_ =	shalt  }
0x65: {  	_ =	shalt  }
0x66: {  	_ =	shalt  }
0x67: {  	_ =	shalt  }
0x68: {  	_ =	shalt  }
0x69: {  	_ =	shalt  }
0x6a: {  	_ =	shalt  }
0x6b: {  	_ =	shalt  }
0x6c: {  	_ =	shalt  }
0x6d: {  	_ =	shalt  }
0x6e: {  	_ =	shalt  }
0x6f: {  	_ =	shalt  }
0x70: {  	_ =	shalt  }
0x71: {  	_ =	shalt  }
0x72: {  	_ =	shalt  }
0x73: {  	_ =	shalt  }
0x74: {  	_ =	shalt  }
0x75: {  	_ =	shalt  }
0x76: {  	_ =	shalt  }
0x77: {  	_ =	shalt  }
0x78: {  	_ =	shalt  }
0x79: {  	_ =	shalt  }
0x7a: {  	_ =	shalt  }
0x7b: {  	_ =	shalt  }
0x7c: {  	_ =	shalt  }
0x7d: {  	_ =	shalt  }
0x7e: {  	_ =	shalt  }
0x7f: {  	_ =	shalt  }
0x80: {  	_ =	shalt  }
0x81: {  	_ =	shalt  }
0x82: {  	_ =	shalt  }
0x83: {  	_ =	shalt  }
0x84: {  	_ =	shalt  }
0x85: {  	_ =	shalt  }
0x86: {  	_ =	shalt  }
0x87: {  	_ =	shalt  }
.Lfunc_end0:
.L_simem_size_0:
called_computation.3_lowered:
.L_overlay_start_0:
0x88: {  	s2 =	sld [smem:$0x3FD9]  }
0x89: {  	s3 =	sld [smem:$0x3FFE];
	_ =	sdelay $0x1  }
0x8a: {  	s1 =	srdreg.scid  }
0x8b: {  	s0 =	sand.u32 $0x1, s1  }
0x8c: {  	s16 =	sshll.u32 s0, $0xA;
	s2 =	sadd.s32 s3, s2  }
0x8d: {  	s2 =	sadd.s32 s2, s16  }
0x8e: {  	[smem:$0x3FBB] =	sst s2  }
0x8f: {  	_ = 	snop  }
0x90: {  	(tm) =	ssettm $0x1  }
0x91: {  	s17 =	sld [smem:$0x3FFB];
	_ =	sdelay $0x3  }
0x92: {  	_ =	strace s17  }
0x93: {  	s2 =	sld [smem:$0x3FFC];
	_ =	sdelay $0x3  }
0x94: {  	_ =	strace s2  }
0x95: {  	s2 =	sld [smem:$0x3FFD];
	_ =	sdelay $0x3  }
0x96: {  	_ =	strace s2  }
0x97: {  	_ =	strace $0x8FFFFFFF  }
0x98: {  	s18 =	sld [smem:$0x3FDB];
	_ =	sdelay $0x1  }
0x99: {  	s19 =	simm.s32 $_scs_section_size  }
0x9a: {  	s4 =	simm.s32 $_size__tile_overlayer_lowered;
	s5 =	simm.s32 $_tile_overlayer_lowered  }
0x9b: {  	s22 =	simm.s32 $0x1BFF;
	s21 =	sshll.u32 s5, $0x1;
	s2 =	sadd.s32 s19, s18  }
0x9c: {  	s6 =	simm.s32 $0x0;
	s20 =	sshll.u32 s4, $0x1;
	s4 =	sadd.s32 s21, s2  }
0x9d: {  	[timem:s6], [sflag:s22] =	dma.local [hbm:s4], s20  }
0x9e: {  	_ =	swait.ge [sflag:s22], s20  }
0x9f: {  	s3 =	ssub.s32 $0x0, s20;
	[sflag:s22] =	ssyncset.done $0x0  }
0xa0: {  	[sflag:s22] =	ssyncadd.s32 s3;
	_ =	sdelay $0x1  }
0xa1: {  	s23 =	simm.s32 $0x1B8B  }
0xa2: {  	_ =	swait.ge [sflag:s23], $0x1  }
0xa3: {  	[sflag:s23] =	ssyncset.done $0x0  }
0xa4: {  	s25 =	simm.s32 $0x1B8E;
	s24 =	sld [smem:$0x3FFE];
	[sflag:s23] =	ssyncadd.s32 $0xFFFFFFFF  }
0xa5: {  	s26 =	simm.s32 $execute0_lowered;
	[smem:$0x3FD2] =	sst s25  }
0xa6: {  	s4 =	sshll.u32 s26, $0x1;
	_ =	strace $0x8000004F;
	[dreg:$0x1] =	wrdreg $0xFFFFFFFF  }
0xa7: {  	s28 =	simm.s32 $_size_execute0_lowered;
	s2 =	sadd.s32 s2, s4;
	[dreg:$0x0] =	wrdreg $0x0  }
0xa8: {  	s4 =	sshll.u32 s28, $0x1;
	[dreg:$0x2] =	wrdreg s2  }
0xa9: {  	[dreg:$0x3] =	wrdreg s4  }
0xaa: {  	[dreg:$0x4] =	wrdreg $0xC0  }
0xab: {  	_ =	task [dreg:s6], $0x5FFFF  }
0xac: {  	[dreg:$0x1] =	wrdreg $0xFFFFFFFF  }
0xad: {  	[dreg:$0x0] =	wrdreg $0x60  }
0xae: {  	[dreg:$0x2] =	wrdreg s24  }
0xaf: {  	[dreg:$0x3] =	wrdreg $0x0  }
0xb0: {  	[dreg:$0x4] =	wrdreg $0x9  }
0xb1: {  	_ =	task.clear_ibuf [dreg:s6], $0x5FFFF;
	_ =	strace $0x9000004F  }
0xb2: {  	s29 =	simm.s32 $0x9;
	_ =	strace $0x80000051  }
0xb3: {  	_ =	swait.ge [sflag:s29], $0x1  }
0xb4: {  	[sflag:s29] =	ssyncadd.s32 $0xFFFFFFFF  }
0xb5: {  	_ =	strace $0x90000051  }
0xb6: {  	_ =	sfence  }
0xb7: {  	s30 =	sld [smem:$0x0];
	_ =	sdelay $0x2  }
0xb8: {  	s31 =	sshll.u32 s1, $0xD;
	s1 =	sshrl.u32 s1, $0x2  }
0xb9: {  	s3 =	sand.u32 $0x4000, s31;
	s1 =	sadd.s32 s1, s30  }
0xba: {  	s0 =	sor.u32 s3, s0;
	s1 =	sshll.u32 s1, $0x11  }
0xbb: {  	s0 =	sor.u32 s1, s0  }
0xbc: {  	s0 =	sadd.s32 $0x8F2B, s0  }
0xbd: {  	[sflag:s0] =	ssyncadd.remote.s32 $0x1  }
0xbe: {  	_ =	sfence.sel $0xFFFF  }
0xbf: {  	[dreg:$0x0] =	wrdreg $0xFFFFFFFF;
	(pc) =	sbr.abs _section_cstart, $3  }
0xc0: {  	[dreg:$0x1] =	wrdreg $0xFFFFFFFF  }
0xc1: {  	_ =	task.clear_ibuf [dreg:s6], $0x2FFFF;
	_ =	strace $0x9FFFFFFF  }
0xc2: {  	(tm) =	ssettm $0x7FFFFFFF  }
0xc3: {  	_ =	shalt  }
tec
execute0_lowered:
.L_overlay_start_1:
0x0: {  	(tag) =	ssettag $0x1  }
0x1: {  	s5 =	rddreg [dreg:$0x0]  }
0x2: {  	s0 =	srdreg.scid;
	s2 =	rddreg [dreg:$0x1]  }
0x3: {  	s1 =	stileid.u32;
	s3 =	simm.s32 $0x0;
	s14 =	simm.s32 $0x13C00  }
0x4: {  	s15 =	simm.s32 $0x80;
	s16 =	simm.s32 $0x14200;
	s6 =	smul.u32 $0x278, s1  }
0x5: {  	s17 =	simm.s32 $0x13E00;
	s18 =	simm.s32 $0x2;
	s9 =	smul.u32 $0x4F000, s1  }
0x6: {  	s20 =	simm.s32 $0x1;
	s21 =	simm.s32 $0x0;
	s11 =	smul.u32 $0x13A00, s1  }
0x7: {  	s7 =	sand.u32 $0x1, s0;
	[smem:$0x7FF] =	sst s3;
	s31 =	smul.u32 $0x2740, s1  }
0x8: {  	s8 =	sadd.s32 $0x53600, s5;
	s30 =	sshll.u32 s1, $0x6;
	s4 =	smul.u32 $0x2780, s7  }
0x9: {  	_ =	strace $0x80000050;
	s28 =	ssub.s32 $0x2, s7;
	s19 =	sshll.u32 s7, $0x5  }
0xa: {  	s29 =	sshrl.u32 s28, $0x1;
	s9 =	sshrl.u32 s9, $0x2;
	s11 =	sshrl.u32 s11, $0x3  }
0xb: {  	s7 =	sadd.s32 s8, s31;
	v0 =	vmov s19;
	s19 =	simm.s32 $0x3;
	s4 =	sadd.s32 s6, s4  }
.Ltmp0:
0xc: {  	s12 =	ssub.s32 s28, s29;
	s13 =	sadd.s32 s9, s2;
	(pc) =	sbr.rel .LBB2_1-.Ltmp0, $4  }
0xd: {  	s11 =	sadd.s32 s8, s11;
	s6 =	sshll.u32 s4, $0x4;
	s4 =	sadd.s32 $0x7AA00, s5  }
0xe: {  	s8 =	sadd.s32 $0x40, s11;
	s11 =	sadd.s32 $0x80, s7;
	s10 =	sadd.s32 s6, s5  }
0xf: {  	s6 =	sor.u32 $0x1C04, s30;
	s5 =	sadd.s32 $0x4600, s10;
	s9 =	sadd.s32 $0xAA9A00, s10  }
0x10: {  	s10 =	smax.u32 s12, $0x1;
	s12 =	sshrl.u32 s13, $0x3;
	s13 =	simm.s32 $0x4  }
.LBB2_3:
0x11: {  	s22 =	sshll.u32 s26, $0x9  }
0x12: {  	s22 =	sadd.s32 $0x13C80, s22  }
0x13: {  	[spmem:s2] =	stream.indirect.scatter.add.f32 [tilespmem:s25], [sflag:$0x3], $0x80, s22, s15, $0xb8;
	[tilespmem:$0x1C200] =	vst v63  }
.LBB2_5:
0x14: {  	_ =	swait.ge [sflag:s19], $0x4000  }
0x15: {  	s21 =	sadd.s32 $0x1, s21;
	[sflag:s19] =	ssyncset.done $0x0  }
0x16: {  	p0 =	sne.s32 s21, s10;
	[sflag:s19] =	ssyncadd.s32 $0xFFFFC000  }
.Ltmp1:
0x17: {  	[bflag:$0x0] =	sbarrier.arrive $0xFFFF;
	(pc) =	sbr.rel @!p0 .LBB2_6-.Ltmp1, $4  }
0x18: {  	[hbm:s9], [sflag:s6] =	dma.local [spmem:s12], $0x2780  }
0x19: {  	_ =	swait.ge [sflag:s13], $0x2780  }
0x1a: {  	[sflag:s13] =	ssyncset.done $0x0  }
0x1b: {  	[sflag:s13] =	ssyncadd.s32 $0xFFFFD880  }
.LBB2_1:
0x1c: {  	[spmem:s12], [sflag:s6] =	dma.local [hbm:s5], $0x2780  }
0x1d: {  	_ =	swait.ge [sflag:s13], $0x2780  }
0x1e: {  	[sflag:s13] =	ssyncset.done $0x0  }
0x1f: {  	[sflag:s13] =	ssyncadd.s32 $0xFFFFD880  }
0x20: {  	[bflag:$0x0] =	sbarrier.arrive $0xFFFF  }
0x21: {  	[tilespmem:s14], [sflag:$0x4] =	stream.linear.gather [hbm4b:s7+s3], $0x180, $0x38;
	[tilespmem:$0x1C200] =	vst v63  }
0x22: {  	_ =	swait.ge [sflag:s13], $0x180  }
0x23: {  	[sflag:s13] =	ssyncset.done $0x0  }
0x24: {  	[sflag:s13] =	ssyncadd.s32 $0xFFFFFE80  }
0x25: {  	v1 =	vld [tilespmem:$0x13D00]  }
0x26: {  	v2 =	vld [tilespmem:$0x13C00]  }
0x27: {  	v3 =	vld [tilespmem:$0x13D10]  }
0x28: {  	v4 =	vld [tilespmem:$0x13C10]  }
0x29: {  	v5 =	vld [tilespmem:$0x13D20]  }
0x2a: {  	v6 =	vld [tilespmem:$0x13C20]  }
0x2b: {  	v7 =	vld [tilespmem:$0x13D30]  }
0x2c: {  	v8 =	vld [tilespmem:$0x13C30]  }
0x2d: {  	v9 =	vld [tilespmem:$0x13D40]  }
0x2e: {  	v10 =	vld [tilespmem:$0x13C40]  }
0x2f: {  	v11 =	vld [tilespmem:$0x13D50];
	v1 =	vadd.s32 v0, v1  }
0x30: {  	v12 =	vld [tilespmem:$0x13D60];
	v3 =	vadd.s32 v0, v3;
	v1 =	vmul.u32 $0x2780, v1  }
0x31: {  	v13 =	vld [tilespmem:$0x13D70];
	v5 =	vadd.s32 v0, v5;
	v3 =	vmul.u32 $0x2780, v3  }
0x32: {  	v57 =	vld [tilespmem:$0x13C50];
	v56 =	vadd.s32 v0, v7;
	v1 =	vadd.s32 v2, v1;
	v2 =	vmul.u32 $0x2780, v5  }
0x33: {  	v59 =	vld [tilespmem:$0x13C60];
	v58 =	vadd.s32 v0, v9;
	[tilespmem:$0x13C00] =	vst v1;
	v1 =	vadd.s32 v4, v3;
	v3 =	vmul.u32 $0x2780, v56  }
0x34: {  	v61 =	vld [tilespmem:$0x13C70];
	v60 =	vadd.s32 v0, v11;
	[tilespmem:$0x13C10] =	vst v1;
	v1 =	vadd.s32 v6, v2;
	v2 =	vmul.u32 $0x2780, v58  }
0x35: {  	v62 =	vadd.s32 v0, v12;
	[tilespmem:$0x13C20] =	vst v1;
	v1 =	vadd.s32 v8, v3;
	v3 =	vmul.u32 $0x2780, v60  }
0x36: {  	v63 =	vadd.s32 v0, v13;
	[tilespmem:$0x13C30] =	vst v1;
	v1 =	vadd.s32 v10, v2;
	v2 =	vmul.u32 $0x2780, v62  }
0x37: {  	[tilespmem:$0x13C40] =	vst v1;
	v1 =	vadd.s32 v57, v3;
	v3 =	vmul.u32 $0x2780, v63  }
0x38: {  	[tilespmem:$0x13C50] =	vst v1;
	v1 =	vadd.s32 v59, v2  }
0x39: {  	[tilespmem:$0x13C60] =	vst v1;
	v1 =	vadd.s32 v61, v3  }
0x3a: {  	[tilespmem:$0x13C70] =	vst v1  }
0x3b: {  	[tilespmem:s16], [sflag:$0x2] =	stream.indirect.gather [hbm4b:s4+s15], $0x80, s14, s15, $0xb8;
	[tilespmem:$0x1C200] =	vst v63  }
0x3c: {  	s22 =	simm.s32 $0x10000;
	s23 =	smov.u32 s11;
	s24 =	simm.s32 $0x0  }
0x3d: {  	[tilespmem:s17], [sflag:$0x1] =	stream.linear.gather [hbm4b:s8+s3], $0x180, $0x38;
	[tilespmem:$0x1C200] =	vst v63  }
.LBB2_2:
0x3e: {  	p0 =	seq.s32 s24, $0x0  }
0x3f: {  	s26 =	simm.s32 @!p0 $0x3  }
0x40: {  	s25 =	smul.u32 $0xAB, s24;
	_ =	swait.ge @!p0 [sflag:s26], $0x4000  }
0x41: {  	[sflag:s26] =	ssyncset.done @!p0 $0x0  }
0x42: {  	s25 =	sshrl.u32 s25, $0x9;
	[sflag:s26] =	ssyncadd.s32 @!p0 $0xFFFFC000;
	p0 =	sne.s32 s24, $0x9C  }
.Ltmp2:
0x43: {  	s25 =	sand.u32 $0x7F, s25;
	(pc) =	sbr.rel @!p0 .LBB2_3-.Ltmp2, $4  }
0x44: {  	s31 =	sadd.s32 $0xFFFF0000, s22;
	s25 =	smul.u32 $0x3, s25  }
0x45: {  	s26 =	sand.u32 $0x10000, s31;
	_ =	swait.ge [sflag:s18], $0x4000  }
0x46: {  	s28 =	sshrl.u32 s26, $0x2;
	s25 =	ssub.s32 s24, s25;
	[sflag:s18] =	ssyncset.done $0x0  }
0x47: {  	s26 =	sand.u32 $0xFF, s25;
	s25 =	sadd.s32 $0x14200, s28;
	[sflag:s18] =	ssyncadd.s32 $0xFFFFC000  }
0x48: {  	s28 =	sadd.s32 $0x1, s24  }
0x49: {  	s29 =	sand.u32 $0xFF, s28  }
0x4a: {  	s29 =	smul.u32 $0xAB, s29;
	_ =	sdelay $0x1  }
0x4b: {  	s29 =	sshrl.u32 s29, $0x9  }
0x4c: {  	s29 =	smul.u32 $0x3, s29;
	_ =	sdelay $0x1  }
0x4d: {  	_ =	swait.ge [sflag:s20], $0x180;
	s29 =	ssub.s32 s28, s29  }
0x4e: {  	[sflag:s20] =	ssyncset.done $0x0;
	s29 =	sand.u32 $0xFF, s29  }
0x4f: {  	[sflag:s20] =	ssyncadd.s32 $0xFFFFFE80;
	s29 =	sshll.u32 s29, $0x9  }
0x50: {  	v1 =	vld [tilespmem:s29+$0x13D00]  }
0x51: {  	v2 =	vld [tilespmem:s29+$0x13C00]  }
0x52: {  	v3 =	vld [tilespmem:s29+$0x13D10]  }
0x53: {  	v4 =	vld [tilespmem:s29+$0x13C10]  }
0x54: {  	v5 =	vld [tilespmem:s29+$0x13D20]  }
0x55: {  	v6 =	vld [tilespmem:s29+$0x13C20]  }
0x56: {  	v7 =	vld [tilespmem:s29+$0x13D30]  }
0x57: {  	v8 =	vld [tilespmem:s29+$0x13C30]  }
0x58: {  	v9 =	vld [tilespmem:s29+$0x13D40]  }
0x59: {  	v10 =	vld [tilespmem:s29+$0x13C40]  }
0x5a: {  	v11 =	vld [tilespmem:s29+$0x13D50];
	v1 =	vadd.s32 v0, v1  }
0x5b: {  	v12 =	vld [tilespmem:s29+$0x13D60];
	v3 =	vadd.s32 v0, v3;
	v1 =	vmul.u32 $0x2780, v1  }
0x5c: {  	v13 =	vld [tilespmem:s29+$0x13D70];
	v5 =	vadd.s32 v0, v5;
	v3 =	vmul.u32 $0x2780, v3  }
0x5d: {  	v57 =	vld [tilespmem:s29+$0x13C50];
	v56 =	vadd.s32 v0, v7;
	v1 =	vadd.s32 v2, v1;
	v2 =	vmul.u32 $0x2780, v5  }
0x5e: {  	s30 =	sadd.s32 $0x2, s24;
	v59 =	vld [tilespmem:s29+$0x13C60];
	v58 =	vadd.s32 v0, v9;
	[tilespmem:s29+$0x13C00] =	vst v1;
	v1 =	vadd.s32 v4, v3;
	v3 =	vmul.u32 $0x2780, v56  }
0x5f: {  	s31 =	sand.u32 $0xFF, s30;
	v61 =	vld [tilespmem:s29+$0x13C70];
	v60 =	vadd.s32 v0, v11;
	[tilespmem:s29+$0x13C10] =	vst v1;
	v1 =	vadd.s32 v6, v2;
	v2 =	vmul.u32 $0x2780, v58  }
0x60: {  	s31 =	smul.u32 $0xAB, s31;
	v62 =	vadd.s32 v0, v12;
	[tilespmem:s29+$0x13C20] =	vst v1;
	v1 =	vadd.s32 v8, v3;
	v3 =	vmul.u32 $0x2780, v60  }
0x61: {  	v63 =	vadd.s32 v0, v13;
	[tilespmem:s29+$0x13C30] =	vst v1;
	v1 =	vadd.s32 v10, v2;
	v2 =	vmul.u32 $0x2780, v62  }
0x62: {  	s31 =	sshrl.u32 s31, $0x9;
	[tilespmem:s29+$0x13C40] =	vst v1;
	v1 =	vadd.s32 v57, v3;
	v3 =	vmul.u32 $0x2780, v63  }
0x63: {  	s0 =	sand.u32 $0x10000, s22;
	s31 =	smul.u32 $0x3, s31;
	[tilespmem:s29+$0x13C50] =	vst v1;
	v1 =	vadd.s32 v59, v2  }
0x64: {  	s0 =	sshrl.u32 s0, $0x2;
	[tilespmem:s29+$0x13C60] =	vst v1;
	v1 =	vadd.s32 v61, v3  }
0x65: {  	s0 =	sadd.s32 $0x14200, s0;
	s30 =	ssub.s32 s30, s31;
	[tilespmem:s29+$0x13C70] =	vst v1;
	s29 =	sadd.s32 $0x13C00, s29  }
0x66: {  	[tilespmem:s0], [sflag:$0x2] =	stream.indirect.gather [hbm4b:s4+s15], $0x80, s29, s15, $0xb8;
	[tilespmem:$0x1C200] =	vst v63  }
0x67: {  	p0 =	sgt.u32 s24, $0x9A;
	s0 =	sand.u32 $0xFF, s30  }
0x68: {  	s0 =	sshll.u32 @!p0 s0, $0x9  }
0x69: {  	s24 =	simm.s32 @!p0 $0x0;
	s0 =	sadd.s32 @!p0 $0x13C00, s0  }
0x6a: {  	[tilespmem:s0], [sflag:$0x1] =	stream.linear.gather @!p0 [hbm4b:s23+s24], $0x180, $0x38;
	[tilespmem:$0x1C200] =	vst v63  }
0x6b: {  	p0 =	sne.s32 s28, $0x9D  }
.Ltmp3:
0x6c: {  	_ = 	snop;
	(pc) =	sbr.rel @p0 .LBB2_2-.Ltmp3, $4  }
.Ltmp4:
0x6d: {  	_ = 	snop;
	(pc) =	sbr.rel @!p0 .LBB2_5-.Ltmp4, $4  }
0x6e: {  	s22 =	sadd.s32 $0x10000, s22;
	s31 =	sshll.u32 s26, $0x9  }
0x6f: {  	s0 =	sadd.s32 $0x13C80, s31;
	s23 =	sadd.s32 $0x40, s23;
	s24 =	smov.u32 s28  }
0x70: {  	[spmem:s2] =	stream.indirect.scatter.add.f32 [tilespmem:s25], [sflag:$0x3], $0x80, s0, s15, $0xb8;
	[tilespmem:$0x1C200] =	vst v63  }
0x71: {  	_ = 	snop  }
.LBB2_6:
0x72: {  	_ =	sfence.sel $0x180000  }
0x73: {  	[bflag:$0x0] =	sbarrier.arrive $0xFFFF  }
0x74: {  	_ =	strace $0x90000050  }
0x75: {  	[bflag:$0x2] =	sbarrier.arrive $0xFFFF  }
0x76: {  	p0 =	sne.s32 s1, $0x0;
	s0 =	rddreg [dreg:$0x2]  }
0x77: {  	s0 =	sadd.s32 @!p0 $0x100000, s0  }
0x78: {  	[sflag:s0] =	ssyncadd.tile.s32 @!p0 $0x1;
	_ =	shalt  }
.Lfunc_end2:
_tile_overlayer_lowered:
.L_overlay_start_2:
0x79: {  	(tag) =	ssettag $0x2  }
0x7a: {  	s0 =	rddreg [dreg:$0x0];
	s2 =	stileid.u32  }
0x7b: {  	s1 =	rddreg [dreg:$0x1];
	p0 =	sne.s32 s2, $0x0  }
0x7c: {  	s3 =	rddreg [dreg:$0x2];
	[bflag:$0x3] =	sbarrier.arrive $0xFFFF;
	s2 =	simm.s32 @!p0 $0x1C04  }
0x7d: {  	[timem:s3], [sflag:s2] =	dma.local @!p0 [hbm:s0], s1  }
0x7e: {  	s0 =	simm.s32 @!p0 $0x4  }
0x7f: {  	_ =	swait.ge @!p0 [sflag:s0], s1  }
0x80: {  	s1 =	ssub.s32 @!p0 $0x0, s1;
	[sflag:s0] =	ssyncset.done @!p0 $0x0  }
0x81: {  	[sflag:s0] =	ssyncadd.s32 @!p0 s1  }
0x82: {  	[bflag:$0x3] =	sbarrier.arrive $0xFFFF  }
0x83: {  	_ =	shalt  }

// kernel: kernel.23.cloned.1.call-start
scs
__scs_entry_jumppad:
0x0: {  	(pc) =	sbr.rel $0x88, $3  }
0x1: {  	(tag) =	ssettag $0x0;
	lr =	simm.s32 $0x1  }
0x2: {  	[smem:$0x3F94] =	sst lr;
	_ =	strace $0xD0000000  }
0x3: {  	_ = 	snop  }
0x4: {  	_ = 	snop  }
0x5: {  	_ = 	snop  }
0x6: {  	_ = 	snop  }
0x7: {  	_ = 	snop  }
__scs_overlays_trampoline_lowered:
0x8: {  	[smem:$0x3FA3] =	sst s0  }
0x9: {  	[smem:$0x3FA4] =	sst s1  }
0xa: {  	[smem:$0x3FA5] =	sst s2  }
0xb: {  	[smem:$0x3FA6] =	sst s3  }
0xc: {  	[smem:$0x3FA7] =	sst s4  }
0xd: {  	[smem:$0x3FA8] =	sst s5  }
0xe: {  	[smem:$0x3FA9] =	sst s6  }
0xf: {  	[smem:$0x3FAA] =	sst s7  }
0x10: {  	[smem:$0x3FAB] =	sst s8  }
0x11: {  	[smem:$0x3FAC] =	sst s9;
	s0 =	simm.s32 @!p0 $0x0  }
0x12: {  	s1 =	sld [smem:$0x3F92];
	s0 =	simm.s32 @p0 $0x1  }
0x13: {  	[smem:$0x3FAD] =	sst s0;
	s0 =	simm.s32 @!p1 $0x0  }
0x14: {  	s2 =	sld [smem:$0x3F91];
	s0 =	simm.s32 @p1 $0x1  }
0x15: {  	[smem:$0x3FAE] =	sst s0;
	s0 =	simm.s32 @!p2 $0x0  }
0x16: {  	s3 =	sld [smem:$0x3FDB];
	s0 =	simm.s32 @p2 $0x1  }
0x17: {  	s4 =	simm.s32 $0x1BF5;
	[smem:$0x3FB0] =	sst s0  }
0x18: {  	s0 =	sld [smem:$0x3F93];
	_ =	swait.ge [sflag:s4], $0x0  }
0x19: {  	s7 =	sld [smem:$0x3F94]  }
0x1a: {  	s8 =	sadd.s32 $0xFFFFE003, lr  }
0x1b: {  	s9 =	sadd.s32 $0xFFFFFEF7, lr;
	s5 =	simm.s32 $0xFFFFFFFF;
	p2 =	slt.u32 s8, $0xFFFFF086  }
0x1c: {  	p1 =	slt.u32 s9, $0xF7A;
	s5 =	simm.s32 @!p2 $0x0  }
0x1d: {  	s5 =	simm.s32 @p1 $0x1;
	p0 =	seq.s32 s7, s2  }
0x1e: {  	s7 =	smul.u32 @!p0 $0xF7A, s2;
	p2 =	seq.s32 @!p0 s5, $0x0  }
0x1f: {  	s9 =	smul.u32 $0xF7A, s1;
	s8 =	simm.s32 @!p0 $0x1BF5;
	p2 =	por !p2, p0  }
0x20: {  	[sflag:s8] =	ssyncset.s32 @!p0 $0xFFFFF086;
	s6 =	sadd.s32 @!p0 s3, s7;
	s7 =	simm.s32 @!p0 $0x108  }
0x21: {  	s3 =	sadd.s32 s3, s9;
	s6 =	sadd.s32 @!p0 $0x88, s6;
	s7 =	simm.s32 @p2 $0x1082  }
0x22: {  	[simem:s7], [sflag:s8] =	dma.local @!p0 [hbm:s6], $0xF7A  }
0x23: {  	s9 =	sor.u32 $0xD0000000, s2;
	s6 =	simm.s32 $0x108;
	_ =	swait.ge @!p0 [sflag:s8], $0x0  }
0x24: {  	s3 =	sadd.s32 $0x88, s3;
	s6 =	simm.s32 @!p1 $0x1082;
	[sflag:s4] =	ssyncset.s32 $0xFFFFF086  }
0x25: {  	[simem:s6], [sflag:s4] =	dma.local [hbm:s3], $0xF7A  }
0x26: {  	[smem:$0x3F94] =	sst s1;
	(tag) =	ssettag s2;
	_ =	strace s9  }
0x27: {  	s1 =	sld [smem:$0x3FA4]  }
0x28: {  	s2 =	sld [smem:$0x3FA5]  }
0x29: {  	s4 =	sld [smem:$0x3FA7]  }
0x2a: {  	p0 =	seq.s32 s5, $0x0;
	s5 =	sld [smem:$0x3FA8]  }
0x2b: {  	s6 =	sld [smem:$0x3FA9]  }
0x2c: {  	s7 =	sld [smem:$0x3FAA]  }
0x2d: {  	s3 =	simm.s32 $0x108;
	s8 =	sld [smem:$0x3FAB]  }
0x2e: {  	s3 =	simm.s32 @!p0 $0x1082;
	s9 =	sld [smem:$0x3FAC]  }
0x2f: {  	lr =	sadd.s32 s0, s3;
	s0 =	sld [smem:$0x3FA3]  }
0x30: {  	s3 =	sld [smem:$0x3FA6]  }
0x31: {  	[smem:$0x3FAF] =	sst s10  }
0x32: {  	s10 =	sld [smem:$0x3FAD];
	_ =	sdelay $0x3  }
0x33: {  	p0 =	seq.s32 s10, $0x1;
	s10 =	sld [smem:$0x3FAF];
	_ =	sdelay $0x3  }
0x34: {  	[smem:$0x3FAF] =	sst s10  }
0x35: {  	s10 =	sld [smem:$0x3FAE];
	_ =	sdelay $0x3  }
0x36: {  	p1 =	seq.s32 s10, $0x1;
	s10 =	sld [smem:$0x3FAF];
	_ =	sdelay $0x3  }
0x37: {  	[smem:$0x3FAF] =	sst s10  }
0x38: {  	s10 =	sld [smem:$0x3FB0]  }
0x39: {  	_ = 	snop;
	(pc) =	sbr.ind lr, $3  }
0x3a: {  	_ = 	snop  }
0x3b: {  	_ = 	snop  }
0x3c: {  	p2 =	seq.s32 s10, $0x1;
	s10 =	sld [smem:$0x3FAF]  }
0x3d: {  	_ =	shalt  }
0x3e: {  	_ =	shalt  }
0x3f: {  	_ =	shalt  }
0x40: {  	_ =	shalt  }
0x41: {  	_ =	shalt  }
0x42: {  	_ =	shalt  }
0x43: {  	_ =	shalt  }
0x44: {  	_ =	shalt  }
0x45: {  	_ =	shalt  }
0x46: {  	_ =	shalt  }
0x47: {  	_ =	shalt  }
0x48: {  	_ =	shalt  }
0x49: {  	_ =	shalt  }
0x4a: {  	_ =	shalt  }
0x4b: {  	_ =	shalt  }
0x4c: {  	_ =	shalt  }
0x4d: {  	_ =	shalt  }
0x4e: {  	_ =	shalt  }
0x4f: {  	_ =	shalt  }
0x50: {  	_ =	shalt  }
0x51: {  	_ =	shalt  }
0x52: {  	_ =	shalt  }
0x53: {  	_ =	shalt  }
0x54: {  	_ =	shalt  }
0x55: {  	_ =	shalt  }
0x56: {  	_ =	shalt  }
0x57: {  	_ =	shalt  }
0x58: {  	_ =	shalt  }
0x59: {  	_ =	shalt  }
0x5a: {  	_ =	shalt  }
0x5b: {  	_ =	shalt  }
0x5c: {  	_ =	shalt  }
0x5d: {  	_ =	shalt  }
0x5e: {  	_ =	shalt  }
0x5f: {  	_ =	shalt  }
0x60: {  	_ =	shalt  }
0x61: {  	_ =	shalt  }
0x62: {  	_ =	shalt  }
0x63: {  	_ =	shalt  }
0x64: {  	_ =	shalt  }
0x65: {  	_ =	shalt  }
0x66: {  	_ =	shalt  }
0x67: {  	_ =	shalt  }
0x68: {  	_ =	shalt  }
0x69: {  	_ =	shalt  }
0x6a: {  	_ =	shalt  }
0x6b: {  	_ =	shalt  }
0x6c: {  	_ =	shalt  }
0x6d: {  	_ =	shalt  }
0x6e: {  	_ =	shalt  }
0x6f: {  	_ =	shalt  }
0x70: {  	_ =	shalt  }
0x71: {  	_ =	shalt  }
0x72: {  	_ =	shalt  }
0x73: {  	_ =	shalt  }
0x74: {  	_ =	shalt  }
0x75: {  	_ =	shalt  }
0x76: {  	_ =	shalt  }
0x77: {  	_ =	shalt  }
0x78: {  	_ =	shalt  }
0x79: {  	_ =	shalt  }
0x7a: {  	_ =	shalt  }
0x7b: {  	_ =	shalt  }
0x7c: {  	_ =	shalt  }
0x7d: {  	_ =	shalt  }
0x7e: {  	_ =	shalt  }
0x7f: {  	_ =	shalt  }
0x80: {  	_ =	shalt  }
0x81: {  	_ =	shalt  }
0x82: {  	_ =	shalt  }
0x83: {  	_ =	shalt  }
0x84: {  	_ =	shalt  }
0x85: {  	_ =	shalt  }
0x86: {  	_ =	shalt  }
0x87: {  	_ =	shalt  }
.Lfunc_end0:
.L_simem_size_0:
called_computation.4_lowered:
.L_overlay_start_0:
0x88: {  	s2 =	sld [smem:$0x3FD9]  }
0x89: {  	s3 =	sld [smem:$0x3FFE];
	_ =	sdelay $0x1  }
0x8a: {  	s1 =	srdreg.scid  }
0x8b: {  	s0 =	sand.u32 $0x1, s1  }
0x8c: {  	s16 =	sshll.u32 s0, $0xA;
	s2 =	sadd.s32 s3, s2  }
0x8d: {  	s2 =	sadd.s32 s2, s16  }
0x8e: {  	[smem:$0x3FBB] =	sst s2  }
0x8f: {  	_ = 	snop  }
0x90: {  	(tm) =	ssettm $0x1  }
0x91: {  	s17 =	sld [smem:$0x3FFB];
	_ =	sdelay $0x3  }
0x92: {  	_ =	strace s17  }
0x93: {  	s2 =	sld [smem:$0x3FFC];
	_ =	sdelay $0x3  }
0x94: {  	_ =	strace s2  }
0x95: {  	s2 =	sld [smem:$0x3FFD];
	_ =	sdelay $0x3  }
0x96: {  	_ =	strace s2  }
0x97: {  	_ =	strace $0x8FFFFFFF  }
0x98: {  	s18 =	sld [smem:$0x3FDB];
	_ =	sdelay $0x1  }
0x99: {  	s19 =	simm.s32 $_scs_section_size  }
0x9a: {  	s4 =	simm.s32 $_size__tile_overlayer_lowered;
	s5 =	simm.s32 $_tile_overlayer_lowered  }
0x9b: {  	s22 =	simm.s32 $0x1BFF;
	s21 =	sshll.u32 s5, $0x1;
	s2 =	sadd.s32 s19, s18  }
0x9c: {  	s6 =	simm.s32 $0x0;
	s20 =	sshll.u32 s4, $0x1;
	s4 =	sadd.s32 s21, s2  }
0x9d: {  	[timem:s6], [sflag:s22] =	dma.local [hbm:s4], s20  }
0x9e: {  	_ =	swait.ge [sflag:s22], s20  }
0x9f: {  	s3 =	ssub.s32 $0x0, s20;
	[sflag:s22] =	ssyncset.done $0x0  }
0xa0: {  	[sflag:s22] =	ssyncadd.s32 s3;
	_ =	sdelay $0x1  }
0xa1: {  	s23 =	simm.s32 $0x1B8B  }
0xa2: {  	_ =	swait.ge [sflag:s23], $0x1  }
0xa3: {  	[sflag:s23] =	ssyncset.done $0x0  }
0xa4: {  	s25 =	simm.s32 $0x1B8E;
	s24 =	sld [smem:$0x3FFE];
	[sflag:s23] =	ssyncadd.s32 $0xFFFFFFFF  }
0xa5: {  	s26 =	simm.s32 $execute0_lowered;
	[smem:$0x3FD2] =	sst s25  }
0xa6: {  	s4 =	sshll.u32 s26, $0x1;
	_ =	strace $0x80000052;
	[dreg:$0x1] =	wrdreg $0xFFFFFFFF  }
0xa7: {  	s28 =	simm.s32 $_size_execute0_lowered;
	s2 =	sadd.s32 s2, s4;
	[dreg:$0x0] =	wrdreg $0x0  }
0xa8: {  	s4 =	sshll.u32 s28, $0x1;
	[dreg:$0x2] =	wrdreg s2  }
0xa9: {  	[dreg:$0x3] =	wrdreg s4  }
0xaa: {  	[dreg:$0x4] =	wrdreg $0xC0  }
0xab: {  	_ =	task [dreg:s6], $0x5FFFF  }
0xac: {  	[dreg:$0x1] =	wrdreg $0xFFFFFFFF  }
0xad: {  	[dreg:$0x0] =	wrdreg $0x60  }
0xae: {  	[dreg:$0x2] =	wrdreg s24  }
0xaf: {  	[dreg:$0x3] =	wrdreg $0x9  }
0xb0: {  	_ =	task.clear_ibuf [dreg:s6], $0x4FFFF;
	_ =	strace $0x90000052  }
0xb1: {  	s29 =	simm.s32 $0x9;
	_ =	strace $0x80000054  }
0xb2: {  	_ =	swait.ge [sflag:s29], $0x1  }
0xb3: {  	[sflag:s29] =	ssyncadd.s32 $0xFFFFFFFF  }
0xb4: {  	_ =	strace $0x90000054  }
0xb5: {  	_ =	sfence  }
0xb6: {  	s30 =	sld [smem:$0x0];
	_ =	sdelay $0x2  }
0xb7: {  	s31 =	sshll.u32 s1, $0xD;
	s1 =	sshrl.u32 s1, $0x2  }
0xb8: {  	s3 =	sand.u32 $0x4000, s31;
	s1 =	sadd.s32 s1, s30  }
0xb9: {  	s0 =	sor.u32 s3, s0;
	s1 =	sshll.u32 s1, $0x11  }
0xba: {  	s0 =	sor.u32 s1, s0  }
0xbb: {  	s0 =	sadd.s32 $0x8F2B, s0  }
0xbc: {  	[sflag:s0] =	ssyncadd.remote.s32 $0x1  }
0xbd: {  	_ =	sfence.sel $0xFFFF  }
0xbe: {  	[dreg:$0x0] =	wrdreg $0xFFFFFFFF;
	(pc) =	sbr.abs _section_cstart, $3  }
0xbf: {  	[dreg:$0x1] =	wrdreg $0xFFFFFFFF  }
0xc0: {  	_ =	task.clear_ibuf [dreg:s6], $0x2FFFF;
	_ =	strace $0x9FFFFFFF  }
0xc1: {  	(tm) =	ssettm $0x7FFFFFFF  }
tec
execute0_lowered:
.L_overlay_start_1:
0x0: {  	(tag) =	ssettag $0x1  }
0x1: {  	s2 =	stileid.u32  }
0x2: {  	p0 =	sne.s32 s2, $0x0  }
.Ltmp0:
0x3: {  	_ = 	snop;
	(pc) =	sbr.rel @p0 .LBB2_4-.Ltmp0, $4  }
0x4: {  	_ = 	snop  }
0x5: {  	s8 =	rddreg [dreg:$0x0];
	s1 =	simm.s32 $0x0  }
0x6: {  	[smem:$0x7FF] =	sst s1  }
0x7: {  	s0 =	rddreg [dreg:$0x1];
	_ =	strace $0x80000053  }
0x8: {  	s3 =	sadd.s32 $0x4000, s8;
	s2 =	simm.s32 $0x2  }
0x9: {  	[tilespmem:s1], [sflag:$0x2] =	stream.linear.gather [hbm4b:s3+s1], $0x80, $0x38;
	[tilespmem:$0x2080] =	vst v63  }
0xa: {  	_ =	swait.ge [sflag:s2], $0x80  }
0xb: {  	[sflag:s2] =	ssyncset.done $0x0  }
0xc: {  	[sflag:s2] =	ssyncadd.s32 $0xFFFFFF80  }
0xd: {  	s4 =	srdreg.scid;
	v1 =	vld [tilespmem:$0x30]  }
0xe: {  	s9 =	sand.u32 $0x1, s4;
	v2 =	vld [tilespmem:$0x20]  }
0xf: {  	s4 =	smul.u32 $0x2780, s9;
	v3 =	vld [tilespmem:$0x0]  }
0x10: {  	v4 =	vld [tilespmem:$0x10]  }
0x11: {  	s5 =	ssub.s32 $0x2, s9;
	v0 =	vmov s4  }
0x12: {  	s6 =	sshrl.u32 s5, $0x1;
	v1 =	vadd.s32 v0, v1  }
0x13: {  	s10 =	ssub.s32 s5, s6;
	v2 =	vadd.s32 v0, v2;
	[tilespmem:$0x30] =	vst v1  }
0x14: {  	s10 =	smax.u32 s10, $0x1;
	v1 =	vadd.s32 v0, v3;
	[tilespmem:$0x20] =	vst v2  }
0x15: {  	s7 =	simm.s32 $0x1;
	s4 =	sadd.s32 $0x4200, s8;
	p1 =	sne.s32 s10, $0x1;
	[tilespmem:$0x0] =	vst v1;
	v1 =	vadd.s32 v0, v4  }
.Ltmp1:
0x16: {  	s6 =	simm.s32 $0x40;
	s5 =	simm.s32 $0x80;
	[tilespmem:$0x10] =	vst v1;
	(pc) =	sbr.rel @!p1 .LBB2_3-.Ltmp1, $4  }
0x17: {  	[tilespmem:s5], [sflag:$0x1] =	stream.indirect.gather [hbm4b:s4+s6], $0x80, s1, s6, $0xb8;
	[tilespmem:$0x2080] =	vst v63  }
0x18: {  	s9 =	sshll.u32 s9, $0xA;
	_ =	swait.ge [sflag:s7], $0x2000  }
0x19: {  	s31 =	sadd.s32 s9, s8;
	[sflag:s7] =	ssyncset.done $0x0  }
0x1a: {  	s8 =	sadd.s32 $0x53200, s31;
	s9 =	sadd.s32 $0xFFFFFFFF, s10;
	[sflag:s7] =	ssyncadd.s32 $0xFFFFE000  }
.LBB2_2:
0x1b: {  	[hbm4b:s8+s1] =	stream.linear.scatter [tilespmem:s5], [sflag:$0x2], $0x2000, $0x38;
	[tilespmem:$0x2080] =	vst v63  }
0x1c: {  	p1 =	sne.s32 s9, $0x1;
	s9 =	sadd.s32 $0xFFFFFFFF, s9;
	_ =	swait.ge [sflag:s2], $0x2000  }
0x1d: {  	[sflag:s2] =	ssyncset.done $0x0  }
0x1e: {  	[sflag:s2] =	ssyncadd.s32 $0xFFFFE000  }
0x1f: {  	[tilespmem:s1], [sflag:$0x2] =	stream.linear.gather [hbm4b:s3+s1], $0x80, $0x38;
	[tilespmem:$0x2080] =	vst v63  }
0x20: {  	_ =	swait.ge [sflag:s2], $0x80  }
0x21: {  	[sflag:s2] =	ssyncset.done $0x0  }
0x22: {  	[sflag:s2] =	ssyncadd.s32 $0xFFFFFF80  }
0x23: {  	v1 =	vld [tilespmem:$0x30]  }
0x24: {  	v2 =	vld [tilespmem:$0x20]  }
0x25: {  	v3 =	vld [tilespmem:$0x0]  }
0x26: {  	v4 =	vld [tilespmem:$0x10];
	_ =	sdelay $0x1  }
0x27: {  	v1 =	vadd.s32 v0, v1  }
0x28: {  	v2 =	vadd.s32 v0, v2;
	[tilespmem:$0x30] =	vst v1  }
0x29: {  	v1 =	vadd.s32 v0, v3;
	[tilespmem:$0x20] =	vst v2  }
0x2a: {  	[tilespmem:$0x0] =	vst v1;
	v1 =	vadd.s32 v0, v4  }
.Ltmp2:
0x2b: {  	[tilespmem:$0x10] =	vst v1;
	(pc) =	sbr.rel @p1 .LBB2_2-.Ltmp2, $4  }
0x2c: {  	[tilespmem:s5], [sflag:$0x1] =	stream.indirect.gather [hbm4b:s4+s6], $0x80, s1, s6, $0xb8;
	[tilespmem:$0x2080] =	vst v63  }
0x2d: {  	_ =	swait.ge [sflag:s7], $0x2000  }
0x2e: {  	[sflag:s7] =	ssyncset.done $0x0  }
0x2f: {  	[sflag:s7] =	ssyncadd.s32 $0xFFFFE000  }
.LBB2_3:
0x30: {  	[hbm4b:s8+s1] =	stream.linear.scatter [tilespmem:s5], [sflag:$0x2], $0x2000, $0x38;
	[tilespmem:$0x2080] =	vst v63  }
0x31: {  	_ =	swait.ge [sflag:s2], $0x2000  }
0x32: {  	[sflag:s2] =	ssyncset.done $0x0  }
0x33: {  	[sflag:s2] =	ssyncadd.s32 $0xFFFFE000  }
.LBB2_4:
0x34: {  	_ =	sfence.sel $0x180000  }
0x35: {  	[bflag:$0x0] =	sbarrier.arrive $0xFFFF  }
0x36: {  	_ =	strace $0x90000053  }
0x37: {  	s0 =	sadd.s32 @!p0 $0x100000, s0;
	[bflag:$0x2] =	sbarrier.arrive $0xFFFF  }
0x38: {  	[sflag:s0] =	ssyncadd.tile.s32 @!p0 $0x1;
	_ =	shalt  }
.Lfunc_end2:
_tile_overlayer_lowered:
.L_overlay_start_2:
0x39: {  	(tag) =	ssettag $0x2  }
0x3a: {  	s0 =	rddreg [dreg:$0x0];
	s2 =	stileid.u32  }
0x3b: {  	s1 =	rddreg [dreg:$0x1];
	p0 =	sne.s32 s2, $0x0  }
0x3c: {  	s3 =	rddreg [dreg:$0x2];
	[bflag:$0x3] =	sbarrier.arrive $0xFFFF;
	s2 =	simm.s32 @!p0 $0x1C02  }
0x3d: {  	[timem:s3], [sflag:s2] =	dma.local @!p0 [hbm:s0], s1  }
0x3e: {  	s0 =	simm.s32 @!p0 $0x2  }
0x3f: {  	_ =	swait.ge @!p0 [sflag:s0], s1  }
0x40: {  	s1 =	ssub.s32 @!p0 $0x0, s1;
	[sflag:s0] =	ssyncset.done @!p0 $0x0  }
0x41: {  	[sflag:s0] =	ssyncadd.s32 @!p0 s1  }
0x42: {  	[bflag:$0x3] =	sbarrier.arrive $0xFFFF  }
0x43: {  	_ =	shalt  }

</sc_bundles>
